<compile_context>
chip_gen: v7x
topology: tpu7x:2x2x1
jax: 0.10.2.dev20260603
libtpu: 0.0.44.dev20260713+nightly
codegen_flags: <defaults>
</compile_context>

<pallas_src>
import functools

import jax
import jax.numpy as jnp
from jax import lax
from jax.experimental import pallas as pl
from jax.experimental.pallas import tpu as pltpu
from jax.experimental.pallas import tpu_sc as plsc

B = 16384
EMB = 32
NFEAT = 26
NSPLIT = 13
NC = 2
NS = 16
NW = NC * NS
BPW = B // NW


def _make_lookup(nf):
    @functools.partial(
        pl.kernel,
        mesh=plsc.VectorSubcoreMesh(core_axis_name="c", subcore_axis_name="s"),
        out_type=jax.ShapeDtypeStruct((nf * EMB, B), jnp.float32),
        scratch_types=[
            pltpu.VMEM((nf, BPW), jnp.int32),
            pltpu.VMEM((2, EMB, BPW), jnp.float32),
            pltpu.SemaphoreType.DMA,
            pltpu.SemaphoreType.DMA,
        ],
        compiler_params=pltpu.CompilerParams(use_tc_tiling_on_sc=False),
    )
    def _lookup_t(*refs):
        idx_hbm = refs[0]
        tables_t = refs[1:1 + nf]
        out_hbm = refs[1 + nf]
        idx_v, ebuf, gsem, wsem = refs[2 + nf:]

        wid = lax.axis_index("s") * NC + lax.axis_index("c")
        base = wid * BPW
        pltpu.sync_copy(idx_hbm.at[wid], idx_v)

        writes = [
            pltpu.make_async_copy(
                ebuf.at[f % 2],
                out_hbm.at[pl.ds(f * EMB, EMB), pl.ds(base, BPW)],
                wsem,
            )
            for f in range(nf)
        ]
        for f in range(nf):
            p = f % 2
            if f >= 2:
                writes[f - 2].wait()

            @pl.loop(0, EMB)
            def _g(c, f=f, p=p):
                pltpu.async_copy(
                    tables_t[f].at[c].at[idx_v.at[f]], ebuf.at[p, c], gsem
                )

            pltpu.make_async_copy(
                out_hbm.at[pl.ds(0, EMB), pl.ds(0, BPW)], ebuf.at[p], gsem
            ).wait()
            writes[f].start()
        writes[nf - 2].wait()
        writes[nf - 1].wait()

    return _lookup_t


_lookup_4 = _make_lookup(4)
_lookup_3 = _make_lookup(3)
_SPLITS = [(0, 4, _lookup_4), (4, 4, _lookup_4), (8, 3, _lookup_3),
           (11, 3, _lookup_3), (14, 3, _lookup_3), (17, 3, _lookup_3),
           (20, 3, _lookup_3), (23, 3, _lookup_3)]


def kernel(f00, W_f00, f01, W_f01, f02, W_f02, f03, W_f03, f04, W_f04,
           f05, W_f05, f06, W_f06, f07, W_f07, f08, W_f08, f09, W_f09,
           f10, W_f10, f11, W_f11, f12, W_f12, f13, W_f13, f14, W_f14,
           f15, W_f15, f16, W_f16, f17, W_f17, f18, W_f18, f19, W_f19,
           f20, W_f20, f21, W_f21, f22, W_f22, f23, W_f23, f24, W_f24,
           f25, W_f25):
    idxs = [f00, f01, f02, f03, f04, f05, f06, f07, f08, f09, f10, f11,
            f12, f13, f14, f15, f16, f17, f18, f19, f20, f21, f22, f23,
            f24, f25]
    tables = [W_f00, W_f01, W_f02, W_f03, W_f04, W_f05, W_f06, W_f07,
              W_f08, W_f09, W_f10, W_f11, W_f12, W_f13, W_f14, W_f15,
              W_f16, W_f17, W_f18, W_f19, W_f20, W_f21, W_f22, W_f23,
              W_f24, W_f25]
    tables_t = [w.T for w in tables]
    outs = []
    for start, nf, fn in _SPLITS:
        sub_idx = idxs[start:start + nf]
        sub_tab = tables_t[start:start + nf]
        idx_all = (jnp.stack(sub_idx)
                   .reshape(nf, NW, BPW).transpose(1, 0, 2))
        outs.append(fn(idx_all, *sub_tab))
    return jnp.concatenate(outs, axis=0).T

# --- scband reference (transcript-rebuilt; emitter-appended) ---
"""Pipeline reference for scband-categorical-encoder-5171140625044 (READ-ONLY COPY).

The authoritative reference and input builder live on the scoring server;
editing this copy changes nothing except your own understanding.
"""

import jax, jax.numpy as jnp
import numpy as np

FEATS = ["f%02d" % i for i in range(26)]
VOCAB = 100000
EMB = 32
B = 16384


def setup_inputs(seed: int = 0) -> dict:
    key = jax.random.key(seed)
    inp = {}
    for i, name in enumerate(FEATS):
        k_idx = jax.random.fold_in(key, i)
        inp[name] = jax.random.randint(k_idx, (B,), 0, VOCAB, dtype=jnp.int32)
        k_tab = jax.random.fold_in(key, 1000 + i)
        inp["W_" + name] = jax.random.normal(k_tab, (VOCAB, EMB), dtype=jnp.float32) * 0.05
    return inp


def reference(
    f00, W_f00, f01, W_f01, f02, W_f02, f03, W_f03, f04, W_f04,
    f05, W_f05, f06, W_f06, f07, W_f07, f08, W_f08, f09, W_f09,
    f10, W_f10, f11, W_f11, f12, W_f12, f13, W_f13, f14, W_f14,
    f15, W_f15, f16, W_f16, f17, W_f17, f18, W_f18, f19, W_f19,
    f20, W_f20, f21, W_f21, f22, W_f22, f23, W_f23, f24, W_f24,
    f25, W_f25,
) -> jnp.ndarray:
    kwargs = dict(locals())
    # Faithful translation of CategoricalEncoder.forward: per-feature embedding
    # lookup (gather) followed by concatenation along the last dim.
    # Dropout rate is 0.0 (inference), so it is the identity.
    embs = []
    for name in FEATS:
        table = kwargs["W_" + name]
        idx = kwargs[name]
        embs.append(jnp.take(table, idx, axis=0))
    out = jnp.concatenate(embs, axis=-1)
    return out

if __name__ == "__main__":
    import jax
    _d = setup_inputs()
    print(jax.jit(kernel)(*tuple(_d.values())))

</pallas_src>

<mosaic_0001>
#map = affine_map<(d0, d1) -> (0, 0, 0)>
#map1 = affine_map<(d0, d1) -> (0, 0)>
module attributes {stable_mosaic.version = 14 : i64} {
  func.func @_lookup_t(%arg0: i32, %arg1: i32, %arg2: memref<32x3x512xi32, #tpu.memory_space<hbm>>, %arg3: memref<32x100000xf32, #tpu.memory_space<hbm>>, %arg4: memref<32x100000xf32, #tpu.memory_space<hbm>>, %arg5: memref<32x100000xf32, #tpu.memory_space<hbm>>, %arg6: memref<96x16384xf32, #tpu.memory_space<hbm>>, %arg7: memref<3x512xi32, #tpu.memory_space<vmem>>, %arg8: memref<2x32x512xf32, #tpu.memory_space<vmem>>, %arg9: memref<!tpu.dma_semaphore, #tpu.memory_space<semaphore_mem>>, %arg10: memref<!tpu.dma_semaphore, #tpu.memory_space<semaphore_mem>>) attributes {dimension_semantics = [#tpu.dimension_semantics<core_parallel>, #tpu.dimension_semantics<subcore_parallel>], iteration_bounds = array<i64: 2, 16>, scalar_prefetch = 0 : i64, scratch_operands = 4 : i64, tpu.core_type = #tpu.core_type<sc_vector_subcore>, window_params = [{transform_indices = #map}, {transform_indices = #map1}, {transform_indices = #map1}, {transform_indices = #map1}, {transform_indices = #map1}]} {
    %mul3A = arith.constant 2 : i32
    %mul3A_0 = arith.muli %arg1, %mul3A : i32
    %add3A = arith.addi %mul3A_0, %arg0 : i32
    %mul3A_1 = arith.constant 512 : i32
    %mul3A_2 = arith.muli %add3A, %mul3A_1 : i32
    "tpu.region"() ({
      %run_scoped3A = tpu.sem_alloc : memref<!tpu.dma_semaphore, #tpu.memory_space<semaphore_mem>>
      %dma_start3A_138 = arith.constant 0 : i32
      %dma_start3A_139 = arith.constant 0 : i32
      %dma_start3A_140 = tpu.memref_slice %arg2[%add3A, %dma_start3A_138, %dma_start3A_139] : memref<32x3x512xi32, #tpu.memory_space<hbm>> -> memref<1x3x512xi32, #tpu.memory_space<hbm>>
      %dma_start3A_141 = tpu.memref_squeeze %dma_start3A_140 : memref<1x3x512xi32, #tpu.memory_space<hbm>> -> memref<3x512xi32, #tpu.memory_space<hbm>>
      %dma_start3A_142 = arith.constant 0 : i32
      %dma_start3A_143 = arith.constant 0 : i32
      %dma_start3A_144 = tpu.memref_slice %arg2[%add3A, %dma_start3A_142, %dma_start3A_143] : memref<32x3x512xi32, #tpu.memory_space<hbm>> -> memref<1x3x512xi32, #tpu.memory_space<hbm>>
      %dma_start3A_145 = tpu.memref_squeeze %dma_start3A_144 : memref<1x3x512xi32, #tpu.memory_space<hbm>> -> memref<3x512xi32, #tpu.memory_space<hbm>>
      tpu.enqueue_dma source(%dma_start3A_145 : memref<3x512xi32, #tpu.memory_space<hbm>>) target(%arg7 : memref<3x512xi32, #tpu.memory_space<vmem>>) target_semaphore(%run_scoped3A : memref<!tpu.dma_semaphore, #tpu.memory_space<semaphore_mem>>)
      %dma_wait3A_146 = arith.constant 0 : i32
      %dma_wait3A_147 = arith.constant 0 : i32
      %dma_wait3A_148 = tpu.memref_slice %arg2[%add3A, %dma_wait3A_146, %dma_wait3A_147] : memref<32x3x512xi32, #tpu.memory_space<hbm>> -> memref<1x3x512xi32, #tpu.memory_space<hbm>>
      %dma_wait3A_149 = tpu.memref_squeeze %dma_wait3A_148 : memref<1x3x512xi32, #tpu.memory_space<hbm>> -> memref<3x512xi32, #tpu.memory_space<hbm>>
      %dma_wait3A_150 = arith.constant 0 : i32
      %dma_wait3A_151 = arith.constant 0 : i32
      %dma_wait3A_152 = tpu.memref_slice %arg2[%add3A, %dma_wait3A_150, %dma_wait3A_151] : memref<32x3x512xi32, #tpu.memory_space<hbm>> -> memref<1x3x512xi32, #tpu.memory_space<hbm>>
      %dma_wait3A_153 = tpu.memref_squeeze %dma_wait3A_152 : memref<1x3x512xi32, #tpu.memory_space<hbm>> -> memref<3x512xi32, #tpu.memory_space<hbm>>
      tpu.wait_dma2 semaphore(%run_scoped3A : memref<!tpu.dma_semaphore, #tpu.memory_space<semaphore_mem>>) src(%dma_wait3A_153 : memref<3x512xi32, #tpu.memory_space<hbm>>) dst(%arg7 : memref<3x512xi32, #tpu.memory_space<vmem>>)
      tpu.yield
    }) : () -> ()
    %scan3A = arith.constant 0 : i32
    %scan3A_3 = arith.constant 32 : i32
    %scan3A_4 = arith.addi %scan3A, %scan3A_3 : i32
    %scan3A_5 = arith.constant 1 : i32
    scf.for %scan3A_138 = %scan3A to %scan3A_4 step %scan3A_5  : i32 {
      %mul3A_139 = arith.constant 1 : i32
      %mul3A_140 = arith.muli %scan3A_138, %mul3A_139 : i32
      %add3A_141 = arith.constant 0 : i32
      %add3A_142 = arith.addi %add3A_141, %mul3A_140 : i32
      %dma_start3A_143 = arith.constant 0 : i32
      %dma_start3A_144 = arith.constant 0 : i32
      %dma_start3A_145 = arith.constant 0 : i32
      %dma_start3A_146 = tpu.memref_slice %arg8[%dma_start3A_144, %add3A_142, %dma_start3A_145] : memref<2x32x512xf32, #tpu.memory_space<vmem>> -> memref<1x1x512xf32, #tpu.memory_space<vmem>>
      %dma_start3A_147 = tpu.memref_squeeze %dma_start3A_146 : memref<1x1x512xf32, #tpu.memory_space<vmem>> -> memref<512xf32, #tpu.memory_space<vmem>>
      %dma_start3A_148 = arith.constant 0 : i32
      %dma_start3A_149 = tpu.memref_slice %arg7[%dma_start3A_143, %dma_start3A_148] : memref<3x512xi32, #tpu.memory_space<vmem>> -> memref<1x512xi32, #tpu.memory_space<vmem>>
      %dma_start3A_150 = tpu.memref_squeeze %dma_start3A_149 : memref<1x512xi32, #tpu.memory_space<vmem>> -> memref<512xi32, #tpu.memory_space<vmem>>
      %dma_start3A_151 = arith.constant 0 : i32
      %dma_start3A_152 = tpu.memref_slice %arg3[%add3A_142, %dma_start3A_151] : memref<32x100000xf32, #tpu.memory_space<hbm>> -> memref<1x100000xf32, #tpu.memory_space<hbm>>
      %dma_start3A_153 = tpu.memref_squeeze %dma_start3A_152 : memref<1x100000xf32, #tpu.memory_space<hbm>> -> memref<100000xf32, #tpu.memory_space<hbm>>
      %dma_start3A_154 = arith.constant 0 : i32
      %dma_start3A_155 = tpu.memref_slice %dma_start3A_153[%dma_start3A_154] : memref<100000xf32, #tpu.memory_space<hbm>> -> memref<100000xf32, #tpu.memory_space<hbm>>
      tpu.enqueue_indirect_dma source(%dma_start3A_155 : memref<100000xf32, #tpu.memory_space<hbm>>) target(%dma_start3A_147 : memref<512xf32, #tpu.memory_space<vmem>>) offsets(%dma_start3A_150 : memref<512xi32, #tpu.memory_space<vmem>>) semaphore(%arg9 : memref<!tpu.dma_semaphore, #tpu.memory_space<semaphore_mem>>)
    }
    %scan3A_6 = arith.constant 32 : i32
    %dma_wait3A = arith.constant 0 : i32
    %dma_wait3A_7 = arith.constant 0 : i32
    %dma_wait3A_8 = arith.constant 0 : i32
    %dma_wait3A_9 = tpu.memref_slice %arg8[%dma_wait3A, %dma_wait3A_7, %dma_wait3A_8] : memref<2x32x512xf32, #tpu.memory_space<vmem>> -> memref<1x32x512xf32, #tpu.memory_space<vmem>>
    %dma_wait3A_10 = tpu.memref_squeeze %dma_wait3A_9 : memref<1x32x512xf32, #tpu.memory_space<vmem>> -> memref<32x512xf32, #tpu.memory_space<vmem>>
    %dma_wait3A_11 = arith.constant 0 : i32
    %dma_wait3A_12 = arith.constant 0 : i32
    %dma_wait3A_13 = tpu.memref_slice %arg6[%dma_wait3A_11, %dma_wait3A_12] : memref<96x16384xf32, #tpu.memory_space<hbm>> -> memref<32x512xf32, #tpu.memory_space<hbm>>
    %dma_wait3A_14 = arith.constant 0 : i32
    %dma_wait3A_15 = arith.constant 0 : i32
    %dma_wait3A_16 = tpu.memref_slice %arg8[%dma_wait3A, %dma_wait3A_14, %dma_wait3A_15] : memref<2x32x512xf32, #tpu.memory_space<vmem>> -> memref<1x32x512xf32, #tpu.memory_space<vmem>>
    %dma_wait3A_17 = tpu.memref_squeeze %dma_wait3A_16 : memref<1x32x512xf32, #tpu.memory_space<vmem>> -> memref<32x512xf32, #tpu.memory_space<vmem>>
    %dma_wait3A_18 = arith.constant 0 : i32
    %dma_wait3A_19 = arith.constant 0 : i32
    %dma_wait3A_20 = tpu.memref_slice %arg6[%dma_wait3A_18, %dma_wait3A_19] : memref<96x16384xf32, #tpu.memory_space<hbm>> -> memref<32x512xf32, #tpu.memory_space<hbm>>
    tpu.wait_dma2 semaphore(%arg9 : memref<!tpu.dma_semaphore, #tpu.memory_space<semaphore_mem>>) src(%dma_wait3A_20 : memref<32x512xf32, #tpu.memory_space<hbm>>) dst(%dma_wait3A_17 : memref<32x512xf32, #tpu.memory_space<vmem>>)
    %dma_start3A = arith.constant 0 : i32
    %dma_start3A_21 = arith.constant 0 : i32
    %dma_start3A_22 = arith.constant 0 : i32
    %dma_start3A_23 = tpu.memref_slice %arg8[%dma_start3A, %dma_start3A_21, %dma_start3A_22] : memref<2x32x512xf32, #tpu.memory_space<vmem>> -> memref<1x32x512xf32, #tpu.memory_space<vmem>>
    %dma_start3A_24 = tpu.memref_squeeze %dma_start3A_23 : memref<1x32x512xf32, #tpu.memory_space<vmem>> -> memref<32x512xf32, #tpu.memory_space<vmem>>
    %dma_start3A_25 = arith.constant 0 : i32
    %dma_start3A_26 = tpu.memref_slice %arg6[%dma_start3A_25, %mul3A_2] : memref<96x16384xf32, #tpu.memory_space<hbm>> -> memref<32x512xf32, #tpu.memory_space<hbm>>
    %dma_start3A_27 = arith.constant 0 : i32
    %dma_start3A_28 = tpu.memref_slice %arg6[%dma_start3A_27, %mul3A_2] : memref<96x16384xf32, #tpu.memory_space<hbm>> -> memref<32x512xf32, #tpu.memory_space<hbm>>
    %dma_start3A_29 = arith.constant 0 : i32
    %dma_start3A_30 = arith.constant 0 : i32
    %dma_start3A_31 = tpu.memref_slice %arg8[%dma_start3A, %dma_start3A_29, %dma_start3A_30] : memref<2x32x512xf32, #tpu.memory_space<vmem>> -> memref<1x32x512xf32, #tpu.memory_space<vmem>>
    %dma_start3A_32 = tpu.memref_squeeze %dma_start3A_31 : memref<1x32x512xf32, #tpu.memory_space<vmem>> -> memref<32x512xf32, #tpu.memory_space<vmem>>
    tpu.enqueue_dma source(%dma_start3A_32 : memref<32x512xf32, #tpu.memory_space<vmem>>) target(%dma_start3A_28 : memref<32x512xf32, #tpu.memory_space<hbm>>) target_semaphore(%arg10 : memref<!tpu.dma_semaphore, #tpu.memory_space<semaphore_mem>>)
    %scan3A_33 = arith.constant 0 : i32
    %scan3A_34 = arith.constant 32 : i32
    %scan3A_35 = arith.addi %scan3A_33, %scan3A_34 : i32
    %scan3A_36 = arith.constant 1 : i32
    scf.for %scan3A_138 = %scan3A_33 to %scan3A_35 step %scan3A_36  : i32 {
      %mul3A_139 = arith.constant 1 : i32
      %mul3A_140 = arith.muli %scan3A_138, %mul3A_139 : i32
      %add3A_141 = arith.constant 0 : i32
      %add3A_142 = arith.addi %add3A_141, %mul3A_140 : i32
      %dma_start3A_143 = arith.constant 1 : i32
      %dma_start3A_144 = arith.constant 1 : i32
      %dma_start3A_145 = arith.constant 0 : i32
      %dma_start3A_146 = tpu.memref_slice %arg8[%dma_start3A_144, %add3A_142, %dma_start3A_145] : memref<2x32x512xf32, #tpu.memory_space<vmem>> -> memref<1x1x512xf32, #tpu.memory_space<vmem>>
      %dma_start3A_147 = tpu.memref_squeeze %dma_start3A_146 : memref<1x1x512xf32, #tpu.memory_space<vmem>> -> memref<512xf32, #tpu.memory_space<vmem>>
      %dma_start3A_148 = arith.constant 0 : i32
      %dma_start3A_149 = tpu.memref_slice %arg7[%dma_start3A_143, %dma_start3A_148] : memref<3x512xi32, #tpu.memory_space<vmem>> -> memref<1x512xi32, #tpu.memory_space<vmem>>
      %dma_start3A_150 = tpu.memref_squeeze %dma_start3A_149 : memref<1x512xi32, #tpu.memory_space<vmem>> -> memref<512xi32, #tpu.memory_space<vmem>>
      %dma_start3A_151 = arith.constant 0 : i32
      %dma_start3A_152 = tpu.memref_slice %arg4[%add3A_142, %dma_start3A_151] : memref<32x100000xf32, #tpu.memory_space<hbm>> -> memref<1x100000xf32, #tpu.memory_space<hbm>>
      %dma_start3A_153 = tpu.memref_squeeze %dma_start3A_152 : memref<1x100000xf32, #tpu.memory_space<hbm>> -> memref<100000xf32, #tpu.memory_space<hbm>>
      %dma_start3A_154 = arith.constant 0 : i32
      %dma_start3A_155 = tpu.memref_slice %dma_start3A_153[%dma_start3A_154] : memref<100000xf32, #tpu.memory_space<hbm>> -> memref<100000xf32, #tpu.memory_space<hbm>>
      tpu.enqueue_indirect_dma source(%dma_start3A_155 : memref<100000xf32, #tpu.memory_space<hbm>>) target(%dma_start3A_147 : memref<512xf32, #tpu.memory_space<vmem>>) offsets(%dma_start3A_150 : memref<512xi32, #tpu.memory_space<vmem>>) semaphore(%arg9 : memref<!tpu.dma_semaphore, #tpu.memory_space<semaphore_mem>>)
    }
    %scan3A_37 = arith.constant 32 : i32
    %dma_wait3A_38 = arith.constant 1 : i32
    %dma_wait3A_39 = arith.constant 0 : i32
    %dma_wait3A_40 = arith.constant 0 : i32
    %dma_wait3A_41 = tpu.memref_slice %arg8[%dma_wait3A_38, %dma_wait3A_39, %dma_wait3A_40] : memref<2x32x512xf32, #tpu.memory_space<vmem>> -> memref<1x32x512xf32, #tpu.memory_space<vmem>>
    %dma_wait3A_42 = tpu.memref_squeeze %dma_wait3A_41 : memref<1x32x512xf32, #tpu.memory_space<vmem>> -> memref<32x512xf32, #tpu.memory_space<vmem>>
    %dma_wait3A_43 = arith.constant 0 : i32
    %dma_wait3A_44 = arith.constant 0 : i32
    %dma_wait3A_45 = tpu.memref_slice %arg6[%dma_wait3A_43, %dma_wait3A_44] : memref<96x16384xf32, #tpu.memory_space<hbm>> -> memref<32x512xf32, #tpu.memory_space<hbm>>
    %dma_wait3A_46 = arith.constant 0 : i32
    %dma_wait3A_47 = arith.constant 0 : i32
    %dma_wait3A_48 = tpu.memref_slice %arg8[%dma_wait3A_38, %dma_wait3A_46, %dma_wait3A_47] : memref<2x32x512xf32, #tpu.memory_space<vmem>> -> memref<1x32x512xf32, #tpu.memory_space<vmem>>
    %dma_wait3A_49 = tpu.memref_squeeze %dma_wait3A_48 : memref<1x32x512xf32, #tpu.memory_space<vmem>> -> memref<32x512xf32, #tpu.memory_space<vmem>>
    %dma_wait3A_50 = arith.constant 0 : i32
    %dma_wait3A_51 = arith.constant 0 : i32
    %dma_wait3A_52 = tpu.memref_slice %arg6[%dma_wait3A_50, %dma_wait3A_51] : memref<96x16384xf32, #tpu.memory_space<hbm>> -> memref<32x512xf32, #tpu.memory_space<hbm>>
    tpu.wait_dma2 semaphore(%arg9 : memref<!tpu.dma_semaphore, #tpu.memory_space<semaphore_mem>>) src(%dma_wait3A_52 : memref<32x512xf32, #tpu.memory_space<hbm>>) dst(%dma_wait3A_49 : memref<32x512xf32, #tpu.memory_space<vmem>>)
    %dma_start3A_53 = arith.constant 1 : i32
    %dma_start3A_54 = arith.constant 0 : i32
    %dma_start3A_55 = arith.constant 0 : i32
    %dma_start3A_56 = tpu.memref_slice %arg8[%dma_start3A_53, %dma_start3A_54, %dma_start3A_55] : memref<2x32x512xf32, #tpu.memory_space<vmem>> -> memref<1x32x512xf32, #tpu.memory_space<vmem>>
    %dma_start3A_57 = tpu.memref_squeeze %dma_start3A_56 : memref<1x32x512xf32, #tpu.memory_space<vmem>> -> memref<32x512xf32, #tpu.memory_space<vmem>>
    %dma_start3A_58 = arith.constant 32 : i32
    %dma_start3A_59 = tpu.memref_slice %arg6[%dma_start3A_58, %mul3A_2] : memref<96x16384xf32, #tpu.memory_space<hbm>> -> memref<32x512xf32, #tpu.memory_space<hbm>>
    %dma_start3A_60 = arith.constant 32 : i32
    %dma_start3A_61 = tpu.memref_slice %arg6[%dma_start3A_60, %mul3A_2] : memref<96x16384xf32, #tpu.memory_space<hbm>> -> memref<32x512xf32, #tpu.memory_space<hbm>>
    %dma_start3A_62 = arith.constant 0 : i32
    %dma_start3A_63 = arith.constant 0 : i32
    %dma_start3A_64 = tpu.memref_slice %arg8[%dma_start3A_53, %dma_start3A_62, %dma_start3A_63] : memref<2x32x512xf32, #tpu.memory_space<vmem>> -> memref<1x32x512xf32, #tpu.memory_space<vmem>>
    %dma_start3A_65 = tpu.memref_squeeze %dma_start3A_64 : memref<1x32x512xf32, #tpu.memory_space<vmem>> -> memref<32x512xf32, #tpu.memory_space<vmem>>
    tpu.enqueue_dma source(%dma_start3A_65 : memref<32x512xf32, #tpu.memory_space<vmem>>) target(%dma_start3A_61 : memref<32x512xf32, #tpu.memory_space<hbm>>) target_semaphore(%arg10 : memref<!tpu.dma_semaphore, #tpu.memory_space<semaphore_mem>>)
    %dma_wait3A_66 = arith.constant 0 : i32
    %dma_wait3A_67 = arith.constant 0 : i32
    %dma_wait3A_68 = arith.constant 0 : i32
    %dma_wait3A_69 = tpu.memref_slice %arg8[%dma_wait3A_66, %dma_wait3A_67, %dma_wait3A_68] : memref<2x32x512xf32, #tpu.memory_space<vmem>> -> memref<1x32x512xf32, #tpu.memory_space<vmem>>
    %dma_wait3A_70 = tpu.memref_squeeze %dma_wait3A_69 : memref<1x32x512xf32, #tpu.memory_space<vmem>> -> memref<32x512xf32, #tpu.memory_space<vmem>>
    %dma_wait3A_71 = arith.constant 0 : i32
    %dma_wait3A_72 = tpu.memref_slice %arg6[%dma_wait3A_71, %mul3A_2] : memref<96x16384xf32, #tpu.memory_space<hbm>> -> memref<32x512xf32, #tpu.memory_space<hbm>>
    %dma_wait3A_73 = arith.constant 0 : i32
    %dma_wait3A_74 = tpu.memref_slice %arg6[%dma_wait3A_73, %mul3A_2] : memref<96x16384xf32, #tpu.memory_space<hbm>> -> memref<32x512xf32, #tpu.memory_space<hbm>>
    %dma_wait3A_75 = arith.constant 0 : i32
    %dma_wait3A_76 = arith.constant 0 : i32
    %dma_wait3A_77 = tpu.memref_slice %arg8[%dma_wait3A_66, %dma_wait3A_75, %dma_wait3A_76] : memref<2x32x512xf32, #tpu.memory_space<vmem>> -> memref<1x32x512xf32, #tpu.memory_space<vmem>>
    %dma_wait3A_78 = tpu.memref_squeeze %dma_wait3A_77 : memref<1x32x512xf32, #tpu.memory_space<vmem>> -> memref<32x512xf32, #tpu.memory_space<vmem>>
    tpu.wait_dma2 semaphore(%arg10 : memref<!tpu.dma_semaphore, #tpu.memory_space<semaphore_mem>>) src(%dma_wait3A_78 : memref<32x512xf32, #tpu.memory_space<vmem>>) dst(%dma_wait3A_74 : memref<32x512xf32, #tpu.memory_space<hbm>>)
    %scan3A_79 = arith.constant 0 : i32
    %scan3A_80 = arith.constant 32 : i32
    %scan3A_81 = arith.addi %scan3A_79, %scan3A_80 : i32
    %scan3A_82 = arith.constant 1 : i32
    scf.for %scan3A_138 = %scan3A_79 to %scan3A_81 step %scan3A_82  : i32 {
      %mul3A_139 = arith.constant 1 : i32
      %mul3A_140 = arith.muli %scan3A_138, %mul3A_139 : i32
      %add3A_141 = arith.constant 0 : i32
      %add3A_142 = arith.addi %add3A_141, %mul3A_140 : i32
      %dma_start3A_143 = arith.constant 2 : i32
      %dma_start3A_144 = arith.constant 0 : i32
      %dma_start3A_145 = arith.constant 0 : i32
      %dma_start3A_146 = tpu.memref_slice %arg8[%dma_start3A_144, %add3A_142, %dma_start3A_145] : memref<2x32x512xf32, #tpu.memory_space<vmem>> -> memref<1x1x512xf32, #tpu.memory_space<vmem>>
      %dma_start3A_147 = tpu.memref_squeeze %dma_start3A_146 : memref<1x1x512xf32, #tpu.memory_space<vmem>> -> memref<512xf32, #tpu.memory_space<vmem>>
      %dma_start3A_148 = arith.constant 0 : i32
      %dma_start3A_149 = tpu.memref_slice %arg7[%dma_start3A_143, %dma_start3A_148] : memref<3x512xi32, #tpu.memory_space<vmem>> -> memref<1x512xi32, #tpu.memory_space<vmem>>
      %dma_start3A_150 = tpu.memref_squeeze %dma_start3A_149 : memref<1x512xi32, #tpu.memory_space<vmem>> -> memref<512xi32, #tpu.memory_space<vmem>>
      %dma_start3A_151 = arith.constant 0 : i32
      %dma_start3A_152 = tpu.memref_slice %arg5[%add3A_142, %dma_start3A_151] : memref<32x100000xf32, #tpu.memory_space<hbm>> -> memref<1x100000xf32, #tpu.memory_space<hbm>>
      %dma_start3A_153 = tpu.memref_squeeze %dma_start3A_152 : memref<1x100000xf32, #tpu.memory_space<hbm>> -> memref<100000xf32, #tpu.memory_space<hbm>>
      %dma_start3A_154 = arith.constant 0 : i32
      %dma_start3A_155 = tpu.memref_slice %dma_start3A_153[%dma_start3A_154] : memref<100000xf32, #tpu.memory_space<hbm>> -> memref<100000xf32, #tpu.memory_space<hbm>>
      tpu.enqueue_indirect_dma source(%dma_start3A_155 : memref<100000xf32, #tpu.memory_space<hbm>>) target(%dma_start3A_147 : memref<512xf32, #tpu.memory_space<vmem>>) offsets(%dma_start3A_150 : memref<512xi32, #tpu.memory_space<vmem>>) semaphore(%arg9 : memref<!tpu.dma_semaphore, #tpu.memory_space<semaphore_mem>>)
    }
    %scan3A_83 = arith.constant 32 : i32
    %dma_wait3A_84 = arith.constant 0 : i32
    %dma_wait3A_85 = arith.constant 0 : i32
    %dma_wait3A_86 = arith.constant 0 : i32
    %dma_wait3A_87 = tpu.memref_slice %arg8[%dma_wait3A_84, %dma_wait3A_85, %dma_wait3A_86] : memref<2x32x512xf32, #tpu.memory_space<vmem>> -> memref<1x32x512xf32, #tpu.memory_space<vmem>>
    %dma_wait3A_88 = tpu.memref_squeeze %dma_wait3A_87 : memref<1x32x512xf32, #tpu.memory_space<vmem>> -> memref<32x512xf32, #tpu.memory_space<vmem>>
    %dma_wait3A_89 = arith.constant 0 : i32
    %dma_wait3A_90 = arith.constant 0 : i32
    %dma_wait3A_91 = tpu.memref_slice %arg6[%dma_wait3A_89, %dma_wait3A_90] : memref<96x16384xf32, #tpu.memory_space<hbm>> -> memref<32x512xf32, #tpu.memory_space<hbm>>
    %dma_wait3A_92 = arith.constant 0 : i32
    %dma_wait3A_93 = arith.constant 0 : i32
    %dma_wait3A_94 = tpu.memref_slice %arg8[%dma_wait3A_84, %dma_wait3A_92, %dma_wait3A_93] : memref<2x32x512xf32, #tpu.memory_space<vmem>> -> memref<1x32x512xf32, #tpu.memory_space<vmem>>
    %dma_wait3A_95 = tpu.memref_squeeze %dma_wait3A_94 : memref<1x32x512xf32, #tpu.memory_space<vmem>> -> memref<32x512xf32, #tpu.memory_space<vmem>>
    %dma_wait3A_96 = arith.constant 0 : i32
    %dma_wait3A_97 = arith.constant 0 : i32
    %dma_wait3A_98 = tpu.memref_slice %arg6[%dma_wait3A_96, %dma_wait3A_97] : memref<96x16384xf32, #tpu.memory_space<hbm>> -> memref<32x512xf32, #tpu.memory_space<hbm>>
    tpu.wait_dma2 semaphore(%arg9 : memref<!tpu.dma_semaphore, #tpu.memory_space<semaphore_mem>>) src(%dma_wait3A_98 : memref<32x512xf32, #tpu.memory_space<hbm>>) dst(%dma_wait3A_95 : memref<32x512xf32, #tpu.memory_space<vmem>>)
    %dma_start3A_99 = arith.constant 0 : i32
    %dma_start3A_100 = arith.constant 0 : i32
    %dma_start3A_101 = arith.constant 0 : i32
    %dma_start3A_102 = tpu.memref_slice %arg8[%dma_start3A_99, %dma_start3A_100, %dma_start3A_101] : memref<2x32x512xf32, #tpu.memory_space<vmem>> -> memref<1x32x512xf32, #tpu.memory_space<vmem>>
    %dma_start3A_103 = tpu.memref_squeeze %dma_start3A_102 : memref<1x32x512xf32, #tpu.memory_space<vmem>> -> memref<32x512xf32, #tpu.memory_space<vmem>>
    %dma_start3A_104 = arith.constant 64 : i32
    %dma_start3A_105 = tpu.memref_slice %arg6[%dma_start3A_104, %mul3A_2] : memref<96x16384xf32, #tpu.memory_space<hbm>> -> memref<32x512xf32, #tpu.memory_space<hbm>>
    %dma_start3A_106 = arith.constant 64 : i32
    %dma_start3A_107 = tpu.memref_slice %arg6[%dma_start3A_106, %mul3A_2] : memref<96x16384xf32, #tpu.memory_space<hbm>> -> memref<32x512xf32, #tpu.memory_space<hbm>>
    %dma_start3A_108 = arith.constant 0 : i32
    %dma_start3A_109 = arith.constant 0 : i32
    %dma_start3A_110 = tpu.memref_slice %arg8[%dma_start3A_99, %dma_start3A_108, %dma_start3A_109] : memref<2x32x512xf32, #tpu.memory_space<vmem>> -> memref<1x32x512xf32, #tpu.memory_space<vmem>>
    %dma_start3A_111 = tpu.memref_squeeze %dma_start3A_110 : memref<1x32x512xf32, #tpu.memory_space<vmem>> -> memref<32x512xf32, #tpu.memory_space<vmem>>
    tpu.enqueue_dma source(%dma_start3A_111 : memref<32x512xf32, #tpu.memory_space<vmem>>) target(%dma_start3A_107 : memref<32x512xf32, #tpu.memory_space<hbm>>) target_semaphore(%arg10 : memref<!tpu.dma_semaphore, #tpu.memory_space<semaphore_mem>>)
    %dma_wait3A_112 = arith.constant 1 : i32
    %dma_wait3A_113 = arith.constant 0 : i32
    %dma_wait3A_114 = arith.constant 0 : i32
    %dma_wait3A_115 = tpu.memref_slice %arg8[%dma_wait3A_112, %dma_wait3A_113, %dma_wait3A_114] : memref<2x32x512xf32, #tpu.memory_space<vmem>> -> memref<1x32x512xf32, #tpu.memory_space<vmem>>
    %dma_wait3A_116 = tpu.memref_squeeze %dma_wait3A_115 : memref<1x32x512xf32, #tpu.memory_space<vmem>> -> memref<32x512xf32, #tpu.memory_space<vmem>>
    %dma_wait3A_117 = arith.constant 32 : i32
    %dma_wait3A_118 = tpu.memref_slice %arg6[%dma_wait3A_117, %mul3A_2] : memref<96x16384xf32, #tpu.memory_space<hbm>> -> memref<32x512xf32, #tpu.memory_space<hbm>>
    %dma_wait3A_119 = arith.constant 32 : i32
    %dma_wait3A_120 = tpu.memref_slice %arg6[%dma_wait3A_119, %mul3A_2] : memref<96x16384xf32, #tpu.memory_space<hbm>> -> memref<32x512xf32, #tpu.memory_space<hbm>>
    %dma_wait3A_121 = arith.constant 0 : i32
    %dma_wait3A_122 = arith.constant 0 : i32
    %dma_wait3A_123 = tpu.memref_slice %arg8[%dma_wait3A_112, %dma_wait3A_121, %dma_wait3A_122] : memref<2x32x512xf32, #tpu.memory_space<vmem>> -> memref<1x32x512xf32, #tpu.memory_space<vmem>>
    %dma_wait3A_124 = tpu.memref_squeeze %dma_wait3A_123 : memref<1x32x512xf32, #tpu.memory_space<vmem>> -> memref<32x512xf32, #tpu.memory_space<vmem>>
    tpu.wait_dma2 semaphore(%arg10 : memref<!tpu.dma_semaphore, #tpu.memory_space<semaphore_mem>>) src(%dma_wait3A_124 : memref<32x512xf32, #tpu.memory_space<vmem>>) dst(%dma_wait3A_120 : memref<32x512xf32, #tpu.memory_space<hbm>>)
    %dma_wait3A_125 = arith.constant 0 : i32
    %dma_wait3A_126 = arith.constant 0 : i32
    %dma_wait3A_127 = arith.constant 0 : i32
    %dma_wait3A_128 = tpu.memref_slice %arg8[%dma_wait3A_125, %dma_wait3A_126, %dma_wait3A_127] : memref<2x32x512xf32, #tpu.memory_space<vmem>> -> memref<1x32x512xf32, #tpu.memory_space<vmem>>
    %dma_wait3A_129 = tpu.memref_squeeze %dma_wait3A_128 : memref<1x32x512xf32, #tpu.memory_space<vmem>> -> memref<32x512xf32, #tpu.memory_space<vmem>>
    %dma_wait3A_130 = arith.constant 64 : i32
    %dma_wait3A_131 = tpu.memref_slice %arg6[%dma_wait3A_130, %mul3A_2] : memref<96x16384xf32, #tpu.memory_space<hbm>> -> memref<32x512xf32, #tpu.memory_space<hbm>>
    %dma_wait3A_132 = arith.constant 64 : i32
    %dma_wait3A_133 = tpu.memref_slice %arg6[%dma_wait3A_132, %mul3A_2] : memref<96x16384xf32, #tpu.memory_space<hbm>> -> memref<32x512xf32, #tpu.memory_space<hbm>>
    %dma_wait3A_134 = arith.constant 0 : i32
    %dma_wait3A_135 = arith.constant 0 : i32
    %dma_wait3A_136 = tpu.memref_slice %arg8[%dma_wait3A_125, %dma_wait3A_134, %dma_wait3A_135] : memref<2x32x512xf32, #tpu.memory_space<vmem>> -> memref<1x32x512xf32, #tpu.memory_space<vmem>>
    %dma_wait3A_137 = tpu.memref_squeeze %dma_wait3A_136 : memref<1x32x512xf32, #tpu.memory_space<vmem>> -> memref<32x512xf32, #tpu.memory_space<vmem>>
    tpu.wait_dma2 semaphore(%arg10 : memref<!tpu.dma_semaphore, #tpu.memory_space<semaphore_mem>>) src(%dma_wait3A_137 : memref<32x512xf32, #tpu.memory_space<vmem>>) dst(%dma_wait3A_133 : memref<32x512xf32, #tpu.memory_space<hbm>>)
    return
  }
}

#map = affine_map<(d0, d1) -> (0, 0, 0)>
#map1 = affine_map<(d0, d1) -> (0, 0)>
module attributes {stable_mosaic.version = 14 : i64} {
  func.func @_lookup_t(%arg0: i32, %arg1: i32, %arg2: memref<32x4x512xi32, #tpu.memory_space<hbm>>, %arg3: memref<32x100000xf32, #tpu.memory_space<hbm>>, %arg4: memref<32x100000xf32, #tpu.memory_space<hbm>>, %arg5: memref<32x100000xf32, #tpu.memory_space<hbm>>, %arg6: memref<32x100000xf32, #tpu.memory_space<hbm>>, %arg7: memref<128x16384xf32, #tpu.memory_space<hbm>>, %arg8: memref<4x512xi32, #tpu.memory_space<vmem>>, %arg9: memref<2x32x512xf32, #tpu.memory_space<vmem>>, %arg10: memref<!tpu.dma_semaphore, #tpu.memory_space<semaphore_mem>>, %arg11: memref<!tpu.dma_semaphore, #tpu.memory_space<semaphore_mem>>) attributes {dimension_semantics = [#tpu.dimension_semantics<core_parallel>, #tpu.dimension_semantics<subcore_parallel>], iteration_bounds = array<i64: 2, 16>, scalar_prefetch = 0 : i64, scratch_operands = 4 : i64, tpu.core_type = #tpu.core_type<sc_vector_subcore>, window_params = [{transform_indices = #map}, {transform_indices = #map1}, {transform_indices = #map1}, {transform_indices = #map1}, {transform_indices = #map1}, {transform_indices = #map1}]} {
    %mul3A = arith.constant 2 : i32
    %mul3A_0 = arith.muli %arg1, %mul3A : i32
    %add3A = arith.addi %mul3A_0, %arg0 : i32
    %mul3A_1 = arith.constant 512 : i32
    %mul3A_2 = arith.muli %add3A, %mul3A_1 : i32
    "tpu.region"() ({
      %run_scoped3A = tpu.sem_alloc : memref<!tpu.dma_semaphore, #tpu.memory_space<semaphore_mem>>
      %dma_start3A_184 = arith.constant 0 : i32
      %dma_start3A_185 = arith.constant 0 : i32
      %dma_start3A_186 = tpu.memref_slice %arg2[%add3A, %dma_start3A_184, %dma_start3A_185] : memref<32x4x512xi32, #tpu.memory_space<hbm>> -> memref<1x4x512xi32, #tpu.memory_space<hbm>>
      %dma_start3A_187 = tpu.memref_squeeze %dma_start3A_186 : memref<1x4x512xi32, #tpu.memory_space<hbm>> -> memref<4x512xi32, #tpu.memory_space<hbm>>
      %dma_start3A_188 = arith.constant 0 : i32
      %dma_start3A_189 = arith.constant 0 : i32
      %dma_start3A_190 = tpu.memref_slice %arg2[%add3A, %dma_start3A_188, %dma_start3A_189] : memref<32x4x512xi32, #tpu.memory_space<hbm>> -> memref<1x4x512xi32, #tpu.memory_space<hbm>>
      %dma_start3A_191 = tpu.memref_squeeze %dma_start3A_190 : memref<1x4x512xi32, #tpu.memory_space<hbm>> -> memref<4x512xi32, #tpu.memory_space<hbm>>
      tpu.enqueue_dma source(%dma_start3A_191 : memref<4x512xi32, #tpu.memory_space<hbm>>) target(%arg8 : memref<4x512xi32, #tpu.memory_space<vmem>>) target_semaphore(%run_scoped3A : memref<!tpu.dma_semaphore, #tpu.memory_space<semaphore_mem>>)
      %dma_wait3A_192 = arith.constant 0 : i32
      %dma_wait3A_193 = arith.constant 0 : i32
      %dma_wait3A_194 = tpu.memref_slice %arg2[%add3A, %dma_wait3A_192, %dma_wait3A_193] : memref<32x4x512xi32, #tpu.memory_space<hbm>> -> memref<1x4x512xi32, #tpu.memory_space<hbm>>
      %dma_wait3A_195 = tpu.memref_squeeze %dma_wait3A_194 : memref<1x4x512xi32, #tpu.memory_space<hbm>> -> memref<4x512xi32, #tpu.memory_space<hbm>>
      %dma_wait3A_196 = arith.constant 0 : i32
      %dma_wait3A_197 = arith.constant 0 : i32
      %dma_wait3A_198 = tpu.memref_slice %arg2[%add3A, %dma_wait3A_196, %dma_wait3A_197] : memref<32x4x512xi32, #tpu.memory_space<hbm>> -> memref<1x4x512xi32, #tpu.memory_space<hbm>>
      %dma_wait3A_199 = tpu.memref_squeeze %dma_wait3A_198 : memref<1x4x512xi32, #tpu.memory_space<hbm>> -> memref<4x512xi32, #tpu.memory_space<hbm>>
      tpu.wait_dma2 semaphore(%run_scoped3A : memref<!tpu.dma_semaphore, #tpu.memory_space<semaphore_mem>>) src(%dma_wait3A_199 : memref<4x512xi32, #tpu.memory_space<hbm>>) dst(%arg8 : memref<4x512xi32, #tpu.memory_space<vmem>>)
      tpu.yield
    }) : () -> ()
    %scan3A = arith.constant 0 : i32
    %scan3A_3 = arith.constant 32 : i32
    %scan3A_4 = arith.addi %scan3A, %scan3A_3 : i32
    %scan3A_5 = arith.constant 1 : i32
    scf.for %scan3A_184 = %scan3A to %scan3A_4 step %scan3A_5  : i32 {
      %mul3A_185 = arith.constant 1 : i32
      %mul3A_186 = arith.muli %scan3A_184, %mul3A_185 : i32
      %add3A_187 = arith.constant 0 : i32
      %add3A_188 = arith.addi %add3A_187, %mul3A_186 : i32
      %dma_start3A_189 = arith.constant 0 : i32
      %dma_start3A_190 = arith.constant 0 : i32
      %dma_start3A_191 = arith.constant 0 : i32
      %dma_start3A_192 = tpu.memref_slice %arg9[%dma_start3A_190, %add3A_188, %dma_start3A_191] : memref<2x32x512xf32, #tpu.memory_space<vmem>> -> memref<1x1x512xf32, #tpu.memory_space<vmem>>
      %dma_start3A_193 = tpu.memref_squeeze %dma_start3A_192 : memref<1x1x512xf32, #tpu.memory_space<vmem>> -> memref<512xf32, #tpu.memory_space<vmem>>
      %dma_start3A_194 = arith.constant 0 : i32
      %dma_start3A_195 = tpu.memref_slice %arg8[%dma_start3A_189, %dma_start3A_194] : memref<4x512xi32, #tpu.memory_space<vmem>> -> memref<1x512xi32, #tpu.memory_space<vmem>>
      %dma_start3A_196 = tpu.memref_squeeze %dma_start3A_195 : memref<1x512xi32, #tpu.memory_space<vmem>> -> memref<512xi32, #tpu.memory_space<vmem>>
      %dma_start3A_197 = arith.constant 0 : i32
      %dma_start3A_198 = tpu.memref_slice %arg3[%add3A_188, %dma_start3A_197] : memref<32x100000xf32, #tpu.memory_space<hbm>> -> memref<1x100000xf32, #tpu.memory_space<hbm>>
      %dma_start3A_199 = tpu.memref_squeeze %dma_start3A_198 : memref<1x100000xf32, #tpu.memory_space<hbm>> -> memref<100000xf32, #tpu.memory_space<hbm>>
      %dma_start3A_200 = arith.constant 0 : i32
      %dma_start3A_201 = tpu.memref_slice %dma_start3A_199[%dma_start3A_200] : memref<100000xf32, #tpu.memory_space<hbm>> -> memref<100000xf32, #tpu.memory_space<hbm>>
      tpu.enqueue_indirect_dma source(%dma_start3A_201 : memref<100000xf32, #tpu.memory_space<hbm>>) target(%dma_start3A_193 : memref<512xf32, #tpu.memory_space<vmem>>) offsets(%dma_start3A_196 : memref<512xi32, #tpu.memory_space<vmem>>) semaphore(%arg10 : memref<!tpu.dma_semaphore, #tpu.memory_space<semaphore_mem>>)
    }
    %scan3A_6 = arith.constant 32 : i32
    %dma_wait3A = arith.constant 0 : i32
    %dma_wait3A_7 = arith.constant 0 : i32
    %dma_wait3A_8 = arith.constant 0 : i32
    %dma_wait3A_9 = tpu.memref_slice %arg9[%dma_wait3A, %dma_wait3A_7, %dma_wait3A_8] : memref<2x32x512xf32, #tpu.memory_space<vmem>> -> memref<1x32x512xf32, #tpu.memory_space<vmem>>
    %dma_wait3A_10 = tpu.memref_squeeze %dma_wait3A_9 : memref<1x32x512xf32, #tpu.memory_space<vmem>> -> memref<32x512xf32, #tpu.memory_space<vmem>>
    %dma_wait3A_11 = arith.constant 0 : i32
    %dma_wait3A_12 = arith.constant 0 : i32
    %dma_wait3A_13 = tpu.memref_slice %arg7[%dma_wait3A_11, %dma_wait3A_12] : memref<128x16384xf32, #tpu.memory_space<hbm>> -> memref<32x512xf32, #tpu.memory_space<hbm>>
    %dma_wait3A_14 = arith.constant 0 : i32
    %dma_wait3A_15 = arith.constant 0 : i32
    %dma_wait3A_16 = tpu.memref_slice %arg9[%dma_wait3A, %dma_wait3A_14, %dma_wait3A_15] : memref<2x32x512xf32, #tpu.memory_space<vmem>> -> memref<1x32x512xf32, #tpu.memory_space<vmem>>
    %dma_wait3A_17 = tpu.memref_squeeze %dma_wait3A_16 : memref<1x32x512xf32, #tpu.memory_space<vmem>> -> memref<32x512xf32, #tpu.memory_space<vmem>>
    %dma_wait3A_18 = arith.constant 0 : i32
    %dma_wait3A_19 = arith.constant 0 : i32
    %dma_wait3A_20 = tpu.memref_slice %arg7[%dma_wait3A_18, %dma_wait3A_19] : memref<128x16384xf32, #tpu.memory_space<hbm>> -> memref<32x512xf32, #tpu.memory_space<hbm>>
    tpu.wait_dma2 semaphore(%arg10 : memref<!tpu.dma_semaphore, #tpu.memory_space<semaphore_mem>>) src(%dma_wait3A_20 : memref<32x512xf32, #tpu.memory_space<hbm>>) dst(%dma_wait3A_17 : memref<32x512xf32, #tpu.memory_space<vmem>>)
    %dma_start3A = arith.constant 0 : i32
    %dma_start3A_21 = arith.constant 0 : i32
    %dma_start3A_22 = arith.constant 0 : i32
    %dma_start3A_23 = tpu.memref_slice %arg9[%dma_start3A, %dma_start3A_21, %dma_start3A_22] : memref<2x32x512xf32, #tpu.memory_space<vmem>> -> memref<1x32x512xf32, #tpu.memory_space<vmem>>
    %dma_start3A_24 = tpu.memref_squeeze %dma_start3A_23 : memref<1x32x512xf32, #tpu.memory_space<vmem>> -> memref<32x512xf32, #tpu.memory_space<vmem>>
    %dma_start3A_25 = arith.constant 0 : i32
    %dma_start3A_26 = tpu.memref_slice %arg7[%dma_start3A_25, %mul3A_2] : memref<128x16384xf32, #tpu.memory_space<hbm>> -> memref<32x512xf32, #tpu.memory_space<hbm>>
    %dma_start3A_27 = arith.constant 0 : i32
    %dma_start3A_28 = tpu.memref_slice %arg7[%dma_start3A_27, %mul3A_2] : memref<128x16384xf32, #tpu.memory_space<hbm>> -> memref<32x512xf32, #tpu.memory_space<hbm>>
    %dma_start3A_29 = arith.constant 0 : i32
    %dma_start3A_30 = arith.constant 0 : i32
    %dma_start3A_31 = tpu.memref_slice %arg9[%dma_start3A, %dma_start3A_29, %dma_start3A_30] : memref<2x32x512xf32, #tpu.memory_space<vmem>> -> memref<1x32x512xf32, #tpu.memory_space<vmem>>
    %dma_start3A_32 = tpu.memref_squeeze %dma_start3A_31 : memref<1x32x512xf32, #tpu.memory_space<vmem>> -> memref<32x512xf32, #tpu.memory_space<vmem>>
    tpu.enqueue_dma source(%dma_start3A_32 : memref<32x512xf32, #tpu.memory_space<vmem>>) target(%dma_start3A_28 : memref<32x512xf32, #tpu.memory_space<hbm>>) target_semaphore(%arg11 : memref<!tpu.dma_semaphore, #tpu.memory_space<semaphore_mem>>)
    %scan3A_33 = arith.constant 0 : i32
    %scan3A_34 = arith.constant 32 : i32
    %scan3A_35 = arith.addi %scan3A_33, %scan3A_34 : i32
    %scan3A_36 = arith.constant 1 : i32
    scf.for %scan3A_184 = %scan3A_33 to %scan3A_35 step %scan3A_36  : i32 {
      %mul3A_185 = arith.constant 1 : i32
      %mul3A_186 = arith.muli %scan3A_184, %mul3A_185 : i32
      %add3A_187 = arith.constant 0 : i32
      %add3A_188 = arith.addi %add3A_187, %mul3A_186 : i32
      %dma_start3A_189 = arith.constant 1 : i32
      %dma_start3A_190 = arith.constant 1 : i32
      %dma_start3A_191 = arith.constant 0 : i32
      %dma_start3A_192 = tpu.memref_slice %arg9[%dma_start3A_190, %add3A_188, %dma_start3A_191] : memref<2x32x512xf32, #tpu.memory_space<vmem>> -> memref<1x1x512xf32, #tpu.memory_space<vmem>>
      %dma_start3A_193 = tpu.memref_squeeze %dma_start3A_192 : memref<1x1x512xf32, #tpu.memory_space<vmem>> -> memref<512xf32, #tpu.memory_space<vmem>>
      %dma_start3A_194 = arith.constant 0 : i32
      %dma_start3A_195 = tpu.memref_slice %arg8[%dma_start3A_189, %dma_start3A_194] : memref<4x512xi32, #tpu.memory_space<vmem>> -> memref<1x512xi32, #tpu.memory_space<vmem>>
      %dma_start3A_196 = tpu.memref_squeeze %dma_start3A_195 : memref<1x512xi32, #tpu.memory_space<vmem>> -> memref<512xi32, #tpu.memory_space<vmem>>
      %dma_start3A_197 = arith.constant 0 : i32
      %dma_start3A_198 = tpu.memref_slice %arg4[%add3A_188, %dma_start3A_197] : memref<32x100000xf32, #tpu.memory_space<hbm>> -> memref<1x100000xf32, #tpu.memory_space<hbm>>
      %dma_start3A_199 = tpu.memref_squeeze %dma_start3A_198 : memref<1x100000xf32, #tpu.memory_space<hbm>> -> memref<100000xf32, #tpu.memory_space<hbm>>
      %dma_start3A_200 = arith.constant 0 : i32
      %dma_start3A_201 = tpu.memref_slice %dma_start3A_199[%dma_start3A_200] : memref<100000xf32, #tpu.memory_space<hbm>> -> memref<100000xf32, #tpu.memory_space<hbm>>
      tpu.enqueue_indirect_dma source(%dma_start3A_201 : memref<100000xf32, #tpu.memory_space<hbm>>) target(%dma_start3A_193 : memref<512xf32, #tpu.memory_space<vmem>>) offsets(%dma_start3A_196 : memref<512xi32, #tpu.memory_space<vmem>>) semaphore(%arg10 : memref<!tpu.dma_semaphore, #tpu.memory_space<semaphore_mem>>)
    }
    %scan3A_37 = arith.constant 32 : i32
    %dma_wait3A_38 = arith.constant 1 : i32
    %dma_wait3A_39 = arith.constant 0 : i32
    %dma_wait3A_40 = arith.constant 0 : i32
    %dma_wait3A_41 = tpu.memref_slice %arg9[%dma_wait3A_38, %dma_wait3A_39, %dma_wait3A_40] : memref<2x32x512xf32, #tpu.memory_space<vmem>> -> memref<1x32x512xf32, #tpu.memory_space<vmem>>
    %dma_wait3A_42 = tpu.memref_squeeze %dma_wait3A_41 : memref<1x32x512xf32, #tpu.memory_space<vmem>> -> memref<32x512xf32, #tpu.memory_space<vmem>>
    %dma_wait3A_43 = arith.constant 0 : i32
    %dma_wait3A_44 = arith.constant 0 : i32
    %dma_wait3A_45 = tpu.memref_slice %arg7[%dma_wait3A_43, %dma_wait3A_44] : memref<128x16384xf32, #tpu.memory_space<hbm>> -> memref<32x512xf32, #tpu.memory_space<hbm>>
    %dma_wait3A_46 = arith.constant 0 : i32
    %dma_wait3A_47 = arith.constant 0 : i32
    %dma_wait3A_48 = tpu.memref_slice %arg9[%dma_wait3A_38, %dma_wait3A_46, %dma_wait3A_47] : memref<2x32x512xf32, #tpu.memory_space<vmem>> -> memref<1x32x512xf32, #tpu.memory_space<vmem>>
    %dma_wait3A_49 = tpu.memref_squeeze %dma_wait3A_48 : memref<1x32x512xf32, #tpu.memory_space<vmem>> -> memref<32x512xf32, #tpu.memory_space<vmem>>
    %dma_wait3A_50 = arith.constant 0 : i32
    %dma_wait3A_51 = arith.constant 0 : i32
    %dma_wait3A_52 = tpu.memref_slice %arg7[%dma_wait3A_50, %dma_wait3A_51] : memref<128x16384xf32, #tpu.memory_space<hbm>> -> memref<32x512xf32, #tpu.memory_space<hbm>>
    tpu.wait_dma2 semaphore(%arg10 : memref<!tpu.dma_semaphore, #tpu.memory_space<semaphore_mem>>) src(%dma_wait3A_52 : memref<32x512xf32, #tpu.memory_space<hbm>>) dst(%dma_wait3A_49 : memref<32x512xf32, #tpu.memory_space<vmem>>)
    %dma_start3A_53 = arith.constant 1 : i32
    %dma_start3A_54 = arith.constant 0 : i32
    %dma_start3A_55 = arith.constant 0 : i32
    %dma_start3A_56 = tpu.memref_slice %arg9[%dma_start3A_53, %dma_start3A_54, %dma_start3A_55] : memref<2x32x512xf32, #tpu.memory_space<vmem>> -> memref<1x32x512xf32, #tpu.memory_space<vmem>>
    %dma_start3A_57 = tpu.memref_squeeze %dma_start3A_56 : memref<1x32x512xf32, #tpu.memory_space<vmem>> -> memref<32x512xf32, #tpu.memory_space<vmem>>
    %dma_start3A_58 = arith.constant 32 : i32
    %dma_start3A_59 = tpu.memref_slice %arg7[%dma_start3A_58, %mul3A_2] : memref<128x16384xf32, #tpu.memory_space<hbm>> -> memref<32x512xf32, #tpu.memory_space<hbm>>
    %dma_start3A_60 = arith.constant 32 : i32
    %dma_start3A_61 = tpu.memref_slice %arg7[%dma_start3A_60, %mul3A_2] : memref<128x16384xf32, #tpu.memory_space<hbm>> -> memref<32x512xf32, #tpu.memory_space<hbm>>
    %dma_start3A_62 = arith.constant 0 : i32
    %dma_start3A_63 = arith.constant 0 : i32
    %dma_start3A_64 = tpu.memref_slice %arg9[%dma_start3A_53, %dma_start3A_62, %dma_start3A_63] : memref<2x32x512xf32, #tpu.memory_space<vmem>> -> memref<1x32x512xf32, #tpu.memory_space<vmem>>
    %dma_start3A_65 = tpu.memref_squeeze %dma_start3A_64 : memref<1x32x512xf32, #tpu.memory_space<vmem>> -> memref<32x512xf32, #tpu.memory_space<vmem>>
    tpu.enqueue_dma source(%dma_start3A_65 : memref<32x512xf32, #tpu.memory_space<vmem>>) target(%dma_start3A_61 : memref<32x512xf32, #tpu.memory_space<hbm>>) target_semaphore(%arg11 : memref<!tpu.dma_semaphore, #tpu.memory_space<semaphore_mem>>)
    %dma_wait3A_66 = arith.constant 0 : i32
    %dma_wait3A_67 = arith.constant 0 : i32
    %dma_wait3A_68 = arith.constant 0 : i32
    %dma_wait3A_69 = tpu.memref_slice %arg9[%dma_wait3A_66, %dma_wait3A_67, %dma_wait3A_68] : memref<2x32x512xf32, #tpu.memory_space<vmem>> -> memref<1x32x512xf32, #tpu.memory_space<vmem>>
    %dma_wait3A_70 = tpu.memref_squeeze %dma_wait3A_69 : memref<1x32x512xf32, #tpu.memory_space<vmem>> -> memref<32x512xf32, #tpu.memory_space<vmem>>
    %dma_wait3A_71 = arith.constant 0 : i32
    %dma_wait3A_72 = tpu.memref_slice %arg7[%dma_wait3A_71, %mul3A_2] : memref<128x16384xf32, #tpu.memory_space<hbm>> -> memref<32x512xf32, #tpu.memory_space<hbm>>
    %dma_wait3A_73 = arith.constant 0 : i32
    %dma_wait3A_74 = tpu.memref_slice %arg7[%dma_wait3A_73, %mul3A_2] : memref<128x16384xf32, #tpu.memory_space<hbm>> -> memref<32x512xf32, #tpu.memory_space<hbm>>
    %dma_wait3A_75 = arith.constant 0 : i32
    %dma_wait3A_76 = arith.constant 0 : i32
    %dma_wait3A_77 = tpu.memref_slice %arg9[%dma_wait3A_66, %dma_wait3A_75, %dma_wait3A_76] : memref<2x32x512xf32, #tpu.memory_space<vmem>> -> memref<1x32x512xf32, #tpu.memory_space<vmem>>
    %dma_wait3A_78 = tpu.memref_squeeze %dma_wait3A_77 : memref<1x32x512xf32, #tpu.memory_space<vmem>> -> memref<32x512xf32, #tpu.memory_space<vmem>>
    tpu.wait_dma2 semaphore(%arg11 : memref<!tpu.dma_semaphore, #tpu.memory_space<semaphore_mem>>) src(%dma_wait3A_78 : memref<32x512xf32, #tpu.memory_space<vmem>>) dst(%dma_wait3A_74 : memref<32x512xf32, #tpu.memory_space<hbm>>)
    %scan3A_79 = arith.constant 0 : i32
    %scan3A_80 = arith.constant 32 : i32
    %scan3A_81 = arith.addi %scan3A_79, %scan3A_80 : i32
    %scan3A_82 = arith.constant 1 : i32
    scf.for %scan3A_184 = %scan3A_79 to %scan3A_81 step %scan3A_82  : i32 {
      %mul3A_185 = arith.constant 1 : i32
      %mul3A_186 = arith.muli %scan3A_184, %mul3A_185 : i32
      %add3A_187 = arith.constant 0 : i32
      %add3A_188 = arith.addi %add3A_187, %mul3A_186 : i32
      %dma_start3A_189 = arith.constant 2 : i32
      %dma_start3A_190 = arith.constant 0 : i32
      %dma_start3A_191 = arith.constant 0 : i32
      %dma_start3A_192 = tpu.memref_slice %arg9[%dma_start3A_190, %add3A_188, %dma_start3A_191] : memref<2x32x512xf32, #tpu.memory_space<vmem>> -> memref<1x1x512xf32, #tpu.memory_space<vmem>>
      %dma_start3A_193 = tpu.memref_squeeze %dma_start3A_192 : memref<1x1x512xf32, #tpu.memory_space<vmem>> -> memref<512xf32, #tpu.memory_space<vmem>>
      %dma_start3A_194 = arith.constant 0 : i32
      %dma_start3A_195 = tpu.memref_slice %arg8[%dma_start3A_189, %dma_start3A_194] : memref<4x512xi32, #tpu.memory_space<vmem>> -> memref<1x512xi32, #tpu.memory_space<vmem>>
      %dma_start3A_196 = tpu.memref_squeeze %dma_start3A_195 : memref<1x512xi32, #tpu.memory_space<vmem>> -> memref<512xi32, #tpu.memory_space<vmem>>
      %dma_start3A_197 = arith.constant 0 : i32
      %dma_start3A_198 = tpu.memref_slice %arg5[%add3A_188, %dma_start3A_197] : memref<32x100000xf32, #tpu.memory_space<hbm>> -> memref<1x100000xf32, #tpu.memory_space<hbm>>
      %dma_start3A_199 = tpu.memref_squeeze %dma_start3A_198 : memref<1x100000xf32, #tpu.memory_space<hbm>> -> memref<100000xf32, #tpu.memory_space<hbm>>
      %dma_start3A_200 = arith.constant 0 : i32
      %dma_start3A_201 = tpu.memref_slice %dma_start3A_199[%dma_start3A_200] : memref<100000xf32, #tpu.memory_space<hbm>> -> memref<100000xf32, #tpu.memory_space<hbm>>
      tpu.enqueue_indirect_dma source(%dma_start3A_201 : memref<100000xf32, #tpu.memory_space<hbm>>) target(%dma_start3A_193 : memref<512xf32, #tpu.memory_space<vmem>>) offsets(%dma_start3A_196 : memref<512xi32, #tpu.memory_space<vmem>>) semaphore(%arg10 : memref<!tpu.dma_semaphore, #tpu.memory_space<semaphore_mem>>)
    }
    %scan3A_83 = arith.constant 32 : i32
    %dma_wait3A_84 = arith.constant 0 : i32
    %dma_wait3A_85 = arith.constant 0 : i32
    %dma_wait3A_86 = arith.constant 0 : i32
    %dma_wait3A_87 = tpu.memref_slice %arg9[%dma_wait3A_84, %dma_wait3A_85, %dma_wait3A_86] : memref<2x32x512xf32, #tpu.memory_space<vmem>> -> memref<1x32x512xf32, #tpu.memory_space<vmem>>
    %dma_wait3A_88 = tpu.memref_squeeze %dma_wait3A_87 : memref<1x32x512xf32, #tpu.memory_space<vmem>> -> memref<32x512xf32, #tpu.memory_space<vmem>>
    %dma_wait3A_89 = arith.constant 0 : i32
    %dma_wait3A_90 = arith.constant 0 : i32
    %dma_wait3A_91 = tpu.memref_slice %arg7[%dma_wait3A_89, %dma_wait3A_90] : memref<128x16384xf32, #tpu.memory_space<hbm>> -> memref<32x512xf32, #tpu.memory_space<hbm>>
    %dma_wait3A_92 = arith.constant 0 : i32
    %dma_wait3A_93 = arith.constant 0 : i32
    %dma_wait3A_94 = tpu.memref_slice %arg9[%dma_wait3A_84, %dma_wait3A_92, %dma_wait3A_93] : memref<2x32x512xf32, #tpu.memory_space<vmem>> -> memref<1x32x512xf32, #tpu.memory_space<vmem>>
    %dma_wait3A_95 = tpu.memref_squeeze %dma_wait3A_94 : memref<1x32x512xf32, #tpu.memory_space<vmem>> -> memref<32x512xf32, #tpu.memory_space<vmem>>
    %dma_wait3A_96 = arith.constant 0 : i32
    %dma_wait3A_97 = arith.constant 0 : i32
    %dma_wait3A_98 = tpu.memref_slice %arg7[%dma_wait3A_96, %dma_wait3A_97] : memref<128x16384xf32, #tpu.memory_space<hbm>> -> memref<32x512xf32, #tpu.memory_space<hbm>>
    tpu.wait_dma2 semaphore(%arg10 : memref<!tpu.dma_semaphore, #tpu.memory_space<semaphore_mem>>) src(%dma_wait3A_98 : memref<32x512xf32, #tpu.memory_space<hbm>>) dst(%dma_wait3A_95 : memref<32x512xf32, #tpu.memory_space<vmem>>)
    %dma_start3A_99 = arith.constant 0 : i32
    %dma_start3A_100 = arith.constant 0 : i32
    %dma_start3A_101 = arith.constant 0 : i32
    %dma_start3A_102 = tpu.memref_slice %arg9[%dma_start3A_99, %dma_start3A_100, %dma_start3A_101] : memref<2x32x512xf32, #tpu.memory_space<vmem>> -> memref<1x32x512xf32, #tpu.memory_space<vmem>>
    %dma_start3A_103 = tpu.memref_squeeze %dma_start3A_102 : memref<1x32x512xf32, #tpu.memory_space<vmem>> -> memref<32x512xf32, #tpu.memory_space<vmem>>
    %dma_start3A_104 = arith.constant 64 : i32
    %dma_start3A_105 = tpu.memref_slice %arg7[%dma_start3A_104, %mul3A_2] : memref<128x16384xf32, #tpu.memory_space<hbm>> -> memref<32x512xf32, #tpu.memory_space<hbm>>
    %dma_start3A_106 = arith.constant 64 : i32
    %dma_start3A_107 = tpu.memref_slice %arg7[%dma_start3A_106, %mul3A_2] : memref<128x16384xf32, #tpu.memory_space<hbm>> -> memref<32x512xf32, #tpu.memory_space<hbm>>
    %dma_start3A_108 = arith.constant 0 : i32
    %dma_start3A_109 = arith.constant 0 : i32
    %dma_start3A_110 = tpu.memref_slice %arg9[%dma_start3A_99, %dma_start3A_108, %dma_start3A_109] : memref<2x32x512xf32, #tpu.memory_space<vmem>> -> memref<1x32x512xf32, #tpu.memory_space<vmem>>
    %dma_start3A_111 = tpu.memref_squeeze %dma_start3A_110 : memref<1x32x512xf32, #tpu.memory_space<vmem>> -> memref<32x512xf32, #tpu.memory_space<vmem>>
    tpu.enqueue_dma source(%dma_start3A_111 : memref<32x512xf32, #tpu.memory_space<vmem>>) target(%dma_start3A_107 : memref<32x512xf32, #tpu.memory_space<hbm>>) target_semaphore(%arg11 : memref<!tpu.dma_semaphore, #tpu.memory_space<semaphore_mem>>)
    %dma_wait3A_112 = arith.constant 1 : i32
    %dma_wait3A_113 = arith.constant 0 : i32
    %dma_wait3A_114 = arith.constant 0 : i32
    %dma_wait3A_115 = tpu.memref_slice %arg9[%dma_wait3A_112, %dma_wait3A_113, %dma_wait3A_114] : memref<2x32x512xf32, #tpu.memory_space<vmem>> -> memref<1x32x512xf32, #tpu.memory_space<vmem>>
    %dma_wait3A_116 = tpu.memref_squeeze %dma_wait3A_115 : memref<1x32x512xf32, #tpu.memory_space<vmem>> -> memref<32x512xf32, #tpu.memory_space<vmem>>
    %dma_wait3A_117 = arith.constant 32 : i32
    %dma_wait3A_118 = tpu.memref_slice %arg7[%dma_wait3A_117, %mul3A_2] : memref<128x16384xf32, #tpu.memory_space<hbm>> -> memref<32x512xf32, #tpu.memory_space<hbm>>
    %dma_wait3A_119 = arith.constant 32 : i32
    %dma_wait3A_120 = tpu.memref_slice %arg7[%dma_wait3A_119, %mul3A_2] : memref<128x16384xf32, #tpu.memory_space<hbm>> -> memref<32x512xf32, #tpu.memory_space<hbm>>
    %dma_wait3A_121 = arith.constant 0 : i32
    %dma_wait3A_122 = arith.constant 0 : i32
    %dma_wait3A_123 = tpu.memref_slice %arg9[%dma_wait3A_112, %dma_wait3A_121, %dma_wait3A_122] : memref<2x32x512xf32, #tpu.memory_space<vmem>> -> memref<1x32x512xf32, #tpu.memory_space<vmem>>
    %dma_wait3A_124 = tpu.memref_squeeze %dma_wait3A_123 : memref<1x32x512xf32, #tpu.memory_space<vmem>> -> memref<32x512xf32, #tpu.memory_space<vmem>>
    tpu.wait_dma2 semaphore(%arg11 : memref<!tpu.dma_semaphore, #tpu.memory_space<semaphore_mem>>) src(%dma_wait3A_124 : memref<32x512xf32, #tpu.memory_space<vmem>>) dst(%dma_wait3A_120 : memref<32x512xf32, #tpu.memory_space<hbm>>)
    %scan3A_125 = arith.constant 0 : i32
    %scan3A_126 = arith.constant 32 : i32
    %scan3A_127 = arith.addi %scan3A_125, %scan3A_126 : i32
    %scan3A_128 = arith.constant 1 : i32
    scf.for %scan3A_184 = %scan3A_125 to %scan3A_127 step %scan3A_128  : i32 {
      %mul3A_185 = arith.constant 1 : i32
      %mul3A_186 = arith.muli %scan3A_184, %mul3A_185 : i32
      %add3A_187 = arith.constant 0 : i32
      %add3A_188 = arith.addi %add3A_187, %mul3A_186 : i32
      %dma_start3A_189 = arith.constant 3 : i32
      %dma_start3A_190 = arith.constant 1 : i32
      %dma_start3A_191 = arith.constant 0 : i32
      %dma_start3A_192 = tpu.memref_slice %arg9[%dma_start3A_190, %add3A_188, %dma_start3A_191] : memref<2x32x512xf32, #tpu.memory_space<vmem>> -> memref<1x1x512xf32, #tpu.memory_space<vmem>>
      %dma_start3A_193 = tpu.memref_squeeze %dma_start3A_192 : memref<1x1x512xf32, #tpu.memory_space<vmem>> -> memref<512xf32, #tpu.memory_space<vmem>>
      %dma_start3A_194 = arith.constant 0 : i32
      %dma_start3A_195 = tpu.memref_slice %arg8[%dma_start3A_189, %dma_start3A_194] : memref<4x512xi32, #tpu.memory_space<vmem>> -> memref<1x512xi32, #tpu.memory_space<vmem>>
      %dma_start3A_196 = tpu.memref_squeeze %dma_start3A_195 : memref<1x512xi32, #tpu.memory_space<vmem>> -> memref<512xi32, #tpu.memory_space<vmem>>
      %dma_start3A_197 = arith.constant 0 : i32
      %dma_start3A_198 = tpu.memref_slice %arg6[%add3A_188, %dma_start3A_197] : memref<32x100000xf32, #tpu.memory_space<hbm>> -> memref<1x100000xf32, #tpu.memory_space<hbm>>
      %dma_start3A_199 = tpu.memref_squeeze %dma_start3A_198 : memref<1x100000xf32, #tpu.memory_space<hbm>> -> memref<100000xf32, #tpu.memory_space<hbm>>
      %dma_start3A_200 = arith.constant 0 : i32
      %dma_start3A_201 = tpu.memref_slice %dma_start3A_199[%dma_start3A_200] : memref<100000xf32, #tpu.memory_space<hbm>> -> memref<100000xf32, #tpu.memory_space<hbm>>
      tpu.enqueue_indirect_dma source(%dma_start3A_201 : memref<100000xf32, #tpu.memory_space<hbm>>) target(%dma_start3A_193 : memref<512xf32, #tpu.memory_space<vmem>>) offsets(%dma_start3A_196 : memref<512xi32, #tpu.memory_space<vmem>>) semaphore(%arg10 : memref<!tpu.dma_semaphore, #tpu.memory_space<semaphore_mem>>)
    }
    %scan3A_129 = arith.constant 32 : i32
    %dma_wait3A_130 = arith.constant 1 : i32
    %dma_wait3A_131 = arith.constant 0 : i32
    %dma_wait3A_132 = arith.constant 0 : i32
    %dma_wait3A_133 = tpu.memref_slice %arg9[%dma_wait3A_130, %dma_wait3A_131, %dma_wait3A_132] : memref<2x32x512xf32, #tpu.memory_space<vmem>> -> memref<1x32x512xf32, #tpu.memory_space<vmem>>
    %dma_wait3A_134 = tpu.memref_squeeze %dma_wait3A_133 : memref<1x32x512xf32, #tpu.memory_space<vmem>> -> memref<32x512xf32, #tpu.memory_space<vmem>>
    %dma_wait3A_135 = arith.constant 0 : i32
    %dma_wait3A_136 = arith.constant 0 : i32
    %dma_wait3A_137 = tpu.memref_slice %arg7[%dma_wait3A_135, %dma_wait3A_136] : memref<128x16384xf32, #tpu.memory_space<hbm>> -> memref<32x512xf32, #tpu.memory_space<hbm>>
    %dma_wait3A_138 = arith.constant 0 : i32
    %dma_wait3A_139 = arith.constant 0 : i32
    %dma_wait3A_140 = tpu.memref_slice %arg9[%dma_wait3A_130, %dma_wait3A_138, %dma_wait3A_139] : memref<2x32x512xf32, #tpu.memory_space<vmem>> -> memref<1x32x512xf32, #tpu.memory_space<vmem>>
    %dma_wait3A_141 = tpu.memref_squeeze %dma_wait3A_140 : memref<1x32x512xf32, #tpu.memory_space<vmem>> -> memref<32x512xf32, #tpu.memory_space<vmem>>
    %dma_wait3A_142 = arith.constant 0 : i32
    %dma_wait3A_143 = arith.constant 0 : i32
    %dma_wait3A_144 = tpu.memref_slice %arg7[%dma_wait3A_142, %dma_wait3A_143] : memref<128x16384xf32, #tpu.memory_space<hbm>> -> memref<32x512xf32, #tpu.memory_space<hbm>>
    tpu.wait_dma2 semaphore(%arg10 : memref<!tpu.dma_semaphore, #tpu.memory_space<semaphore_mem>>) src(%dma_wait3A_144 : memref<32x512xf32, #tpu.memory_space<hbm>>) dst(%dma_wait3A_141 : memref<32x512xf32, #tpu.memory_space<vmem>>)
    %dma_start3A_145 = arith.constant 1 : i32
    %dma_start3A_146 = arith.constant 0 : i32
    %dma_start3A_147 = arith.constant 0 : i32
    %dma_start3A_148 = tpu.memref_slice %arg9[%dma_start3A_145, %dma_start3A_146, %dma_start3A_147] : memref<2x32x512xf32, #tpu.memory_space<vmem>> -> memref<1x32x512xf32, #tpu.memory_space<vmem>>
    %dma_start3A_149 = tpu.memref_squeeze %dma_start3A_148 : memref<1x32x512xf32, #tpu.memory_space<vmem>> -> memref<32x512xf32, #tpu.memory_space<vmem>>
    %dma_start3A_150 = arith.constant 96 : i32
    %dma_start3A_151 = tpu.memref_slice %arg7[%dma_start3A_150, %mul3A_2] : memref<128x16384xf32, #tpu.memory_space<hbm>> -> memref<32x512xf32, #tpu.memory_space<hbm>>
    %dma_start3A_152 = arith.constant 96 : i32
    %dma_start3A_153 = tpu.memref_slice %arg7[%dma_start3A_152, %mul3A_2] : memref<128x16384xf32, #tpu.memory_space<hbm>> -> memref<32x512xf32, #tpu.memory_space<hbm>>
    %dma_start3A_154 = arith.constant 0 : i32
    %dma_start3A_155 = arith.constant 0 : i32
    %dma_start3A_156 = tpu.memref_slice %arg9[%dma_start3A_145, %dma_start3A_154, %dma_start3A_155] : memref<2x32x512xf32, #tpu.memory_space<vmem>> -> memref<1x32x512xf32, #tpu.memory_space<vmem>>
    %dma_start3A_157 = tpu.memref_squeeze %dma_start3A_156 : memref<1x32x512xf32, #tpu.memory_space<vmem>> -> memref<32x512xf32, #tpu.memory_space<vmem>>
    tpu.enqueue_dma source(%dma_start3A_157 : memref<32x512xf32, #tpu.memory_space<vmem>>) target(%dma_start3A_153 : memref<32x512xf32, #tpu.memory_space<hbm>>) target_semaphore(%arg11 : memref<!tpu.dma_semaphore, #tpu.memory_space<semaphore_mem>>)
    %dma_wait3A_158 = arith.constant 0 : i32
    %dma_wait3A_159 = arith.constant 0 : i32
    %dma_wait3A_160 = arith.constant 0 : i32
    %dma_wait3A_161 = tpu.memref_slice %arg9[%dma_wait3A_158, %dma_wait3A_159, %dma_wait3A_160] : memref<2x32x512xf32, #tpu.memory_space<vmem>> -> memref<1x32x512xf32, #tpu.memory_space<vmem>>
    %dma_wait3A_162 = tpu.memref_squeeze %dma_wait3A_161 : memref<1x32x512xf32, #tpu.memory_space<vmem>> -> memref<32x512xf32, #tpu.memory_space<vmem>>
    %dma_wait3A_163 = arith.constant 64 : i32
    %dma_wait3A_164 = tpu.memref_slice %arg7[%dma_wait3A_163, %mul3A_2] : memref<128x16384xf32, #tpu.memory_space<hbm>> -> memref<32x512xf32, #tpu.memory_space<hbm>>
    %dma_wait3A_165 = arith.constant 64 : i32
    %dma_wait3A_166 = tpu.memref_slice %arg7[%dma_wait3A_165, %mul3A_2] : memref<128x16384xf32, #tpu.memory_space<hbm>> -> memref<32x512xf32, #tpu.memory_space<hbm>>
    %dma_wait3A_167 = arith.constant 0 : i32
    %dma_wait3A_168 = arith.constant 0 : i32
    %dma_wait3A_169 = tpu.memref_slice %arg9[%dma_wait3A_158, %dma_wait3A_167, %dma_wait3A_168] : memref<2x32x512xf32, #tpu.memory_space<vmem>> -> memref<1x32x512xf32, #tpu.memory_space<vmem>>
    %dma_wait3A_170 = tpu.memref_squeeze %dma_wait3A_169 : memref<1x32x512xf32, #tpu.memory_space<vmem>> -> memref<32x512xf32, #tpu.memory_space<vmem>>
    tpu.wait_dma2 semaphore(%arg11 : memref<!tpu.dma_semaphore, #tpu.memory_space<semaphore_mem>>) src(%dma_wait3A_170 : memref<32x512xf32, #tpu.memory_space<vmem>>) dst(%dma_wait3A_166 : memref<32x512xf32, #tpu.memory_space<hbm>>)
    %dma_wait3A_171 = arith.constant 1 : i32
    %dma_wait3A_172 = arith.constant 0 : i32
    %dma_wait3A_173 = arith.constant 0 : i32
    %dma_wait3A_174 = tpu.memref_slice %arg9[%dma_wait3A_171, %dma_wait3A_172, %dma_wait3A_173] : memref<2x32x512xf32, #tpu.memory_space<vmem>> -> memref<1x32x512xf32, #tpu.memory_space<vmem>>
    %dma_wait3A_175 = tpu.memref_squeeze %dma_wait3A_174 : memref<1x32x512xf32, #tpu.memory_space<vmem>> -> memref<32x512xf32, #tpu.memory_space<vmem>>
    %dma_wait3A_176 = arith.constant 96 : i32
    %dma_wait3A_177 = tpu.memref_slice %arg7[%dma_wait3A_176, %mul3A_2] : memref<128x16384xf32, #tpu.memory_space<hbm>> -> memref<32x512xf32, #tpu.memory_space<hbm>>
    %dma_wait3A_178 = arith.constant 96 : i32
    %dma_wait3A_179 = tpu.memref_slice %arg7[%dma_wait3A_178, %mul3A_2] : memref<128x16384xf32, #tpu.memory_space<hbm>> -> memref<32x512xf32, #tpu.memory_space<hbm>>
    %dma_wait3A_180 = arith.constant 0 : i32
    %dma_wait3A_181 = arith.constant 0 : i32
    %dma_wait3A_182 = tpu.memref_slice %arg9[%dma_wait3A_171, %dma_wait3A_180, %dma_wait3A_181] : memref<2x32x512xf32, #tpu.memory_space<vmem>> -> memref<1x32x512xf32, #tpu.memory_space<vmem>>
    %dma_wait3A_183 = tpu.memref_squeeze %dma_wait3A_182 : memref<1x32x512xf32, #tpu.memory_space<vmem>> -> memref<32x512xf32, #tpu.memory_space<vmem>>
    tpu.wait_dma2 semaphore(%arg11 : memref<!tpu.dma_semaphore, #tpu.memory_space<semaphore_mem>>) src(%dma_wait3A_183 : memref<32x512xf32, #tpu.memory_space<vmem>>) dst(%dma_wait3A_179 : memref<32x512xf32, #tpu.memory_space<hbm>>)
    return
  }
}

#map = affine_map<(d0, d1) -> (0, 0, 0)>
#map1 = affine_map<(d0, d1) -> (0, 0)>
module attributes {stable_mosaic.version = 14 : i64} {
  func.func @_lookup_t(%arg0: i32, %arg1: i32, %arg2: memref<32x4x512xi32, #tpu.memory_space<hbm>>, %arg3: memref<32x100000xf32, #tpu.memory_space<hbm>>, %arg4: memref<32x100000xf32, #tpu.memory_space<hbm>>, %arg5: memref<32x100000xf32, #tpu.memory_space<hbm>>, %arg6: memref<32x100000xf32, #tpu.memory_space<hbm>>, %arg7: memref<128x16384xf32, #tpu.memory_space<hbm>>, %arg8: memref<4x512xi32, #tpu.memory_space<vmem>>, %arg9: memref<2x32x512xf32, #tpu.memory_space<vmem>>, %arg10: memref<!tpu.dma_semaphore, #tpu.memory_space<semaphore_mem>>, %arg11: memref<!tpu.dma_semaphore, #tpu.memory_space<semaphore_mem>>) attributes {dimension_semantics = [#tpu.dimension_semantics<core_parallel>, #tpu.dimension_semantics<subcore_parallel>], iteration_bounds = array<i64: 2, 16>, scalar_prefetch = 0 : i64, scratch_operands = 4 : i64, tpu.core_type = #tpu.core_type<sc_vector_subcore>, window_params = [{transform_indices = #map}, {transform_indices = #map1}, {transform_indices = #map1}, {transform_indices = #map1}, {transform_indices = #map1}, {transform_indices = #map1}]} {
    %mul3A = arith.constant 2 : i32
    %mul3A_0 = arith.muli %arg1, %mul3A : i32
    %add3A = arith.addi %mul3A_0, %arg0 : i32
    %mul3A_1 = arith.constant 512 : i32
    %mul3A_2 = arith.muli %add3A, %mul3A_1 : i32
    "tpu.region"() ({
      %run_scoped3A = tpu.sem_alloc : memref<!tpu.dma_semaphore, #tpu.memory_space<semaphore_mem>>
      %dma_start3A_184 = arith.constant 0 : i32
      %dma_start3A_185 = arith.constant 0 : i32
      %dma_start3A_186 = tpu.memref_slice %arg2[%add3A, %dma_start3A_184, %dma_start3A_185] : memref<32x4x512xi32, #tpu.memory_space<hbm>> -> memref<1x4x512xi32, #tpu.memory_space<hbm>>
      %dma_start3A_187 = tpu.memref_squeeze %dma_start3A_186 : memref<1x4x512xi32, #tpu.memory_space<hbm>> -> memref<4x512xi32, #tpu.memory_space<hbm>>
      %dma_start3A_188 = arith.constant 0 : i32
      %dma_start3A_189 = arith.constant 0 : i32
      %dma_start3A_190 = tpu.memref_slice %arg2[%add3A, %dma_start3A_188, %dma_start3A_189] : memref<32x4x512xi32, #tpu.memory_space<hbm>> -> memref<1x4x512xi32, #tpu.memory_space<hbm>>
      %dma_start3A_191 = tpu.memref_squeeze %dma_start3A_190 : memref<1x4x512xi32, #tpu.memory_space<hbm>> -> memref<4x512xi32, #tpu.memory_space<hbm>>
      tpu.enqueue_dma source(%dma_start3A_191 : memref<4x512xi32, #tpu.memory_space<hbm>>) target(%arg8 : memref<4x512xi32, #tpu.memory_space<vmem>>) target_semaphore(%run_scoped3A : memref<!tpu.dma_semaphore, #tpu.memory_space<semaphore_mem>>)
      %dma_wait3A_192 = arith.constant 0 : i32
      %dma_wait3A_193 = arith.constant 0 : i32
      %dma_wait3A_194 = tpu.memref_slice %arg2[%add3A, %dma_wait3A_192, %dma_wait3A_193] : memref<32x4x512xi32, #tpu.memory_space<hbm>> -> memref<1x4x512xi32, #tpu.memory_space<hbm>>
      %dma_wait3A_195 = tpu.memref_squeeze %dma_wait3A_194 : memref<1x4x512xi32, #tpu.memory_space<hbm>> -> memref<4x512xi32, #tpu.memory_space<hbm>>
      %dma_wait3A_196 = arith.constant 0 : i32
      %dma_wait3A_197 = arith.constant 0 : i32
      %dma_wait3A_198 = tpu.memref_slice %arg2[%add3A, %dma_wait3A_196, %dma_wait3A_197] : memref<32x4x512xi32, #tpu.memory_space<hbm>> -> memref<1x4x512xi32, #tpu.memory_space<hbm>>
      %dma_wait3A_199 = tpu.memref_squeeze %dma_wait3A_198 : memref<1x4x512xi32, #tpu.memory_space<hbm>> -> memref<4x512xi32, #tpu.memory_space<hbm>>
      tpu.wait_dma2 semaphore(%run_scoped3A : memref<!tpu.dma_semaphore, #tpu.memory_space<semaphore_mem>>) src(%dma_wait3A_199 : memref<4x512xi32, #tpu.memory_space<hbm>>) dst(%arg8 : memref<4x512xi32, #tpu.memory_space<vmem>>)
      tpu.yield
    }) : () -> ()
    %scan3A = arith.constant 0 : i32
    %scan3A_3 = arith.constant 32 : i32
    %scan3A_4 = arith.addi %scan3A, %scan3A_3 : i32
    %scan3A_5 = arith.constant 1 : i32
    scf.for %scan3A_184 = %scan3A to %scan3A_4 step %scan3A_5  : i32 {
      %mul3A_185 = arith.constant 1 : i32
      %mul3A_186 = arith.muli %scan3A_184, %mul3A_185 : i32
      %add3A_187 = arith.constant 0 : i32
      %add3A_188 = arith.addi %add3A_187, %mul3A_186 : i32
      %dma_start3A_189 = arith.constant 0 : i32
      %dma_start3A_190 = arith.constant 0 : i32
      %dma_start3A_191 = arith.constant 0 : i32
      %dma_start3A_192 = tpu.memref_slice %arg9[%dma_start3A_190, %add3A_188, %dma_start3A_191] : memref<2x32x512xf32, #tpu.memory_space<vmem>> -> memref<1x1x512xf32, #tpu.memory_space<vmem>>
      %dma_start3A_193 = tpu.memref_squeeze %dma_start3A_192 : memref<1x1x512xf32, #tpu.memory_space<vmem>> -> memref<512xf32, #tpu.memory_space<vmem>>
      %dma_start3A_194 = arith.constant 0 : i32
      %dma_start3A_195 = tpu.memref_slice %arg8[%dma_start3A_189, %dma_start3A_194] : memref<4x512xi32, #tpu.memory_space<vmem>> -> memref<1x512xi32, #tpu.memory_space<vmem>>
      %dma_start3A_196 = tpu.memref_squeeze %dma_start3A_195 : memref<1x512xi32, #tpu.memory_space<vmem>> -> memref<512xi32, #tpu.memory_space<vmem>>
      %dma_start3A_197 = arith.constant 0 : i32
      %dma_start3A_198 = tpu.memref_slice %arg3[%add3A_188, %dma_start3A_197] : memref<32x100000xf32, #tpu.memory_space<hbm>> -> memref<1x100000xf32, #tpu.memory_space<hbm>>
      %dma_start3A_199 = tpu.memref_squeeze %dma_start3A_198 : memref<1x100000xf32, #tpu.memory_space<hbm>> -> memref<100000xf32, #tpu.memory_space<hbm>>
      %dma_start3A_200 = arith.constant 0 : i32
      %dma_start3A_201 = tpu.memref_slice %dma_start3A_199[%dma_start3A_200] : memref<100000xf32, #tpu.memory_space<hbm>> -> memref<100000xf32, #tpu.memory_space<hbm>>
      tpu.enqueue_indirect_dma source(%dma_start3A_201 : memref<100000xf32, #tpu.memory_space<hbm>>) target(%dma_start3A_193 : memref<512xf32, #tpu.memory_space<vmem>>) offsets(%dma_start3A_196 : memref<512xi32, #tpu.memory_space<vmem>>) semaphore(%arg10 : memref<!tpu.dma_semaphore, #tpu.memory_space<semaphore_mem>>)
    }
    %scan3A_6 = arith.constant 32 : i32
    %dma_wait3A = arith.constant 0 : i32
    %dma_wait3A_7 = arith.constant 0 : i32
    %dma_wait3A_8 = arith.constant 0 : i32
    %dma_wait3A_9 = tpu.memref_slice %arg9[%dma_wait3A, %dma_wait3A_7, %dma_wait3A_8] : memref<2x32x512xf32, #tpu.memory_space<vmem>> -> memref<1x32x512xf32, #tpu.memory_space<vmem>>
    %dma_wait3A_10 = tpu.memref_squeeze %dma_wait3A_9 : memref<1x32x512xf32, #tpu.memory_space<vmem>> -> memref<32x512xf32, #tpu.memory_space<vmem>>
    %dma_wait3A_11 = arith.constant 0 : i32
    %dma_wait3A_12 = arith.constant 0 : i32
    %dma_wait3A_13 = tpu.memref_slice %arg7[%dma_wait3A_11, %dma_wait3A_12] : memref<128x16384xf32, #tpu.memory_space<hbm>> -> memref<32x512xf32, #tpu.memory_space<hbm>>
    %dma_wait3A_14 = arith.constant 0 : i32
    %dma_wait3A_15 = arith.constant 0 : i32
    %dma_wait3A_16 = tpu.memref_slice %arg9[%dma_wait3A, %dma_wait3A_14, %dma_wait3A_15] : memref<2x32x512xf32, #tpu.memory_space<vmem>> -> memref<1x32x512xf32, #tpu.memory_space<vmem>>
    %dma_wait3A_17 = tpu.memref_squeeze %dma_wait3A_16 : memref<1x32x512xf32, #tpu.memory_space<vmem>> -> memref<32x512xf32, #tpu.memory_space<vmem>>
    %dma_wait3A_18 = arith.constant 0 : i32
    %dma_wait3A_19 = arith.constant 0 : i32
    %dma_wait3A_20 = tpu.memref_slice %arg7[%dma_wait3A_18, %dma_wait3A_19] : memref<128x16384xf32, #tpu.memory_space<hbm>> -> memref<32x512xf32, #tpu.memory_space<hbm>>
    tpu.wait_dma2 semaphore(%arg10 : memref<!tpu.dma_semaphore, #tpu.memory_space<semaphore_mem>>) src(%dma_wait3A_20 : memref<32x512xf32, #tpu.memory_space<hbm>>) dst(%dma_wait3A_17 : memref<32x512xf32, #tpu.memory_space<vmem>>)
    %dma_start3A = arith.constant 0 : i32
    %dma_start3A_21 = arith.constant 0 : i32
    %dma_start3A_22 = arith.constant 0 : i32
    %dma_start3A_23 = tpu.memref_slice %arg9[%dma_start3A, %dma_start3A_21, %dma_start3A_22] : memref<2x32x512xf32, #tpu.memory_space<vmem>> -> memref<1x32x512xf32, #tpu.memory_space<vmem>>
    %dma_start3A_24 = tpu.memref_squeeze %dma_start3A_23 : memref<1x32x512xf32, #tpu.memory_space<vmem>> -> memref<32x512xf32, #tpu.memory_space<vmem>>
    %dma_start3A_25 = arith.constant 0 : i32
    %dma_start3A_26 = tpu.memref_slice %arg7[%dma_start3A_25, %mul3A_2] : memref<128x16384xf32, #tpu.memory_space<hbm>> -> memref<32x512xf32, #tpu.memory_space<hbm>>
    %dma_start3A_27 = arith.constant 0 : i32
    %dma_start3A_28 = tpu.memref_slice %arg7[%dma_start3A_27, %mul3A_2] : memref<128x16384xf32, #tpu.memory_space<hbm>> -> memref<32x512xf32, #tpu.memory_space<hbm>>
    %dma_start3A_29 = arith.constant 0 : i32
    %dma_start3A_30 = arith.constant 0 : i32
    %dma_start3A_31 = tpu.memref_slice %arg9[%dma_start3A, %dma_start3A_29, %dma_start3A_30] : memref<2x32x512xf32, #tpu.memory_space<vmem>> -> memref<1x32x512xf32, #tpu.memory_space<vmem>>
    %dma_start3A_32 = tpu.memref_squeeze %dma_start3A_31 : memref<1x32x512xf32, #tpu.memory_space<vmem>> -> memref<32x512xf32, #tpu.memory_space<vmem>>
    tpu.enqueue_dma source(%dma_start3A_32 : memref<32x512xf32, #tpu.memory_space<vmem>>) target(%dma_start3A_28 : memref<32x512xf32, #tpu.memory_space<hbm>>) target_semaphore(%arg11 : memref<!tpu.dma_semaphore, #tpu.memory_space<semaphore_mem>>)
    %scan3A_33 = arith.constant 0 : i32
    %scan3A_34 = arith.constant 32 : i32
    %scan3A_35 = arith.addi %scan3A_33, %scan3A_34 : i32
    %scan3A_36 = arith.constant 1 : i32
    scf.for %scan3A_184 = %scan3A_33 to %scan3A_35 step %scan3A_36  : i32 {
      %mul3A_185 = arith.constant 1 : i32
      %mul3A_186 = arith.muli %scan3A_184, %mul3A_185 : i32
      %add3A_187 = arith.constant 0 : i32
      %add3A_188 = arith.addi %add3A_187, %mul3A_186 : i32
      %dma_start3A_189 = arith.constant 1 : i32
      %dma_start3A_190 = arith.constant 1 : i32
      %dma_start3A_191 = arith.constant 0 : i32
      %dma_start3A_192 = tpu.memref_slice %arg9[%dma_start3A_190, %add3A_188, %dma_start3A_191] : memref<2x32x512xf32, #tpu.memory_space<vmem>> -> memref<1x1x512xf32, #tpu.memory_space<vmem>>
      %dma_start3A_193 = tpu.memref_squeeze %dma_start3A_192 : memref<1x1x512xf32, #tpu.memory_space<vmem>> -> memref<512xf32, #tpu.memory_space<vmem>>
      %dma_start3A_194 = arith.constant 0 : i32
      %dma_start3A_195 = tpu.memref_slice %arg8[%dma_start3A_189, %dma_start3A_194] : memref<4x512xi32, #tpu.memory_space<vmem>> -> memref<1x512xi32, #tpu.memory_space<vmem>>
      %dma_start3A_196 = tpu.memref_squeeze %dma_start3A_195 : memref<1x512xi32, #tpu.memory_space<vmem>> -> memref<512xi32, #tpu.memory_space<vmem>>
      %dma_start3A_197 = arith.constant 0 : i32
      %dma_start3A_198 = tpu.memref_slice %arg4[%add3A_188, %dma_start3A_197] : memref<32x100000xf32, #tpu.memory_space<hbm>> -> memref<1x100000xf32, #tpu.memory_space<hbm>>
      %dma_start3A_199 = tpu.memref_squeeze %dma_start3A_198 : memref<1x100000xf32, #tpu.memory_space<hbm>> -> memref<100000xf32, #tpu.memory_space<hbm>>
      %dma_start3A_200 = arith.constant 0 : i32
      %dma_start3A_201 = tpu.memref_slice %dma_start3A_199[%dma_start3A_200] : memref<100000xf32, #tpu.memory_space<hbm>> -> memref<100000xf32, #tpu.memory_space<hbm>>
      tpu.enqueue_indirect_dma source(%dma_start3A_201 : memref<100000xf32, #tpu.memory_space<hbm>>) target(%dma_start3A_193 : memref<512xf32, #tpu.memory_space<vmem>>) offsets(%dma_start3A_196 : memref<512xi32, #tpu.memory_space<vmem>>) semaphore(%arg10 : memref<!tpu.dma_semaphore, #tpu.memory_space<semaphore_mem>>)
    }
    %scan3A_37 = arith.constant 32 : i32
    %dma_wait3A_38 = arith.constant 1 : i32
    %dma_wait3A_39 = arith.constant 0 : i32
    %dma_wait3A_40 = arith.constant 0 : i32
    %dma_wait3A_41 = tpu.memref_slice %arg9[%dma_wait3A_38, %dma_wait3A_39, %dma_wait3A_40] : memref<2x32x512xf32, #tpu.memory_space<vmem>> -> memref<1x32x512xf32, #tpu.memory_space<vmem>>
    %dma_wait3A_42 = tpu.memref_squeeze %dma_wait3A_41 : memref<1x32x512xf32, #tpu.memory_space<vmem>> -> memref<32x512xf32, #tpu.memory_space<vmem>>
    %dma_wait3A_43 = arith.constant 0 : i32
    %dma_wait3A_44 = arith.constant 0 : i32
    %dma_wait3A_45 = tpu.memref_slice %arg7[%dma_wait3A_43, %dma_wait3A_44] : memref<128x16384xf32, #tpu.memory_space<hbm>> -> memref<32x512xf32, #tpu.memory_space<hbm>>
    %dma_wait3A_46 = arith.constant 0 : i32
    %dma_wait3A_47 = arith.constant 0 : i32
    %dma_wait3A_48 = tpu.memref_slice %arg9[%dma_wait3A_38, %dma_wait3A_46, %dma_wait3A_47] : memref<2x32x512xf32, #tpu.memory_space<vmem>> -> memref<1x32x512xf32, #tpu.memory_space<vmem>>
    %dma_wait3A_49 = tpu.memref_squeeze %dma_wait3A_48 : memref<1x32x512xf32, #tpu.memory_space<vmem>> -> memref<32x512xf32, #tpu.memory_space<vmem>>
    %dma_wait3A_50 = arith.constant 0 : i32
    %dma_wait3A_51 = arith.constant 0 : i32
    %dma_wait3A_52 = tpu.memref_slice %arg7[%dma_wait3A_50, %dma_wait3A_51] : memref<128x16384xf32, #tpu.memory_space<hbm>> -> memref<32x512xf32, #tpu.memory_space<hbm>>
    tpu.wait_dma2 semaphore(%arg10 : memref<!tpu.dma_semaphore, #tpu.memory_space<semaphore_mem>>) src(%dma_wait3A_52 : memref<32x512xf32, #tpu.memory_space<hbm>>) dst(%dma_wait3A_49 : memref<32x512xf32, #tpu.memory_space<vmem>>)
    %dma_start3A_53 = arith.constant 1 : i32
    %dma_start3A_54 = arith.constant 0 : i32
    %dma_start3A_55 = arith.constant 0 : i32
    %dma_start3A_56 = tpu.memref_slice %arg9[%dma_start3A_53, %dma_start3A_54, %dma_start3A_55] : memref<2x32x512xf32, #tpu.memory_space<vmem>> -> memref<1x32x512xf32, #tpu.memory_space<vmem>>
    %dma_start3A_57 = tpu.memref_squeeze %dma_start3A_56 : memref<1x32x512xf32, #tpu.memory_space<vmem>> -> memref<32x512xf32, #tpu.memory_space<vmem>>
    %dma_start3A_58 = arith.constant 32 : i32
    %dma_start3A_59 = tpu.memref_slice %arg7[%dma_start3A_58, %mul3A_2] : memref<128x16384xf32, #tpu.memory_space<hbm>> -> memref<32x512xf32, #tpu.memory_space<hbm>>
    %dma_start3A_60 = arith.constant 32 : i32
    %dma_start3A_61 = tpu.memref_slice %arg7[%dma_start3A_60, %mul3A_2] : memref<128x16384xf32, #tpu.memory_space<hbm>> -> memref<32x512xf32, #tpu.memory_space<hbm>>
    %dma_start3A_62 = arith.constant 0 : i32
    %dma_start3A_63 = arith.constant 0 : i32
    %dma_start3A_64 = tpu.memref_slice %arg9[%dma_start3A_53, %dma_start3A_62, %dma_start3A_63] : memref<2x32x512xf32, #tpu.memory_space<vmem>> -> memref<1x32x512xf32, #tpu.memory_space<vmem>>
    %dma_start3A_65 = tpu.memref_squeeze %dma_start3A_64 : memref<1x32x512xf32, #tpu.memory_space<vmem>> -> memref<32x512xf32, #tpu.memory_space<vmem>>
    tpu.enqueue_dma source(%dma_start3A_65 : memref<32x512xf32, #tpu.memory_space<vmem>>) target(%dma_start3A_61 : memref<32x512xf32, #tpu.memory_space<hbm>>) target_semaphore(%arg11 : memref<!tpu.dma_semaphore, #tpu.memory_space<semaphore_mem>>)
    %dma_wait3A_66 = arith.constant 0 : i32
    %dma_wait3A_67 = arith.constant 0 : i32
    %dma_wait3A_68 = arith.constant 0 : i32
    %dma_wait3A_69 = tpu.memref_slice %arg9[%dma_wait3A_66, %dma_wait3A_67, %dma_wait3A_68] : memref<2x32x512xf32, #tpu.memory_space<vmem>> -> memref<1x32x512xf32, #tpu.memory_space<vmem>>
    %dma_wait3A_70 = tpu.memref_squeeze %dma_wait3A_69 : memref<1x32x512xf32, #tpu.memory_space<vmem>> -> memref<32x512xf32, #tpu.memory_space<vmem>>
    %dma_wait3A_71 = arith.constant 0 : i32
    %dma_wait3A_72 = tpu.memref_slice %arg7[%dma_wait3A_71, %mul3A_2] : memref<128x16384xf32, #tpu.memory_space<hbm>> -> memref<32x512xf32, #tpu.memory_space<hbm>>
    %dma_wait3A_73 = arith.constant 0 : i32
    %dma_wait3A_74 = tpu.memref_slice %arg7[%dma_wait3A_73, %mul3A_2] : memref<128x16384xf32, #tpu.memory_space<hbm>> -> memref<32x512xf32, #tpu.memory_space<hbm>>
    %dma_wait3A_75 = arith.constant 0 : i32
    %dma_wait3A_76 = arith.constant 0 : i32
    %dma_wait3A_77 = tpu.memref_slice %arg9[%dma_wait3A_66, %dma_wait3A_75, %dma_wait3A_76] : memref<2x32x512xf32, #tpu.memory_space<vmem>> -> memref<1x32x512xf32, #tpu.memory_space<vmem>>
    %dma_wait3A_78 = tpu.memref_squeeze %dma_wait3A_77 : memref<1x32x512xf32, #tpu.memory_space<vmem>> -> memref<32x512xf32, #tpu.memory_space<vmem>>
    tpu.wait_dma2 semaphore(%arg11 : memref<!tpu.dma_semaphore, #tpu.memory_space<semaphore_mem>>) src(%dma_wait3A_78 : memref<32x512xf32, #tpu.memory_space<vmem>>) dst(%dma_wait3A_74 : memref<32x512xf32, #tpu.memory_space<hbm>>)
    %scan3A_79 = arith.constant 0 : i32
    %scan3A_80 = arith.constant 32 : i32
    %scan3A_81 = arith.addi %scan3A_79, %scan3A_80 : i32
    %scan3A_82 = arith.constant 1 : i32
    scf.for %scan3A_184 = %scan3A_79 to %scan3A_81 step %scan3A_82  : i32 {
      %mul3A_185 = arith.constant 1 : i32
      %mul3A_186 = arith.muli %scan3A_184, %mul3A_185 : i32
      %add3A_187 = arith.constant 0 : i32
      %add3A_188 = arith.addi %add3A_187, %mul3A_186 : i32
      %dma_start3A_189 = arith.constant 2 : i32
      %dma_start3A_190 = arith.constant 0 : i32
      %dma_start3A_191 = arith.constant 0 : i32
      %dma_start3A_192 = tpu.memref_slice %arg9[%dma_start3A_190, %add3A_188, %dma_start3A_191] : memref<2x32x512xf32, #tpu.memory_space<vmem>> -> memref<1x1x512xf32, #tpu.memory_space<vmem>>
      %dma_start3A_193 = tpu.memref_squeeze %dma_start3A_192 : memref<1x1x512xf32, #tpu.memory_space<vmem>> -> memref<512xf32, #tpu.memory_space<vmem>>
      %dma_start3A_194 = arith.constant 0 : i32
      %dma_start3A_195 = tpu.memref_slice %arg8[%dma_start3A_189, %dma_start3A_194] : memref<4x512xi32, #tpu.memory_space<vmem>> -> memref<1x512xi32, #tpu.memory_space<vmem>>
      %dma_start3A_196 = tpu.memref_squeeze %dma_start3A_195 : memref<1x512xi32, #tpu.memory_space<vmem>> -> memref<512xi32, #tpu.memory_space<vmem>>
      %dma_start3A_197 = arith.constant 0 : i32
      %dma_start3A_198 = tpu.memref_slice %arg5[%add3A_188, %dma_start3A_197] : memref<32x100000xf32, #tpu.memory_space<hbm>> -> memref<1x100000xf32, #tpu.memory_space<hbm>>
      %dma_start3A_199 = tpu.memref_squeeze %dma_start3A_198 : memref<1x100000xf32, #tpu.memory_space<hbm>> -> memref<100000xf32, #tpu.memory_space<hbm>>
      %dma_start3A_200 = arith.constant 0 : i32
      %dma_start3A_201 = tpu.memref_slice %dma_start3A_199[%dma_start3A_200] : memref<100000xf32, #tpu.memory_space<hbm>> -> memref<100000xf32, #tpu.memory_space<hbm>>
      tpu.enqueue_indirect_dma source(%dma_start3A_201 : memref<100000xf32, #tpu.memory_space<hbm>>) target(%dma_start3A_193 : memref<512xf32, #tpu.memory_space<vmem>>) offsets(%dma_start3A_196 : memref<512xi32, #tpu.memory_space<vmem>>) semaphore(%arg10 : memref<!tpu.dma_semaphore, #tpu.memory_space<semaphore_mem>>)
    }
    %scan3A_83 = arith.constant 32 : i32
    %dma_wait3A_84 = arith.constant 0 : i32
    %dma_wait3A_85 = arith.constant 0 : i32
    %dma_wait3A_86 = arith.constant 0 : i32
    %dma_wait3A_87 = tpu.memref_slice %arg9[%dma_wait3A_84, %dma_wait3A_85, %dma_wait3A_86] : memref<2x32x512xf32, #tpu.memory_space<vmem>> -> memref<1x32x512xf32, #tpu.memory_space<vmem>>
    %dma_wait3A_88 = tpu.memref_squeeze %dma_wait3A_87 : memref<1x32x512xf32, #tpu.memory_space<vmem>> -> memref<32x512xf32, #tpu.memory_space<vmem>>
    %dma_wait3A_89 = arith.constant 0 : i32
    %dma_wait3A_90 = arith.constant 0 : i32
    %dma_wait3A_91 = tpu.memref_slice %arg7[%dma_wait3A_89, %dma_wait3A_90] : memref<128x16384xf32, #tpu.memory_space<hbm>> -> memref<32x512xf32, #tpu.memory_space<hbm>>
    %dma_wait3A_92 = arith.constant 0 : i32
    %dma_wait3A_93 = arith.constant 0 : i32
    %dma_wait3A_94 = tpu.memref_slice %arg9[%dma_wait3A_84, %dma_wait3A_92, %dma_wait3A_93] : memref<2x32x512xf32, #tpu.memory_space<vmem>> -> memref<1x32x512xf32, #tpu.memory_space<vmem>>
    %dma_wait3A_95 = tpu.memref_squeeze %dma_wait3A_94 : memref<1x32x512xf32, #tpu.memory_space<vmem>> -> memref<32x512xf32, #tpu.memory_space<vmem>>
    %dma_wait3A_96 = arith.constant 0 : i32
    %dma_wait3A_97 = arith.constant 0 : i32
    %dma_wait3A_98 = tpu.memref_slice %arg7[%dma_wait3A_96, %dma_wait3A_97] : memref<128x16384xf32, #tpu.memory_space<hbm>> -> memref<32x512xf32, #tpu.memory_space<hbm>>
    tpu.wait_dma2 semaphore(%arg10 : memref<!tpu.dma_semaphore, #tpu.memory_space<semaphore_mem>>) src(%dma_wait3A_98 : memref<32x512xf32, #tpu.memory_space<hbm>>) dst(%dma_wait3A_95 : memref<32x512xf32, #tpu.memory_space<vmem>>)
    %dma_start3A_99 = arith.constant 0 : i32
    %dma_start3A_100 = arith.constant 0 : i32
    %dma_start3A_101 = arith.constant 0 : i32
    %dma_start3A_102 = tpu.memref_slice %arg9[%dma_start3A_99, %dma_start3A_100, %dma_start3A_101] : memref<2x32x512xf32, #tpu.memory_space<vmem>> -> memref<1x32x512xf32, #tpu.memory_space<vmem>>
    %dma_start3A_103 = tpu.memref_squeeze %dma_start3A_102 : memref<1x32x512xf32, #tpu.memory_space<vmem>> -> memref<32x512xf32, #tpu.memory_space<vmem>>
    %dma_start3A_104 = arith.constant 64 : i32
    %dma_start3A_105 = tpu.memref_slice %arg7[%dma_start3A_104, %mul3A_2] : memref<128x16384xf32, #tpu.memory_space<hbm>> -> memref<32x512xf32, #tpu.memory_space<hbm>>
    %dma_start3A_106 = arith.constant 64 : i32
    %dma_start3A_107 = tpu.memref_slice %arg7[%dma_start3A_106, %mul3A_2] : memref<128x16384xf32, #tpu.memory_space<hbm>> -> memref<32x512xf32, #tpu.memory_space<hbm>>
    %dma_start3A_108 = arith.constant 0 : i32
    %dma_start3A_109 = arith.constant 0 : i32
    %dma_start3A_110 = tpu.memref_slice %arg9[%dma_start3A_99, %dma_start3A_108, %dma_start3A_109] : memref<2x32x512xf32, #tpu.memory_space<vmem>> -> memref<1x32x512xf32, #tpu.memory_space<vmem>>
    %dma_start3A_111 = tpu.memref_squeeze %dma_start3A_110 : memref<1x32x512xf32, #tpu.memory_space<vmem>> -> memref<32x512xf32, #tpu.memory_space<vmem>>
    tpu.enqueue_dma source(%dma_start3A_111 : memref<32x512xf32, #tpu.memory_space<vmem>>) target(%dma_start3A_107 : memref<32x512xf32, #tpu.memory_space<hbm>>) target_semaphore(%arg11 : memref<!tpu.dma_semaphore, #tpu.memory_space<semaphore_mem>>)
    %dma_wait3A_112 = arith.constant 1 : i32
    %dma_wait3A_113 = arith.constant 0 : i32
    %dma_wait3A_114 = arith.constant 0 : i32
    %dma_wait3A_115 = tpu.memref_slice %arg9[%dma_wait3A_112, %dma_wait3A_113, %dma_wait3A_114] : memref<2x32x512xf32, #tpu.memory_space<vmem>> -> memref<1x32x512xf32, #tpu.memory_space<vmem>>
    %dma_wait3A_116 = tpu.memref_squeeze %dma_wait3A_115 : memref<1x32x512xf32, #tpu.memory_space<vmem>> -> memref<32x512xf32, #tpu.memory_space<vmem>>
    %dma_wait3A_117 = arith.constant 32 : i32
    %dma_wait3A_118 = tpu.memref_slice %arg7[%dma_wait3A_117, %mul3A_2] : memref<128x16384xf32, #tpu.memory_space<hbm>> -> memref<32x512xf32, #tpu.memory_space<hbm>>
    %dma_wait3A_119 = arith.constant 32 : i32
    %dma_wait3A_120 = tpu.memref_slice %arg7[%dma_wait3A_119, %mul3A_2] : memref<128x16384xf32, #tpu.memory_space<hbm>> -> memref<32x512xf32, #tpu.memory_space<hbm>>
    %dma_wait3A_121 = arith.constant 0 : i32
    %dma_wait3A_122 = arith.constant 0 : i32
    %dma_wait3A_123 = tpu.memref_slice %arg9[%dma_wait3A_112, %dma_wait3A_121, %dma_wait3A_122] : memref<2x32x512xf32, #tpu.memory_space<vmem>> -> memref<1x32x512xf32, #tpu.memory_space<vmem>>
    %dma_wait3A_124 = tpu.memref_squeeze %dma_wait3A_123 : memref<1x32x512xf32, #tpu.memory_space<vmem>> -> memref<32x512xf32, #tpu.memory_space<vmem>>
    tpu.wait_dma2 semaphore(%arg11 : memref<!tpu.dma_semaphore, #tpu.memory_space<semaphore_mem>>) src(%dma_wait3A_124 : memref<32x512xf32, #tpu.memory_space<vmem>>) dst(%dma_wait3A_120 : memref<32x512xf32, #tpu.memory_space<hbm>>)
    %scan3A_125 = arith.constant 0 : i32
    %scan3A_126 = arith.constant 32 : i32
    %scan3A_127 = arith.addi %scan3A_125, %scan3A_126 : i32
    %scan3A_128 = arith.constant 1 : i32
    scf.for %scan3A_184 = %scan3A_125 to %scan3A_127 step %scan3A_128  : i32 {
      %mul3A_185 = arith.constant 1 : i32
      %mul3A_186 = arith.muli %scan3A_184, %mul3A_185 : i32
      %add3A_187 = arith.constant 0 : i32
      %add3A_188 = arith.addi %add3A_187, %mul3A_186 : i32
      %dma_start3A_189 = arith.constant 3 : i32
      %dma_start3A_190 = arith.constant 1 : i32
      %dma_start3A_191 = arith.constant 0 : i32
      %dma_start3A_192 = tpu.memref_slice %arg9[%dma_start3A_190, %add3A_188, %dma_start3A_191] : memref<2x32x512xf32, #tpu.memory_space<vmem>> -> memref<1x1x512xf32, #tpu.memory_space<vmem>>
      %dma_start3A_193 = tpu.memref_squeeze %dma_start3A_192 : memref<1x1x512xf32, #tpu.memory_space<vmem>> -> memref<512xf32, #tpu.memory_space<vmem>>
      %dma_start3A_194 = arith.constant 0 : i32
      %dma_start3A_195 = tpu.memref_slice %arg8[%dma_start3A_189, %dma_start3A_194] : memref<4x512xi32, #tpu.memory_space<vmem>> -> memref<1x512xi32, #tpu.memory_space<vmem>>
      %dma_start3A_196 = tpu.memref_squeeze %dma_start3A_195 : memref<1x512xi32, #tpu.memory_space<vmem>> -> memref<512xi32, #tpu.memory_space<vmem>>
      %dma_start3A_197 = arith.constant 0 : i32
      %dma_start3A_198 = tpu.memref_slice %arg6[%add3A_188, %dma_start3A_197] : memref<32x100000xf32, #tpu.memory_space<hbm>> -> memref<1x100000xf32, #tpu.memory_space<hbm>>
      %dma_start3A_199 = tpu.memref_squeeze %dma_start3A_198 : memref<1x100000xf32, #tpu.memory_space<hbm>> -> memref<100000xf32, #tpu.memory_space<hbm>>
      %dma_start3A_200 = arith.constant 0 : i32
      %dma_start3A_201 = tpu.memref_slice %dma_start3A_199[%dma_start3A_200] : memref<100000xf32, #tpu.memory_space<hbm>> -> memref<100000xf32, #tpu.memory_space<hbm>>
      tpu.enqueue_indirect_dma source(%dma_start3A_201 : memref<100000xf32, #tpu.memory_space<hbm>>) target(%dma_start3A_193 : memref<512xf32, #tpu.memory_space<vmem>>) offsets(%dma_start3A_196 : memref<512xi32, #tpu.memory_space<vmem>>) semaphore(%arg10 : memref<!tpu.dma_semaphore, #tpu.memory_space<semaphore_mem>>)
    }
    %scan3A_129 = arith.constant 32 : i32
    %dma_wait3A_130 = arith.constant 1 : i32
    %dma_wait3A_131 = arith.constant 0 : i32
    %dma_wait3A_132 = arith.constant 0 : i32
    %dma_wait3A_133 = tpu.memref_slice %arg9[%dma_wait3A_130, %dma_wait3A_131, %dma_wait3A_132] : memref<2x32x512xf32, #tpu.memory_space<vmem>> -> memref<1x32x512xf32, #tpu.memory_space<vmem>>
    %dma_wait3A_134 = tpu.memref_squeeze %dma_wait3A_133 : memref<1x32x512xf32, #tpu.memory_space<vmem>> -> memref<32x512xf32, #tpu.memory_space<vmem>>
    %dma_wait3A_135 = arith.constant 0 : i32
    %dma_wait3A_136 = arith.constant 0 : i32
    %dma_wait3A_137 = tpu.memref_slice %arg7[%dma_wait3A_135, %dma_wait3A_136] : memref<128x16384xf32, #tpu.memory_space<hbm>> -> memref<32x512xf32, #tpu.memory_space<hbm>>
    %dma_wait3A_138 = arith.constant 0 : i32
    %dma_wait3A_139 = arith.constant 0 : i32
    %dma_wait3A_140 = tpu.memref_slice %arg9[%dma_wait3A_130, %dma_wait3A_138, %dma_wait3A_139] : memref<2x32x512xf32, #tpu.memory_space<vmem>> -> memref<1x32x512xf32, #tpu.memory_space<vmem>>
    %dma_wait3A_141 = tpu.memref_squeeze %dma_wait3A_140 : memref<1x32x512xf32, #tpu.memory_space<vmem>> -> memref<32x512xf32, #tpu.memory_space<vmem>>
    %dma_wait3A_142 = arith.constant 0 : i32
    %dma_wait3A_143 = arith.constant 0 : i32
    %dma_wait3A_144 = tpu.memref_slice %arg7[%dma_wait3A_142, %dma_wait3A_143] : memref<128x16384xf32, #tpu.memory_space<hbm>> -> memref<32x512xf32, #tpu.memory_space<hbm>>
    tpu.wait_dma2 semaphore(%arg10 : memref<!tpu.dma_semaphore, #tpu.memory_space<semaphore_mem>>) src(%dma_wait3A_144 : memref<32x512xf32, #tpu.memory_space<hbm>>) dst(%dma_wait3A_141 : memref<32x512xf32, #tpu.memory_space<vmem>>)
    %dma_start3A_145 = arith.constant 1 : i32
    %dma_start3A_146 = arith.constant 0 : i32
    %dma_start3A_147 = arith.constant 0 : i32
    %dma_start3A_148 = tpu.memref_slice %arg9[%dma_start3A_145, %dma_start3A_146, %dma_start3A_147] : memref<2x32x512xf32, #tpu.memory_space<vmem>> -> memref<1x32x512xf32, #tpu.memory_space<vmem>>
    %dma_start3A_149 = tpu.memref_squeeze %dma_start3A_148 : memref<1x32x512xf32, #tpu.memory_space<vmem>> -> memref<32x512xf32, #tpu.memory_space<vmem>>
    %dma_start3A_150 = arith.constant 96 : i32
    %dma_start3A_151 = tpu.memref_slice %arg7[%dma_start3A_150, %mul3A_2] : memref<128x16384xf32, #tpu.memory_space<hbm>> -> memref<32x512xf32, #tpu.memory_space<hbm>>
    %dma_start3A_152 = arith.constant 96 : i32
    %dma_start3A_153 = tpu.memref_slice %arg7[%dma_start3A_152, %mul3A_2] : memref<128x16384xf32, #tpu.memory_space<hbm>> -> memref<32x512xf32, #tpu.memory_space<hbm>>
    %dma_start3A_154 = arith.constant 0 : i32
    %dma_start3A_155 = arith.constant 0 : i32
    %dma_start3A_156 = tpu.memref_slice %arg9[%dma_start3A_145, %dma_start3A_154, %dma_start3A_155] : memref<2x32x512xf32, #tpu.memory_space<vmem>> -> memref<1x32x512xf32, #tpu.memory_space<vmem>>
    %dma_start3A_157 = tpu.memref_squeeze %dma_start3A_156 : memref<1x32x512xf32, #tpu.memory_space<vmem>> -> memref<32x512xf32, #tpu.memory_space<vmem>>
    tpu.enqueue_dma source(%dma_start3A_157 : memref<32x512xf32, #tpu.memory_space<vmem>>) target(%dma_start3A_153 : memref<32x512xf32, #tpu.memory_space<hbm>>) target_semaphore(%arg11 : memref<!tpu.dma_semaphore, #tpu.memory_space<semaphore_mem>>)
    %dma_wait3A_158 = arith.constant 0 : i32
    %dma_wait3A_159 = arith.constant 0 : i32
    %dma_wait3A_160 = arith.constant 0 : i32
    %dma_wait3A_161 = tpu.memref_slice %arg9[%dma_wait3A_158, %dma_wait3A_159, %dma_wait3A_160] : memref<2x32x512xf32, #tpu.memory_space<vmem>> -> memref<1x32x512xf32, #tpu.memory_space<vmem>>
    %dma_wait3A_162 = tpu.memref_squeeze %dma_wait3A_161 : memref<1x32x512xf32, #tpu.memory_space<vmem>> -> memref<32x512xf32, #tpu.memory_space<vmem>>
    %dma_wait3A_163 = arith.constant 64 : i32
    %dma_wait3A_164 = tpu.memref_slice %arg7[%dma_wait3A_163, %mul3A_2] : memref<128x16384xf32, #tpu.memory_space<hbm>> -> memref<32x512xf32, #tpu.memory_space<hbm>>
    %dma_wait3A_165 = arith.constant 64 : i32
    %dma_wait3A_166 = tpu.memref_slice %arg7[%dma_wait3A_165, %mul3A_2] : memref<128x16384xf32, #tpu.memory_space<hbm>> -> memref<32x512xf32, #tpu.memory_space<hbm>>
    %dma_wait3A_167 = arith.constant 0 : i32
    %dma_wait3A_168 = arith.constant 0 : i32
    %dma_wait3A_169 = tpu.memref_slice %arg9[%dma_wait3A_158, %dma_wait3A_167, %dma_wait3A_168] : memref<2x32x512xf32, #tpu.memory_space<vmem>> -> memref<1x32x512xf32, #tpu.memory_space<vmem>>
    %dma_wait3A_170 = tpu.memref_squeeze %dma_wait3A_169 : memref<1x32x512xf32, #tpu.memory_space<vmem>> -> memref<32x512xf32, #tpu.memory_space<vmem>>
    tpu.wait_dma2 semaphore(%arg11 : memref<!tpu.dma_semaphore, #tpu.memory_space<semaphore_mem>>) src(%dma_wait3A_170 : memref<32x512xf32, #tpu.memory_space<vmem>>) dst(%dma_wait3A_166 : memref<32x512xf32, #tpu.memory_space<hbm>>)
    %dma_wait3A_171 = arith.constant 1 : i32
    %dma_wait3A_172 = arith.constant 0 : i32
    %dma_wait3A_173 = arith.constant 0 : i32
    %dma_wait3A_174 = tpu.memref_slice %arg9[%dma_wait3A_171, %dma_wait3A_172, %dma_wait3A_173] : memref<2x32x512xf32, #tpu.memory_space<vmem>> -> memref<1x32x512xf32, #tpu.memory_space<vmem>>
    %dma_wait3A_175 = tpu.memref_squeeze %dma_wait3A_174 : memref<1x32x512xf32, #tpu.memory_space<vmem>> -> memref<32x512xf32, #tpu.memory_space<vmem>>
    %dma_wait3A_176 = arith.constant 96 : i32
    %dma_wait3A_177 = tpu.memref_slice %arg7[%dma_wait3A_176, %mul3A_2] : memref<128x16384xf32, #tpu.memory_space<hbm>> -> memref<32x512xf32, #tpu.memory_space<hbm>>
    %dma_wait3A_178 = arith.constant 96 : i32
    %dma_wait3A_179 = tpu.memref_slice %arg7[%dma_wait3A_178, %mul3A_2] : memref<128x16384xf32, #tpu.memory_space<hbm>> -> memref<32x512xf32, #tpu.memory_space<hbm>>
    %dma_wait3A_180 = arith.constant 0 : i32
    %dma_wait3A_181 = arith.constant 0 : i32
    %dma_wait3A_182 = tpu.memref_slice %arg9[%dma_wait3A_171, %dma_wait3A_180, %dma_wait3A_181] : memref<2x32x512xf32, #tpu.memory_space<vmem>> -> memref<1x32x512xf32, #tpu.memory_space<vmem>>
    %dma_wait3A_183 = tpu.memref_squeeze %dma_wait3A_182 : memref<1x32x512xf32, #tpu.memory_space<vmem>> -> memref<32x512xf32, #tpu.memory_space<vmem>>
    tpu.wait_dma2 semaphore(%arg11 : memref<!tpu.dma_semaphore, #tpu.memory_space<semaphore_mem>>) src(%dma_wait3A_183 : memref<32x512xf32, #tpu.memory_space<vmem>>) dst(%dma_wait3A_179 : memref<32x512xf32, #tpu.memory_space<hbm>>)
    return
  }
}

#map = affine_map<(d0, d1) -> (0, 0, 0)>
#map1 = affine_map<(d0, d1) -> (0, 0)>
module attributes {stable_mosaic.version = 14 : i64} {
  func.func @_lookup_t(%arg0: i32, %arg1: i32, %arg2: memref<32x3x512xi32, #tpu.memory_space<hbm>>, %arg3: memref<32x100000xf32, #tpu.memory_space<hbm>>, %arg4: memref<32x100000xf32, #tpu.memory_space<hbm>>, %arg5: memref<32x100000xf32, #tpu.memory_space<hbm>>, %arg6: memref<96x16384xf32, #tpu.memory_space<hbm>>, %arg7: memref<3x512xi32, #tpu.memory_space<vmem>>, %arg8: memref<2x32x512xf32, #tpu.memory_space<vmem>>, %arg9: memref<!tpu.dma_semaphore, #tpu.memory_space<semaphore_mem>>, %arg10: memref<!tpu.dma_semaphore, #tpu.memory_space<semaphore_mem>>) attributes {dimension_semantics = [#tpu.dimension_semantics<core_parallel>, #tpu.dimension_semantics<subcore_parallel>], iteration_bounds = array<i64: 2, 16>, scalar_prefetch = 0 : i64, scratch_operands = 4 : i64, tpu.core_type = #tpu.core_type<sc_vector_subcore>, window_params = [{transform_indices = #map}, {transform_indices = #map1}, {transform_indices = #map1}, {transform_indices = #map1}, {transform_indices = #map1}]} {
    %mul3A = arith.constant 2 : i32
    %mul3A_0 = arith.muli %arg1, %mul3A : i32
    %add3A = arith.addi %mul3A_0, %arg0 : i32
    %mul3A_1 = arith.constant 512 : i32
    %mul3A_2 = arith.muli %add3A, %mul3A_1 : i32
    "tpu.region"() ({
      %run_scoped3A = tpu.sem_alloc : memref<!tpu.dma_semaphore, #tpu.memory_space<semaphore_mem>>
      %dma_start3A_138 = arith.constant 0 : i32
      %dma_start3A_139 = arith.constant 0 : i32
      %dma_start3A_140 = tpu.memref_slice %arg2[%add3A, %dma_start3A_138, %dma_start3A_139] : memref<32x3x512xi32, #tpu.memory_space<hbm>> -> memref<1x3x512xi32, #tpu.memory_space<hbm>>
      %dma_start3A_141 = tpu.memref_squeeze %dma_start3A_140 : memref<1x3x512xi32, #tpu.memory_space<hbm>> -> memref<3x512xi32, #tpu.memory_space<hbm>>
      %dma_start3A_142 = arith.constant 0 : i32
      %dma_start3A_143 = arith.constant 0 : i32
      %dma_start3A_144 = tpu.memref_slice %arg2[%add3A, %dma_start3A_142, %dma_start3A_143] : memref<32x3x512xi32, #tpu.memory_space<hbm>> -> memref<1x3x512xi32, #tpu.memory_space<hbm>>
      %dma_start3A_145 = tpu.memref_squeeze %dma_start3A_144 : memref<1x3x512xi32, #tpu.memory_space<hbm>> -> memref<3x512xi32, #tpu.memory_space<hbm>>
      tpu.enqueue_dma source(%dma_start3A_145 : memref<3x512xi32, #tpu.memory_space<hbm>>) target(%arg7 : memref<3x512xi32, #tpu.memory_space<vmem>>) target_semaphore(%run_scoped3A : memref<!tpu.dma_semaphore, #tpu.memory_space<semaphore_mem>>)
      %dma_wait3A_146 = arith.constant 0 : i32
      %dma_wait3A_147 = arith.constant 0 : i32
      %dma_wait3A_148 = tpu.memref_slice %arg2[%add3A, %dma_wait3A_146, %dma_wait3A_147] : memref<32x3x512xi32, #tpu.memory_space<hbm>> -> memref<1x3x512xi32, #tpu.memory_space<hbm>>
      %dma_wait3A_149 = tpu.memref_squeeze %dma_wait3A_148 : memref<1x3x512xi32, #tpu.memory_space<hbm>> -> memref<3x512xi32, #tpu.memory_space<hbm>>
      %dma_wait3A_150 = arith.constant 0 : i32
      %dma_wait3A_151 = arith.constant 0 : i32
      %dma_wait3A_152 = tpu.memref_slice %arg2[%add3A, %dma_wait3A_150, %dma_wait3A_151] : memref<32x3x512xi32, #tpu.memory_space<hbm>> -> memref<1x3x512xi32, #tpu.memory_space<hbm>>
      %dma_wait3A_153 = tpu.memref_squeeze %dma_wait3A_152 : memref<1x3x512xi32, #tpu.memory_space<hbm>> -> memref<3x512xi32, #tpu.memory_space<hbm>>
      tpu.wait_dma2 semaphore(%run_scoped3A : memref<!tpu.dma_semaphore, #tpu.memory_space<semaphore_mem>>) src(%dma_wait3A_153 : memref<3x512xi32, #tpu.memory_space<hbm>>) dst(%arg7 : memref<3x512xi32, #tpu.memory_space<vmem>>)
      tpu.yield
    }) : () -> ()
    %scan3A = arith.constant 0 : i32
    %scan3A_3 = arith.constant 32 : i32
    %scan3A_4 = arith.addi %scan3A, %scan3A_3 : i32
    %scan3A_5 = arith.constant 1 : i32
    scf.for %scan3A_138 = %scan3A to %scan3A_4 step %scan3A_5  : i32 {
      %mul3A_139 = arith.constant 1 : i32
      %mul3A_140 = arith.muli %scan3A_138, %mul3A_139 : i32
      %add3A_141 = arith.constant 0 : i32
      %add3A_142 = arith.addi %add3A_141, %mul3A_140 : i32
      %dma_start3A_143 = arith.constant 0 : i32
      %dma_start3A_144 = arith.constant 0 : i32
      %dma_start3A_145 = arith.constant 0 : i32
      %dma_start3A_146 = tpu.memref_slice %arg8[%dma_start3A_144, %add3A_142, %dma_start3A_145] : memref<2x32x512xf32, #tpu.memory_space<vmem>> -> memref<1x1x512xf32, #tpu.memory_space<vmem>>
      %dma_start3A_147 = tpu.memref_squeeze %dma_start3A_146 : memref<1x1x512xf32, #tpu.memory_space<vmem>> -> memref<512xf32, #tpu.memory_space<vmem>>
      %dma_start3A_148 = arith.constant 0 : i32
      %dma_start3A_149 = tpu.memref_slice %arg7[%dma_start3A_143, %dma_start3A_148] : memref<3x512xi32, #tpu.memory_space<vmem>> -> memref<1x512xi32, #tpu.memory_space<vmem>>
      %dma_start3A_150 = tpu.memref_squeeze %dma_start3A_149 : memref<1x512xi32, #tpu.memory_space<vmem>> -> memref<512xi32, #tpu.memory_space<vmem>>
      %dma_start3A_151 = arith.constant 0 : i32
      %dma_start3A_152 = tpu.memref_slice %arg3[%add3A_142, %dma_start3A_151] : memref<32x100000xf32, #tpu.memory_space<hbm>> -> memref<1x100000xf32, #tpu.memory_space<hbm>>
      %dma_start3A_153 = tpu.memref_squeeze %dma_start3A_152 : memref<1x100000xf32, #tpu.memory_space<hbm>> -> memref<100000xf32, #tpu.memory_space<hbm>>
      %dma_start3A_154 = arith.constant 0 : i32
      %dma_start3A_155 = tpu.memref_slice %dma_start3A_153[%dma_start3A_154] : memref<100000xf32, #tpu.memory_space<hbm>> -> memref<100000xf32, #tpu.memory_space<hbm>>
      tpu.enqueue_indirect_dma source(%dma_start3A_155 : memref<100000xf32, #tpu.memory_space<hbm>>) target(%dma_start3A_147 : memref<512xf32, #tpu.memory_space<vmem>>) offsets(%dma_start3A_150 : memref<512xi32, #tpu.memory_space<vmem>>) semaphore(%arg9 : memref<!tpu.dma_semaphore, #tpu.memory_space<semaphore_mem>>)
    }
    %scan3A_6 = arith.constant 32 : i32
    %dma_wait3A = arith.constant 0 : i32
    %dma_wait3A_7 = arith.constant 0 : i32
    %dma_wait3A_8 = arith.constant 0 : i32
    %dma_wait3A_9 = tpu.memref_slice %arg8[%dma_wait3A, %dma_wait3A_7, %dma_wait3A_8] : memref<2x32x512xf32, #tpu.memory_space<vmem>> -> memref<1x32x512xf32, #tpu.memory_space<vmem>>
    %dma_wait3A_10 = tpu.memref_squeeze %dma_wait3A_9 : memref<1x32x512xf32, #tpu.memory_space<vmem>> -> memref<32x512xf32, #tpu.memory_space<vmem>>
    %dma_wait3A_11 = arith.constant 0 : i32
    %dma_wait3A_12 = arith.constant 0 : i32
    %dma_wait3A_13 = tpu.memref_slice %arg6[%dma_wait3A_11, %dma_wait3A_12] : memref<96x16384xf32, #tpu.memory_space<hbm>> -> memref<32x512xf32, #tpu.memory_space<hbm>>
    %dma_wait3A_14 = arith.constant 0 : i32
    %dma_wait3A_15 = arith.constant 0 : i32
    %dma_wait3A_16 = tpu.memref_slice %arg8[%dma_wait3A, %dma_wait3A_14, %dma_wait3A_15] : memref<2x32x512xf32, #tpu.memory_space<vmem>> -> memref<1x32x512xf32, #tpu.memory_space<vmem>>
    %dma_wait3A_17 = tpu.memref_squeeze %dma_wait3A_16 : memref<1x32x512xf32, #tpu.memory_space<vmem>> -> memref<32x512xf32, #tpu.memory_space<vmem>>
    %dma_wait3A_18 = arith.constant 0 : i32
    %dma_wait3A_19 = arith.constant 0 : i32
    %dma_wait3A_20 = tpu.memref_slice %arg6[%dma_wait3A_18, %dma_wait3A_19] : memref<96x16384xf32, #tpu.memory_space<hbm>> -> memref<32x512xf32, #tpu.memory_space<hbm>>
    tpu.wait_dma2 semaphore(%arg9 : memref<!tpu.dma_semaphore, #tpu.memory_space<semaphore_mem>>) src(%dma_wait3A_20 : memref<32x512xf32, #tpu.memory_space<hbm>>) dst(%dma_wait3A_17 : memref<32x512xf32, #tpu.memory_space<vmem>>)
    %dma_start3A = arith.constant 0 : i32
    %dma_start3A_21 = arith.constant 0 : i32
    %dma_start3A_22 = arith.constant 0 : i32
    %dma_start3A_23 = tpu.memref_slice %arg8[%dma_start3A, %dma_start3A_21, %dma_start3A_22] : memref<2x32x512xf32, #tpu.memory_space<vmem>> -> memref<1x32x512xf32, #tpu.memory_space<vmem>>
    %dma_start3A_24 = tpu.memref_squeeze %dma_start3A_23 : memref<1x32x512xf32, #tpu.memory_space<vmem>> -> memref<32x512xf32, #tpu.memory_space<vmem>>
    %dma_start3A_25 = arith.constant 0 : i32
    %dma_start3A_26 = tpu.memref_slice %arg6[%dma_start3A_25, %mul3A_2] : memref<96x16384xf32, #tpu.memory_space<hbm>> -> memref<32x512xf32, #tpu.memory_space<hbm>>
    %dma_start3A_27 = arith.constant 0 : i32
    %dma_start3A_28 = tpu.memref_slice %arg6[%dma_start3A_27, %mul3A_2] : memref<96x16384xf32, #tpu.memory_space<hbm>> -> memref<32x512xf32, #tpu.memory_space<hbm>>
    %dma_start3A_29 = arith.constant 0 : i32
    %dma_start3A_30 = arith.constant 0 : i32
    %dma_start3A_31 = tpu.memref_slice %arg8[%dma_start3A, %dma_start3A_29, %dma_start3A_30] : memref<2x32x512xf32, #tpu.memory_space<vmem>> -> memref<1x32x512xf32, #tpu.memory_space<vmem>>
    %dma_start3A_32 = tpu.memref_squeeze %dma_start3A_31 : memref<1x32x512xf32, #tpu.memory_space<vmem>> -> memref<32x512xf32, #tpu.memory_space<vmem>>
    tpu.enqueue_dma source(%dma_start3A_32 : memref<32x512xf32, #tpu.memory_space<vmem>>) target(%dma_start3A_28 : memref<32x512xf32, #tpu.memory_space<hbm>>) target_semaphore(%arg10 : memref<!tpu.dma_semaphore, #tpu.memory_space<semaphore_mem>>)
    %scan3A_33 = arith.constant 0 : i32
    %scan3A_34 = arith.constant 32 : i32
    %scan3A_35 = arith.addi %scan3A_33, %scan3A_34 : i32
    %scan3A_36 = arith.constant 1 : i32
    scf.for %scan3A_138 = %scan3A_33 to %scan3A_35 step %scan3A_36  : i32 {
      %mul3A_139 = arith.constant 1 : i32
      %mul3A_140 = arith.muli %scan3A_138, %mul3A_139 : i32
      %add3A_141 = arith.constant 0 : i32
      %add3A_142 = arith.addi %add3A_141, %mul3A_140 : i32
      %dma_start3A_143 = arith.constant 1 : i32
      %dma_start3A_144 = arith.constant 1 : i32
      %dma_start3A_145 = arith.constant 0 : i32
      %dma_start3A_146 = tpu.memref_slice %arg8[%dma_start3A_144, %add3A_142, %dma_start3A_145] : memref<2x32x512xf32, #tpu.memory_space<vmem>> -> memref<1x1x512xf32, #tpu.memory_space<vmem>>
      %dma_start3A_147 = tpu.memref_squeeze %dma_start3A_146 : memref<1x1x512xf32, #tpu.memory_space<vmem>> -> memref<512xf32, #tpu.memory_space<vmem>>
      %dma_start3A_148 = arith.constant 0 : i32
      %dma_start3A_149 = tpu.memref_slice %arg7[%dma_start3A_143, %dma_start3A_148] : memref<3x512xi32, #tpu.memory_space<vmem>> -> memref<1x512xi32, #tpu.memory_space<vmem>>
      %dma_start3A_150 = tpu.memref_squeeze %dma_start3A_149 : memref<1x512xi32, #tpu.memory_space<vmem>> -> memref<512xi32, #tpu.memory_space<vmem>>
      %dma_start3A_151 = arith.constant 0 : i32
      %dma_start3A_152 = tpu.memref_slice %arg4[%add3A_142, %dma_start3A_151] : memref<32x100000xf32, #tpu.memory_space<hbm>> -> memref<1x100000xf32, #tpu.memory_space<hbm>>
      %dma_start3A_153 = tpu.memref_squeeze %dma_start3A_152 : memref<1x100000xf32, #tpu.memory_space<hbm>> -> memref<100000xf32, #tpu.memory_space<hbm>>
      %dma_start3A_154 = arith.constant 0 : i32
      %dma_start3A_155 = tpu.memref_slice %dma_start3A_153[%dma_start3A_154] : memref<100000xf32, #tpu.memory_space<hbm>> -> memref<100000xf32, #tpu.memory_space<hbm>>
      tpu.enqueue_indirect_dma source(%dma_start3A_155 : memref<100000xf32, #tpu.memory_space<hbm>>) target(%dma_start3A_147 : memref<512xf32, #tpu.memory_space<vmem>>) offsets(%dma_start3A_150 : memref<512xi32, #tpu.memory_space<vmem>>) semaphore(%arg9 : memref<!tpu.dma_semaphore, #tpu.memory_space<semaphore_mem>>)
    }
    %scan3A_37 = arith.constant 32 : i32
    %dma_wait3A_38 = arith.constant 1 : i32
    %dma_wait3A_39 = arith.constant 0 : i32
    %dma_wait3A_40 = arith.constant 0 : i32
    %dma_wait3A_41 = tpu.memref_slice %arg8[%dma_wait3A_38, %dma_wait3A_39, %dma_wait3A_40] : memref<2x32x512xf32, #tpu.memory_space<vmem>> -> memref<1x32x512xf32, #tpu.memory_space<vmem>>
    %dma_wait3A_42 = tpu.memref_squeeze %dma_wait3A_41 : memref<1x32x512xf32, #tpu.memory_space<vmem>> -> memref<32x512xf32, #tpu.memory_space<vmem>>
    %dma_wait3A_43 = arith.constant 0 : i32
    %dma_wait3A_44 = arith.constant 0 : i32
    %dma_wait3A_45 = tpu.memref_slice %arg6[%dma_wait3A_43, %dma_wait3A_44] : memref<96x16384xf32, #tpu.memory_space<hbm>> -> memref<32x512xf32, #tpu.memory_space<hbm>>
    %dma_wait3A_46 = arith.constant 0 : i32
    %dma_wait3A_47 = arith.constant 0 : i32
    %dma_wait3A_48 = tpu.memref_slice %arg8[%dma_wait3A_38, %dma_wait3A_46, %dma_wait3A_47] : memref<2x32x512xf32, #tpu.memory_space<vmem>> -> memref<1x32x512xf32, #tpu.memory_space<vmem>>
    %dma_wait3A_49 = tpu.memref_squeeze %dma_wait3A_48 : memref<1x32x512xf32, #tpu.memory_space<vmem>> -> memref<32x512xf32, #tpu.memory_space<vmem>>
    %dma_wait3A_50 = arith.constant 0 : i32
    %dma_wait3A_51 = arith.constant 0 : i32
    %dma_wait3A_52 = tpu.memref_slice %arg6[%dma_wait3A_50, %dma_wait3A_51] : memref<96x16384xf32, #tpu.memory_space<hbm>> -> memref<32x512xf32, #tpu.memory_space<hbm>>
    tpu.wait_dma2 semaphore(%arg9 : memref<!tpu.dma_semaphore, #tpu.memory_space<semaphore_mem>>) src(%dma_wait3A_52 : memref<32x512xf32, #tpu.memory_space<hbm>>) dst(%dma_wait3A_49 : memref<32x512xf32, #tpu.memory_space<vmem>>)
    %dma_start3A_53 = arith.constant 1 : i32
    %dma_start3A_54 = arith.constant 0 : i32
    %dma_start3A_55 = arith.constant 0 : i32
    %dma_start3A_56 = tpu.memref_slice %arg8[%dma_start3A_53, %dma_start3A_54, %dma_start3A_55] : memref<2x32x512xf32, #tpu.memory_space<vmem>> -> memref<1x32x512xf32, #tpu.memory_space<vmem>>
    %dma_start3A_57 = tpu.memref_squeeze %dma_start3A_56 : memref<1x32x512xf32, #tpu.memory_space<vmem>> -> memref<32x512xf32, #tpu.memory_space<vmem>>
    %dma_start3A_58 = arith.constant 32 : i32
    %dma_start3A_59 = tpu.memref_slice %arg6[%dma_start3A_58, %mul3A_2] : memref<96x16384xf32, #tpu.memory_space<hbm>> -> memref<32x512xf32, #tpu.memory_space<hbm>>
    %dma_start3A_60 = arith.constant 32 : i32
    %dma_start3A_61 = tpu.memref_slice %arg6[%dma_start3A_60, %mul3A_2] : memref<96x16384xf32, #tpu.memory_space<hbm>> -> memref<32x512xf32, #tpu.memory_space<hbm>>
    %dma_start3A_62 = arith.constant 0 : i32
    %dma_start3A_63 = arith.constant 0 : i32
    %dma_start3A_64 = tpu.memref_slice %arg8[%dma_start3A_53, %dma_start3A_62, %dma_start3A_63] : memref<2x32x512xf32, #tpu.memory_space<vmem>> -> memref<1x32x512xf32, #tpu.memory_space<vmem>>
    %dma_start3A_65 = tpu.memref_squeeze %dma_start3A_64 : memref<1x32x512xf32, #tpu.memory_space<vmem>> -> memref<32x512xf32, #tpu.memory_space<vmem>>
    tpu.enqueue_dma source(%dma_start3A_65 : memref<32x512xf32, #tpu.memory_space<vmem>>) target(%dma_start3A_61 : memref<32x512xf32, #tpu.memory_space<hbm>>) target_semaphore(%arg10 : memref<!tpu.dma_semaphore, #tpu.memory_space<semaphore_mem>>)
    %dma_wait3A_66 = arith.constant 0 : i32
    %dma_wait3A_67 = arith.constant 0 : i32
    %dma_wait3A_68 = arith.constant 0 : i32
    %dma_wait3A_69 = tpu.memref_slice %arg8[%dma_wait3A_66, %dma_wait3A_67, %dma_wait3A_68] : memref<2x32x512xf32, #tpu.memory_space<vmem>> -> memref<1x32x512xf32, #tpu.memory_space<vmem>>
    %dma_wait3A_70 = tpu.memref_squeeze %dma_wait3A_69 : memref<1x32x512xf32, #tpu.memory_space<vmem>> -> memref<32x512xf32, #tpu.memory_space<vmem>>
    %dma_wait3A_71 = arith.constant 0 : i32
    %dma_wait3A_72 = tpu.memref_slice %arg6[%dma_wait3A_71, %mul3A_2] : memref<96x16384xf32, #tpu.memory_space<hbm>> -> memref<32x512xf32, #tpu.memory_space<hbm>>
    %dma_wait3A_73 = arith.constant 0 : i32
    %dma_wait3A_74 = tpu.memref_slice %arg6[%dma_wait3A_73, %mul3A_2] : memref<96x16384xf32, #tpu.memory_space<hbm>> -> memref<32x512xf32, #tpu.memory_space<hbm>>
    %dma_wait3A_75 = arith.constant 0 : i32
    %dma_wait3A_76 = arith.constant 0 : i32
    %dma_wait3A_77 = tpu.memref_slice %arg8[%dma_wait3A_66, %dma_wait3A_75, %dma_wait3A_76] : memref<2x32x512xf32, #tpu.memory_space<vmem>> -> memref<1x32x512xf32, #tpu.memory_space<vmem>>
    %dma_wait3A_78 = tpu.memref_squeeze %dma_wait3A_77 : memref<1x32x512xf32, #tpu.memory_space<vmem>> -> memref<32x512xf32, #tpu.memory_space<vmem>>
    tpu.wait_dma2 semaphore(%arg10 : memref<!tpu.dma_semaphore, #tpu.memory_space<semaphore_mem>>) src(%dma_wait3A_78 : memref<32x512xf32, #tpu.memory_space<vmem>>) dst(%dma_wait3A_74 : memref<32x512xf32, #tpu.memory_space<hbm>>)
    %scan3A_79 = arith.constant 0 : i32
    %scan3A_80 = arith.constant 32 : i32
    %scan3A_81 = arith.addi %scan3A_79, %scan3A_80 : i32
    %scan3A_82 = arith.constant 1 : i32
    scf.for %scan3A_138 = %scan3A_79 to %scan3A_81 step %scan3A_82  : i32 {
      %mul3A_139 = arith.constant 1 : i32
      %mul3A_140 = arith.muli %scan3A_138, %mul3A_139 : i32
      %add3A_141 = arith.constant 0 : i32
      %add3A_142 = arith.addi %add3A_141, %mul3A_140 : i32
      %dma_start3A_143 = arith.constant 2 : i32
      %dma_start3A_144 = arith.constant 0 : i32
      %dma_start3A_145 = arith.constant 0 : i32
      %dma_start3A_146 = tpu.memref_slice %arg8[%dma_start3A_144, %add3A_142, %dma_start3A_145] : memref<2x32x512xf32, #tpu.memory_space<vmem>> -> memref<1x1x512xf32, #tpu.memory_space<vmem>>
      %dma_start3A_147 = tpu.memref_squeeze %dma_start3A_146 : memref<1x1x512xf32, #tpu.memory_space<vmem>> -> memref<512xf32, #tpu.memory_space<vmem>>
      %dma_start3A_148 = arith.constant 0 : i32
      %dma_start3A_149 = tpu.memref_slice %arg7[%dma_start3A_143, %dma_start3A_148] : memref<3x512xi32, #tpu.memory_space<vmem>> -> memref<1x512xi32, #tpu.memory_space<vmem>>
      %dma_start3A_150 = tpu.memref_squeeze %dma_start3A_149 : memref<1x512xi32, #tpu.memory_space<vmem>> -> memref<512xi32, #tpu.memory_space<vmem>>
      %dma_start3A_151 = arith.constant 0 : i32
      %dma_start3A_152 = tpu.memref_slice %arg5[%add3A_142, %dma_start3A_151] : memref<32x100000xf32, #tpu.memory_space<hbm>> -> memref<1x100000xf32, #tpu.memory_space<hbm>>
      %dma_start3A_153 = tpu.memref_squeeze %dma_start3A_152 : memref<1x100000xf32, #tpu.memory_space<hbm>> -> memref<100000xf32, #tpu.memory_space<hbm>>
      %dma_start3A_154 = arith.constant 0 : i32
      %dma_start3A_155 = tpu.memref_slice %dma_start3A_153[%dma_start3A_154] : memref<100000xf32, #tpu.memory_space<hbm>> -> memref<100000xf32, #tpu.memory_space<hbm>>
      tpu.enqueue_indirect_dma source(%dma_start3A_155 : memref<100000xf32, #tpu.memory_space<hbm>>) target(%dma_start3A_147 : memref<512xf32, #tpu.memory_space<vmem>>) offsets(%dma_start3A_150 : memref<512xi32, #tpu.memory_space<vmem>>) semaphore(%arg9 : memref<!tpu.dma_semaphore, #tpu.memory_space<semaphore_mem>>)
    }
    %scan3A_83 = arith.constant 32 : i32
    %dma_wait3A_84 = arith.constant 0 : i32
    %dma_wait3A_85 = arith.constant 0 : i32
    %dma_wait3A_86 = arith.constant 0 : i32
    %dma_wait3A_87 = tpu.memref_slice %arg8[%dma_wait3A_84, %dma_wait3A_85, %dma_wait3A_86] : memref<2x32x512xf32, #tpu.memory_space<vmem>> -> memref<1x32x512xf32, #tpu.memory_space<vmem>>
    %dma_wait3A_88 = tpu.memref_squeeze %dma_wait3A_87 : memref<1x32x512xf32, #tpu.memory_space<vmem>> -> memref<32x512xf32, #tpu.memory_space<vmem>>
    %dma_wait3A_89 = arith.constant 0 : i32
    %dma_wait3A_90 = arith.constant 0 : i32
    %dma_wait3A_91 = tpu.memref_slice %arg6[%dma_wait3A_89, %dma_wait3A_90] : memref<96x16384xf32, #tpu.memory_space<hbm>> -> memref<32x512xf32, #tpu.memory_space<hbm>>
    %dma_wait3A_92 = arith.constant 0 : i32
    %dma_wait3A_93 = arith.constant 0 : i32
    %dma_wait3A_94 = tpu.memref_slice %arg8[%dma_wait3A_84, %dma_wait3A_92, %dma_wait3A_93] : memref<2x32x512xf32, #tpu.memory_space<vmem>> -> memref<1x32x512xf32, #tpu.memory_space<vmem>>
    %dma_wait3A_95 = tpu.memref_squeeze %dma_wait3A_94 : memref<1x32x512xf32, #tpu.memory_space<vmem>> -> memref<32x512xf32, #tpu.memory_space<vmem>>
    %dma_wait3A_96 = arith.constant 0 : i32
    %dma_wait3A_97 = arith.constant 0 : i32
    %dma_wait3A_98 = tpu.memref_slice %arg6[%dma_wait3A_96, %dma_wait3A_97] : memref<96x16384xf32, #tpu.memory_space<hbm>> -> memref<32x512xf32, #tpu.memory_space<hbm>>
    tpu.wait_dma2 semaphore(%arg9 : memref<!tpu.dma_semaphore, #tpu.memory_space<semaphore_mem>>) src(%dma_wait3A_98 : memref<32x512xf32, #tpu.memory_space<hbm>>) dst(%dma_wait3A_95 : memref<32x512xf32, #tpu.memory_space<vmem>>)
    %dma_start3A_99 = arith.constant 0 : i32
    %dma_start3A_100 = arith.constant 0 : i32
    %dma_start3A_101 = arith.constant 0 : i32
    %dma_start3A_102 = tpu.memref_slice %arg8[%dma_start3A_99, %dma_start3A_100, %dma_start3A_101] : memref<2x32x512xf32, #tpu.memory_space<vmem>> -> memref<1x32x512xf32, #tpu.memory_space<vmem>>
    %dma_start3A_103 = tpu.memref_squeeze %dma_start3A_102 : memref<1x32x512xf32, #tpu.memory_space<vmem>> -> memref<32x512xf32, #tpu.memory_space<vmem>>
    %dma_start3A_104 = arith.constant 64 : i32
    %dma_start3A_105 = tpu.memref_slice %arg6[%dma_start3A_104, %mul3A_2] : memref<96x16384xf32, #tpu.memory_space<hbm>> -> memref<32x512xf32, #tpu.memory_space<hbm>>
    %dma_start3A_106 = arith.constant 64 : i32
    %dma_start3A_107 = tpu.memref_slice %arg6[%dma_start3A_106, %mul3A_2] : memref<96x16384xf32, #tpu.memory_space<hbm>> -> memref<32x512xf32, #tpu.memory_space<hbm>>
    %dma_start3A_108 = arith.constant 0 : i32
    %dma_start3A_109 = arith.constant 0 : i32
    %dma_start3A_110 = tpu.memref_slice %arg8[%dma_start3A_99, %dma_start3A_108, %dma_start3A_109] : memref<2x32x512xf32, #tpu.memory_space<vmem>> -> memref<1x32x512xf32, #tpu.memory_space<vmem>>
    %dma_start3A_111 = tpu.memref_squeeze %dma_start3A_110 : memref<1x32x512xf32, #tpu.memory_space<vmem>> -> memref<32x512xf32, #tpu.memory_space<vmem>>
    tpu.enqueue_dma source(%dma_start3A_111 : memref<32x512xf32, #tpu.memory_space<vmem>>) target(%dma_start3A_107 : memref<32x512xf32, #tpu.memory_space<hbm>>) target_semaphore(%arg10 : memref<!tpu.dma_semaphore, #tpu.memory_space<semaphore_mem>>)
    %dma_wait3A_112 = arith.constant 1 : i32
    %dma_wait3A_113 = arith.constant 0 : i32
    %dma_wait3A_114 = arith.constant 0 : i32
    %dma_wait3A_115 = tpu.memref_slice %arg8[%dma_wait3A_112, %dma_wait3A_113, %dma_wait3A_114] : memref<2x32x512xf32, #tpu.memory_space<vmem>> -> memref<1x32x512xf32, #tpu.memory_space<vmem>>
    %dma_wait3A_116 = tpu.memref_squeeze %dma_wait3A_115 : memref<1x32x512xf32, #tpu.memory_space<vmem>> -> memref<32x512xf32, #tpu.memory_space<vmem>>
    %dma_wait3A_117 = arith.constant 32 : i32
    %dma_wait3A_118 = tpu.memref_slice %arg6[%dma_wait3A_117, %mul3A_2] : memref<96x16384xf32, #tpu.memory_space<hbm>> -> memref<32x512xf32, #tpu.memory_space<hbm>>
    %dma_wait3A_119 = arith.constant 32 : i32
    %dma_wait3A_120 = tpu.memref_slice %arg6[%dma_wait3A_119, %mul3A_2] : memref<96x16384xf32, #tpu.memory_space<hbm>> -> memref<32x512xf32, #tpu.memory_space<hbm>>
    %dma_wait3A_121 = arith.constant 0 : i32
    %dma_wait3A_122 = arith.constant 0 : i32
    %dma_wait3A_123 = tpu.memref_slice %arg8[%dma_wait3A_112, %dma_wait3A_121, %dma_wait3A_122] : memref<2x32x512xf32, #tpu.memory_space<vmem>> -> memref<1x32x512xf32, #tpu.memory_space<vmem>>
    %dma_wait3A_124 = tpu.memref_squeeze %dma_wait3A_123 : memref<1x32x512xf32, #tpu.memory_space<vmem>> -> memref<32x512xf32, #tpu.memory_space<vmem>>
    tpu.wait_dma2 semaphore(%arg10 : memref<!tpu.dma_semaphore, #tpu.memory_space<semaphore_mem>>) src(%dma_wait3A_124 : memref<32x512xf32, #tpu.memory_space<vmem>>) dst(%dma_wait3A_120 : memref<32x512xf32, #tpu.memory_space<hbm>>)
    %dma_wait3A_125 = arith.constant 0 : i32
    %dma_wait3A_126 = arith.constant 0 : i32
    %dma_wait3A_127 = arith.constant 0 : i32
    %dma_wait3A_128 = tpu.memref_slice %arg8[%dma_wait3A_125, %dma_wait3A_126, %dma_wait3A_127] : memref<2x32x512xf32, #tpu.memory_space<vmem>> -> memref<1x32x512xf32, #tpu.memory_space<vmem>>
    %dma_wait3A_129 = tpu.memref_squeeze %dma_wait3A_128 : memref<1x32x512xf32, #tpu.memory_space<vmem>> -> memref<32x512xf32, #tpu.memory_space<vmem>>
    %dma_wait3A_130 = arith.constant 64 : i32
    %dma_wait3A_131 = tpu.memref_slice %arg6[%dma_wait3A_130, %mul3A_2] : memref<96x16384xf32, #tpu.memory_space<hbm>> -> memref<32x512xf32, #tpu.memory_space<hbm>>
    %dma_wait3A_132 = arith.constant 64 : i32
    %dma_wait3A_133 = tpu.memref_slice %arg6[%dma_wait3A_132, %mul3A_2] : memref<96x16384xf32, #tpu.memory_space<hbm>> -> memref<32x512xf32, #tpu.memory_space<hbm>>
    %dma_wait3A_134 = arith.constant 0 : i32
    %dma_wait3A_135 = arith.constant 0 : i32
    %dma_wait3A_136 = tpu.memref_slice %arg8[%dma_wait3A_125, %dma_wait3A_134, %dma_wait3A_135] : memref<2x32x512xf32, #tpu.memory_space<vmem>> -> memref<1x32x512xf32, #tpu.memory_space<vmem>>
    %dma_wait3A_137 = tpu.memref_squeeze %dma_wait3A_136 : memref<1x32x512xf32, #tpu.memory_space<vmem>> -> memref<32x512xf32, #tpu.memory_space<vmem>>
    tpu.wait_dma2 semaphore(%arg10 : memref<!tpu.dma_semaphore, #tpu.memory_space<semaphore_mem>>) src(%dma_wait3A_137 : memref<32x512xf32, #tpu.memory_space<vmem>>) dst(%dma_wait3A_133 : memref<32x512xf32, #tpu.memory_space<hbm>>)
    return
  }
}

#map = affine_map<(d0, d1) -> (0, 0, 0)>
#map1 = affine_map<(d0, d1) -> (0, 0)>
module attributes {stable_mosaic.version = 14 : i64} {
  func.func @_lookup_t(%arg0: i32, %arg1: i32, %arg2: memref<32x3x512xi32, #tpu.memory_space<hbm>>, %arg3: memref<32x100000xf32, #tpu.memory_space<hbm>>, %arg4: memref<32x100000xf32, #tpu.memory_space<hbm>>, %arg5: memref<32x100000xf32, #tpu.memory_space<hbm>>, %arg6: memref<96x16384xf32, #tpu.memory_space<hbm>>, %arg7: memref<3x512xi32, #tpu.memory_space<vmem>>, %arg8: memref<2x32x512xf32, #tpu.memory_space<vmem>>, %arg9: memref<!tpu.dma_semaphore, #tpu.memory_space<semaphore_mem>>, %arg10: memref<!tpu.dma_semaphore, #tpu.memory_space<semaphore_mem>>) attributes {dimension_semantics = [#tpu.dimension_semantics<core_parallel>, #tpu.dimension_semantics<subcore_parallel>], iteration_bounds = array<i64: 2, 16>, scalar_prefetch = 0 : i64, scratch_operands = 4 : i64, tpu.core_type = #tpu.core_type<sc_vector_subcore>, window_params = [{transform_indices = #map}, {transform_indices = #map1}, {transform_indices = #map1}, {transform_indices = #map1}, {transform_indices = #map1}]} {
    %mul3A = arith.constant 2 : i32
    %mul3A_0 = arith.muli %arg1, %mul3A : i32
    %add3A = arith.addi %mul3A_0, %arg0 : i32
    %mul3A_1 = arith.constant 512 : i32
    %mul3A_2 = arith.muli %add3A, %mul3A_1 : i32
    "tpu.region"() ({
      %run_scoped3A = tpu.sem_alloc : memref<!tpu.dma_semaphore, #tpu.memory_space<semaphore_mem>>
      %dma_start3A_138 = arith.constant 0 : i32
      %dma_start3A_139 = arith.constant 0 : i32
      %dma_start3A_140 = tpu.memref_slice %arg2[%add3A, %dma_start3A_138, %dma_start3A_139] : memref<32x3x512xi32, #tpu.memory_space<hbm>> -> memref<1x3x512xi32, #tpu.memory_space<hbm>>
      %dma_start3A_141 = tpu.memref_squeeze %dma_start3A_140 : memref<1x3x512xi32, #tpu.memory_space<hbm>> -> memref<3x512xi32, #tpu.memory_space<hbm>>
      %dma_start3A_142 = arith.constant 0 : i32
      %dma_start3A_143 = arith.constant 0 : i32
      %dma_start3A_144 = tpu.memref_slice %arg2[%add3A, %dma_start3A_142, %dma_start3A_143] : memref<32x3x512xi32, #tpu.memory_space<hbm>> -> memref<1x3x512xi32, #tpu.memory_space<hbm>>
      %dma_start3A_145 = tpu.memref_squeeze %dma_start3A_144 : memref<1x3x512xi32, #tpu.memory_space<hbm>> -> memref<3x512xi32, #tpu.memory_space<hbm>>
      tpu.enqueue_dma source(%dma_start3A_145 : memref<3x512xi32, #tpu.memory_space<hbm>>) target(%arg7 : memref<3x512xi32, #tpu.memory_space<vmem>>) target_semaphore(%run_scoped3A : memref<!tpu.dma_semaphore, #tpu.memory_space<semaphore_mem>>)
      %dma_wait3A_146 = arith.constant 0 : i32
      %dma_wait3A_147 = arith.constant 0 : i32
      %dma_wait3A_148 = tpu.memref_slice %arg2[%add3A, %dma_wait3A_146, %dma_wait3A_147] : memref<32x3x512xi32, #tpu.memory_space<hbm>> -> memref<1x3x512xi32, #tpu.memory_space<hbm>>
      %dma_wait3A_149 = tpu.memref_squeeze %dma_wait3A_148 : memref<1x3x512xi32, #tpu.memory_space<hbm>> -> memref<3x512xi32, #tpu.memory_space<hbm>>
      %dma_wait3A_150 = arith.constant 0 : i32
      %dma_wait3A_151 = arith.constant 0 : i32
      %dma_wait3A_152 = tpu.memref_slice %arg2[%add3A, %dma_wait3A_150, %dma_wait3A_151] : memref<32x3x512xi32, #tpu.memory_space<hbm>> -> memref<1x3x512xi32, #tpu.memory_space<hbm>>
      %dma_wait3A_153 = tpu.memref_squeeze %dma_wait3A_152 : memref<1x3x512xi32, #tpu.memory_space<hbm>> -> memref<3x512xi32, #tpu.memory_space<hbm>>
      tpu.wait_dma2 semaphore(%run_scoped3A : memref<!tpu.dma_semaphore, #tpu.memory_space<semaphore_mem>>) src(%dma_wait3A_153 : memref<3x512xi32, #tpu.memory_space<hbm>>) dst(%arg7 : memref<3x512xi32, #tpu.memory_space<vmem>>)
      tpu.yield
    }) : () -> ()
    %scan3A = arith.constant 0 : i32
    %scan3A_3 = arith.constant 32 : i32
    %scan3A_4 = arith.addi %scan3A, %scan3A_3 : i32
    %scan3A_5 = arith.constant 1 : i32
    scf.for %scan3A_138 = %scan3A to %scan3A_4 step %scan3A_5  : i32 {
      %mul3A_139 = arith.constant 1 : i32
      %mul3A_140 = arith.muli %scan3A_138, %mul3A_139 : i32
      %add3A_141 = arith.constant 0 : i32
      %add3A_142 = arith.addi %add3A_141, %mul3A_140 : i32
      %dma_start3A_143 = arith.constant 0 : i32
      %dma_start3A_144 = arith.constant 0 : i32
      %dma_start3A_145 = arith.constant 0 : i32
      %dma_start3A_146 = tpu.memref_slice %arg8[%dma_start3A_144, %add3A_142, %dma_start3A_145] : memref<2x32x512xf32, #tpu.memory_space<vmem>> -> memref<1x1x512xf32, #tpu.memory_space<vmem>>
      %dma_start3A_147 = tpu.memref_squeeze %dma_start3A_146 : memref<1x1x512xf32, #tpu.memory_space<vmem>> -> memref<512xf32, #tpu.memory_space<vmem>>
      %dma_start3A_148 = arith.constant 0 : i32
      %dma_start3A_149 = tpu.memref_slice %arg7[%dma_start3A_143, %dma_start3A_148] : memref<3x512xi32, #tpu.memory_space<vmem>> -> memref<1x512xi32, #tpu.memory_space<vmem>>
      %dma_start3A_150 = tpu.memref_squeeze %dma_start3A_149 : memref<1x512xi32, #tpu.memory_space<vmem>> -> memref<512xi32, #tpu.memory_space<vmem>>
      %dma_start3A_151 = arith.constant 0 : i32
      %dma_start3A_152 = tpu.memref_slice %arg3[%add3A_142, %dma_start3A_151] : memref<32x100000xf32, #tpu.memory_space<hbm>> -> memref<1x100000xf32, #tpu.memory_space<hbm>>
      %dma_start3A_153 = tpu.memref_squeeze %dma_start3A_152 : memref<1x100000xf32, #tpu.memory_space<hbm>> -> memref<100000xf32, #tpu.memory_space<hbm>>
      %dma_start3A_154 = arith.constant 0 : i32
      %dma_start3A_155 = tpu.memref_slice %dma_start3A_153[%dma_start3A_154] : memref<100000xf32, #tpu.memory_space<hbm>> -> memref<100000xf32, #tpu.memory_space<hbm>>
      tpu.enqueue_indirect_dma source(%dma_start3A_155 : memref<100000xf32, #tpu.memory_space<hbm>>) target(%dma_start3A_147 : memref<512xf32, #tpu.memory_space<vmem>>) offsets(%dma_start3A_150 : memref<512xi32, #tpu.memory_space<vmem>>) semaphore(%arg9 : memref<!tpu.dma_semaphore, #tpu.memory_space<semaphore_mem>>)
    }
    %scan3A_6 = arith.constant 32 : i32
    %dma_wait3A = arith.constant 0 : i32
    %dma_wait3A_7 = arith.constant 0 : i32
    %dma_wait3A_8 = arith.constant 0 : i32
    %dma_wait3A_9 = tpu.memref_slice %arg8[%dma_wait3A, %dma_wait3A_7, %dma_wait3A_8] : memref<2x32x512xf32, #tpu.memory_space<vmem>> -> memref<1x32x512xf32, #tpu.memory_space<vmem>>
    %dma_wait3A_10 = tpu.memref_squeeze %dma_wait3A_9 : memref<1x32x512xf32, #tpu.memory_space<vmem>> -> memref<32x512xf32, #tpu.memory_space<vmem>>
    %dma_wait3A_11 = arith.constant 0 : i32
    %dma_wait3A_12 = arith.constant 0 : i32
    %dma_wait3A_13 = tpu.memref_slice %arg6[%dma_wait3A_11, %dma_wait3A_12] : memref<96x16384xf32, #tpu.memory_space<hbm>> -> memref<32x512xf32, #tpu.memory_space<hbm>>
    %dma_wait3A_14 = arith.constant 0 : i32
    %dma_wait3A_15 = arith.constant 0 : i32
    %dma_wait3A_16 = tpu.memref_slice %arg8[%dma_wait3A, %dma_wait3A_14, %dma_wait3A_15] : memref<2x32x512xf32, #tpu.memory_space<vmem>> -> memref<1x32x512xf32, #tpu.memory_space<vmem>>
    %dma_wait3A_17 = tpu.memref_squeeze %dma_wait3A_16 : memref<1x32x512xf32, #tpu.memory_space<vmem>> -> memref<32x512xf32, #tpu.memory_space<vmem>>
    %dma_wait3A_18 = arith.constant 0 : i32
    %dma_wait3A_19 = arith.constant 0 : i32
    %dma_wait3A_20 = tpu.memref_slice %arg6[%dma_wait3A_18, %dma_wait3A_19] : memref<96x16384xf32, #tpu.memory_space<hbm>> -> memref<32x512xf32, #tpu.memory_space<hbm>>
    tpu.wait_dma2 semaphore(%arg9 : memref<!tpu.dma_semaphore, #tpu.memory_space<semaphore_mem>>) src(%dma_wait3A_20 : memref<32x512xf32, #tpu.memory_space<hbm>>) dst(%dma_wait3A_17 : memref<32x512xf32, #tpu.memory_space<vmem>>)
    %dma_start3A = arith.constant 0 : i32
    %dma_start3A_21 = arith.constant 0 : i32
    %dma_start3A_22 = arith.constant 0 : i32
    %dma_start3A_23 = tpu.memref_slice %arg8[%dma_start3A, %dma_start3A_21, %dma_start3A_22] : memref<2x32x512xf32, #tpu.memory_space<vmem>> -> memref<1x32x512xf32, #tpu.memory_space<vmem>>
    %dma_start3A_24 = tpu.memref_squeeze %dma_start3A_23 : memref<1x32x512xf32, #tpu.memory_space<vmem>> -> memref<32x512xf32, #tpu.memory_space<vmem>>
    %dma_start3A_25 = arith.constant 0 : i32
    %dma_start3A_26 = tpu.memref_slice %arg6[%dma_start3A_25, %mul3A_2] : memref<96x16384xf32, #tpu.memory_space<hbm>> -> memref<32x512xf32, #tpu.memory_space<hbm>>
    %dma_start3A_27 = arith.constant 0 : i32
    %dma_start3A_28 = tpu.memref_slice %arg6[%dma_start3A_27, %mul3A_2] : memref<96x16384xf32, #tpu.memory_space<hbm>> -> memref<32x512xf32, #tpu.memory_space<hbm>>
    %dma_start3A_29 = arith.constant 0 : i32
    %dma_start3A_30 = arith.constant 0 : i32
    %dma_start3A_31 = tpu.memref_slice %arg8[%dma_start3A, %dma_start3A_29, %dma_start3A_30] : memref<2x32x512xf32, #tpu.memory_space<vmem>> -> memref<1x32x512xf32, #tpu.memory_space<vmem>>
    %dma_start3A_32 = tpu.memref_squeeze %dma_start3A_31 : memref<1x32x512xf32, #tpu.memory_space<vmem>> -> memref<32x512xf32, #tpu.memory_space<vmem>>
    tpu.enqueue_dma source(%dma_start3A_32 : memref<32x512xf32, #tpu.memory_space<vmem>>) target(%dma_start3A_28 : memref<32x512xf32, #tpu.memory_space<hbm>>) target_semaphore(%arg10 : memref<!tpu.dma_semaphore, #tpu.memory_space<semaphore_mem>>)
    %scan3A_33 = arith.constant 0 : i32
    %scan3A_34 = arith.constant 32 : i32
    %scan3A_35 = arith.addi %scan3A_33, %scan3A_34 : i32
    %scan3A_36 = arith.constant 1 : i32
    scf.for %scan3A_138 = %scan3A_33 to %scan3A_35 step %scan3A_36  : i32 {
      %mul3A_139 = arith.constant 1 : i32
      %mul3A_140 = arith.muli %scan3A_138, %mul3A_139 : i32
      %add3A_141 = arith.constant 0 : i32
      %add3A_142 = arith.addi %add3A_141, %mul3A_140 : i32
      %dma_start3A_143 = arith.constant 1 : i32
      %dma_start3A_144 = arith.constant 1 : i32
      %dma_start3A_145 = arith.constant 0 : i32
      %dma_start3A_146 = tpu.memref_slice %arg8[%dma_start3A_144, %add3A_142, %dma_start3A_145] : memref<2x32x512xf32, #tpu.memory_space<vmem>> -> memref<1x1x512xf32, #tpu.memory_space<vmem>>
      %dma_start3A_147 = tpu.memref_squeeze %dma_start3A_146 : memref<1x1x512xf32, #tpu.memory_space<vmem>> -> memref<512xf32, #tpu.memory_space<vmem>>
      %dma_start3A_148 = arith.constant 0 : i32
      %dma_start3A_149 = tpu.memref_slice %arg7[%dma_start3A_143, %dma_start3A_148] : memref<3x512xi32, #tpu.memory_space<vmem>> -> memref<1x512xi32, #tpu.memory_space<vmem>>
      %dma_start3A_150 = tpu.memref_squeeze %dma_start3A_149 : memref<1x512xi32, #tpu.memory_space<vmem>> -> memref<512xi32, #tpu.memory_space<vmem>>
      %dma_start3A_151 = arith.constant 0 : i32
      %dma_start3A_152 = tpu.memref_slice %arg4[%add3A_142, %dma_start3A_151] : memref<32x100000xf32, #tpu.memory_space<hbm>> -> memref<1x100000xf32, #tpu.memory_space<hbm>>
      %dma_start3A_153 = tpu.memref_squeeze %dma_start3A_152 : memref<1x100000xf32, #tpu.memory_space<hbm>> -> memref<100000xf32, #tpu.memory_space<hbm>>
      %dma_start3A_154 = arith.constant 0 : i32
      %dma_start3A_155 = tpu.memref_slice %dma_start3A_153[%dma_start3A_154] : memref<100000xf32, #tpu.memory_space<hbm>> -> memref<100000xf32, #tpu.memory_space<hbm>>
      tpu.enqueue_indirect_dma source(%dma_start3A_155 : memref<100000xf32, #tpu.memory_space<hbm>>) target(%dma_start3A_147 : memref<512xf32, #tpu.memory_space<vmem>>) offsets(%dma_start3A_150 : memref<512xi32, #tpu.memory_space<vmem>>) semaphore(%arg9 : memref<!tpu.dma_semaphore, #tpu.memory_space<semaphore_mem>>)
    }
    %scan3A_37 = arith.constant 32 : i32
    %dma_wait3A_38 = arith.constant 1 : i32
    %dma_wait3A_39 = arith.constant 0 : i32
    %dma_wait3A_40 = arith.constant 0 : i32
    %dma_wait3A_41 = tpu.memref_slice %arg8[%dma_wait3A_38, %dma_wait3A_39, %dma_wait3A_40] : memref<2x32x512xf32, #tpu.memory_space<vmem>> -> memref<1x32x512xf32, #tpu.memory_space<vmem>>
    %dma_wait3A_42 = tpu.memref_squeeze %dma_wait3A_41 : memref<1x32x512xf32, #tpu.memory_space<vmem>> -> memref<32x512xf32, #tpu.memory_space<vmem>>
    %dma_wait3A_43 = arith.constant 0 : i32
    %dma_wait3A_44 = arith.constant 0 : i32
    %dma_wait3A_45 = tpu.memref_slice %arg6[%dma_wait3A_43, %dma_wait3A_44] : memref<96x16384xf32, #tpu.memory_space<hbm>> -> memref<32x512xf32, #tpu.memory_space<hbm>>
    %dma_wait3A_46 = arith.constant 0 : i32
    %dma_wait3A_47 = arith.constant 0 : i32
    %dma_wait3A_48 = tpu.memref_slice %arg8[%dma_wait3A_38, %dma_wait3A_46, %dma_wait3A_47] : memref<2x32x512xf32, #tpu.memory_space<vmem>> -> memref<1x32x512xf32, #tpu.memory_space<vmem>>
    %dma_wait3A_49 = tpu.memref_squeeze %dma_wait3A_48 : memref<1x32x512xf32, #tpu.memory_space<vmem>> -> memref<32x512xf32, #tpu.memory_space<vmem>>
    %dma_wait3A_50 = arith.constant 0 : i32
    %dma_wait3A_51 = arith.constant 0 : i32
    %dma_wait3A_52 = tpu.memref_slice %arg6[%dma_wait3A_50, %dma_wait3A_51] : memref<96x16384xf32, #tpu.memory_space<hbm>> -> memref<32x512xf32, #tpu.memory_space<hbm>>
    tpu.wait_dma2 semaphore(%arg9 : memref<!tpu.dma_semaphore, #tpu.memory_space<semaphore_mem>>) src(%dma_wait3A_52 : memref<32x512xf32, #tpu.memory_space<hbm>>) dst(%dma_wait3A_49 : memref<32x512xf32, #tpu.memory_space<vmem>>)
    %dma_start3A_53 = arith.constant 1 : i32
    %dma_start3A_54 = arith.constant 0 : i32
    %dma_start3A_55 = arith.constant 0 : i32
    %dma_start3A_56 = tpu.memref_slice %arg8[%dma_start3A_53, %dma_start3A_54, %dma_start3A_55] : memref<2x32x512xf32, #tpu.memory_space<vmem>> -> memref<1x32x512xf32, #tpu.memory_space<vmem>>
    %dma_start3A_57 = tpu.memref_squeeze %dma_start3A_56 : memref<1x32x512xf32, #tpu.memory_space<vmem>> -> memref<32x512xf32, #tpu.memory_space<vmem>>
    %dma_start3A_58 = arith.constant 32 : i32
    %dma_start3A_59 = tpu.memref_slice %arg6[%dma_start3A_58, %mul3A_2] : memref<96x16384xf32, #tpu.memory_space<hbm>> -> memref<32x512xf32, #tpu.memory_space<hbm>>
    %dma_start3A_60 = arith.constant 32 : i32
    %dma_start3A_61 = tpu.memref_slice %arg6[%dma_start3A_60, %mul3A_2] : memref<96x16384xf32, #tpu.memory_space<hbm>> -> memref<32x512xf32, #tpu.memory_space<hbm>>
    %dma_start3A_62 = arith.constant 0 : i32
    %dma_start3A_63 = arith.constant 0 : i32
    %dma_start3A_64 = tpu.memref_slice %arg8[%dma_start3A_53, %dma_start3A_62, %dma_start3A_63] : memref<2x32x512xf32, #tpu.memory_space<vmem>> -> memref<1x32x512xf32, #tpu.memory_space<vmem>>
    %dma_start3A_65 = tpu.memref_squeeze %dma_start3A_64 : memref<1x32x512xf32, #tpu.memory_space<vmem>> -> memref<32x512xf32, #tpu.memory_space<vmem>>
    tpu.enqueue_dma source(%dma_start3A_65 : memref<32x512xf32, #tpu.memory_space<vmem>>) target(%dma_start3A_61 : memref<32x512xf32, #tpu.memory_space<hbm>>) target_semaphore(%arg10 : memref<!tpu.dma_semaphore, #tpu.memory_space<semaphore_mem>>)
    %dma_wait3A_66 = arith.constant 0 : i32
    %dma_wait3A_67 = arith.constant 0 : i32
    %dma_wait3A_68 = arith.constant 0 : i32
    %dma_wait3A_69 = tpu.memref_slice %arg8[%dma_wait3A_66, %dma_wait3A_67, %dma_wait3A_68] : memref<2x32x512xf32, #tpu.memory_space<vmem>> -> memref<1x32x512xf32, #tpu.memory_space<vmem>>
    %dma_wait3A_70 = tpu.memref_squeeze %dma_wait3A_69 : memref<1x32x512xf32, #tpu.memory_space<vmem>> -> memref<32x512xf32, #tpu.memory_space<vmem>>
    %dma_wait3A_71 = arith.constant 0 : i32
    %dma_wait3A_72 = tpu.memref_slice %arg6[%dma_wait3A_71, %mul3A_2] : memref<96x16384xf32, #tpu.memory_space<hbm>> -> memref<32x512xf32, #tpu.memory_space<hbm>>
    %dma_wait3A_73 = arith.constant 0 : i32
    %dma_wait3A_74 = tpu.memref_slice %arg6[%dma_wait3A_73, %mul3A_2] : memref<96x16384xf32, #tpu.memory_space<hbm>> -> memref<32x512xf32, #tpu.memory_space<hbm>>
    %dma_wait3A_75 = arith.constant 0 : i32
    %dma_wait3A_76 = arith.constant 0 : i32
    %dma_wait3A_77 = tpu.memref_slice %arg8[%dma_wait3A_66, %dma_wait3A_75, %dma_wait3A_76] : memref<2x32x512xf32, #tpu.memory_space<vmem>> -> memref<1x32x512xf32, #tpu.memory_space<vmem>>
    %dma_wait3A_78 = tpu.memref_squeeze %dma_wait3A_77 : memref<1x32x512xf32, #tpu.memory_space<vmem>> -> memref<32x512xf32, #tpu.memory_space<vmem>>
    tpu.wait_dma2 semaphore(%arg10 : memref<!tpu.dma_semaphore, #tpu.memory_space<semaphore_mem>>) src(%dma_wait3A_78 : memref<32x512xf32, #tpu.memory_space<vmem>>) dst(%dma_wait3A_74 : memref<32x512xf32, #tpu.memory_space<hbm>>)
    %scan3A_79 = arith.constant 0 : i32
    %scan3A_80 = arith.constant 32 : i32
    %scan3A_81 = arith.addi %scan3A_79, %scan3A_80 : i32
    %scan3A_82 = arith.constant 1 : i32
    scf.for %scan3A_138 = %scan3A_79 to %scan3A_81 step %scan3A_82  : i32 {
      %mul3A_139 = arith.constant 1 : i32
      %mul3A_140 = arith.muli %scan3A_138, %mul3A_139 : i32
      %add3A_141 = arith.constant 0 : i32
      %add3A_142 = arith.addi %add3A_141, %mul3A_140 : i32
      %dma_start3A_143 = arith.constant 2 : i32
      %dma_start3A_144 = arith.constant 0 : i32
      %dma_start3A_145 = arith.constant 0 : i32
      %dma_start3A_146 = tpu.memref_slice %arg8[%dma_start3A_144, %add3A_142, %dma_start3A_145] : memref<2x32x512xf32, #tpu.memory_space<vmem>> -> memref<1x1x512xf32, #tpu.memory_space<vmem>>
      %dma_start3A_147 = tpu.memref_squeeze %dma_start3A_146 : memref<1x1x512xf32, #tpu.memory_space<vmem>> -> memref<512xf32, #tpu.memory_space<vmem>>
      %dma_start3A_148 = arith.constant 0 : i32
      %dma_start3A_149 = tpu.memref_slice %arg7[%dma_start3A_143, %dma_start3A_148] : memref<3x512xi32, #tpu.memory_space<vmem>> -> memref<1x512xi32, #tpu.memory_space<vmem>>
      %dma_start3A_150 = tpu.memref_squeeze %dma_start3A_149 : memref<1x512xi32, #tpu.memory_space<vmem>> -> memref<512xi32, #tpu.memory_space<vmem>>
      %dma_start3A_151 = arith.constant 0 : i32
      %dma_start3A_152 = tpu.memref_slice %arg5[%add3A_142, %dma_start3A_151] : memref<32x100000xf32, #tpu.memory_space<hbm>> -> memref<1x100000xf32, #tpu.memory_space<hbm>>
      %dma_start3A_153 = tpu.memref_squeeze %dma_start3A_152 : memref<1x100000xf32, #tpu.memory_space<hbm>> -> memref<100000xf32, #tpu.memory_space<hbm>>
      %dma_start3A_154 = arith.constant 0 : i32
      %dma_start3A_155 = tpu.memref_slice %dma_start3A_153[%dma_start3A_154] : memref<100000xf32, #tpu.memory_space<hbm>> -> memref<100000xf32, #tpu.memory_space<hbm>>
      tpu.enqueue_indirect_dma source(%dma_start3A_155 : memref<100000xf32, #tpu.memory_space<hbm>>) target(%dma_start3A_147 : memref<512xf32, #tpu.memory_space<vmem>>) offsets(%dma_start3A_150 : memref<512xi32, #tpu.memory_space<vmem>>) semaphore(%arg9 : memref<!tpu.dma_semaphore, #tpu.memory_space<semaphore_mem>>)
    }
    %scan3A_83 = arith.constant 32 : i32
    %dma_wait3A_84 = arith.constant 0 : i32
    %dma_wait3A_85 = arith.constant 0 : i32
    %dma_wait3A_86 = arith.constant 0 : i32
    %dma_wait3A_87 = tpu.memref_slice %arg8[%dma_wait3A_84, %dma_wait3A_85, %dma_wait3A_86] : memref<2x32x512xf32, #tpu.memory_space<vmem>> -> memref<1x32x512xf32, #tpu.memory_space<vmem>>
    %dma_wait3A_88 = tpu.memref_squeeze %dma_wait3A_87 : memref<1x32x512xf32, #tpu.memory_space<vmem>> -> memref<32x512xf32, #tpu.memory_space<vmem>>
    %dma_wait3A_89 = arith.constant 0 : i32
    %dma_wait3A_90 = arith.constant 0 : i32
    %dma_wait3A_91 = tpu.memref_slice %arg6[%dma_wait3A_89, %dma_wait3A_90] : memref<96x16384xf32, #tpu.memory_space<hbm>> -> memref<32x512xf32, #tpu.memory_space<hbm>>
    %dma_wait3A_92 = arith.constant 0 : i32
    %dma_wait3A_93 = arith.constant 0 : i32
    %dma_wait3A_94 = tpu.memref_slice %arg8[%dma_wait3A_84, %dma_wait3A_92, %dma_wait3A_93] : memref<2x32x512xf32, #tpu.memory_space<vmem>> -> memref<1x32x512xf32, #tpu.memory_space<vmem>>
    %dma_wait3A_95 = tpu.memref_squeeze %dma_wait3A_94 : memref<1x32x512xf32, #tpu.memory_space<vmem>> -> memref<32x512xf32, #tpu.memory_space<vmem>>
    %dma_wait3A_96 = arith.constant 0 : i32
    %dma_wait3A_97 = arith.constant 0 : i32
    %dma_wait3A_98 = tpu.memref_slice %arg6[%dma_wait3A_96, %dma_wait3A_97] : memref<96x16384xf32, #tpu.memory_space<hbm>> -> memref<32x512xf32, #tpu.memory_space<hbm>>
    tpu.wait_dma2 semaphore(%arg9 : memref<!tpu.dma_semaphore, #tpu.memory_space<semaphore_mem>>) src(%dma_wait3A_98 : memref<32x512xf32, #tpu.memory_space<hbm>>) dst(%dma_wait3A_95 : memref<32x512xf32, #tpu.memory_space<vmem>>)
    %dma_start3A_99 = arith.constant 0 : i32
    %dma_start3A_100 = arith.constant 0 : i32
    %dma_start3A_101 = arith.constant 0 : i32
    %dma_start3A_102 = tpu.memref_slice %arg8[%dma_start3A_99, %dma_start3A_100, %dma_start3A_101] : memref<2x32x512xf32, #tpu.memory_space<vmem>> -> memref<1x32x512xf32, #tpu.memory_space<vmem>>
    %dma_start3A_103 = tpu.memref_squeeze %dma_start3A_102 : memref<1x32x512xf32, #tpu.memory_space<vmem>> -> memref<32x512xf32, #tpu.memory_space<vmem>>
    %dma_start3A_104 = arith.constant 64 : i32
    %dma_start3A_105 = tpu.memref_slice %arg6[%dma_start3A_104, %mul3A_2] : memref<96x16384xf32, #tpu.memory_space<hbm>> -> memref<32x512xf32, #tpu.memory_space<hbm>>
    %dma_start3A_106 = arith.constant 64 : i32
    %dma_start3A_107 = tpu.memref_slice %arg6[%dma_start3A_106, %mul3A_2] : memref<96x16384xf32, #tpu.memory_space<hbm>> -> memref<32x512xf32, #tpu.memory_space<hbm>>
    %dma_start3A_108 = arith.constant 0 : i32
    %dma_start3A_109 = arith.constant 0 : i32
    %dma_start3A_110 = tpu.memref_slice %arg8[%dma_start3A_99, %dma_start3A_108, %dma_start3A_109] : memref<2x32x512xf32, #tpu.memory_space<vmem>> -> memref<1x32x512xf32, #tpu.memory_space<vmem>>
    %dma_start3A_111 = tpu.memref_squeeze %dma_start3A_110 : memref<1x32x512xf32, #tpu.memory_space<vmem>> -> memref<32x512xf32, #tpu.memory_space<vmem>>
    tpu.enqueue_dma source(%dma_start3A_111 : memref<32x512xf32, #tpu.memory_space<vmem>>) target(%dma_start3A_107 : memref<32x512xf32, #tpu.memory_space<hbm>>) target_semaphore(%arg10 : memref<!tpu.dma_semaphore, #tpu.memory_space<semaphore_mem>>)
    %dma_wait3A_112 = arith.constant 1 : i32
    %dma_wait3A_113 = arith.constant 0 : i32
    %dma_wait3A_114 = arith.constant 0 : i32
    %dma_wait3A_115 = tpu.memref_slice %arg8[%dma_wait3A_112, %dma_wait3A_113, %dma_wait3A_114] : memref<2x32x512xf32, #tpu.memory_space<vmem>> -> memref<1x32x512xf32, #tpu.memory_space<vmem>>
    %dma_wait3A_116 = tpu.memref_squeeze %dma_wait3A_115 : memref<1x32x512xf32, #tpu.memory_space<vmem>> -> memref<32x512xf32, #tpu.memory_space<vmem>>
    %dma_wait3A_117 = arith.constant 32 : i32
    %dma_wait3A_118 = tpu.memref_slice %arg6[%dma_wait3A_117, %mul3A_2] : memref<96x16384xf32, #tpu.memory_space<hbm>> -> memref<32x512xf32, #tpu.memory_space<hbm>>
    %dma_wait3A_119 = arith.constant 32 : i32
    %dma_wait3A_120 = tpu.memref_slice %arg6[%dma_wait3A_119, %mul3A_2] : memref<96x16384xf32, #tpu.memory_space<hbm>> -> memref<32x512xf32, #tpu.memory_space<hbm>>
    %dma_wait3A_121 = arith.constant 0 : i32
    %dma_wait3A_122 = arith.constant 0 : i32
    %dma_wait3A_123 = tpu.memref_slice %arg8[%dma_wait3A_112, %dma_wait3A_121, %dma_wait3A_122] : memref<2x32x512xf32, #tpu.memory_space<vmem>> -> memref<1x32x512xf32, #tpu.memory_space<vmem>>
    %dma_wait3A_124 = tpu.memref_squeeze %dma_wait3A_123 : memref<1x32x512xf32, #tpu.memory_space<vmem>> -> memref<32x512xf32, #tpu.memory_space<vmem>>
    tpu.wait_dma2 semaphore(%arg10 : memref<!tpu.dma_semaphore, #tpu.memory_space<semaphore_mem>>) src(%dma_wait3A_124 : memref<32x512xf32, #tpu.memory_space<vmem>>) dst(%dma_wait3A_120 : memref<32x512xf32, #tpu.memory_space<hbm>>)
    %dma_wait3A_125 = arith.constant 0 : i32
    %dma_wait3A_126 = arith.constant 0 : i32
    %dma_wait3A_127 = arith.constant 0 : i32
    %dma_wait3A_128 = tpu.memref_slice %arg8[%dma_wait3A_125, %dma_wait3A_126, %dma_wait3A_127] : memref<2x32x512xf32, #tpu.memory_space<vmem>> -> memref<1x32x512xf32, #tpu.memory_space<vmem>>
    %dma_wait3A_129 = tpu.memref_squeeze %dma_wait3A_128 : memref<1x32x512xf32, #tpu.memory_space<vmem>> -> memref<32x512xf32, #tpu.memory_space<vmem>>
    %dma_wait3A_130 = arith.constant 64 : i32
    %dma_wait3A_131 = tpu.memref_slice %arg6[%dma_wait3A_130, %mul3A_2] : memref<96x16384xf32, #tpu.memory_space<hbm>> -> memref<32x512xf32, #tpu.memory_space<hbm>>
    %dma_wait3A_132 = arith.constant 64 : i32
    %dma_wait3A_133 = tpu.memref_slice %arg6[%dma_wait3A_132, %mul3A_2] : memref<96x16384xf32, #tpu.memory_space<hbm>> -> memref<32x512xf32, #tpu.memory_space<hbm>>
    %dma_wait3A_134 = arith.constant 0 : i32
    %dma_wait3A_135 = arith.constant 0 : i32
    %dma_wait3A_136 = tpu.memref_slice %arg8[%dma_wait3A_125, %dma_wait3A_134, %dma_wait3A_135] : memref<2x32x512xf32, #tpu.memory_space<vmem>> -> memref<1x32x512xf32, #tpu.memory_space<vmem>>
    %dma_wait3A_137 = tpu.memref_squeeze %dma_wait3A_136 : memref<1x32x512xf32, #tpu.memory_space<vmem>> -> memref<32x512xf32, #tpu.memory_space<vmem>>
    tpu.wait_dma2 semaphore(%arg10 : memref<!tpu.dma_semaphore, #tpu.memory_space<semaphore_mem>>) src(%dma_wait3A_137 : memref<32x512xf32, #tpu.memory_space<vmem>>) dst(%dma_wait3A_133 : memref<32x512xf32, #tpu.memory_space<hbm>>)
    return
  }
}

#map = affine_map<(d0, d1) -> (0, 0, 0)>
#map1 = affine_map<(d0, d1) -> (0, 0)>
module attributes {stable_mosaic.version = 14 : i64} {
  func.func @_lookup_t(%arg0: i32, %arg1: i32, %arg2: memref<32x3x512xi32, #tpu.memory_space<hbm>>, %arg3: memref<32x100000xf32, #tpu.memory_space<hbm>>, %arg4: memref<32x100000xf32, #tpu.memory_space<hbm>>, %arg5: memref<32x100000xf32, #tpu.memory_space<hbm>>, %arg6: memref<96x16384xf32, #tpu.memory_space<hbm>>, %arg7: memref<3x512xi32, #tpu.memory_space<vmem>>, %arg8: memref<2x32x512xf32, #tpu.memory_space<vmem>>, %arg9: memref<!tpu.dma_semaphore, #tpu.memory_space<semaphore_mem>>, %arg10: memref<!tpu.dma_semaphore, #tpu.memory_space<semaphore_mem>>) attributes {dimension_semantics = [#tpu.dimension_semantics<core_parallel>, #tpu.dimension_semantics<subcore_parallel>], iteration_bounds = array<i64: 2, 16>, scalar_prefetch = 0 : i64, scratch_operands = 4 : i64, tpu.core_type = #tpu.core_type<sc_vector_subcore>, window_params = [{transform_indices = #map}, {transform_indices = #map1}, {transform_indices = #map1}, {transform_indices = #map1}, {transform_indices = #map1}]} {
    %mul3A = arith.constant 2 : i32
    %mul3A_0 = arith.muli %arg1, %mul3A : i32
    %add3A = arith.addi %mul3A_0, %arg0 : i32
    %mul3A_1 = arith.constant 512 : i32
    %mul3A_2 = arith.muli %add3A, %mul3A_1 : i32
    "tpu.region"() ({
      %run_scoped3A = tpu.sem_alloc : memref<!tpu.dma_semaphore, #tpu.memory_space<semaphore_mem>>
      %dma_start3A_138 = arith.constant 0 : i32
      %dma_start3A_139 = arith.constant 0 : i32
      %dma_start3A_140 = tpu.memref_slice %arg2[%add3A, %dma_start3A_138, %dma_start3A_139] : memref<32x3x512xi32, #tpu.memory_space<hbm>> -> memref<1x3x512xi32, #tpu.memory_space<hbm>>
      %dma_start3A_141 = tpu.memref_squeeze %dma_start3A_140 : memref<1x3x512xi32, #tpu.memory_space<hbm>> -> memref<3x512xi32, #tpu.memory_space<hbm>>
      %dma_start3A_142 = arith.constant 0 : i32
      %dma_start3A_143 = arith.constant 0 : i32
      %dma_start3A_144 = tpu.memref_slice %arg2[%add3A, %dma_start3A_142, %dma_start3A_143] : memref<32x3x512xi32, #tpu.memory_space<hbm>> -> memref<1x3x512xi32, #tpu.memory_space<hbm>>
      %dma_start3A_145 = tpu.memref_squeeze %dma_start3A_144 : memref<1x3x512xi32, #tpu.memory_space<hbm>> -> memref<3x512xi32, #tpu.memory_space<hbm>>
      tpu.enqueue_dma source(%dma_start3A_145 : memref<3x512xi32, #tpu.memory_space<hbm>>) target(%arg7 : memref<3x512xi32, #tpu.memory_space<vmem>>) target_semaphore(%run_scoped3A : memref<!tpu.dma_semaphore, #tpu.memory_space<semaphore_mem>>)
      %dma_wait3A_146 = arith.constant 0 : i32
      %dma_wait3A_147 = arith.constant 0 : i32
      %dma_wait3A_148 = tpu.memref_slice %arg2[%add3A, %dma_wait3A_146, %dma_wait3A_147] : memref<32x3x512xi32, #tpu.memory_space<hbm>> -> memref<1x3x512xi32, #tpu.memory_space<hbm>>
      %dma_wait3A_149 = tpu.memref_squeeze %dma_wait3A_148 : memref<1x3x512xi32, #tpu.memory_space<hbm>> -> memref<3x512xi32, #tpu.memory_space<hbm>>
      %dma_wait3A_150 = arith.constant 0 : i32
      %dma_wait3A_151 = arith.constant 0 : i32
      %dma_wait3A_152 = tpu.memref_slice %arg2[%add3A, %dma_wait3A_150, %dma_wait3A_151] : memref<32x3x512xi32, #tpu.memory_space<hbm>> -> memref<1x3x512xi32, #tpu.memory_space<hbm>>
      %dma_wait3A_153 = tpu.memref_squeeze %dma_wait3A_152 : memref<1x3x512xi32, #tpu.memory_space<hbm>> -> memref<3x512xi32, #tpu.memory_space<hbm>>
      tpu.wait_dma2 semaphore(%run_scoped3A : memref<!tpu.dma_semaphore, #tpu.memory_space<semaphore_mem>>) src(%dma_wait3A_153 : memref<3x512xi32, #tpu.memory_space<hbm>>) dst(%arg7 : memref<3x512xi32, #tpu.memory_space<vmem>>)
      tpu.yield
    }) : () -> ()
    %scan3A = arith.constant 0 : i32
    %scan3A_3 = arith.constant 32 : i32
    %scan3A_4 = arith.addi %scan3A, %scan3A_3 : i32
    %scan3A_5 = arith.constant 1 : i32
    scf.for %scan3A_138 = %scan3A to %scan3A_4 step %scan3A_5  : i32 {
      %mul3A_139 = arith.constant 1 : i32
      %mul3A_140 = arith.muli %scan3A_138, %mul3A_139 : i32
      %add3A_141 = arith.constant 0 : i32
      %add3A_142 = arith.addi %add3A_141, %mul3A_140 : i32
      %dma_start3A_143 = arith.constant 0 : i32
      %dma_start3A_144 = arith.constant 0 : i32
      %dma_start3A_145 = arith.constant 0 : i32
      %dma_start3A_146 = tpu.memref_slice %arg8[%dma_start3A_144, %add3A_142, %dma_start3A_145] : memref<2x32x512xf32, #tpu.memory_space<vmem>> -> memref<1x1x512xf32, #tpu.memory_space<vmem>>
      %dma_start3A_147 = tpu.memref_squeeze %dma_start3A_146 : memref<1x1x512xf32, #tpu.memory_space<vmem>> -> memref<512xf32, #tpu.memory_space<vmem>>
      %dma_start3A_148 = arith.constant 0 : i32
      %dma_start3A_149 = tpu.memref_slice %arg7[%dma_start3A_143, %dma_start3A_148] : memref<3x512xi32, #tpu.memory_space<vmem>> -> memref<1x512xi32, #tpu.memory_space<vmem>>
      %dma_start3A_150 = tpu.memref_squeeze %dma_start3A_149 : memref<1x512xi32, #tpu.memory_space<vmem>> -> memref<512xi32, #tpu.memory_space<vmem>>
      %dma_start3A_151 = arith.constant 0 : i32
      %dma_start3A_152 = tpu.memref_slice %arg3[%add3A_142, %dma_start3A_151] : memref<32x100000xf32, #tpu.memory_space<hbm>> -> memref<1x100000xf32, #tpu.memory_space<hbm>>
      %dma_start3A_153 = tpu.memref_squeeze %dma_start3A_152 : memref<1x100000xf32, #tpu.memory_space<hbm>> -> memref<100000xf32, #tpu.memory_space<hbm>>
      %dma_start3A_154 = arith.constant 0 : i32
      %dma_start3A_155 = tpu.memref_slice %dma_start3A_153[%dma_start3A_154] : memref<100000xf32, #tpu.memory_space<hbm>> -> memref<100000xf32, #tpu.memory_space<hbm>>
      tpu.enqueue_indirect_dma source(%dma_start3A_155 : memref<100000xf32, #tpu.memory_space<hbm>>) target(%dma_start3A_147 : memref<512xf32, #tpu.memory_space<vmem>>) offsets(%dma_start3A_150 : memref<512xi32, #tpu.memory_space<vmem>>) semaphore(%arg9 : memref<!tpu.dma_semaphore, #tpu.memory_space<semaphore_mem>>)
    }
    %scan3A_6 = arith.constant 32 : i32
    %dma_wait3A = arith.constant 0 : i32
    %dma_wait3A_7 = arith.constant 0 : i32
    %dma_wait3A_8 = arith.constant 0 : i32
    %dma_wait3A_9 = tpu.memref_slice %arg8[%dma_wait3A, %dma_wait3A_7, %dma_wait3A_8] : memref<2x32x512xf32, #tpu.memory_space<vmem>> -> memref<1x32x512xf32, #tpu.memory_space<vmem>>
    %dma_wait3A_10 = tpu.memref_squeeze %dma_wait3A_9 : memref<1x32x512xf32, #tpu.memory_space<vmem>> -> memref<32x512xf32, #tpu.memory_space<vmem>>
    %dma_wait3A_11 = arith.constant 0 : i32
    %dma_wait3A_12 = arith.constant 0 : i32
    %dma_wait3A_13 = tpu.memref_slice %arg6[%dma_wait3A_11, %dma_wait3A_12] : memref<96x16384xf32, #tpu.memory_space<hbm>> -> memref<32x512xf32, #tpu.memory_space<hbm>>
    %dma_wait3A_14 = arith.constant 0 : i32
    %dma_wait3A_15 = arith.constant 0 : i32
    %dma_wait3A_16 = tpu.memref_slice %arg8[%dma_wait3A, %dma_wait3A_14, %dma_wait3A_15] : memref<2x32x512xf32, #tpu.memory_space<vmem>> -> memref<1x32x512xf32, #tpu.memory_space<vmem>>
    %dma_wait3A_17 = tpu.memref_squeeze %dma_wait3A_16 : memref<1x32x512xf32, #tpu.memory_space<vmem>> -> memref<32x512xf32, #tpu.memory_space<vmem>>
    %dma_wait3A_18 = arith.constant 0 : i32
    %dma_wait3A_19 = arith.constant 0 : i32
    %dma_wait3A_20 = tpu.memref_slice %arg6[%dma_wait3A_18, %dma_wait3A_19] : memref<96x16384xf32, #tpu.memory_space<hbm>> -> memref<32x512xf32, #tpu.memory_space<hbm>>
    tpu.wait_dma2 semaphore(%arg9 : memref<!tpu.dma_semaphore, #tpu.memory_space<semaphore_mem>>) src(%dma_wait3A_20 : memref<32x512xf32, #tpu.memory_space<hbm>>) dst(%dma_wait3A_17 : memref<32x512xf32, #tpu.memory_space<vmem>>)
    %dma_start3A = arith.constant 0 : i32
    %dma_start3A_21 = arith.constant 0 : i32
    %dma_start3A_22 = arith.constant 0 : i32
    %dma_start3A_23 = tpu.memref_slice %arg8[%dma_start3A, %dma_start3A_21, %dma_start3A_22] : memref<2x32x512xf32, #tpu.memory_space<vmem>> -> memref<1x32x512xf32, #tpu.memory_space<vmem>>
    %dma_start3A_24 = tpu.memref_squeeze %dma_start3A_23 : memref<1x32x512xf32, #tpu.memory_space<vmem>> -> memref<32x512xf32, #tpu.memory_space<vmem>>
    %dma_start3A_25 = arith.constant 0 : i32
    %dma_start3A_26 = tpu.memref_slice %arg6[%dma_start3A_25, %mul3A_2] : memref<96x16384xf32, #tpu.memory_space<hbm>> -> memref<32x512xf32, #tpu.memory_space<hbm>>
    %dma_start3A_27 = arith.constant 0 : i32
    %dma_start3A_28 = tpu.memref_slice %arg6[%dma_start3A_27, %mul3A_2] : memref<96x16384xf32, #tpu.memory_space<hbm>> -> memref<32x512xf32, #tpu.memory_space<hbm>>
    %dma_start3A_29 = arith.constant 0 : i32
    %dma_start3A_30 = arith.constant 0 : i32
    %dma_start3A_31 = tpu.memref_slice %arg8[%dma_start3A, %dma_start3A_29, %dma_start3A_30] : memref<2x32x512xf32, #tpu.memory_space<vmem>> -> memref<1x32x512xf32, #tpu.memory_space<vmem>>
    %dma_start3A_32 = tpu.memref_squeeze %dma_start3A_31 : memref<1x32x512xf32, #tpu.memory_space<vmem>> -> memref<32x512xf32, #tpu.memory_space<vmem>>
    tpu.enqueue_dma source(%dma_start3A_32 : memref<32x512xf32, #tpu.memory_space<vmem>>) target(%dma_start3A_28 : memref<32x512xf32, #tpu.memory_space<hbm>>) target_semaphore(%arg10 : memref<!tpu.dma_semaphore, #tpu.memory_space<semaphore_mem>>)
    %scan3A_33 = arith.constant 0 : i32
    %scan3A_34 = arith.constant 32 : i32
    %scan3A_35 = arith.addi %scan3A_33, %scan3A_34 : i32
    %scan3A_36 = arith.constant 1 : i32
    scf.for %scan3A_138 = %scan3A_33 to %scan3A_35 step %scan3A_36  : i32 {
      %mul3A_139 = arith.constant 1 : i32
      %mul3A_140 = arith.muli %scan3A_138, %mul3A_139 : i32
      %add3A_141 = arith.constant 0 : i32
      %add3A_142 = arith.addi %add3A_141, %mul3A_140 : i32
      %dma_start3A_143 = arith.constant 1 : i32
      %dma_start3A_144 = arith.constant 1 : i32
      %dma_start3A_145 = arith.constant 0 : i32
      %dma_start3A_146 = tpu.memref_slice %arg8[%dma_start3A_144, %add3A_142, %dma_start3A_145] : memref<2x32x512xf32, #tpu.memory_space<vmem>> -> memref<1x1x512xf32, #tpu.memory_space<vmem>>
      %dma_start3A_147 = tpu.memref_squeeze %dma_start3A_146 : memref<1x1x512xf32, #tpu.memory_space<vmem>> -> memref<512xf32, #tpu.memory_space<vmem>>
      %dma_start3A_148 = arith.constant 0 : i32
      %dma_start3A_149 = tpu.memref_slice %arg7[%dma_start3A_143, %dma_start3A_148] : memref<3x512xi32, #tpu.memory_space<vmem>> -> memref<1x512xi32, #tpu.memory_space<vmem>>
      %dma_start3A_150 = tpu.memref_squeeze %dma_start3A_149 : memref<1x512xi32, #tpu.memory_space<vmem>> -> memref<512xi32, #tpu.memory_space<vmem>>
      %dma_start3A_151 = arith.constant 0 : i32
      %dma_start3A_152 = tpu.memref_slice %arg4[%add3A_142, %dma_start3A_151] : memref<32x100000xf32, #tpu.memory_space<hbm>> -> memref<1x100000xf32, #tpu.memory_space<hbm>>
      %dma_start3A_153 = tpu.memref_squeeze %dma_start3A_152 : memref<1x100000xf32, #tpu.memory_space<hbm>> -> memref<100000xf32, #tpu.memory_space<hbm>>
      %dma_start3A_154 = arith.constant 0 : i32
      %dma_start3A_155 = tpu.memref_slice %dma_start3A_153[%dma_start3A_154] : memref<100000xf32, #tpu.memory_space<hbm>> -> memref<100000xf32, #tpu.memory_space<hbm>>
      tpu.enqueue_indirect_dma source(%dma_start3A_155 : memref<100000xf32, #tpu.memory_space<hbm>>) target(%dma_start3A_147 : memref<512xf32, #tpu.memory_space<vmem>>) offsets(%dma_start3A_150 : memref<512xi32, #tpu.memory_space<vmem>>) semaphore(%arg9 : memref<!tpu.dma_semaphore, #tpu.memory_space<semaphore_mem>>)
    }
    %scan3A_37 = arith.constant 32 : i32
    %dma_wait3A_38 = arith.constant 1 : i32
    %dma_wait3A_39 = arith.constant 0 : i32
    %dma_wait3A_40 = arith.constant 0 : i32
    %dma_wait3A_41 = tpu.memref_slice %arg8[%dma_wait3A_38, %dma_wait3A_39, %dma_wait3A_40] : memref<2x32x512xf32, #tpu.memory_space<vmem>> -> memref<1x32x512xf32, #tpu.memory_space<vmem>>
    %dma_wait3A_42 = tpu.memref_squeeze %dma_wait3A_41 : memref<1x32x512xf32, #tpu.memory_space<vmem>> -> memref<32x512xf32, #tpu.memory_space<vmem>>
    %dma_wait3A_43 = arith.constant 0 : i32
    %dma_wait3A_44 = arith.constant 0 : i32
    %dma_wait3A_45 = tpu.memref_slice %arg6[%dma_wait3A_43, %dma_wait3A_44] : memref<96x16384xf32, #tpu.memory_space<hbm>> -> memref<32x512xf32, #tpu.memory_space<hbm>>
    %dma_wait3A_46 = arith.constant 0 : i32
    %dma_wait3A_47 = arith.constant 0 : i32
    %dma_wait3A_48 = tpu.memref_slice %arg8[%dma_wait3A_38, %dma_wait3A_46, %dma_wait3A_47] : memref<2x32x512xf32, #tpu.memory_space<vmem>> -> memref<1x32x512xf32, #tpu.memory_space<vmem>>
    %dma_wait3A_49 = tpu.memref_squeeze %dma_wait3A_48 : memref<1x32x512xf32, #tpu.memory_space<vmem>> -> memref<32x512xf32, #tpu.memory_space<vmem>>
    %dma_wait3A_50 = arith.constant 0 : i32
    %dma_wait3A_51 = arith.constant 0 : i32
    %dma_wait3A_52 = tpu.memref_slice %arg6[%dma_wait3A_50, %dma_wait3A_51] : memref<96x16384xf32, #tpu.memory_space<hbm>> -> memref<32x512xf32, #tpu.memory_space<hbm>>
    tpu.wait_dma2 semaphore(%arg9 : memref<!tpu.dma_semaphore, #tpu.memory_space<semaphore_mem>>) src(%dma_wait3A_52 : memref<32x512xf32, #tpu.memory_space<hbm>>) dst(%dma_wait3A_49 : memref<32x512xf32, #tpu.memory_space<vmem>>)
    %dma_start3A_53 = arith.constant 1 : i32
    %dma_start3A_54 = arith.constant 0 : i32
    %dma_start3A_55 = arith.constant 0 : i32
    %dma_start3A_56 = tpu.memref_slice %arg8[%dma_start3A_53, %dma_start3A_54, %dma_start3A_55] : memref<2x32x512xf32, #tpu.memory_space<vmem>> -> memref<1x32x512xf32, #tpu.memory_space<vmem>>
    %dma_start3A_57 = tpu.memref_squeeze %dma_start3A_56 : memref<1x32x512xf32, #tpu.memory_space<vmem>> -> memref<32x512xf32, #tpu.memory_space<vmem>>
    %dma_start3A_58 = arith.constant 32 : i32
    %dma_start3A_59 = tpu.memref_slice %arg6[%dma_start3A_58, %mul3A_2] : memref<96x16384xf32, #tpu.memory_space<hbm>> -> memref<32x512xf32, #tpu.memory_space<hbm>>
    %dma_start3A_60 = arith.constant 32 : i32
    %dma_start3A_61 = tpu.memref_slice %arg6[%dma_start3A_60, %mul3A_2] : memref<96x16384xf32, #tpu.memory_space<hbm>> -> memref<32x512xf32, #tpu.memory_space<hbm>>
    %dma_start3A_62 = arith.constant 0 : i32
    %dma_start3A_63 = arith.constant 0 : i32
    %dma_start3A_64 = tpu.memref_slice %arg8[%dma_start3A_53, %dma_start3A_62, %dma_start3A_63] : memref<2x32x512xf32, #tpu.memory_space<vmem>> -> memref<1x32x512xf32, #tpu.memory_space<vmem>>
    %dma_start3A_65 = tpu.memref_squeeze %dma_start3A_64 : memref<1x32x512xf32, #tpu.memory_space<vmem>> -> memref<32x512xf32, #tpu.memory_space<vmem>>
    tpu.enqueue_dma source(%dma_start3A_65 : memref<32x512xf32, #tpu.memory_space<vmem>>) target(%dma_start3A_61 : memref<32x512xf32, #tpu.memory_space<hbm>>) target_semaphore(%arg10 : memref<!tpu.dma_semaphore, #tpu.memory_space<semaphore_mem>>)
    %dma_wait3A_66 = arith.constant 0 : i32
    %dma_wait3A_67 = arith.constant 0 : i32
    %dma_wait3A_68 = arith.constant 0 : i32
    %dma_wait3A_69 = tpu.memref_slice %arg8[%dma_wait3A_66, %dma_wait3A_67, %dma_wait3A_68] : memref<2x32x512xf32, #tpu.memory_space<vmem>> -> memref<1x32x512xf32, #tpu.memory_space<vmem>>
    %dma_wait3A_70 = tpu.memref_squeeze %dma_wait3A_69 : memref<1x32x512xf32, #tpu.memory_space<vmem>> -> memref<32x512xf32, #tpu.memory_space<vmem>>
    %dma_wait3A_71 = arith.constant 0 : i32
    %dma_wait3A_72 = tpu.memref_slice %arg6[%dma_wait3A_71, %mul3A_2] : memref<96x16384xf32, #tpu.memory_space<hbm>> -> memref<32x512xf32, #tpu.memory_space<hbm>>
    %dma_wait3A_73 = arith.constant 0 : i32
    %dma_wait3A_74 = tpu.memref_slice %arg6[%dma_wait3A_73, %mul3A_2] : memref<96x16384xf32, #tpu.memory_space<hbm>> -> memref<32x512xf32, #tpu.memory_space<hbm>>
    %dma_wait3A_75 = arith.constant 0 : i32
    %dma_wait3A_76 = arith.constant 0 : i32
    %dma_wait3A_77 = tpu.memref_slice %arg8[%dma_wait3A_66, %dma_wait3A_75, %dma_wait3A_76] : memref<2x32x512xf32, #tpu.memory_space<vmem>> -> memref<1x32x512xf32, #tpu.memory_space<vmem>>
    %dma_wait3A_78 = tpu.memref_squeeze %dma_wait3A_77 : memref<1x32x512xf32, #tpu.memory_space<vmem>> -> memref<32x512xf32, #tpu.memory_space<vmem>>
    tpu.wait_dma2 semaphore(%arg10 : memref<!tpu.dma_semaphore, #tpu.memory_space<semaphore_mem>>) src(%dma_wait3A_78 : memref<32x512xf32, #tpu.memory_space<vmem>>) dst(%dma_wait3A_74 : memref<32x512xf32, #tpu.memory_space<hbm>>)
    %scan3A_79 = arith.constant 0 : i32
    %scan3A_80 = arith.constant 32 : i32
    %scan3A_81 = arith.addi %scan3A_79, %scan3A_80 : i32
    %scan3A_82 = arith.constant 1 : i32
    scf.for %scan3A_138 = %scan3A_79 to %scan3A_81 step %scan3A_82  : i32 {
      %mul3A_139 = arith.constant 1 : i32
      %mul3A_140 = arith.muli %scan3A_138, %mul3A_139 : i32
      %add3A_141 = arith.constant 0 : i32
      %add3A_142 = arith.addi %add3A_141, %mul3A_140 : i32
      %dma_start3A_143 = arith.constant 2 : i32
      %dma_start3A_144 = arith.constant 0 : i32
      %dma_start3A_145 = arith.constant 0 : i32
      %dma_start3A_146 = tpu.memref_slice %arg8[%dma_start3A_144, %add3A_142, %dma_start3A_145] : memref<2x32x512xf32, #tpu.memory_space<vmem>> -> memref<1x1x512xf32, #tpu.memory_space<vmem>>
      %dma_start3A_147 = tpu.memref_squeeze %dma_start3A_146 : memref<1x1x512xf32, #tpu.memory_space<vmem>> -> memref<512xf32, #tpu.memory_space<vmem>>
      %dma_start3A_148 = arith.constant 0 : i32
      %dma_start3A_149 = tpu.memref_slice %arg7[%dma_start3A_143, %dma_start3A_148] : memref<3x512xi32, #tpu.memory_space<vmem>> -> memref<1x512xi32, #tpu.memory_space<vmem>>
      %dma_start3A_150 = tpu.memref_squeeze %dma_start3A_149 : memref<1x512xi32, #tpu.memory_space<vmem>> -> memref<512xi32, #tpu.memory_space<vmem>>
      %dma_start3A_151 = arith.constant 0 : i32
      %dma_start3A_152 = tpu.memref_slice %arg5[%add3A_142, %dma_start3A_151] : memref<32x100000xf32, #tpu.memory_space<hbm>> -> memref<1x100000xf32, #tpu.memory_space<hbm>>
      %dma_start3A_153 = tpu.memref_squeeze %dma_start3A_152 : memref<1x100000xf32, #tpu.memory_space<hbm>> -> memref<100000xf32, #tpu.memory_space<hbm>>
      %dma_start3A_154 = arith.constant 0 : i32
      %dma_start3A_155 = tpu.memref_slice %dma_start3A_153[%dma_start3A_154] : memref<100000xf32, #tpu.memory_space<hbm>> -> memref<100000xf32, #tpu.memory_space<hbm>>
      tpu.enqueue_indirect_dma source(%dma_start3A_155 : memref<100000xf32, #tpu.memory_space<hbm>>) target(%dma_start3A_147 : memref<512xf32, #tpu.memory_space<vmem>>) offsets(%dma_start3A_150 : memref<512xi32, #tpu.memory_space<vmem>>) semaphore(%arg9 : memref<!tpu.dma_semaphore, #tpu.memory_space<semaphore_mem>>)
    }
    %scan3A_83 = arith.constant 32 : i32
    %dma_wait3A_84 = arith.constant 0 : i32
    %dma_wait3A_85 = arith.constant 0 : i32
    %dma_wait3A_86 = arith.constant 0 : i32
    %dma_wait3A_87 = tpu.memref_slice %arg8[%dma_wait3A_84, %dma_wait3A_85, %dma_wait3A_86] : memref<2x32x512xf32, #tpu.memory_space<vmem>> -> memref<1x32x512xf32, #tpu.memory_space<vmem>>
    %dma_wait3A_88 = tpu.memref_squeeze %dma_wait3A_87 : memref<1x32x512xf32, #tpu.memory_space<vmem>> -> memref<32x512xf32, #tpu.memory_space<vmem>>
    %dma_wait3A_89 = arith.constant 0 : i32
    %dma_wait3A_90 = arith.constant 0 : i32
    %dma_wait3A_91 = tpu.memref_slice %arg6[%dma_wait3A_89, %dma_wait3A_90] : memref<96x16384xf32, #tpu.memory_space<hbm>> -> memref<32x512xf32, #tpu.memory_space<hbm>>
    %dma_wait3A_92 = arith.constant 0 : i32
    %dma_wait3A_93 = arith.constant 0 : i32
    %dma_wait3A_94 = tpu.memref_slice %arg8[%dma_wait3A_84, %dma_wait3A_92, %dma_wait3A_93] : memref<2x32x512xf32, #tpu.memory_space<vmem>> -> memref<1x32x512xf32, #tpu.memory_space<vmem>>
    %dma_wait3A_95 = tpu.memref_squeeze %dma_wait3A_94 : memref<1x32x512xf32, #tpu.memory_space<vmem>> -> memref<32x512xf32, #tpu.memory_space<vmem>>
    %dma_wait3A_96 = arith.constant 0 : i32
    %dma_wait3A_97 = arith.constant 0 : i32
    %dma_wait3A_98 = tpu.memref_slice %arg6[%dma_wait3A_96, %dma_wait3A_97] : memref<96x16384xf32, #tpu.memory_space<hbm>> -> memref<32x512xf32, #tpu.memory_space<hbm>>
    tpu.wait_dma2 semaphore(%arg9 : memref<!tpu.dma_semaphore, #tpu.memory_space<semaphore_mem>>) src(%dma_wait3A_98 : memref<32x512xf32, #tpu.memory_space<hbm>>) dst(%dma_wait3A_95 : memref<32x512xf32, #tpu.memory_space<vmem>>)
    %dma_start3A_99 = arith.constant 0 : i32
    %dma_start3A_100 = arith.constant 0 : i32
    %dma_start3A_101 = arith.constant 0 : i32
    %dma_start3A_102 = tpu.memref_slice %arg8[%dma_start3A_99, %dma_start3A_100, %dma_start3A_101] : memref<2x32x512xf32, #tpu.memory_space<vmem>> -> memref<1x32x512xf32, #tpu.memory_space<vmem>>
    %dma_start3A_103 = tpu.memref_squeeze %dma_start3A_102 : memref<1x32x512xf32, #tpu.memory_space<vmem>> -> memref<32x512xf32, #tpu.memory_space<vmem>>
    %dma_start3A_104 = arith.constant 64 : i32
    %dma_start3A_105 = tpu.memref_slice %arg6[%dma_start3A_104, %mul3A_2] : memref<96x16384xf32, #tpu.memory_space<hbm>> -> memref<32x512xf32, #tpu.memory_space<hbm>>
    %dma_start3A_106 = arith.constant 64 : i32
    %dma_start3A_107 = tpu.memref_slice %arg6[%dma_start3A_106, %mul3A_2] : memref<96x16384xf32, #tpu.memory_space<hbm>> -> memref<32x512xf32, #tpu.memory_space<hbm>>
    %dma_start3A_108 = arith.constant 0 : i32
    %dma_start3A_109 = arith.constant 0 : i32
    %dma_start3A_110 = tpu.memref_slice %arg8[%dma_start3A_99, %dma_start3A_108, %dma_start3A_109] : memref<2x32x512xf32, #tpu.memory_space<vmem>> -> memref<1x32x512xf32, #tpu.memory_space<vmem>>
    %dma_start3A_111 = tpu.memref_squeeze %dma_start3A_110 : memref<1x32x512xf32, #tpu.memory_space<vmem>> -> memref<32x512xf32, #tpu.memory_space<vmem>>
    tpu.enqueue_dma source(%dma_start3A_111 : memref<32x512xf32, #tpu.memory_space<vmem>>) target(%dma_start3A_107 : memref<32x512xf32, #tpu.memory_space<hbm>>) target_semaphore(%arg10 : memref<!tpu.dma_semaphore, #tpu.memory_space<semaphore_mem>>)
    %dma_wait3A_112 = arith.constant 1 : i32
    %dma_wait3A_113 = arith.constant 0 : i32
    %dma_wait3A_114 = arith.constant 0 : i32
    %dma_wait3A_115 = tpu.memref_slice %arg8[%dma_wait3A_112, %dma_wait3A_113, %dma_wait3A_114] : memref<2x32x512xf32, #tpu.memory_space<vmem>> -> memref<1x32x512xf32, #tpu.memory_space<vmem>>
    %dma_wait3A_116 = tpu.memref_squeeze %dma_wait3A_115 : memref<1x32x512xf32, #tpu.memory_space<vmem>> -> memref<32x512xf32, #tpu.memory_space<vmem>>
    %dma_wait3A_117 = arith.constant 32 : i32
    %dma_wait3A_118 = tpu.memref_slice %arg6[%dma_wait3A_117, %mul3A_2] : memref<96x16384xf32, #tpu.memory_space<hbm>> -> memref<32x512xf32, #tpu.memory_space<hbm>>
    %dma_wait3A_119 = arith.constant 32 : i32
    %dma_wait3A_120 = tpu.memref_slice %arg6[%dma_wait3A_119, %mul3A_2] : memref<96x16384xf32, #tpu.memory_space<hbm>> -> memref<32x512xf32, #tpu.memory_space<hbm>>
    %dma_wait3A_121 = arith.constant 0 : i32
    %dma_wait3A_122 = arith.constant 0 : i32
    %dma_wait3A_123 = tpu.memref_slice %arg8[%dma_wait3A_112, %dma_wait3A_121, %dma_wait3A_122] : memref<2x32x512xf32, #tpu.memory_space<vmem>> -> memref<1x32x512xf32, #tpu.memory_space<vmem>>
    %dma_wait3A_124 = tpu.memref_squeeze %dma_wait3A_123 : memref<1x32x512xf32, #tpu.memory_space<vmem>> -> memref<32x512xf32, #tpu.memory_space<vmem>>
    tpu.wait_dma2 semaphore(%arg10 : memref<!tpu.dma_semaphore, #tpu.memory_space<semaphore_mem>>) src(%dma_wait3A_124 : memref<32x512xf32, #tpu.memory_space<vmem>>) dst(%dma_wait3A_120 : memref<32x512xf32, #tpu.memory_space<hbm>>)
    %dma_wait3A_125 = arith.constant 0 : i32
    %dma_wait3A_126 = arith.constant 0 : i32
    %dma_wait3A_127 = arith.constant 0 : i32
    %dma_wait3A_128 = tpu.memref_slice %arg8[%dma_wait3A_125, %dma_wait3A_126, %dma_wait3A_127] : memref<2x32x512xf32, #tpu.memory_space<vmem>> -> memref<1x32x512xf32, #tpu.memory_space<vmem>>
    %dma_wait3A_129 = tpu.memref_squeeze %dma_wait3A_128 : memref<1x32x512xf32, #tpu.memory_space<vmem>> -> memref<32x512xf32, #tpu.memory_space<vmem>>
    %dma_wait3A_130 = arith.constant 64 : i32
    %dma_wait3A_131 = tpu.memref_slice %arg6[%dma_wait3A_130, %mul3A_2] : memref<96x16384xf32, #tpu.memory_space<hbm>> -> memref<32x512xf32, #tpu.memory_space<hbm>>
    %dma_wait3A_132 = arith.constant 64 : i32
    %dma_wait3A_133 = tpu.memref_slice %arg6[%dma_wait3A_132, %mul3A_2] : memref<96x16384xf32, #tpu.memory_space<hbm>> -> memref<32x512xf32, #tpu.memory_space<hbm>>
    %dma_wait3A_134 = arith.constant 0 : i32
    %dma_wait3A_135 = arith.constant 0 : i32
    %dma_wait3A_136 = tpu.memref_slice %arg8[%dma_wait3A_125, %dma_wait3A_134, %dma_wait3A_135] : memref<2x32x512xf32, #tpu.memory_space<vmem>> -> memref<1x32x512xf32, #tpu.memory_space<vmem>>
    %dma_wait3A_137 = tpu.memref_squeeze %dma_wait3A_136 : memref<1x32x512xf32, #tpu.memory_space<vmem>> -> memref<32x512xf32, #tpu.memory_space<vmem>>
    tpu.wait_dma2 semaphore(%arg10 : memref<!tpu.dma_semaphore, #tpu.memory_space<semaphore_mem>>) src(%dma_wait3A_137 : memref<32x512xf32, #tpu.memory_space<vmem>>) dst(%dma_wait3A_133 : memref<32x512xf32, #tpu.memory_space<hbm>>)
    return
  }
}

#map = affine_map<(d0, d1) -> (0, 0, 0)>
#map1 = affine_map<(d0, d1) -> (0, 0)>
module attributes {stable_mosaic.version = 14 : i64} {
  func.func @_lookup_t(%arg0: i32, %arg1: i32, %arg2: memref<32x3x512xi32, #tpu.memory_space<hbm>>, %arg3: memref<32x100000xf32, #tpu.memory_space<hbm>>, %arg4: memref<32x100000xf32, #tpu.memory_space<hbm>>, %arg5: memref<32x100000xf32, #tpu.memory_space<hbm>>, %arg6: memref<96x16384xf32, #tpu.memory_space<hbm>>, %arg7: memref<3x512xi32, #tpu.memory_space<vmem>>, %arg8: memref<2x32x512xf32, #tpu.memory_space<vmem>>, %arg9: memref<!tpu.dma_semaphore, #tpu.memory_space<semaphore_mem>>, %arg10: memref<!tpu.dma_semaphore, #tpu.memory_space<semaphore_mem>>) attributes {dimension_semantics = [#tpu.dimension_semantics<core_parallel>, #tpu.dimension_semantics<subcore_parallel>], iteration_bounds = array<i64: 2, 16>, scalar_prefetch = 0 : i64, scratch_operands = 4 : i64, tpu.core_type = #tpu.core_type<sc_vector_subcore>, window_params = [{transform_indices = #map}, {transform_indices = #map1}, {transform_indices = #map1}, {transform_indices = #map1}, {transform_indices = #map1}]} {
    %mul3A = arith.constant 2 : i32
    %mul3A_0 = arith.muli %arg1, %mul3A : i32
    %add3A = arith.addi %mul3A_0, %arg0 : i32
    %mul3A_1 = arith.constant 512 : i32
    %mul3A_2 = arith.muli %add3A, %mul3A_1 : i32
    "tpu.region"() ({
      %run_scoped3A = tpu.sem_alloc : memref<!tpu.dma_semaphore, #tpu.memory_space<semaphore_mem>>
      %dma_start3A_138 = arith.constant 0 : i32
      %dma_start3A_139 = arith.constant 0 : i32
      %dma_start3A_140 = tpu.memref_slice %arg2[%add3A, %dma_start3A_138, %dma_start3A_139] : memref<32x3x512xi32, #tpu.memory_space<hbm>> -> memref<1x3x512xi32, #tpu.memory_space<hbm>>
      %dma_start3A_141 = tpu.memref_squeeze %dma_start3A_140 : memref<1x3x512xi32, #tpu.memory_space<hbm>> -> memref<3x512xi32, #tpu.memory_space<hbm>>
      %dma_start3A_142 = arith.constant 0 : i32
      %dma_start3A_143 = arith.constant 0 : i32
      %dma_start3A_144 = tpu.memref_slice %arg2[%add3A, %dma_start3A_142, %dma_start3A_143] : memref<32x3x512xi32, #tpu.memory_space<hbm>> -> memref<1x3x512xi32, #tpu.memory_space<hbm>>
      %dma_start3A_145 = tpu.memref_squeeze %dma_start3A_144 : memref<1x3x512xi32, #tpu.memory_space<hbm>> -> memref<3x512xi32, #tpu.memory_space<hbm>>
      tpu.enqueue_dma source(%dma_start3A_145 : memref<3x512xi32, #tpu.memory_space<hbm>>) target(%arg7 : memref<3x512xi32, #tpu.memory_space<vmem>>) target_semaphore(%run_scoped3A : memref<!tpu.dma_semaphore, #tpu.memory_space<semaphore_mem>>)
      %dma_wait3A_146 = arith.constant 0 : i32
      %dma_wait3A_147 = arith.constant 0 : i32
      %dma_wait3A_148 = tpu.memref_slice %arg2[%add3A, %dma_wait3A_146, %dma_wait3A_147] : memref<32x3x512xi32, #tpu.memory_space<hbm>> -> memref<1x3x512xi32, #tpu.memory_space<hbm>>
      %dma_wait3A_149 = tpu.memref_squeeze %dma_wait3A_148 : memref<1x3x512xi32, #tpu.memory_space<hbm>> -> memref<3x512xi32, #tpu.memory_space<hbm>>
      %dma_wait3A_150 = arith.constant 0 : i32
      %dma_wait3A_151 = arith.constant 0 : i32
      %dma_wait3A_152 = tpu.memref_slice %arg2[%add3A, %dma_wait3A_150, %dma_wait3A_151] : memref<32x3x512xi32, #tpu.memory_space<hbm>> -> memref<1x3x512xi32, #tpu.memory_space<hbm>>
      %dma_wait3A_153 = tpu.memref_squeeze %dma_wait3A_152 : memref<1x3x512xi32, #tpu.memory_space<hbm>> -> memref<3x512xi32, #tpu.memory_space<hbm>>
      tpu.wait_dma2 semaphore(%run_scoped3A : memref<!tpu.dma_semaphore, #tpu.memory_space<semaphore_mem>>) src(%dma_wait3A_153 : memref<3x512xi32, #tpu.memory_space<hbm>>) dst(%arg7 : memref<3x512xi32, #tpu.memory_space<vmem>>)
      tpu.yield
    }) : () -> ()
    %scan3A = arith.constant 0 : i32
    %scan3A_3 = arith.constant 32 : i32
    %scan3A_4 = arith.addi %scan3A, %scan3A_3 : i32
    %scan3A_5 = arith.constant 1 : i32
    scf.for %scan3A_138 = %scan3A to %scan3A_4 step %scan3A_5  : i32 {
      %mul3A_139 = arith.constant 1 : i32
      %mul3A_140 = arith.muli %scan3A_138, %mul3A_139 : i32
      %add3A_141 = arith.constant 0 : i32
      %add3A_142 = arith.addi %add3A_141, %mul3A_140 : i32
      %dma_start3A_143 = arith.constant 0 : i32
      %dma_start3A_144 = arith.constant 0 : i32
      %dma_start3A_145 = arith.constant 0 : i32
      %dma_start3A_146 = tpu.memref_slice %arg8[%dma_start3A_144, %add3A_142, %dma_start3A_145] : memref<2x32x512xf32, #tpu.memory_space<vmem>> -> memref<1x1x512xf32, #tpu.memory_space<vmem>>
      %dma_start3A_147 = tpu.memref_squeeze %dma_start3A_146 : memref<1x1x512xf32, #tpu.memory_space<vmem>> -> memref<512xf32, #tpu.memory_space<vmem>>
      %dma_start3A_148 = arith.constant 0 : i32
      %dma_start3A_149 = tpu.memref_slice %arg7[%dma_start3A_143, %dma_start3A_148] : memref<3x512xi32, #tpu.memory_space<vmem>> -> memref<1x512xi32, #tpu.memory_space<vmem>>
      %dma_start3A_150 = tpu.memref_squeeze %dma_start3A_149 : memref<1x512xi32, #tpu.memory_space<vmem>> -> memref<512xi32, #tpu.memory_space<vmem>>
      %dma_start3A_151 = arith.constant 0 : i32
      %dma_start3A_152 = tpu.memref_slice %arg3[%add3A_142, %dma_start3A_151] : memref<32x100000xf32, #tpu.memory_space<hbm>> -> memref<1x100000xf32, #tpu.memory_space<hbm>>
      %dma_start3A_153 = tpu.memref_squeeze %dma_start3A_152 : memref<1x100000xf32, #tpu.memory_space<hbm>> -> memref<100000xf32, #tpu.memory_space<hbm>>
      %dma_start3A_154 = arith.constant 0 : i32
      %dma_start3A_155 = tpu.memref_slice %dma_start3A_153[%dma_start3A_154] : memref<100000xf32, #tpu.memory_space<hbm>> -> memref<100000xf32, #tpu.memory_space<hbm>>
      tpu.enqueue_indirect_dma source(%dma_start3A_155 : memref<100000xf32, #tpu.memory_space<hbm>>) target(%dma_start3A_147 : memref<512xf32, #tpu.memory_space<vmem>>) offsets(%dma_start3A_150 : memref<512xi32, #tpu.memory_space<vmem>>) semaphore(%arg9 : memref<!tpu.dma_semaphore, #tpu.memory_space<semaphore_mem>>)
    }
    %scan3A_6 = arith.constant 32 : i32
    %dma_wait3A = arith.constant 0 : i32
    %dma_wait3A_7 = arith.constant 0 : i32
    %dma_wait3A_8 = arith.constant 0 : i32
    %dma_wait3A_9 = tpu.memref_slice %arg8[%dma_wait3A, %dma_wait3A_7, %dma_wait3A_8] : memref<2x32x512xf32, #tpu.memory_space<vmem>> -> memref<1x32x512xf32, #tpu.memory_space<vmem>>
    %dma_wait3A_10 = tpu.memref_squeeze %dma_wait3A_9 : memref<1x32x512xf32, #tpu.memory_space<vmem>> -> memref<32x512xf32, #tpu.memory_space<vmem>>
    %dma_wait3A_11 = arith.constant 0 : i32
    %dma_wait3A_12 = arith.constant 0 : i32
    %dma_wait3A_13 = tpu.memref_slice %arg6[%dma_wait3A_11, %dma_wait3A_12] : memref<96x16384xf32, #tpu.memory_space<hbm>> -> memref<32x512xf32, #tpu.memory_space<hbm>>
    %dma_wait3A_14 = arith.constant 0 : i32
    %dma_wait3A_15 = arith.constant 0 : i32
    %dma_wait3A_16 = tpu.memref_slice %arg8[%dma_wait3A, %dma_wait3A_14, %dma_wait3A_15] : memref<2x32x512xf32, #tpu.memory_space<vmem>> -> memref<1x32x512xf32, #tpu.memory_space<vmem>>
    %dma_wait3A_17 = tpu.memref_squeeze %dma_wait3A_16 : memref<1x32x512xf32, #tpu.memory_space<vmem>> -> memref<32x512xf32, #tpu.memory_space<vmem>>
    %dma_wait3A_18 = arith.constant 0 : i32
    %dma_wait3A_19 = arith.constant 0 : i32
    %dma_wait3A_20 = tpu.memref_slice %arg6[%dma_wait3A_18, %dma_wait3A_19] : memref<96x16384xf32, #tpu.memory_space<hbm>> -> memref<32x512xf32, #tpu.memory_space<hbm>>
    tpu.wait_dma2 semaphore(%arg9 : memref<!tpu.dma_semaphore, #tpu.memory_space<semaphore_mem>>) src(%dma_wait3A_20 : memref<32x512xf32, #tpu.memory_space<hbm>>) dst(%dma_wait3A_17 : memref<32x512xf32, #tpu.memory_space<vmem>>)
    %dma_start3A = arith.constant 0 : i32
    %dma_start3A_21 = arith.constant 0 : i32
    %dma_start3A_22 = arith.constant 0 : i32
    %dma_start3A_23 = tpu.memref_slice %arg8[%dma_start3A, %dma_start3A_21, %dma_start3A_22] : memref<2x32x512xf32, #tpu.memory_space<vmem>> -> memref<1x32x512xf32, #tpu.memory_space<vmem>>
    %dma_start3A_24 = tpu.memref_squeeze %dma_start3A_23 : memref<1x32x512xf32, #tpu.memory_space<vmem>> -> memref<32x512xf32, #tpu.memory_space<vmem>>
    %dma_start3A_25 = arith.constant 0 : i32
    %dma_start3A_26 = tpu.memref_slice %arg6[%dma_start3A_25, %mul3A_2] : memref<96x16384xf32, #tpu.memory_space<hbm>> -> memref<32x512xf32, #tpu.memory_space<hbm>>
    %dma_start3A_27 = arith.constant 0 : i32
    %dma_start3A_28 = tpu.memref_slice %arg6[%dma_start3A_27, %mul3A_2] : memref<96x16384xf32, #tpu.memory_space<hbm>> -> memref<32x512xf32, #tpu.memory_space<hbm>>
    %dma_start3A_29 = arith.constant 0 : i32
    %dma_start3A_30 = arith.constant 0 : i32
    %dma_start3A_31 = tpu.memref_slice %arg8[%dma_start3A, %dma_start3A_29, %dma_start3A_30] : memref<2x32x512xf32, #tpu.memory_space<vmem>> -> memref<1x32x512xf32, #tpu.memory_space<vmem>>
    %dma_start3A_32 = tpu.memref_squeeze %dma_start3A_31 : memref<1x32x512xf32, #tpu.memory_space<vmem>> -> memref<32x512xf32, #tpu.memory_space<vmem>>
    tpu.enqueue_dma source(%dma_start3A_32 : memref<32x512xf32, #tpu.memory_space<vmem>>) target(%dma_start3A_28 : memref<32x512xf32, #tpu.memory_space<hbm>>) target_semaphore(%arg10 : memref<!tpu.dma_semaphore, #tpu.memory_space<semaphore_mem>>)
    %scan3A_33 = arith.constant 0 : i32
    %scan3A_34 = arith.constant 32 : i32
    %scan3A_35 = arith.addi %scan3A_33, %scan3A_34 : i32
    %scan3A_36 = arith.constant 1 : i32
    scf.for %scan3A_138 = %scan3A_33 to %scan3A_35 step %scan3A_36  : i32 {
      %mul3A_139 = arith.constant 1 : i32
      %mul3A_140 = arith.muli %scan3A_138, %mul3A_139 : i32
      %add3A_141 = arith.constant 0 : i32
      %add3A_142 = arith.addi %add3A_141, %mul3A_140 : i32
      %dma_start3A_143 = arith.constant 1 : i32
      %dma_start3A_144 = arith.constant 1 : i32
      %dma_start3A_145 = arith.constant 0 : i32
      %dma_start3A_146 = tpu.memref_slice %arg8[%dma_start3A_144, %add3A_142, %dma_start3A_145] : memref<2x32x512xf32, #tpu.memory_space<vmem>> -> memref<1x1x512xf32, #tpu.memory_space<vmem>>
      %dma_start3A_147 = tpu.memref_squeeze %dma_start3A_146 : memref<1x1x512xf32, #tpu.memory_space<vmem>> -> memref<512xf32, #tpu.memory_space<vmem>>
      %dma_start3A_148 = arith.constant 0 : i32
      %dma_start3A_149 = tpu.memref_slice %arg7[%dma_start3A_143, %dma_start3A_148] : memref<3x512xi32, #tpu.memory_space<vmem>> -> memref<1x512xi32, #tpu.memory_space<vmem>>
      %dma_start3A_150 = tpu.memref_squeeze %dma_start3A_149 : memref<1x512xi32, #tpu.memory_space<vmem>> -> memref<512xi32, #tpu.memory_space<vmem>>
      %dma_start3A_151 = arith.constant 0 : i32
      %dma_start3A_152 = tpu.memref_slice %arg4[%add3A_142, %dma_start3A_151] : memref<32x100000xf32, #tpu.memory_space<hbm>> -> memref<1x100000xf32, #tpu.memory_space<hbm>>
      %dma_start3A_153 = tpu.memref_squeeze %dma_start3A_152 : memref<1x100000xf32, #tpu.memory_space<hbm>> -> memref<100000xf32, #tpu.memory_space<hbm>>
      %dma_start3A_154 = arith.constant 0 : i32
      %dma_start3A_155 = tpu.memref_slice %dma_start3A_153[%dma_start3A_154] : memref<100000xf32, #tpu.memory_space<hbm>> -> memref<100000xf32, #tpu.memory_space<hbm>>
      tpu.enqueue_indirect_dma source(%dma_start3A_155 : memref<100000xf32, #tpu.memory_space<hbm>>) target(%dma_start3A_147 : memref<512xf32, #tpu.memory_space<vmem>>) offsets(%dma_start3A_150 : memref<512xi32, #tpu.memory_space<vmem>>) semaphore(%arg9 : memref<!tpu.dma_semaphore, #tpu.memory_space<semaphore_mem>>)
    }
    %scan3A_37 = arith.constant 32 : i32
    %dma_wait3A_38 = arith.constant 1 : i32
    %dma_wait3A_39 = arith.constant 0 : i32
    %dma_wait3A_40 = arith.constant 0 : i32
    %dma_wait3A_41 = tpu.memref_slice %arg8[%dma_wait3A_38, %dma_wait3A_39, %dma_wait3A_40] : memref<2x32x512xf32, #tpu.memory_space<vmem>> -> memref<1x32x512xf32, #tpu.memory_space<vmem>>
    %dma_wait3A_42 = tpu.memref_squeeze %dma_wait3A_41 : memref<1x32x512xf32, #tpu.memory_space<vmem>> -> memref<32x512xf32, #tpu.memory_space<vmem>>
    %dma_wait3A_43 = arith.constant 0 : i32
    %dma_wait3A_44 = arith.constant 0 : i32
    %dma_wait3A_45 = tpu.memref_slice %arg6[%dma_wait3A_43, %dma_wait3A_44] : memref<96x16384xf32, #tpu.memory_space<hbm>> -> memref<32x512xf32, #tpu.memory_space<hbm>>
    %dma_wait3A_46 = arith.constant 0 : i32
    %dma_wait3A_47 = arith.constant 0 : i32
    %dma_wait3A_48 = tpu.memref_slice %arg8[%dma_wait3A_38, %dma_wait3A_46, %dma_wait3A_47] : memref<2x32x512xf32, #tpu.memory_space<vmem>> -> memref<1x32x512xf32, #tpu.memory_space<vmem>>
    %dma_wait3A_49 = tpu.memref_squeeze %dma_wait3A_48 : memref<1x32x512xf32, #tpu.memory_space<vmem>> -> memref<32x512xf32, #tpu.memory_space<vmem>>
    %dma_wait3A_50 = arith.constant 0 : i32
    %dma_wait3A_51 = arith.constant 0 : i32
    %dma_wait3A_52 = tpu.memref_slice %arg6[%dma_wait3A_50, %dma_wait3A_51] : memref<96x16384xf32, #tpu.memory_space<hbm>> -> memref<32x512xf32, #tpu.memory_space<hbm>>
    tpu.wait_dma2 semaphore(%arg9 : memref<!tpu.dma_semaphore, #tpu.memory_space<semaphore_mem>>) src(%dma_wait3A_52 : memref<32x512xf32, #tpu.memory_space<hbm>>) dst(%dma_wait3A_49 : memref<32x512xf32, #tpu.memory_space<vmem>>)
    %dma_start3A_53 = arith.constant 1 : i32
    %dma_start3A_54 = arith.constant 0 : i32
    %dma_start3A_55 = arith.constant 0 : i32
    %dma_start3A_56 = tpu.memref_slice %arg8[%dma_start3A_53, %dma_start3A_54, %dma_start3A_55] : memref<2x32x512xf32, #tpu.memory_space<vmem>> -> memref<1x32x512xf32, #tpu.memory_space<vmem>>
    %dma_start3A_57 = tpu.memref_squeeze %dma_start3A_56 : memref<1x32x512xf32, #tpu.memory_space<vmem>> -> memref<32x512xf32, #tpu.memory_space<vmem>>
    %dma_start3A_58 = arith.constant 32 : i32
    %dma_start3A_59 = tpu.memref_slice %arg6[%dma_start3A_58, %mul3A_2] : memref<96x16384xf32, #tpu.memory_space<hbm>> -> memref<32x512xf32, #tpu.memory_space<hbm>>
    %dma_start3A_60 = arith.constant 32 : i32
    %dma_start3A_61 = tpu.memref_slice %arg6[%dma_start3A_60, %mul3A_2] : memref<96x16384xf32, #tpu.memory_space<hbm>> -> memref<32x512xf32, #tpu.memory_space<hbm>>
    %dma_start3A_62 = arith.constant 0 : i32
    %dma_start3A_63 = arith.constant 0 : i32
    %dma_start3A_64 = tpu.memref_slice %arg8[%dma_start3A_53, %dma_start3A_62, %dma_start3A_63] : memref<2x32x512xf32, #tpu.memory_space<vmem>> -> memref<1x32x512xf32, #tpu.memory_space<vmem>>
    %dma_start3A_65 = tpu.memref_squeeze %dma_start3A_64 : memref<1x32x512xf32, #tpu.memory_space<vmem>> -> memref<32x512xf32, #tpu.memory_space<vmem>>
    tpu.enqueue_dma source(%dma_start3A_65 : memref<32x512xf32, #tpu.memory_space<vmem>>) target(%dma_start3A_61 : memref<32x512xf32, #tpu.memory_space<hbm>>) target_semaphore(%arg10 : memref<!tpu.dma_semaphore, #tpu.memory_space<semaphore_mem>>)
    %dma_wait3A_66 = arith.constant 0 : i32
    %dma_wait3A_67 = arith.constant 0 : i32
    %dma_wait3A_68 = arith.constant 0 : i32
    %dma_wait3A_69 = tpu.memref_slice %arg8[%dma_wait3A_66, %dma_wait3A_67, %dma_wait3A_68] : memref<2x32x512xf32, #tpu.memory_space<vmem>> -> memref<1x32x512xf32, #tpu.memory_space<vmem>>
    %dma_wait3A_70 = tpu.memref_squeeze %dma_wait3A_69 : memref<1x32x512xf32, #tpu.memory_space<vmem>> -> memref<32x512xf32, #tpu.memory_space<vmem>>
    %dma_wait3A_71 = arith.constant 0 : i32
    %dma_wait3A_72 = tpu.memref_slice %arg6[%dma_wait3A_71, %mul3A_2] : memref<96x16384xf32, #tpu.memory_space<hbm>> -> memref<32x512xf32, #tpu.memory_space<hbm>>
    %dma_wait3A_73 = arith.constant 0 : i32
    %dma_wait3A_74 = tpu.memref_slice %arg6[%dma_wait3A_73, %mul3A_2] : memref<96x16384xf32, #tpu.memory_space<hbm>> -> memref<32x512xf32, #tpu.memory_space<hbm>>
    %dma_wait3A_75 = arith.constant 0 : i32
    %dma_wait3A_76 = arith.constant 0 : i32
    %dma_wait3A_77 = tpu.memref_slice %arg8[%dma_wait3A_66, %dma_wait3A_75, %dma_wait3A_76] : memref<2x32x512xf32, #tpu.memory_space<vmem>> -> memref<1x32x512xf32, #tpu.memory_space<vmem>>
    %dma_wait3A_78 = tpu.memref_squeeze %dma_wait3A_77 : memref<1x32x512xf32, #tpu.memory_space<vmem>> -> memref<32x512xf32, #tpu.memory_space<vmem>>
    tpu.wait_dma2 semaphore(%arg10 : memref<!tpu.dma_semaphore, #tpu.memory_space<semaphore_mem>>) src(%dma_wait3A_78 : memref<32x512xf32, #tpu.memory_space<vmem>>) dst(%dma_wait3A_74 : memref<32x512xf32, #tpu.memory_space<hbm>>)
    %scan3A_79 = arith.constant 0 : i32
    %scan3A_80 = arith.constant 32 : i32
    %scan3A_81 = arith.addi %scan3A_79, %scan3A_80 : i32
    %scan3A_82 = arith.constant 1 : i32
    scf.for %scan3A_138 = %scan3A_79 to %scan3A_81 step %scan3A_82  : i32 {
      %mul3A_139 = arith.constant 1 : i32
      %mul3A_140 = arith.muli %scan3A_138, %mul3A_139 : i32
      %add3A_141 = arith.constant 0 : i32
      %add3A_142 = arith.addi %add3A_141, %mul3A_140 : i32
      %dma_start3A_143 = arith.constant 2 : i32
      %dma_start3A_144 = arith.constant 0 : i32
      %dma_start3A_145 = arith.constant 0 : i32
      %dma_start3A_146 = tpu.memref_slice %arg8[%dma_start3A_144, %add3A_142, %dma_start3A_145] : memref<2x32x512xf32, #tpu.memory_space<vmem>> -> memref<1x1x512xf32, #tpu.memory_space<vmem>>
      %dma_start3A_147 = tpu.memref_squeeze %dma_start3A_146 : memref<1x1x512xf32, #tpu.memory_space<vmem>> -> memref<512xf32, #tpu.memory_space<vmem>>
      %dma_start3A_148 = arith.constant 0 : i32
      %dma_start3A_149 = tpu.memref_slice %arg7[%dma_start3A_143, %dma_start3A_148] : memref<3x512xi32, #tpu.memory_space<vmem>> -> memref<1x512xi32, #tpu.memory_space<vmem>>
      %dma_start3A_150 = tpu.memref_squeeze %dma_start3A_149 : memref<1x512xi32, #tpu.memory_space<vmem>> -> memref<512xi32, #tpu.memory_space<vmem>>
      %dma_start3A_151 = arith.constant 0 : i32
      %dma_start3A_152 = tpu.memref_slice %arg5[%add3A_142, %dma_start3A_151] : memref<32x100000xf32, #tpu.memory_space<hbm>> -> memref<1x100000xf32, #tpu.memory_space<hbm>>
      %dma_start3A_153 = tpu.memref_squeeze %dma_start3A_152 : memref<1x100000xf32, #tpu.memory_space<hbm>> -> memref<100000xf32, #tpu.memory_space<hbm>>
      %dma_start3A_154 = arith.constant 0 : i32
      %dma_start3A_155 = tpu.memref_slice %dma_start3A_153[%dma_start3A_154] : memref<100000xf32, #tpu.memory_space<hbm>> -> memref<100000xf32, #tpu.memory_space<hbm>>
      tpu.enqueue_indirect_dma source(%dma_start3A_155 : memref<100000xf32, #tpu.memory_space<hbm>>) target(%dma_start3A_147 : memref<512xf32, #tpu.memory_space<vmem>>) offsets(%dma_start3A_150 : memref<512xi32, #tpu.memory_space<vmem>>) semaphore(%arg9 : memref<!tpu.dma_semaphore, #tpu.memory_space<semaphore_mem>>)
    }
    %scan3A_83 = arith.constant 32 : i32
    %dma_wait3A_84 = arith.constant 0 : i32
    %dma_wait3A_85 = arith.constant 0 : i32
    %dma_wait3A_86 = arith.constant 0 : i32
    %dma_wait3A_87 = tpu.memref_slice %arg8[%dma_wait3A_84, %dma_wait3A_85, %dma_wait3A_86] : memref<2x32x512xf32, #tpu.memory_space<vmem>> -> memref<1x32x512xf32, #tpu.memory_space<vmem>>
    %dma_wait3A_88 = tpu.memref_squeeze %dma_wait3A_87 : memref<1x32x512xf32, #tpu.memory_space<vmem>> -> memref<32x512xf32, #tpu.memory_space<vmem>>
    %dma_wait3A_89 = arith.constant 0 : i32
    %dma_wait3A_90 = arith.constant 0 : i32
    %dma_wait3A_91 = tpu.memref_slice %arg6[%dma_wait3A_89, %dma_wait3A_90] : memref<96x16384xf32, #tpu.memory_space<hbm>> -> memref<32x512xf32, #tpu.memory_space<hbm>>
    %dma_wait3A_92 = arith.constant 0 : i32
    %dma_wait3A_93 = arith.constant 0 : i32
    %dma_wait3A_94 = tpu.memref_slice %arg8[%dma_wait3A_84, %dma_wait3A_92, %dma_wait3A_93] : memref<2x32x512xf32, #tpu.memory_space<vmem>> -> memref<1x32x512xf32, #tpu.memory_space<vmem>>
    %dma_wait3A_95 = tpu.memref_squeeze %dma_wait3A_94 : memref<1x32x512xf32, #tpu.memory_space<vmem>> -> memref<32x512xf32, #tpu.memory_space<vmem>>
    %dma_wait3A_96 = arith.constant 0 : i32
    %dma_wait3A_97 = arith.constant 0 : i32
    %dma_wait3A_98 = tpu.memref_slice %arg6[%dma_wait3A_96, %dma_wait3A_97] : memref<96x16384xf32, #tpu.memory_space<hbm>> -> memref<32x512xf32, #tpu.memory_space<hbm>>
    tpu.wait_dma2 semaphore(%arg9 : memref<!tpu.dma_semaphore, #tpu.memory_space<semaphore_mem>>) src(%dma_wait3A_98 : memref<32x512xf32, #tpu.memory_space<hbm>>) dst(%dma_wait3A_95 : memref<32x512xf32, #tpu.memory_space<vmem>>)
    %dma_start3A_99 = arith.constant 0 : i32
    %dma_start3A_100 = arith.constant 0 : i32
    %dma_start3A_101 = arith.constant 0 : i32
    %dma_start3A_102 = tpu.memref_slice %arg8[%dma_start3A_99, %dma_start3A_100, %dma_start3A_101] : memref<2x32x512xf32, #tpu.memory_space<vmem>> -> memref<1x32x512xf32, #tpu.memory_space<vmem>>
    %dma_start3A_103 = tpu.memref_squeeze %dma_start3A_102 : memref<1x32x512xf32, #tpu.memory_space<vmem>> -> memref<32x512xf32, #tpu.memory_space<vmem>>
    %dma_start3A_104 = arith.constant 64 : i32
    %dma_start3A_105 = tpu.memref_slice %arg6[%dma_start3A_104, %mul3A_2] : memref<96x16384xf32, #tpu.memory_space<hbm>> -> memref<32x512xf32, #tpu.memory_space<hbm>>
    %dma_start3A_106 = arith.constant 64 : i32
    %dma_start3A_107 = tpu.memref_slice %arg6[%dma_start3A_106, %mul3A_2] : memref<96x16384xf32, #tpu.memory_space<hbm>> -> memref<32x512xf32, #tpu.memory_space<hbm>>
    %dma_start3A_108 = arith.constant 0 : i32
    %dma_start3A_109 = arith.constant 0 : i32
    %dma_start3A_110 = tpu.memref_slice %arg8[%dma_start3A_99, %dma_start3A_108, %dma_start3A_109] : memref<2x32x512xf32, #tpu.memory_space<vmem>> -> memref<1x32x512xf32, #tpu.memory_space<vmem>>
    %dma_start3A_111 = tpu.memref_squeeze %dma_start3A_110 : memref<1x32x512xf32, #tpu.memory_space<vmem>> -> memref<32x512xf32, #tpu.memory_space<vmem>>
    tpu.enqueue_dma source(%dma_start3A_111 : memref<32x512xf32, #tpu.memory_space<vmem>>) target(%dma_start3A_107 : memref<32x512xf32, #tpu.memory_space<hbm>>) target_semaphore(%arg10 : memref<!tpu.dma_semaphore, #tpu.memory_space<semaphore_mem>>)
    %dma_wait3A_112 = arith.constant 1 : i32
    %dma_wait3A_113 = arith.constant 0 : i32
    %dma_wait3A_114 = arith.constant 0 : i32
    %dma_wait3A_115 = tpu.memref_slice %arg8[%dma_wait3A_112, %dma_wait3A_113, %dma_wait3A_114] : memref<2x32x512xf32, #tpu.memory_space<vmem>> -> memref<1x32x512xf32, #tpu.memory_space<vmem>>
    %dma_wait3A_116 = tpu.memref_squeeze %dma_wait3A_115 : memref<1x32x512xf32, #tpu.memory_space<vmem>> -> memref<32x512xf32, #tpu.memory_space<vmem>>
    %dma_wait3A_117 = arith.constant 32 : i32
    %dma_wait3A_118 = tpu.memref_slice %arg6[%dma_wait3A_117, %mul3A_2] : memref<96x16384xf32, #tpu.memory_space<hbm>> -> memref<32x512xf32, #tpu.memory_space<hbm>>
    %dma_wait3A_119 = arith.constant 32 : i32
    %dma_wait3A_120 = tpu.memref_slice %arg6[%dma_wait3A_119, %mul3A_2] : memref<96x16384xf32, #tpu.memory_space<hbm>> -> memref<32x512xf32, #tpu.memory_space<hbm>>
    %dma_wait3A_121 = arith.constant 0 : i32
    %dma_wait3A_122 = arith.constant 0 : i32
    %dma_wait3A_123 = tpu.memref_slice %arg8[%dma_wait3A_112, %dma_wait3A_121, %dma_wait3A_122] : memref<2x32x512xf32, #tpu.memory_space<vmem>> -> memref<1x32x512xf32, #tpu.memory_space<vmem>>
    %dma_wait3A_124 = tpu.memref_squeeze %dma_wait3A_123 : memref<1x32x512xf32, #tpu.memory_space<vmem>> -> memref<32x512xf32, #tpu.memory_space<vmem>>
    tpu.wait_dma2 semaphore(%arg10 : memref<!tpu.dma_semaphore, #tpu.memory_space<semaphore_mem>>) src(%dma_wait3A_124 : memref<32x512xf32, #tpu.memory_space<vmem>>) dst(%dma_wait3A_120 : memref<32x512xf32, #tpu.memory_space<hbm>>)
    %dma_wait3A_125 = arith.constant 0 : i32
    %dma_wait3A_126 = arith.constant 0 : i32
    %dma_wait3A_127 = arith.constant 0 : i32
    %dma_wait3A_128 = tpu.memref_slice %arg8[%dma_wait3A_125, %dma_wait3A_126, %dma_wait3A_127] : memref<2x32x512xf32, #tpu.memory_space<vmem>> -> memref<1x32x512xf32, #tpu.memory_space<vmem>>
    %dma_wait3A_129 = tpu.memref_squeeze %dma_wait3A_128 : memref<1x32x512xf32, #tpu.memory_space<vmem>> -> memref<32x512xf32, #tpu.memory_space<vmem>>
    %dma_wait3A_130 = arith.constant 64 : i32
    %dma_wait3A_131 = tpu.memref_slice %arg6[%dma_wait3A_130, %mul3A_2] : memref<96x16384xf32, #tpu.memory_space<hbm>> -> memref<32x512xf32, #tpu.memory_space<hbm>>
    %dma_wait3A_132 = arith.constant 64 : i32
    %dma_wait3A_133 = tpu.memref_slice %arg6[%dma_wait3A_132, %mul3A_2] : memref<96x16384xf32, #tpu.memory_space<hbm>> -> memref<32x512xf32, #tpu.memory_space<hbm>>
    %dma_wait3A_134 = arith.constant 0 : i32
    %dma_wait3A_135 = arith.constant 0 : i32
    %dma_wait3A_136 = tpu.memref_slice %arg8[%dma_wait3A_125, %dma_wait3A_134, %dma_wait3A_135] : memref<2x32x512xf32, #tpu.memory_space<vmem>> -> memref<1x32x512xf32, #tpu.memory_space<vmem>>
    %dma_wait3A_137 = tpu.memref_squeeze %dma_wait3A_136 : memref<1x32x512xf32, #tpu.memory_space<vmem>> -> memref<32x512xf32, #tpu.memory_space<vmem>>
    tpu.wait_dma2 semaphore(%arg10 : memref<!tpu.dma_semaphore, #tpu.memory_space<semaphore_mem>>) src(%dma_wait3A_137 : memref<32x512xf32, #tpu.memory_space<vmem>>) dst(%dma_wait3A_133 : memref<32x512xf32, #tpu.memory_space<hbm>>)
    return
  }
}

#map = affine_map<(d0, d1) -> (0, 0, 0)>
#map1 = affine_map<(d0, d1) -> (0, 0)>
module attributes {stable_mosaic.version = 14 : i64} {
  func.func @_lookup_t(%arg0: i32, %arg1: i32, %arg2: memref<32x3x512xi32, #tpu.memory_space<hbm>>, %arg3: memref<32x100000xf32, #tpu.memory_space<hbm>>, %arg4: memref<32x100000xf32, #tpu.memory_space<hbm>>, %arg5: memref<32x100000xf32, #tpu.memory_space<hbm>>, %arg6: memref<96x16384xf32, #tpu.memory_space<hbm>>, %arg7: memref<3x512xi32, #tpu.memory_space<vmem>>, %arg8: memref<2x32x512xf32, #tpu.memory_space<vmem>>, %arg9: memref<!tpu.dma_semaphore, #tpu.memory_space<semaphore_mem>>, %arg10: memref<!tpu.dma_semaphore, #tpu.memory_space<semaphore_mem>>) attributes {dimension_semantics = [#tpu.dimension_semantics<core_parallel>, #tpu.dimension_semantics<subcore_parallel>], iteration_bounds = array<i64: 2, 16>, scalar_prefetch = 0 : i64, scratch_operands = 4 : i64, tpu.core_type = #tpu.core_type<sc_vector_subcore>, window_params = [{transform_indices = #map}, {transform_indices = #map1}, {transform_indices = #map1}, {transform_indices = #map1}, {transform_indices = #map1}]} {
    %mul3A = arith.constant 2 : i32
    %mul3A_0 = arith.muli %arg1, %mul3A : i32
    %add3A = arith.addi %mul3A_0, %arg0 : i32
    %mul3A_1 = arith.constant 512 : i32
    %mul3A_2 = arith.muli %add3A, %mul3A_1 : i32
    "tpu.region"() ({
      %run_scoped3A = tpu.sem_alloc : memref<!tpu.dma_semaphore, #tpu.memory_space<semaphore_mem>>
      %dma_start3A_138 = arith.constant 0 : i32
      %dma_start3A_139 = arith.constant 0 : i32
      %dma_start3A_140 = tpu.memref_slice %arg2[%add3A, %dma_start3A_138, %dma_start3A_139] : memref<32x3x512xi32, #tpu.memory_space<hbm>> -> memref<1x3x512xi32, #tpu.memory_space<hbm>>
      %dma_start3A_141 = tpu.memref_squeeze %dma_start3A_140 : memref<1x3x512xi32, #tpu.memory_space<hbm>> -> memref<3x512xi32, #tpu.memory_space<hbm>>
      %dma_start3A_142 = arith.constant 0 : i32
      %dma_start3A_143 = arith.constant 0 : i32
      %dma_start3A_144 = tpu.memref_slice %arg2[%add3A, %dma_start3A_142, %dma_start3A_143] : memref<32x3x512xi32, #tpu.memory_space<hbm>> -> memref<1x3x512xi32, #tpu.memory_space<hbm>>
      %dma_start3A_145 = tpu.memref_squeeze %dma_start3A_144 : memref<1x3x512xi32, #tpu.memory_space<hbm>> -> memref<3x512xi32, #tpu.memory_space<hbm>>
      tpu.enqueue_dma source(%dma_start3A_145 : memref<3x512xi32, #tpu.memory_space<hbm>>) target(%arg7 : memref<3x512xi32, #tpu.memory_space<vmem>>) target_semaphore(%run_scoped3A : memref<!tpu.dma_semaphore, #tpu.memory_space<semaphore_mem>>)
      %dma_wait3A_146 = arith.constant 0 : i32
      %dma_wait3A_147 = arith.constant 0 : i32
      %dma_wait3A_148 = tpu.memref_slice %arg2[%add3A, %dma_wait3A_146, %dma_wait3A_147] : memref<32x3x512xi32, #tpu.memory_space<hbm>> -> memref<1x3x512xi32, #tpu.memory_space<hbm>>
      %dma_wait3A_149 = tpu.memref_squeeze %dma_wait3A_148 : memref<1x3x512xi32, #tpu.memory_space<hbm>> -> memref<3x512xi32, #tpu.memory_space<hbm>>
      %dma_wait3A_150 = arith.constant 0 : i32
      %dma_wait3A_151 = arith.constant 0 : i32
      %dma_wait3A_152 = tpu.memref_slice %arg2[%add3A, %dma_wait3A_150, %dma_wait3A_151] : memref<32x3x512xi32, #tpu.memory_space<hbm>> -> memref<1x3x512xi32, #tpu.memory_space<hbm>>
      %dma_wait3A_153 = tpu.memref_squeeze %dma_wait3A_152 : memref<1x3x512xi32, #tpu.memory_space<hbm>> -> memref<3x512xi32, #tpu.memory_space<hbm>>
      tpu.wait_dma2 semaphore(%run_scoped3A : memref<!tpu.dma_semaphore, #tpu.memory_space<semaphore_mem>>) src(%dma_wait3A_153 : memref<3x512xi32, #tpu.memory_space<hbm>>) dst(%arg7 : memref<3x512xi32, #tpu.memory_space<vmem>>)
      tpu.yield
    }) : () -> ()
    %scan3A = arith.constant 0 : i32
    %scan3A_3 = arith.constant 32 : i32
    %scan3A_4 = arith.addi %scan3A, %scan3A_3 : i32
    %scan3A_5 = arith.constant 1 : i32
    scf.for %scan3A_138 = %scan3A to %scan3A_4 step %scan3A_5  : i32 {
      %mul3A_139 = arith.constant 1 : i32
      %mul3A_140 = arith.muli %scan3A_138, %mul3A_139 : i32
      %add3A_141 = arith.constant 0 : i32
      %add3A_142 = arith.addi %add3A_141, %mul3A_140 : i32
      %dma_start3A_143 = arith.constant 0 : i32
      %dma_start3A_144 = arith.constant 0 : i32
      %dma_start3A_145 = arith.constant 0 : i32
      %dma_start3A_146 = tpu.memref_slice %arg8[%dma_start3A_144, %add3A_142, %dma_start3A_145] : memref<2x32x512xf32, #tpu.memory_space<vmem>> -> memref<1x1x512xf32, #tpu.memory_space<vmem>>
      %dma_start3A_147 = tpu.memref_squeeze %dma_start3A_146 : memref<1x1x512xf32, #tpu.memory_space<vmem>> -> memref<512xf32, #tpu.memory_space<vmem>>
      %dma_start3A_148 = arith.constant 0 : i32
      %dma_start3A_149 = tpu.memref_slice %arg7[%dma_start3A_143, %dma_start3A_148] : memref<3x512xi32, #tpu.memory_space<vmem>> -> memref<1x512xi32, #tpu.memory_space<vmem>>
      %dma_start3A_150 = tpu.memref_squeeze %dma_start3A_149 : memref<1x512xi32, #tpu.memory_space<vmem>> -> memref<512xi32, #tpu.memory_space<vmem>>
      %dma_start3A_151 = arith.constant 0 : i32
      %dma_start3A_152 = tpu.memref_slice %arg3[%add3A_142, %dma_start3A_151] : memref<32x100000xf32, #tpu.memory_space<hbm>> -> memref<1x100000xf32, #tpu.memory_space<hbm>>
      %dma_start3A_153 = tpu.memref_squeeze %dma_start3A_152 : memref<1x100000xf32, #tpu.memory_space<hbm>> -> memref<100000xf32, #tpu.memory_space<hbm>>
      %dma_start3A_154 = arith.constant 0 : i32
      %dma_start3A_155 = tpu.memref_slice %dma_start3A_153[%dma_start3A_154] : memref<100000xf32, #tpu.memory_space<hbm>> -> memref<100000xf32, #tpu.memory_space<hbm>>
      tpu.enqueue_indirect_dma source(%dma_start3A_155 : memref<100000xf32, #tpu.memory_space<hbm>>) target(%dma_start3A_147 : memref<512xf32, #tpu.memory_space<vmem>>) offsets(%dma_start3A_150 : memref<512xi32, #tpu.memory_space<vmem>>) semaphore(%arg9 : memref<!tpu.dma_semaphore, #tpu.memory_space<semaphore_mem>>)
    }
    %scan3A_6 = arith.constant 32 : i32
    %dma_wait3A = arith.constant 0 : i32
    %dma_wait3A_7 = arith.constant 0 : i32
    %dma_wait3A_8 = arith.constant 0 : i32
    %dma_wait3A_9 = tpu.memref_slice %arg8[%dma_wait3A, %dma_wait3A_7, %dma_wait3A_8] : memref<2x32x512xf32, #tpu.memory_space<vmem>> -> memref<1x32x512xf32, #tpu.memory_space<vmem>>
    %dma_wait3A_10 = tpu.memref_squeeze %dma_wait3A_9 : memref<1x32x512xf32, #tpu.memory_space<vmem>> -> memref<32x512xf32, #tpu.memory_space<vmem>>
    %dma_wait3A_11 = arith.constant 0 : i32
    %dma_wait3A_12 = arith.constant 0 : i32
    %dma_wait3A_13 = tpu.memref_slice %arg6[%dma_wait3A_11, %dma_wait3A_12] : memref<96x16384xf32, #tpu.memory_space<hbm>> -> memref<32x512xf32, #tpu.memory_space<hbm>>
    %dma_wait3A_14 = arith.constant 0 : i32
    %dma_wait3A_15 = arith.constant 0 : i32
    %dma_wait3A_16 = tpu.memref_slice %arg8[%dma_wait3A, %dma_wait3A_14, %dma_wait3A_15] : memref<2x32x512xf32, #tpu.memory_space<vmem>> -> memref<1x32x512xf32, #tpu.memory_space<vmem>>
    %dma_wait3A_17 = tpu.memref_squeeze %dma_wait3A_16 : memref<1x32x512xf32, #tpu.memory_space<vmem>> -> memref<32x512xf32, #tpu.memory_space<vmem>>
    %dma_wait3A_18 = arith.constant 0 : i32
    %dma_wait3A_19 = arith.constant 0 : i32
    %dma_wait3A_20 = tpu.memref_slice %arg6[%dma_wait3A_18, %dma_wait3A_19] : memref<96x16384xf32, #tpu.memory_space<hbm>> -> memref<32x512xf32, #tpu.memory_space<hbm>>
    tpu.wait_dma2 semaphore(%arg9 : memref<!tpu.dma_semaphore, #tpu.memory_space<semaphore_mem>>) src(%dma_wait3A_20 : memref<32x512xf32, #tpu.memory_space<hbm>>) dst(%dma_wait3A_17 : memref<32x512xf32, #tpu.memory_space<vmem>>)
    %dma_start3A = arith.constant 0 : i32
    %dma_start3A_21 = arith.constant 0 : i32
    %dma_start3A_22 = arith.constant 0 : i32
    %dma_start3A_23 = tpu.memref_slice %arg8[%dma_start3A, %dma_start3A_21, %dma_start3A_22] : memref<2x32x512xf32, #tpu.memory_space<vmem>> -> memref<1x32x512xf32, #tpu.memory_space<vmem>>
    %dma_start3A_24 = tpu.memref_squeeze %dma_start3A_23 : memref<1x32x512xf32, #tpu.memory_space<vmem>> -> memref<32x512xf32, #tpu.memory_space<vmem>>
    %dma_start3A_25 = arith.constant 0 : i32
    %dma_start3A_26 = tpu.memref_slice %arg6[%dma_start3A_25, %mul3A_2] : memref<96x16384xf32, #tpu.memory_space<hbm>> -> memref<32x512xf32, #tpu.memory_space<hbm>>
    %dma_start3A_27 = arith.constant 0 : i32
    %dma_start3A_28 = tpu.memref_slice %arg6[%dma_start3A_27, %mul3A_2] : memref<96x16384xf32, #tpu.memory_space<hbm>> -> memref<32x512xf32, #tpu.memory_space<hbm>>
    %dma_start3A_29 = arith.constant 0 : i32
    %dma_start3A_30 = arith.constant 0 : i32
    %dma_start3A_31 = tpu.memref_slice %arg8[%dma_start3A, %dma_start3A_29, %dma_start3A_30] : memref<2x32x512xf32, #tpu.memory_space<vmem>> -> memref<1x32x512xf32, #tpu.memory_space<vmem>>
    %dma_start3A_32 = tpu.memref_squeeze %dma_start3A_31 : memref<1x32x512xf32, #tpu.memory_space<vmem>> -> memref<32x512xf32, #tpu.memory_space<vmem>>
    tpu.enqueue_dma source(%dma_start3A_32 : memref<32x512xf32, #tpu.memory_space<vmem>>) target(%dma_start3A_28 : memref<32x512xf32, #tpu.memory_space<hbm>>) target_semaphore(%arg10 : memref<!tpu.dma_semaphore, #tpu.memory_space<semaphore_mem>>)
    %scan3A_33 = arith.constant 0 : i32
    %scan3A_34 = arith.constant 32 : i32
    %scan3A_35 = arith.addi %scan3A_33, %scan3A_34 : i32
    %scan3A_36 = arith.constant 1 : i32
    scf.for %scan3A_138 = %scan3A_33 to %scan3A_35 step %scan3A_36  : i32 {
      %mul3A_139 = arith.constant 1 : i32
      %mul3A_140 = arith.muli %scan3A_138, %mul3A_139 : i32
      %add3A_141 = arith.constant 0 : i32
      %add3A_142 = arith.addi %add3A_141, %mul3A_140 : i32
      %dma_start3A_143 = arith.constant 1 : i32
      %dma_start3A_144 = arith.constant 1 : i32
      %dma_start3A_145 = arith.constant 0 : i32
      %dma_start3A_146 = tpu.memref_slice %arg8[%dma_start3A_144, %add3A_142, %dma_start3A_145] : memref<2x32x512xf32, #tpu.memory_space<vmem>> -> memref<1x1x512xf32, #tpu.memory_space<vmem>>
      %dma_start3A_147 = tpu.memref_squeeze %dma_start3A_146 : memref<1x1x512xf32, #tpu.memory_space<vmem>> -> memref<512xf32, #tpu.memory_space<vmem>>
      %dma_start3A_148 = arith.constant 0 : i32
      %dma_start3A_149 = tpu.memref_slice %arg7[%dma_start3A_143, %dma_start3A_148] : memref<3x512xi32, #tpu.memory_space<vmem>> -> memref<1x512xi32, #tpu.memory_space<vmem>>
      %dma_start3A_150 = tpu.memref_squeeze %dma_start3A_149 : memref<1x512xi32, #tpu.memory_space<vmem>> -> memref<512xi32, #tpu.memory_space<vmem>>
      %dma_start3A_151 = arith.constant 0 : i32
      %dma_start3A_152 = tpu.memref_slice %arg4[%add3A_142, %dma_start3A_151] : memref<32x100000xf32, #tpu.memory_space<hbm>> -> memref<1x100000xf32, #tpu.memory_space<hbm>>
      %dma_start3A_153 = tpu.memref_squeeze %dma_start3A_152 : memref<1x100000xf32, #tpu.memory_space<hbm>> -> memref<100000xf32, #tpu.memory_space<hbm>>
      %dma_start3A_154 = arith.constant 0 : i32
      %dma_start3A_155 = tpu.memref_slice %dma_start3A_153[%dma_start3A_154] : memref<100000xf32, #tpu.memory_space<hbm>> -> memref<100000xf32, #tpu.memory_space<hbm>>
      tpu.enqueue_indirect_dma source(%dma_start3A_155 : memref<100000xf32, #tpu.memory_space<hbm>>) target(%dma_start3A_147 : memref<512xf32, #tpu.memory_space<vmem>>) offsets(%dma_start3A_150 : memref<512xi32, #tpu.memory_space<vmem>>) semaphore(%arg9 : memref<!tpu.dma_semaphore, #tpu.memory_space<semaphore_mem>>)
    }
    %scan3A_37 = arith.constant 32 : i32
    %dma_wait3A_38 = arith.constant 1 : i32
    %dma_wait3A_39 = arith.constant 0 : i32
    %dma_wait3A_40 = arith.constant 0 : i32
    %dma_wait3A_41 = tpu.memref_slice %arg8[%dma_wait3A_38, %dma_wait3A_39, %dma_wait3A_40] : memref<2x32x512xf32, #tpu.memory_space<vmem>> -> memref<1x32x512xf32, #tpu.memory_space<vmem>>
    %dma_wait3A_42 = tpu.memref_squeeze %dma_wait3A_41 : memref<1x32x512xf32, #tpu.memory_space<vmem>> -> memref<32x512xf32, #tpu.memory_space<vmem>>
    %dma_wait3A_43 = arith.constant 0 : i32
    %dma_wait3A_44 = arith.constant 0 : i32
    %dma_wait3A_45 = tpu.memref_slice %arg6[%dma_wait3A_43, %dma_wait3A_44] : memref<96x16384xf32, #tpu.memory_space<hbm>> -> memref<32x512xf32, #tpu.memory_space<hbm>>
    %dma_wait3A_46 = arith.constant 0 : i32
    %dma_wait3A_47 = arith.constant 0 : i32
    %dma_wait3A_48 = tpu.memref_slice %arg8[%dma_wait3A_38, %dma_wait3A_46, %dma_wait3A_47] : memref<2x32x512xf32, #tpu.memory_space<vmem>> -> memref<1x32x512xf32, #tpu.memory_space<vmem>>
    %dma_wait3A_49 = tpu.memref_squeeze %dma_wait3A_48 : memref<1x32x512xf32, #tpu.memory_space<vmem>> -> memref<32x512xf32, #tpu.memory_space<vmem>>
    %dma_wait3A_50 = arith.constant 0 : i32
    %dma_wait3A_51 = arith.constant 0 : i32
    %dma_wait3A_52 = tpu.memref_slice %arg6[%dma_wait3A_50, %dma_wait3A_51] : memref<96x16384xf32, #tpu.memory_space<hbm>> -> memref<32x512xf32, #tpu.memory_space<hbm>>
    tpu.wait_dma2 semaphore(%arg9 : memref<!tpu.dma_semaphore, #tpu.memory_space<semaphore_mem>>) src(%dma_wait3A_52 : memref<32x512xf32, #tpu.memory_space<hbm>>) dst(%dma_wait3A_49 : memref<32x512xf32, #tpu.memory_space<vmem>>)
    %dma_start3A_53 = arith.constant 1 : i32
    %dma_start3A_54 = arith.constant 0 : i32
    %dma_start3A_55 = arith.constant 0 : i32
    %dma_start3A_56 = tpu.memref_slice %arg8[%dma_start3A_53, %dma_start3A_54, %dma_start3A_55] : memref<2x32x512xf32, #tpu.memory_space<vmem>> -> memref<1x32x512xf32, #tpu.memory_space<vmem>>
    %dma_start3A_57 = tpu.memref_squeeze %dma_start3A_56 : memref<1x32x512xf32, #tpu.memory_space<vmem>> -> memref<32x512xf32, #tpu.memory_space<vmem>>
    %dma_start3A_58 = arith.constant 32 : i32
    %dma_start3A_59 = tpu.memref_slice %arg6[%dma_start3A_58, %mul3A_2] : memref<96x16384xf32, #tpu.memory_space<hbm>> -> memref<32x512xf32, #tpu.memory_space<hbm>>
    %dma_start3A_60 = arith.constant 32 : i32
    %dma_start3A_61 = tpu.memref_slice %arg6[%dma_start3A_60, %mul3A_2] : memref<96x16384xf32, #tpu.memory_space<hbm>> -> memref<32x512xf32, #tpu.memory_space<hbm>>
    %dma_start3A_62 = arith.constant 0 : i32
    %dma_start3A_63 = arith.constant 0 : i32
    %dma_start3A_64 = tpu.memref_slice %arg8[%dma_start3A_53, %dma_start3A_62, %dma_start3A_63] : memref<2x32x512xf32, #tpu.memory_space<vmem>> -> memref<1x32x512xf32, #tpu.memory_space<vmem>>
    %dma_start3A_65 = tpu.memref_squeeze %dma_start3A_64 : memref<1x32x512xf32, #tpu.memory_space<vmem>> -> memref<32x512xf32, #tpu.memory_space<vmem>>
    tpu.enqueue_dma source(%dma_start3A_65 : memref<32x512xf32, #tpu.memory_space<vmem>>) target(%dma_start3A_61 : memref<32x512xf32, #tpu.memory_space<hbm>>) target_semaphore(%arg10 : memref<!tpu.dma_semaphore, #tpu.memory_space<semaphore_mem>>)
    %dma_wait3A_66 = arith.constant 0 : i32
    %dma_wait3A_67 = arith.constant 0 : i32
    %dma_wait3A_68 = arith.constant 0 : i32
    %dma_wait3A_69 = tpu.memref_slice %arg8[%dma_wait3A_66, %dma_wait3A_67, %dma_wait3A_68] : memref<2x32x512xf32, #tpu.memory_space<vmem>> -> memref<1x32x512xf32, #tpu.memory_space<vmem>>
    %dma_wait3A_70 = tpu.memref_squeeze %dma_wait3A_69 : memref<1x32x512xf32, #tpu.memory_space<vmem>> -> memref<32x512xf32, #tpu.memory_space<vmem>>
    %dma_wait3A_71 = arith.constant 0 : i32
    %dma_wait3A_72 = tpu.memref_slice %arg6[%dma_wait3A_71, %mul3A_2] : memref<96x16384xf32, #tpu.memory_space<hbm>> -> memref<32x512xf32, #tpu.memory_space<hbm>>
    %dma_wait3A_73 = arith.constant 0 : i32
    %dma_wait3A_74 = tpu.memref_slice %arg6[%dma_wait3A_73, %mul3A_2] : memref<96x16384xf32, #tpu.memory_space<hbm>> -> memref<32x512xf32, #tpu.memory_space<hbm>>
    %dma_wait3A_75 = arith.constant 0 : i32
    %dma_wait3A_76 = arith.constant 0 : i32
    %dma_wait3A_77 = tpu.memref_slice %arg8[%dma_wait3A_66, %dma_wait3A_75, %dma_wait3A_76] : memref<2x32x512xf32, #tpu.memory_space<vmem>> -> memref<1x32x512xf32, #tpu.memory_space<vmem>>
    %dma_wait3A_78 = tpu.memref_squeeze %dma_wait3A_77 : memref<1x32x512xf32, #tpu.memory_space<vmem>> -> memref<32x512xf32, #tpu.memory_space<vmem>>
    tpu.wait_dma2 semaphore(%arg10 : memref<!tpu.dma_semaphore, #tpu.memory_space<semaphore_mem>>) src(%dma_wait3A_78 : memref<32x512xf32, #tpu.memory_space<vmem>>) dst(%dma_wait3A_74 : memref<32x512xf32, #tpu.memory_space<hbm>>)
    %scan3A_79 = arith.constant 0 : i32
    %scan3A_80 = arith.constant 32 : i32
    %scan3A_81 = arith.addi %scan3A_79, %scan3A_80 : i32
    %scan3A_82 = arith.constant 1 : i32
    scf.for %scan3A_138 = %scan3A_79 to %scan3A_81 step %scan3A_82  : i32 {
      %mul3A_139 = arith.constant 1 : i32
      %mul3A_140 = arith.muli %scan3A_138, %mul3A_139 : i32
      %add3A_141 = arith.constant 0 : i32
      %add3A_142 = arith.addi %add3A_141, %mul3A_140 : i32
      %dma_start3A_143 = arith.constant 2 : i32
      %dma_start3A_144 = arith.constant 0 : i32
      %dma_start3A_145 = arith.constant 0 : i32
      %dma_start3A_146 = tpu.memref_slice %arg8[%dma_start3A_144, %add3A_142, %dma_start3A_145] : memref<2x32x512xf32, #tpu.memory_space<vmem>> -> memref<1x1x512xf32, #tpu.memory_space<vmem>>
      %dma_start3A_147 = tpu.memref_squeeze %dma_start3A_146 : memref<1x1x512xf32, #tpu.memory_space<vmem>> -> memref<512xf32, #tpu.memory_space<vmem>>
      %dma_start3A_148 = arith.constant 0 : i32
      %dma_start3A_149 = tpu.memref_slice %arg7[%dma_start3A_143, %dma_start3A_148] : memref<3x512xi32, #tpu.memory_space<vmem>> -> memref<1x512xi32, #tpu.memory_space<vmem>>
      %dma_start3A_150 = tpu.memref_squeeze %dma_start3A_149 : memref<1x512xi32, #tpu.memory_space<vmem>> -> memref<512xi32, #tpu.memory_space<vmem>>
      %dma_start3A_151 = arith.constant 0 : i32
      %dma_start3A_152 = tpu.memref_slice %arg5[%add3A_142, %dma_start3A_151] : memref<32x100000xf32, #tpu.memory_space<hbm>> -> memref<1x100000xf32, #tpu.memory_space<hbm>>
      %dma_start3A_153 = tpu.memref_squeeze %dma_start3A_152 : memref<1x100000xf32, #tpu.memory_space<hbm>> -> memref<100000xf32, #tpu.memory_space<hbm>>
      %dma_start3A_154 = arith.constant 0 : i32
      %dma_start3A_155 = tpu.memref_slice %dma_start3A_153[%dma_start3A_154] : memref<100000xf32, #tpu.memory_space<hbm>> -> memref<100000xf32, #tpu.memory_space<hbm>>
      tpu.enqueue_indirect_dma source(%dma_start3A_155 : memref<100000xf32, #tpu.memory_space<hbm>>) target(%dma_start3A_147 : memref<512xf32, #tpu.memory_space<vmem>>) offsets(%dma_start3A_150 : memref<512xi32, #tpu.memory_space<vmem>>) semaphore(%arg9 : memref<!tpu.dma_semaphore, #tpu.memory_space<semaphore_mem>>)
    }
    %scan3A_83 = arith.constant 32 : i32
    %dma_wait3A_84 = arith.constant 0 : i32
    %dma_wait3A_85 = arith.constant 0 : i32
    %dma_wait3A_86 = arith.constant 0 : i32
    %dma_wait3A_87 = tpu.memref_slice %arg8[%dma_wait3A_84, %dma_wait3A_85, %dma_wait3A_86] : memref<2x32x512xf32, #tpu.memory_space<vmem>> -> memref<1x32x512xf32, #tpu.memory_space<vmem>>
    %dma_wait3A_88 = tpu.memref_squeeze %dma_wait3A_87 : memref<1x32x512xf32, #tpu.memory_space<vmem>> -> memref<32x512xf32, #tpu.memory_space<vmem>>
    %dma_wait3A_89 = arith.constant 0 : i32
    %dma_wait3A_90 = arith.constant 0 : i32
    %dma_wait3A_91 = tpu.memref_slice %arg6[%dma_wait3A_89, %dma_wait3A_90] : memref<96x16384xf32, #tpu.memory_space<hbm>> -> memref<32x512xf32, #tpu.memory_space<hbm>>
    %dma_wait3A_92 = arith.constant 0 : i32
    %dma_wait3A_93 = arith.constant 0 : i32
    %dma_wait3A_94 = tpu.memref_slice %arg8[%dma_wait3A_84, %dma_wait3A_92, %dma_wait3A_93] : memref<2x32x512xf32, #tpu.memory_space<vmem>> -> memref<1x32x512xf32, #tpu.memory_space<vmem>>
    %dma_wait3A_95 = tpu.memref_squeeze %dma_wait3A_94 : memref<1x32x512xf32, #tpu.memory_space<vmem>> -> memref<32x512xf32, #tpu.memory_space<vmem>>
    %dma_wait3A_96 = arith.constant 0 : i32
    %dma_wait3A_97 = arith.constant 0 : i32
    %dma_wait3A_98 = tpu.memref_slice %arg6[%dma_wait3A_96, %dma_wait3A_97] : memref<96x16384xf32, #tpu.memory_space<hbm>> -> memref<32x512xf32, #tpu.memory_space<hbm>>
    tpu.wait_dma2 semaphore(%arg9 : memref<!tpu.dma_semaphore, #tpu.memory_space<semaphore_mem>>) src(%dma_wait3A_98 : memref<32x512xf32, #tpu.memory_space<hbm>>) dst(%dma_wait3A_95 : memref<32x512xf32, #tpu.memory_space<vmem>>)
    %dma_start3A_99 = arith.constant 0 : i32
    %dma_start3A_100 = arith.constant 0 : i32
    %dma_start3A_101 = arith.constant 0 : i32
    %dma_start3A_102 = tpu.memref_slice %arg8[%dma_start3A_99, %dma_start3A_100, %dma_start3A_101] : memref<2x32x512xf32, #tpu.memory_space<vmem>> -> memref<1x32x512xf32, #tpu.memory_space<vmem>>
    %dma_start3A_103 = tpu.memref_squeeze %dma_start3A_102 : memref<1x32x512xf32, #tpu.memory_space<vmem>> -> memref<32x512xf32, #tpu.memory_space<vmem>>
    %dma_start3A_104 = arith.constant 64 : i32
    %dma_start3A_105 = tpu.memref_slice %arg6[%dma_start3A_104, %mul3A_2] : memref<96x16384xf32, #tpu.memory_space<hbm>> -> memref<32x512xf32, #tpu.memory_space<hbm>>
    %dma_start3A_106 = arith.constant 64 : i32
    %dma_start3A_107 = tpu.memref_slice %arg6[%dma_start3A_106, %mul3A_2] : memref<96x16384xf32, #tpu.memory_space<hbm>> -> memref<32x512xf32, #tpu.memory_space<hbm>>
    %dma_start3A_108 = arith.constant 0 : i32
    %dma_start3A_109 = arith.constant 0 : i32
    %dma_start3A_110 = tpu.memref_slice %arg8[%dma_start3A_99, %dma_start3A_108, %dma_start3A_109] : memref<2x32x512xf32, #tpu.memory_space<vmem>> -> memref<1x32x512xf32, #tpu.memory_space<vmem>>
    %dma_start3A_111 = tpu.memref_squeeze %dma_start3A_110 : memref<1x32x512xf32, #tpu.memory_space<vmem>> -> memref<32x512xf32, #tpu.memory_space<vmem>>
    tpu.enqueue_dma source(%dma_start3A_111 : memref<32x512xf32, #tpu.memory_space<vmem>>) target(%dma_start3A_107 : memref<32x512xf32, #tpu.memory_space<hbm>>) target_semaphore(%arg10 : memref<!tpu.dma_semaphore, #tpu.memory_space<semaphore_mem>>)
    %dma_wait3A_112 = arith.constant 1 : i32
    %dma_wait3A_113 = arith.constant 0 : i32
    %dma_wait3A_114 = arith.constant 0 : i32
    %dma_wait3A_115 = tpu.memref_slice %arg8[%dma_wait3A_112, %dma_wait3A_113, %dma_wait3A_114] : memref<2x32x512xf32, #tpu.memory_space<vmem>> -> memref<1x32x512xf32, #tpu.memory_space<vmem>>
    %dma_wait3A_116 = tpu.memref_squeeze %dma_wait3A_115 : memref<1x32x512xf32, #tpu.memory_space<vmem>> -> memref<32x512xf32, #tpu.memory_space<vmem>>
    %dma_wait3A_117 = arith.constant 32 : i32
    %dma_wait3A_118 = tpu.memref_slice %arg6[%dma_wait3A_117, %mul3A_2] : memref<96x16384xf32, #tpu.memory_space<hbm>> -> memref<32x512xf32, #tpu.memory_space<hbm>>
    %dma_wait3A_119 = arith.constant 32 : i32
    %dma_wait3A_120 = tpu.memref_slice %arg6[%dma_wait3A_119, %mul3A_2] : memref<96x16384xf32, #tpu.memory_space<hbm>> -> memref<32x512xf32, #tpu.memory_space<hbm>>
    %dma_wait3A_121 = arith.constant 0 : i32
    %dma_wait3A_122 = arith.constant 0 : i32
    %dma_wait3A_123 = tpu.memref_slice %arg8[%dma_wait3A_112, %dma_wait3A_121, %dma_wait3A_122] : memref<2x32x512xf32, #tpu.memory_space<vmem>> -> memref<1x32x512xf32, #tpu.memory_space<vmem>>
    %dma_wait3A_124 = tpu.memref_squeeze %dma_wait3A_123 : memref<1x32x512xf32, #tpu.memory_space<vmem>> -> memref<32x512xf32, #tpu.memory_space<vmem>>
    tpu.wait_dma2 semaphore(%arg10 : memref<!tpu.dma_semaphore, #tpu.memory_space<semaphore_mem>>) src(%dma_wait3A_124 : memref<32x512xf32, #tpu.memory_space<vmem>>) dst(%dma_wait3A_120 : memref<32x512xf32, #tpu.memory_space<hbm>>)
    %dma_wait3A_125 = arith.constant 0 : i32
    %dma_wait3A_126 = arith.constant 0 : i32
    %dma_wait3A_127 = arith.constant 0 : i32
    %dma_wait3A_128 = tpu.memref_slice %arg8[%dma_wait3A_125, %dma_wait3A_126, %dma_wait3A_127] : memref<2x32x512xf32, #tpu.memory_space<vmem>> -> memref<1x32x512xf32, #tpu.memory_space<vmem>>
    %dma_wait3A_129 = tpu.memref_squeeze %dma_wait3A_128 : memref<1x32x512xf32, #tpu.memory_space<vmem>> -> memref<32x512xf32, #tpu.memory_space<vmem>>
    %dma_wait3A_130 = arith.constant 64 : i32
    %dma_wait3A_131 = tpu.memref_slice %arg6[%dma_wait3A_130, %mul3A_2] : memref<96x16384xf32, #tpu.memory_space<hbm>> -> memref<32x512xf32, #tpu.memory_space<hbm>>
    %dma_wait3A_132 = arith.constant 64 : i32
    %dma_wait3A_133 = tpu.memref_slice %arg6[%dma_wait3A_132, %mul3A_2] : memref<96x16384xf32, #tpu.memory_space<hbm>> -> memref<32x512xf32, #tpu.memory_space<hbm>>
    %dma_wait3A_134 = arith.constant 0 : i32
    %dma_wait3A_135 = arith.constant 0 : i32
    %dma_wait3A_136 = tpu.memref_slice %arg8[%dma_wait3A_125, %dma_wait3A_134, %dma_wait3A_135] : memref<2x32x512xf32, #tpu.memory_space<vmem>> -> memref<1x32x512xf32, #tpu.memory_space<vmem>>
    %dma_wait3A_137 = tpu.memref_squeeze %dma_wait3A_136 : memref<1x32x512xf32, #tpu.memory_space<vmem>> -> memref<32x512xf32, #tpu.memory_space<vmem>>
    tpu.wait_dma2 semaphore(%arg10 : memref<!tpu.dma_semaphore, #tpu.memory_space<semaphore_mem>>) src(%dma_wait3A_137 : memref<32x512xf32, #tpu.memory_space<vmem>>) dst(%dma_wait3A_133 : memref<32x512xf32, #tpu.memory_space<hbm>>)
    return
  }
}

</mosaic_0001>

<sc_bundles>
// kernel: kernel.10.cloned.1.call-start
scs
__scs_entry_jumppad:
0x0: {  	(pc) =	sbr.rel $0x88, $3  }
0x1: {  	(tag) =	ssettag $0x0;
	lr =	simm.s32 $0x1  }
0x2: {  	[smem:$0x3F6D] =	sst lr;
	_ =	strace $0xD0000000  }
0x3: {  	_ = 	snop  }
0x4: {  	_ = 	snop  }
0x5: {  	_ = 	snop  }
0x6: {  	_ = 	snop  }
0x7: {  	_ = 	snop  }
__scs_overlays_trampoline_lowered:
0x8: {  	[smem:$0x3F7C] =	sst s0  }
0x9: {  	[smem:$0x3F7D] =	sst s1  }
0xa: {  	[smem:$0x3F7E] =	sst s2  }
0xb: {  	[smem:$0x3F7F] =	sst s3  }
0xc: {  	[smem:$0x3F80] =	sst s4  }
0xd: {  	[smem:$0x3F81] =	sst s5  }
0xe: {  	[smem:$0x3F82] =	sst s6  }
0xf: {  	[smem:$0x3F83] =	sst s7  }
0x10: {  	[smem:$0x3F84] =	sst s8  }
0x11: {  	[smem:$0x3F85] =	sst s9;
	s0 =	simm.s32 @!p0 $0x0  }
0x12: {  	s1 =	sld [smem:$0x3F6B];
	s0 =	simm.s32 @p0 $0x1  }
0x13: {  	[smem:$0x3F86] =	sst s0;
	s0 =	simm.s32 @!p1 $0x0  }
0x14: {  	s2 =	sld [smem:$0x3F6A];
	s0 =	simm.s32 @p1 $0x1  }
0x15: {  	[smem:$0x3F87] =	sst s0;
	s0 =	simm.s32 @!p2 $0x0  }
0x16: {  	s3 =	sld [smem:$0x3FDB];
	s0 =	simm.s32 @p2 $0x1  }
0x17: {  	s4 =	simm.s32 $0x1BF5;
	[smem:$0x3F89] =	sst s0  }
0x18: {  	s0 =	sld [smem:$0x3F6C];
	_ =	swait.ge [sflag:s4], $0x0  }
0x19: {  	s7 =	sld [smem:$0x3F6D]  }
0x1a: {  	s8 =	sadd.s32 $0xFFFFE003, lr  }
0x1b: {  	s9 =	sadd.s32 $0xFFFFFEF7, lr;
	s5 =	simm.s32 $0xFFFFFFFF;
	p2 =	slt.u32 s8, $0xFFFFF086  }
0x1c: {  	p1 =	slt.u32 s9, $0xF7A;
	s5 =	simm.s32 @!p2 $0x0  }
0x1d: {  	s5 =	simm.s32 @p1 $0x1;
	p0 =	seq.s32 s7, s2  }
0x1e: {  	s7 =	smul.u32 @!p0 $0xF7A, s2;
	p2 =	seq.s32 @!p0 s5, $0x0  }
0x1f: {  	s9 =	smul.u32 $0xF7A, s1;
	s8 =	simm.s32 @!p0 $0x1BF5;
	p2 =	por !p2, p0  }
0x20: {  	[sflag:s8] =	ssyncset.s32 @!p0 $0xFFFFF086;
	s6 =	sadd.s32 @!p0 s3, s7;
	s7 =	simm.s32 @!p0 $0x108  }
0x21: {  	s3 =	sadd.s32 s3, s9;
	s6 =	sadd.s32 @!p0 $0x88, s6;
	s7 =	simm.s32 @p2 $0x1082  }
0x22: {  	[simem:s7], [sflag:s8] =	dma.local @!p0 [hbm:s6], $0xF7A  }
0x23: {  	s9 =	sor.u32 $0xD0000000, s2;
	s6 =	simm.s32 $0x108;
	_ =	swait.ge @!p0 [sflag:s8], $0x0  }
0x24: {  	s3 =	sadd.s32 $0x88, s3;
	s6 =	simm.s32 @!p1 $0x1082;
	[sflag:s4] =	ssyncset.s32 $0xFFFFF086  }
0x25: {  	[simem:s6], [sflag:s4] =	dma.local [hbm:s3], $0xF7A  }
0x26: {  	[smem:$0x3F6D] =	sst s1;
	(tag) =	ssettag s2;
	_ =	strace s9  }
0x27: {  	s1 =	sld [smem:$0x3F7D]  }
0x28: {  	s2 =	sld [smem:$0x3F7E]  }
0x29: {  	s4 =	sld [smem:$0x3F80]  }
0x2a: {  	p0 =	seq.s32 s5, $0x0;
	s5 =	sld [smem:$0x3F81]  }
0x2b: {  	s6 =	sld [smem:$0x3F82]  }
0x2c: {  	s7 =	sld [smem:$0x3F83]  }
0x2d: {  	s3 =	simm.s32 $0x108;
	s8 =	sld [smem:$0x3F84]  }
0x2e: {  	s3 =	simm.s32 @!p0 $0x1082;
	s9 =	sld [smem:$0x3F85]  }
0x2f: {  	lr =	sadd.s32 s0, s3;
	s0 =	sld [smem:$0x3F7C]  }
0x30: {  	s3 =	sld [smem:$0x3F7F]  }
0x31: {  	[smem:$0x3F88] =	sst s10  }
0x32: {  	s10 =	sld [smem:$0x3F86];
	_ =	sdelay $0x3  }
0x33: {  	p0 =	seq.s32 s10, $0x1;
	s10 =	sld [smem:$0x3F88];
	_ =	sdelay $0x3  }
0x34: {  	[smem:$0x3F88] =	sst s10  }
0x35: {  	s10 =	sld [smem:$0x3F87];
	_ =	sdelay $0x3  }
0x36: {  	p1 =	seq.s32 s10, $0x1;
	s10 =	sld [smem:$0x3F88];
	_ =	sdelay $0x3  }
0x37: {  	[smem:$0x3F88] =	sst s10  }
0x38: {  	s10 =	sld [smem:$0x3F89]  }
0x39: {  	_ = 	snop;
	(pc) =	sbr.ind lr, $3  }
0x3a: {  	_ = 	snop  }
0x3b: {  	_ = 	snop  }
0x3c: {  	p2 =	seq.s32 s10, $0x1;
	s10 =	sld [smem:$0x3F88]  }
0x3d: {  	_ =	shalt  }
0x3e: {  	_ =	shalt  }
0x3f: {  	_ =	shalt  }
0x40: {  	_ =	shalt  }
0x41: {  	_ =	shalt  }
0x42: {  	_ =	shalt  }
0x43: {  	_ =	shalt  }
0x44: {  	_ =	shalt  }
0x45: {  	_ =	shalt  }
0x46: {  	_ =	shalt  }
0x47: {  	_ =	shalt  }
0x48: {  	_ =	shalt  }
0x49: {  	_ =	shalt  }
0x4a: {  	_ =	shalt  }
0x4b: {  	_ =	shalt  }
0x4c: {  	_ =	shalt  }
0x4d: {  	_ =	shalt  }
0x4e: {  	_ =	shalt  }
0x4f: {  	_ =	shalt  }
0x50: {  	_ =	shalt  }
0x51: {  	_ =	shalt  }
0x52: {  	_ =	shalt  }
0x53: {  	_ =	shalt  }
0x54: {  	_ =	shalt  }
0x55: {  	_ =	shalt  }
0x56: {  	_ =	shalt  }
0x57: {  	_ =	shalt  }
0x58: {  	_ =	shalt  }
0x59: {  	_ =	shalt  }
0x5a: {  	_ =	shalt  }
0x5b: {  	_ =	shalt  }
0x5c: {  	_ =	shalt  }
0x5d: {  	_ =	shalt  }
0x5e: {  	_ =	shalt  }
0x5f: {  	_ =	shalt  }
0x60: {  	_ =	shalt  }
0x61: {  	_ =	shalt  }
0x62: {  	_ =	shalt  }
0x63: {  	_ =	shalt  }
0x64: {  	_ =	shalt  }
0x65: {  	_ =	shalt  }
0x66: {  	_ =	shalt  }
0x67: {  	_ =	shalt  }
0x68: {  	_ =	shalt  }
0x69: {  	_ =	shalt  }
0x6a: {  	_ =	shalt  }
0x6b: {  	_ =	shalt  }
0x6c: {  	_ =	shalt  }
0x6d: {  	_ =	shalt  }
0x6e: {  	_ =	shalt  }
0x6f: {  	_ =	shalt  }
0x70: {  	_ =	shalt  }
0x71: {  	_ =	shalt  }
0x72: {  	_ =	shalt  }
0x73: {  	_ =	shalt  }
0x74: {  	_ =	shalt  }
0x75: {  	_ =	shalt  }
0x76: {  	_ =	shalt  }
0x77: {  	_ =	shalt  }
0x78: {  	_ =	shalt  }
0x79: {  	_ =	shalt  }
0x7a: {  	_ =	shalt  }
0x7b: {  	_ =	shalt  }
0x7c: {  	_ =	shalt  }
0x7d: {  	_ =	shalt  }
0x7e: {  	_ =	shalt  }
0x7f: {  	_ =	shalt  }
0x80: {  	_ =	shalt  }
0x81: {  	_ =	shalt  }
0x82: {  	_ =	shalt  }
0x83: {  	_ =	shalt  }
0x84: {  	_ =	shalt  }
0x85: {  	_ =	shalt  }
0x86: {  	_ =	shalt  }
0x87: {  	_ =	shalt  }
.Lfunc_end0:
.L_simem_size_0:
called_computation_lowered:
.L_overlay_start_0:
0x88: {  	s2 =	sld [smem:$0x3FD9]  }
0x89: {  	s3 =	sld [smem:$0x3FFE];
	_ =	sdelay $0x1  }
0x8a: {  	s1 =	srdreg.scid  }
0x8b: {  	s0 =	sand.u32 $0x1, s1  }
0x8c: {  	s17 =	sshll.u32 s0, $0xA;
	s2 =	sadd.s32 s3, s2  }
0x8d: {  	s2 =	sadd.s32 s2, s17  }
0x8e: {  	[smem:$0x3F94] =	sst s2  }
0x8f: {  	_ = 	snop  }
0x90: {  	s2 =	sld [smem:$0x3FD0];
	(tm) =	ssettm $0x1  }
0x91: {  	s18 =	sld [smem:$0x3FFB];
	_ =	sdelay $0x3  }
0x92: {  	_ =	strace s18  }
0x93: {  	s3 =	sld [smem:$0x3FFC];
	_ =	sdelay $0x3  }
0x94: {  	_ =	strace s3  }
0x95: {  	s3 =	sld [smem:$0x3FFD];
	_ =	sdelay $0x3  }
0x96: {  	_ =	strace s3  }
0x97: {  	_ =	strace $0x8FFFFFFF  }
0x98: {  	s19 =	sld [smem:$0x3FDB];
	_ =	sdelay $0x1  }
0x99: {  	s4 =	simm.s32 $_scs_section_size  }
0x9a: {  	s5 =	simm.s32 $_size__tile_overlayer_lowered;
	s6 =	simm.s32 $_tile_overlayer_lowered  }
0x9b: {  	s22 =	simm.s32 $0x1BFF;
	s21 =	sshll.u32 s6, $0x1;
	s3 =	sadd.s32 s4, s19  }
0x9c: {  	s7 =	simm.s32 $0x0;
	s20 =	sshll.u32 s5, $0x1;
	s5 =	sadd.s32 s21, s3  }
0x9d: {  	[timem:s7], [sflag:s22] =	dma.local [hbm:s5], s20  }
0x9e: {  	_ =	swait.ge [sflag:s22], s20  }
0x9f: {  	s4 =	ssub.s32 $0x0, s20;
	[sflag:s22] =	ssyncset.done $0x0  }
0xa0: {  	[sflag:s22] =	ssyncadd.s32 s4;
	_ =	sdelay $0x1  }
0xa1: {  	s23 =	simm.s32 $0x1B8B  }
0xa2: {  	_ =	swait.ge [sflag:s23], $0x1  }
0xa3: {  	[sflag:s23] =	ssyncset.done $0x0  }
0xa4: {  	s25 =	simm.s32 $0x1B8E;
	s24 =	sld [smem:$0x3FFE];
	[sflag:s23] =	ssyncadd.s32 $0xFFFFFFFF  }
0xa5: {  	s26 =	simm.s32 $execute0_lowered;
	[smem:$0x3FD2] =	sst s25  }
0xa6: {  	s5 =	sshll.u32 s26, $0x1;
	_ =	strace $0x80000046;
	[dreg:$0x1] =	wrdreg $0xFFFFFFFF  }
0xa7: {  	s28 =	simm.s32 $_size_execute0_lowered;
	s3 =	sadd.s32 s3, s5;
	[dreg:$0x0] =	wrdreg $0x0  }
0xa8: {  	s5 =	sshll.u32 s28, $0x1;
	[dreg:$0x2] =	wrdreg s3  }
0xa9: {  	[dreg:$0x3] =	wrdreg s5  }
0xaa: {  	[dreg:$0x4] =	wrdreg $0xC0  }
0xab: {  	_ =	task [dreg:s7], $0x5FFFF  }
0xac: {  	[dreg:$0x1] =	wrdreg $0xFFFFFFFF  }
0xad: {  	[dreg:$0x0] =	wrdreg $0x60  }
0xae: {  	[dreg:$0x2] =	wrdreg s24  }
0xaf: {  	[dreg:$0x3] =	wrdreg s2  }
0xb0: {  	[dreg:$0x4] =	wrdreg $0x9  }
0xb1: {  	_ =	task.clear_ibuf [dreg:s7], $0x5FFFF;
	_ =	strace $0x90000046  }
0xb2: {  	s29 =	simm.s32 $0x9;
	_ =	strace $0x80000048  }
0xb3: {  	_ =	swait.ge [sflag:s29], $0x1  }
0xb4: {  	[sflag:s29] =	ssyncadd.s32 $0xFFFFFFFF  }
0xb5: {  	_ =	strace $0x90000048  }
0xb6: {  	_ =	sfence  }
0xb7: {  	s30 =	sld [smem:$0x0];
	_ =	sdelay $0x2  }
0xb8: {  	s31 =	sshll.u32 s1, $0xD;
	s1 =	sshrl.u32 s1, $0x2  }
0xb9: {  	s3 =	sand.u32 $0x4000, s31;
	s1 =	sadd.s32 s1, s30  }
0xba: {  	s0 =	sor.u32 s3, s0;
	s1 =	sshll.u32 s1, $0x11  }
0xbb: {  	s0 =	sor.u32 s1, s0  }
0xbc: {  	s0 =	sadd.s32 $0x8F2B, s0  }
0xbd: {  	[sflag:s0] =	ssyncadd.remote.s32 $0x1  }
0xbe: {  	_ =	sfence.sel $0xFFFF  }
0xbf: {  	[dreg:$0x0] =	wrdreg $0xFFFFFFFF;
	(pc) =	sbr.abs _section_cstart, $3  }
0xc0: {  	[dreg:$0x1] =	wrdreg $0xFFFFFFFF  }
0xc1: {  	_ =	task.clear_ibuf [dreg:s7], $0x2FFFF;
	_ =	strace $0x9FFFFFFF  }
0xc2: {  	(tm) =	ssettm $0x7FFFFFFF  }
0xc3: {  	_ =	shalt  }
tec
execute0_lowered:
.L_overlay_start_1:
0x0: {  	(tag) =	ssettag $0x1  }
0x1: {  	s7 =	rddreg [dreg:$0x0];
	s1 =	srdreg.scid  }
0x2: {  	s0 =	stileid.u32;
	s2 =	rddreg [dreg:$0x1]  }
0x3: {  	s3 =	simm.s32 $0x0;
	s13 =	simm.s32 $0x3;
	s14 =	simm.s32 $0x200  }
0x4: {  	s15 =	simm.s32 $0x1;
	s16 =	simm.s32 $0x4000;
	s17 =	simm.s32 $0x800  }
0x5: {  	s18 =	simm.s32 $0x4800;
	s19 =	simm.s32 $0x2;
	s20 =	simm.s32 $0x400  }
0x6: {  	s21 =	simm.s32 $0x600;
	s8 =	sand.u32 $0x1, s1;
	s1 =	rddreg [dreg:$0x2]  }
0x7: {  	s22 =	simm.s32 $0x0;
	s4 =	sshll.u32 s0, $0x1;
	[smem:$0x7FF] =	sst s3  }
0x8: {  	s5 =	sadd.s32 $0x82000, s7;
	s6 =	sor.u32 s8, s4;
	_ =	strace $0x80000047  }
0x9: {  	s31 =	ssub.s32 $0x2, s8;
	s4 =	sshll.u32 s6, $0x8;
	s10 =	sshll.u32 s6, $0x6  }
0xa: {  	s6 =	sadd.s32 $0x20400, s7;
	s12 =	sshrl.u32 s31, $0x1;
	s9 =	sadd.s32 s4, s7  }
0xb: {  	s4 =	sadd.s32 $0xE3C00, s7;
	s11 =	sadd.s32 s10, s7;
	s7 =	sadd.s32 $0x145800, s9  }
0xc: {  	s12 =	ssub.s32 s31, s12;
	s8 =	sadd.s32 $0x147800, s11;
	s9 =	sadd.s32 $0x157800, s11  }
0xd: {  	s10 =	sadd.s32 $0x167800, s11;
	s11 =	sadd.s32 $0x177800, s11;
	s12 =	smax.u32 s12, $0x1  }
.LBB2_1:
0xe: {  	[tilespmem:s3], [sflag:$0x3] =	stream.linear.gather [hbm4b:s7+s3], $0x800, $0x38;
	[tilespmem:$0x8800] =	vst v63  }
0xf: {  	_ =	swait.ge [sflag:s13], $0x800  }
0x10: {  	[sflag:s13] =	ssyncset.done $0x0  }
0x11: {  	s23 =	simm.s32 $0x800;
	[sflag:s13] =	ssyncadd.s32 $0xFFFFF800  }
0x12: {  	[tilespmem:s23], [sflag:$0x1] =	stream.indirect.gather [hbm4b:s2+s14], $0x1, s3, s14, $0xb8;
	[tilespmem:$0x8800] =	vst v63  }
0x13: {  	s24 =	smov.u32 s2;
	s23 =	simm.s32 $0x800  }
.LBB2_2:
0x14: {  	p0 =	sne.s32 s23, $0xF800  }
.Ltmp0:
0x15: {  	_ = 	snop;
	(pc) =	sbr.rel @p0 .LBB2_2-.Ltmp0, $4  }
0x16: {  	_ = 	snop  }
0x17: {  	s25 =	sshra.s32 s23, $0x2;
	s23 =	sadd.s32 $0x800, s23  }
0x18: {  	s24 =	sadd.s32 $0x30D4, s24;
	s25 =	sadd.s32 $0x800, s25  }
0x19: {  	[tilespmem:s25], [sflag:$0x1] =	stream.indirect.gather [hbm4b:s24+s14], $0x1, s3, s14, $0xb8;
	[tilespmem:$0x8800] =	vst v63  }
0x1a: {  	_ =	swait.ge [sflag:s15], $0x4000  }
0x1b: {  	[sflag:s15] =	ssyncset.done $0x0  }
0x1c: {  	[sflag:s15] =	ssyncadd.s32 $0xFFFFC000  }
0x1d: {  	[hbm4b:s8+s14] =	stream.strided.scatter [tilespmem:s17], [sflag:$0x2], $0x4000, s16, s14, $0x38;
	[tilespmem:$0x8800] =	vst v63  }
0x1e: {  	s23 =	simm.s32 $0x4800  }
0x1f: {  	[tilespmem:s23], [sflag:$0x1] =	stream.indirect.gather [hbm4b:s4+s14], $0x1, s14, s14, $0xb8;
	[tilespmem:$0x8800] =	vst v63  }
0x20: {  	s24 =	smov.u32 s4;
	s23 =	simm.s32 $0x800  }
.LBB2_4:
0x21: {  	p0 =	sne.s32 s23, $0xF800  }
.Ltmp1:
0x22: {  	_ = 	snop;
	(pc) =	sbr.rel @p0 .LBB2_4-.Ltmp1, $4  }
0x23: {  	_ = 	snop  }
0x24: {  	s25 =	sshra.s32 s23, $0x2;
	s23 =	sadd.s32 $0x800, s23  }
0x25: {  	s24 =	sadd.s32 $0x30D4, s24;
	s25 =	sadd.s32 $0x4800, s25  }
0x26: {  	[tilespmem:s25], [sflag:$0x1] =	stream.indirect.gather [hbm4b:s24+s14], $0x1, s14, s14, $0xb8;
	[tilespmem:$0x8800] =	vst v63  }
0x27: {  	_ =	swait.ge [sflag:s15], $0x4000  }
0x28: {  	[sflag:s15] =	ssyncset.done $0x0  }
0x29: {  	[sflag:s15] =	ssyncadd.s32 $0xFFFFC000  }
0x2a: {  	[hbm4b:s9+s14] =	stream.strided.scatter [tilespmem:s18], [sflag:$0x2], $0x4000, s16, s14, $0x38;
	[tilespmem:$0x8800] =	vst v63  }
0x2b: {  	_ =	swait.ge [sflag:s19], $0x4000  }
0x2c: {  	[sflag:s19] =	ssyncset.done $0x0  }
0x2d: {  	s23 =	simm.s32 $0x800;
	[sflag:s19] =	ssyncadd.s32 $0xFFFFC000  }
0x2e: {  	[tilespmem:s23], [sflag:$0x1] =	stream.indirect.gather [hbm4b:s5+s14], $0x1, s20, s14, $0xb8;
	[tilespmem:$0x8800] =	vst v63  }
0x2f: {  	s24 =	smov.u32 s5;
	s23 =	simm.s32 $0x800  }
.LBB2_6:
0x30: {  	p0 =	sne.s32 s23, $0xF800  }
.Ltmp2:
0x31: {  	_ = 	snop;
	(pc) =	sbr.rel @p0 .LBB2_6-.Ltmp2, $4  }
0x32: {  	_ = 	snop  }
0x33: {  	s25 =	sshra.s32 s23, $0x2;
	s23 =	sadd.s32 $0x800, s23  }
0x34: {  	s24 =	sadd.s32 $0x30D4, s24;
	s25 =	sadd.s32 $0x800, s25  }
0x35: {  	[tilespmem:s25], [sflag:$0x1] =	stream.indirect.gather [hbm4b:s24+s14], $0x1, s20, s14, $0xb8;
	[tilespmem:$0x8800] =	vst v63  }
0x36: {  	_ =	swait.ge [sflag:s15], $0x4000  }
0x37: {  	[sflag:s15] =	ssyncset.done $0x0  }
0x38: {  	[sflag:s15] =	ssyncadd.s32 $0xFFFFC000  }
0x39: {  	[hbm4b:s10+s14] =	stream.strided.scatter [tilespmem:s17], [sflag:$0x2], $0x4000, s16, s14, $0x38;
	[tilespmem:$0x8800] =	vst v63  }
0x3a: {  	_ =	swait.ge [sflag:s19], $0x4000  }
0x3b: {  	[sflag:s19] =	ssyncset.done $0x0  }
0x3c: {  	s23 =	simm.s32 $0x4800;
	[sflag:s19] =	ssyncadd.s32 $0xFFFFC000  }
0x3d: {  	[tilespmem:s23], [sflag:$0x1] =	stream.indirect.gather [hbm4b:s6+s14], $0x1, s21, s14, $0xb8;
	[tilespmem:$0x8800] =	vst v63  }
0x3e: {  	s24 =	smov.u32 s6;
	s23 =	simm.s32 $0x800  }
.LBB2_8:
0x3f: {  	p0 =	sne.s32 s23, $0xF800  }
.Ltmp3:
0x40: {  	_ = 	snop;
	(pc) =	sbr.rel @p0 .LBB2_8-.Ltmp3, $4  }
0x41: {  	_ = 	snop  }
0x42: {  	s25 =	sshra.s32 s23, $0x2;
	s23 =	sadd.s32 $0x800, s23  }
0x43: {  	s24 =	sadd.s32 $0x30D4, s24;
	s25 =	sadd.s32 $0x4800, s25  }
0x44: {  	[tilespmem:s25], [sflag:$0x1] =	stream.indirect.gather [hbm4b:s24+s14], $0x1, s21, s14, $0xb8;
	[tilespmem:$0x8800] =	vst v63  }
0x45: {  	_ =	swait.ge [sflag:s15], $0x4000  }
0x46: {  	[sflag:s15] =	ssyncset.done $0x0  }
0x47: {  	s22 =	sadd.s32 $0x1, s22;
	[sflag:s15] =	ssyncadd.s32 $0xFFFFC000  }
0x48: {  	[hbm4b:s11+s14] =	stream.strided.scatter [tilespmem:s18], [sflag:$0x2], $0x4000, s16, s14, $0x38;
	[tilespmem:$0x8800] =	vst v63  }
0x49: {  	p0 =	sne.s32 s22, s12;
	_ =	swait.ge [sflag:s19], $0x4000  }
.Ltmp4:
0x4a: {  	[sflag:s19] =	ssyncset.done $0x0;
	(pc) =	sbr.rel @p0 .LBB2_1-.Ltmp4, $4  }
0x4b: {  	[sflag:s19] =	ssyncadd.s32 $0xFFFFC000  }
0x4c: {  	_ =	swait.ge [sflag:s19], $0x4000  }
0x4d: {  	[sflag:s19] =	ssyncset.done $0x0  }
0x4e: {  	[sflag:s19] =	ssyncadd.s32 $0xFFFFC000  }
0x4f: {  	_ =	sfence.sel $0x180000  }
0x50: {  	[bflag:$0x0] =	sbarrier.arrive $0xFFFF  }
0x51: {  	p0 =	sne.s32 s0, $0x0;
	_ =	strace $0x90000047  }
0x52: {  	s0 =	sadd.s32 @!p0 $0x100000, s1;
	[bflag:$0x2] =	sbarrier.arrive $0xFFFF  }
0x53: {  	[sflag:s0] =	ssyncadd.tile.s32 @!p0 $0x1;
	_ =	shalt  }
.Lfunc_end2:
_tile_overlayer_lowered:
.L_overlay_start_2:
0x54: {  	(tag) =	ssettag $0x2  }
0x55: {  	s0 =	rddreg [dreg:$0x0];
	s2 =	stileid.u32  }
0x56: {  	s1 =	rddreg [dreg:$0x1];
	p0 =	sne.s32 s2, $0x0  }
0x57: {  	s3 =	rddreg [dreg:$0x2];
	[bflag:$0x3] =	sbarrier.arrive $0xFFFF;
	s2 =	simm.s32 @!p0 $0x1C03  }
0x58: {  	[timem:s3], [sflag:s2] =	dma.local @!p0 [hbm:s0], s1  }
0x59: {  	s0 =	simm.s32 @!p0 $0x3  }
0x5a: {  	_ =	swait.ge @!p0 [sflag:s0], s1  }
0x5b: {  	s1 =	ssub.s32 @!p0 $0x0, s1;
	[sflag:s0] =	ssyncset.done @!p0 $0x0  }
0x5c: {  	[sflag:s0] =	ssyncadd.s32 @!p0 s1  }
0x5d: {  	[bflag:$0x3] =	sbarrier.arrive $0xFFFF  }
0x5e: {  	_ =	shalt  }

// kernel: kernel.13.cloned.1.call-start
scs
__scs_entry_jumppad:
0x0: {  	(pc) =	sbr.rel $0x88, $3  }
0x1: {  	(tag) =	ssettag $0x0;
	lr =	simm.s32 $0x1  }
0x2: {  	[smem:$0x3F6D] =	sst lr;
	_ =	strace $0xD0000000  }
0x3: {  	_ = 	snop  }
0x4: {  	_ = 	snop  }
0x5: {  	_ = 	snop  }
0x6: {  	_ = 	snop  }
0x7: {  	_ = 	snop  }
__scs_overlays_trampoline_lowered:
0x8: {  	[smem:$0x3F7C] =	sst s0  }
0x9: {  	[smem:$0x3F7D] =	sst s1  }
0xa: {  	[smem:$0x3F7E] =	sst s2  }
0xb: {  	[smem:$0x3F7F] =	sst s3  }
0xc: {  	[smem:$0x3F80] =	sst s4  }
0xd: {  	[smem:$0x3F81] =	sst s5  }
0xe: {  	[smem:$0x3F82] =	sst s6  }
0xf: {  	[smem:$0x3F83] =	sst s7  }
0x10: {  	[smem:$0x3F84] =	sst s8  }
0x11: {  	[smem:$0x3F85] =	sst s9;
	s0 =	simm.s32 @!p0 $0x0  }
0x12: {  	s1 =	sld [smem:$0x3F6B];
	s0 =	simm.s32 @p0 $0x1  }
0x13: {  	[smem:$0x3F86] =	sst s0;
	s0 =	simm.s32 @!p1 $0x0  }
0x14: {  	s2 =	sld [smem:$0x3F6A];
	s0 =	simm.s32 @p1 $0x1  }
0x15: {  	[smem:$0x3F87] =	sst s0;
	s0 =	simm.s32 @!p2 $0x0  }
0x16: {  	s3 =	sld [smem:$0x3FDB];
	s0 =	simm.s32 @p2 $0x1  }
0x17: {  	s4 =	simm.s32 $0x1BF5;
	[smem:$0x3F89] =	sst s0  }
0x18: {  	s0 =	sld [smem:$0x3F6C];
	_ =	swait.ge [sflag:s4], $0x0  }
0x19: {  	s7 =	sld [smem:$0x3F6D]  }
0x1a: {  	s8 =	sadd.s32 $0xFFFFE003, lr  }
0x1b: {  	s9 =	sadd.s32 $0xFFFFFEF7, lr;
	s5 =	simm.s32 $0xFFFFFFFF;
	p2 =	slt.u32 s8, $0xFFFFF086  }
0x1c: {  	p1 =	slt.u32 s9, $0xF7A;
	s5 =	simm.s32 @!p2 $0x0  }
0x1d: {  	s5 =	simm.s32 @p1 $0x1;
	p0 =	seq.s32 s7, s2  }
0x1e: {  	s7 =	smul.u32 @!p0 $0xF7A, s2;
	p2 =	seq.s32 @!p0 s5, $0x0  }
0x1f: {  	s9 =	smul.u32 $0xF7A, s1;
	s8 =	simm.s32 @!p0 $0x1BF5;
	p2 =	por !p2, p0  }
0x20: {  	[sflag:s8] =	ssyncset.s32 @!p0 $0xFFFFF086;
	s6 =	sadd.s32 @!p0 s3, s7;
	s7 =	simm.s32 @!p0 $0x108  }
0x21: {  	s3 =	sadd.s32 s3, s9;
	s6 =	sadd.s32 @!p0 $0x88, s6;
	s7 =	simm.s32 @p2 $0x1082  }
0x22: {  	[simem:s7], [sflag:s8] =	dma.local @!p0 [hbm:s6], $0xF7A  }
0x23: {  	s9 =	sor.u32 $0xD0000000, s2;
	s6 =	simm.s32 $0x108;
	_ =	swait.ge @!p0 [sflag:s8], $0x0  }
0x24: {  	s3 =	sadd.s32 $0x88, s3;
	s6 =	simm.s32 @!p1 $0x1082;
	[sflag:s4] =	ssyncset.s32 $0xFFFFF086  }
0x25: {  	[simem:s6], [sflag:s4] =	dma.local [hbm:s3], $0xF7A  }
0x26: {  	[smem:$0x3F6D] =	sst s1;
	(tag) =	ssettag s2;
	_ =	strace s9  }
0x27: {  	s1 =	sld [smem:$0x3F7D]  }
0x28: {  	s2 =	sld [smem:$0x3F7E]  }
0x29: {  	s4 =	sld [smem:$0x3F80]  }
0x2a: {  	p0 =	seq.s32 s5, $0x0;
	s5 =	sld [smem:$0x3F81]  }
0x2b: {  	s6 =	sld [smem:$0x3F82]  }
0x2c: {  	s7 =	sld [smem:$0x3F83]  }
0x2d: {  	s3 =	simm.s32 $0x108;
	s8 =	sld [smem:$0x3F84]  }
0x2e: {  	s3 =	simm.s32 @!p0 $0x1082;
	s9 =	sld [smem:$0x3F85]  }
0x2f: {  	lr =	sadd.s32 s0, s3;
	s0 =	sld [smem:$0x3F7C]  }
0x30: {  	s3 =	sld [smem:$0x3F7F]  }
0x31: {  	[smem:$0x3F88] =	sst s10  }
0x32: {  	s10 =	sld [smem:$0x3F86];
	_ =	sdelay $0x3  }
0x33: {  	p0 =	seq.s32 s10, $0x1;
	s10 =	sld [smem:$0x3F88];
	_ =	sdelay $0x3  }
0x34: {  	[smem:$0x3F88] =	sst s10  }
0x35: {  	s10 =	sld [smem:$0x3F87];
	_ =	sdelay $0x3  }
0x36: {  	p1 =	seq.s32 s10, $0x1;
	s10 =	sld [smem:$0x3F88];
	_ =	sdelay $0x3  }
0x37: {  	[smem:$0x3F88] =	sst s10  }
0x38: {  	s10 =	sld [smem:$0x3F89]  }
0x39: {  	_ = 	snop;
	(pc) =	sbr.ind lr, $3  }
0x3a: {  	_ = 	snop  }
0x3b: {  	_ = 	snop  }
0x3c: {  	p2 =	seq.s32 s10, $0x1;
	s10 =	sld [smem:$0x3F88]  }
0x3d: {  	_ =	shalt  }
0x3e: {  	_ =	shalt  }
0x3f: {  	_ =	shalt  }
0x40: {  	_ =	shalt  }
0x41: {  	_ =	shalt  }
0x42: {  	_ =	shalt  }
0x43: {  	_ =	shalt  }
0x44: {  	_ =	shalt  }
0x45: {  	_ =	shalt  }
0x46: {  	_ =	shalt  }
0x47: {  	_ =	shalt  }
0x48: {  	_ =	shalt  }
0x49: {  	_ =	shalt  }
0x4a: {  	_ =	shalt  }
0x4b: {  	_ =	shalt  }
0x4c: {  	_ =	shalt  }
0x4d: {  	_ =	shalt  }
0x4e: {  	_ =	shalt  }
0x4f: {  	_ =	shalt  }
0x50: {  	_ =	shalt  }
0x51: {  	_ =	shalt  }
0x52: {  	_ =	shalt  }
0x53: {  	_ =	shalt  }
0x54: {  	_ =	shalt  }
0x55: {  	_ =	shalt  }
0x56: {  	_ =	shalt  }
0x57: {  	_ =	shalt  }
0x58: {  	_ =	shalt  }
0x59: {  	_ =	shalt  }
0x5a: {  	_ =	shalt  }
0x5b: {  	_ =	shalt  }
0x5c: {  	_ =	shalt  }
0x5d: {  	_ =	shalt  }
0x5e: {  	_ =	shalt  }
0x5f: {  	_ =	shalt  }
0x60: {  	_ =	shalt  }
0x61: {  	_ =	shalt  }
0x62: {  	_ =	shalt  }
0x63: {  	_ =	shalt  }
0x64: {  	_ =	shalt  }
0x65: {  	_ =	shalt  }
0x66: {  	_ =	shalt  }
0x67: {  	_ =	shalt  }
0x68: {  	_ =	shalt  }
0x69: {  	_ =	shalt  }
0x6a: {  	_ =	shalt  }
0x6b: {  	_ =	shalt  }
0x6c: {  	_ =	shalt  }
0x6d: {  	_ =	shalt  }
0x6e: {  	_ =	shalt  }
0x6f: {  	_ =	shalt  }
0x70: {  	_ =	shalt  }
0x71: {  	_ =	shalt  }
0x72: {  	_ =	shalt  }
0x73: {  	_ =	shalt  }
0x74: {  	_ =	shalt  }
0x75: {  	_ =	shalt  }
0x76: {  	_ =	shalt  }
0x77: {  	_ =	shalt  }
0x78: {  	_ =	shalt  }
0x79: {  	_ =	shalt  }
0x7a: {  	_ =	shalt  }
0x7b: {  	_ =	shalt  }
0x7c: {  	_ =	shalt  }
0x7d: {  	_ =	shalt  }
0x7e: {  	_ =	shalt  }
0x7f: {  	_ =	shalt  }
0x80: {  	_ =	shalt  }
0x81: {  	_ =	shalt  }
0x82: {  	_ =	shalt  }
0x83: {  	_ =	shalt  }
0x84: {  	_ =	shalt  }
0x85: {  	_ =	shalt  }
0x86: {  	_ =	shalt  }
0x87: {  	_ =	shalt  }
.Lfunc_end0:
.L_simem_size_0:
called_computation.1_lowered:
.L_overlay_start_0:
0x88: {  	s2 =	sld [smem:$0x3FD9]  }
0x89: {  	s3 =	sld [smem:$0x3FFE];
	_ =	sdelay $0x1  }
0x8a: {  	s1 =	srdreg.scid  }
0x8b: {  	s0 =	sand.u32 $0x1, s1  }
0x8c: {  	s17 =	sshll.u32 s0, $0xA;
	s2 =	sadd.s32 s3, s2  }
0x8d: {  	s2 =	sadd.s32 s2, s17  }
0x8e: {  	[smem:$0x3F94] =	sst s2  }
0x8f: {  	_ = 	snop  }
0x90: {  	(tm) =	ssettm $0x1  }
0x91: {  	s18 =	sld [smem:$0x3FFB];
	_ =	sdelay $0x3  }
0x92: {  	_ =	strace s18  }
0x93: {  	s2 =	sld [smem:$0x3FFC];
	_ =	sdelay $0x3  }
0x94: {  	_ =	strace s2  }
0x95: {  	s2 =	sld [smem:$0x3FFD];
	_ =	sdelay $0x3  }
0x96: {  	_ =	strace s2  }
0x97: {  	_ =	strace $0x8FFFFFFF  }
0x98: {  	s19 =	sld [smem:$0x3FDB];
	_ =	sdelay $0x1  }
0x99: {  	s20 =	simm.s32 $_scs_section_size  }
0x9a: {  	s4 =	simm.s32 $_size__tile_overlayer_lowered;
	s5 =	simm.s32 $_tile_overlayer_lowered  }
0x9b: {  	s6 =	simm.s32 $0x1BFF;
	s21 =	sshll.u32 s5, $0x1;
	s3 =	sadd.s32 s20, s19  }
0x9c: {  	s22 =	simm.s32 $0x0;
	s4 =	sshll.u32 s4, $0x1;
	s5 =	sadd.s32 s21, s3  }
0x9d: {  	[timem:s22], [sflag:s6] =	dma.local [hbm:s5], s4  }
0x9e: {  	_ =	swait.ge [sflag:s6], s4  }
0x9f: {  	s4 =	ssub.s32 $0x0, s4;
	[sflag:s6] =	ssyncset.done $0x0  }
0xa0: {  	[sflag:s6] =	ssyncadd.s32 s4;
	_ =	sdelay $0x1  }
0xa1: {  	s23 =	simm.s32 $0x1B8B  }
0xa2: {  	_ =	swait.ge [sflag:s23], $0x1  }
0xa3: {  	[sflag:s23] =	ssyncset.done $0x0  }
0xa4: {  	[sflag:s23] =	ssyncadd.s32 $0xFFFFFFFF  }
0xa5: {  	s4 =	sld [smem:$0x0]  }
0xa6: {  	s5 =	sand.u32 $0xFFFFFFFE, s1  }
0xa7: {  	p0 =	sne.s32 s1, s5  }
0xa8: {  	s5 =	sshll.u32 @p0 s5, $0xE  }
0xa9: {  	s5 =	sadd.s32 @p0 $0x11B8D, s5;
	s6 =	sshll.u32 @p0 s4, $0x11  }
0xaa: {  	s5 =	sor.u32 @p0 s6, s5  }
0xab: {  	[sflag:s5] =	ssyncadd.remote.s32 @p0 $0x1;
	_ =	sdelay $0x1  }
0xac: {  	s5 =	simm.s32 @p0 $0x1B8D  }
0xad: {  	_ =	swait.eq @p0 [sflag:s5], $0x1  }
0xae: {  	[sflag:s5] =	ssyncadd.s32 @p0 $0xFFFFFFFF  }
0xaf: {  	s6 =	sshll.u32 @!p0 s1, $0xE  }
0xb0: {  	s6 =	sor.u32 @!p0 $0x4000, s6;
	s5 =	simm.s32 @!p0 $0x1B8D  }
0xb1: {  	s4 =	sshll.u32 @!p0 s4, $0x11;
	s6 =	sadd.s32 @!p0 $0x11B8D, s6;
	_ =	swait.eq @!p0 [sflag:s5], $0x1  }
0xb2: {  	s4 =	sor.u32 @!p0 s4, s6;
	[sflag:s5] =	ssyncadd.s32 @!p0 $0xFFFFFFFF  }
0xb3: {  	s25 =	simm.s32 $0x1B8E;
	s24 =	sld [smem:$0x3FFE];
	[sflag:s4] =	ssyncadd.remote.s32 @!p0 $0x1  }
0xb4: {  	s26 =	simm.s32 $execute0_lowered;
	[smem:$0x3FD2] =	sst s25  }
0xb5: {  	s5 =	sshll.u32 s26, $0x1;
	_ =	strace $0x80000049;
	[dreg:$0x1] =	wrdreg $0xFFFFFFFF  }
0xb6: {  	s28 =	simm.s32 $_size_execute0_lowered;
	s3 =	sadd.s32 s3, s5;
	[dreg:$0x0] =	wrdreg $0x0  }
0xb7: {  	s5 =	sshll.u32 s28, $0x1;
	[dreg:$0x2] =	wrdreg s3  }
0xb8: {  	[dreg:$0x3] =	wrdreg s5  }
0xb9: {  	[dreg:$0x4] =	wrdreg $0xC0  }
0xba: {  	_ =	task [dreg:s22], $0x5FFFF  }
0xbb: {  	[dreg:$0x1] =	wrdreg $0xFFFFFFFF  }
0xbc: {  	[dreg:$0x0] =	wrdreg $0x60  }
0xbd: {  	[dreg:$0x2] =	wrdreg s24  }
0xbe: {  	[dreg:$0x3] =	wrdreg $0xA  }
0xbf: {  	_ =	task.clear_ibuf [dreg:s22], $0x4FFFF;
	_ =	strace $0x90000049  }
0xc0: {  	s29 =	simm.s32 $0xA;
	_ =	strace $0x8000004B  }
0xc1: {  	_ =	swait.ge [sflag:s29], $0x1  }
0xc2: {  	[sflag:s29] =	ssyncadd.s32 $0xFFFFFFFF  }
0xc3: {  	_ =	strace $0x9000004B  }
0xc4: {  	_ =	sfence  }
0xc5: {  	s30 =	sld [smem:$0x0];
	_ =	sdelay $0x2  }
0xc6: {  	s31 =	sshll.u32 s1, $0xD;
	s1 =	sshrl.u32 s1, $0x2  }
0xc7: {  	s4 =	sand.u32 $0x4000, s31;
	s1 =	sadd.s32 s1, s30  }
0xc8: {  	s0 =	sor.u32 s4, s0;
	s1 =	sshll.u32 s1, $0x11  }
0xc9: {  	s0 =	sor.u32 s1, s0  }
0xca: {  	s0 =	sadd.s32 $0x8F2B, s0  }
0xcb: {  	[sflag:s0] =	ssyncadd.remote.s32 $0x1  }
0xcc: {  	_ =	sfence.sel $0xFFFF  }
0xcd: {  	[dreg:$0x0] =	wrdreg $0xFFFFFFFF;
	(pc) =	sbr.abs _section_cstart, $3  }
0xce: {  	[dreg:$0x1] =	wrdreg $0xFFFFFFFF  }
0xcf: {  	_ =	task.clear_ibuf [dreg:s22], $0x2FFFF;
	_ =	strace $0x9FFFFFFF  }
0xd0: {  	(tm) =	ssettm $0x7FFFFFFF  }
0xd1: {  	_ =	shalt  }
tec
execute0_lowered:
.L_overlay_start_1:
0x0: {  	(tag) =	ssettag $0x1  }
0x1: {  	s1 =	srdreg.scid  }
0x2: {  	s0 =	stileid.u32;
	s7 =	rddreg [dreg:$0x0];
	s2 =	simm.s32 $0x0  }
0x3: {  	s13 =	simm.s32 $0x3;
	s14 =	simm.s32 $0x200;
	s15 =	simm.s32 $0x1  }
0x4: {  	s16 =	simm.s32 $0x4000;
	s17 =	simm.s32 $0x800;
	s18 =	simm.s32 $0x4800  }
0x5: {  	s19 =	simm.s32 $0x2;
	s20 =	simm.s32 $0x400;
	s21 =	simm.s32 $0x600  }
0x6: {  	s22 =	simm.s32 $0x0;
	s8 =	sand.u32 $0x1, s1;
	s1 =	rddreg [dreg:$0x1]  }
0x7: {  	s3 =	sshll.u32 s0, $0x1;
	[smem:$0x7FF] =	sst s2;
	s4 =	sadd.s32 $0x24B000, s7  }
0x8: {  	s5 =	sadd.s32 $0x1E9400, s7;
	s6 =	sor.u32 s8, s3;
	_ =	strace $0x8000004A  }
0x9: {  	s31 =	ssub.s32 $0x2, s8;
	s3 =	sshll.u32 s6, $0x8;
	s10 =	sshll.u32 s6, $0x6  }
0xa: {  	s6 =	sadd.s32 $0x187800, s7;
	s12 =	sshrl.u32 s31, $0x1;
	s9 =	sadd.s32 s3, s7  }
0xb: {  	s3 =	sadd.s32 $0x2ACC00, s7;
	s11 =	sadd.s32 s10, s7;
	s7 =	sadd.s32 $0x30E800, s9  }
0xc: {  	s12 =	ssub.s32 s31, s12;
	s8 =	sadd.s32 $0x310800, s11;
	s9 =	sadd.s32 $0x320800, s11  }
0xd: {  	s10 =	sadd.s32 $0x330800, s11;
	s11 =	sadd.s32 $0x340800, s11;
	s12 =	smax.u32 s12, $0x1  }
.LBB2_1:
0xe: {  	[tilespmem:s2], [sflag:$0x3] =	stream.linear.gather [hbm4b:s7+s2], $0x800, $0x38;
	[tilespmem:$0x8800] =	vst v63  }
0xf: {  	_ =	swait.ge [sflag:s13], $0x800  }
0x10: {  	[sflag:s13] =	ssyncset.done $0x0  }
0x11: {  	s23 =	simm.s32 $0x800;
	[sflag:s13] =	ssyncadd.s32 $0xFFFFF800  }
0x12: {  	[tilespmem:s23], [sflag:$0x1] =	stream.indirect.gather [hbm4b:s3+s14], $0x1, s2, s14, $0xb8;
	[tilespmem:$0x8800] =	vst v63  }
0x13: {  	s24 =	smov.u32 s3;
	s23 =	simm.s32 $0x800  }
.LBB2_2:
0x14: {  	p0 =	sne.s32 s23, $0xF800  }
.Ltmp0:
0x15: {  	_ = 	snop;
	(pc) =	sbr.rel @p0 .LBB2_2-.Ltmp0, $4  }
0x16: {  	_ = 	snop  }
0x17: {  	s25 =	sshra.s32 s23, $0x2;
	s23 =	sadd.s32 $0x800, s23  }
0x18: {  	s24 =	sadd.s32 $0x30D4, s24;
	s25 =	sadd.s32 $0x800, s25  }
0x19: {  	[tilespmem:s25], [sflag:$0x1] =	stream.indirect.gather [hbm4b:s24+s14], $0x1, s2, s14, $0xb8;
	[tilespmem:$0x8800] =	vst v63  }
0x1a: {  	_ =	swait.ge [sflag:s15], $0x4000  }
0x1b: {  	[sflag:s15] =	ssyncset.done $0x0  }
0x1c: {  	[sflag:s15] =	ssyncadd.s32 $0xFFFFC000  }
0x1d: {  	[hbm4b:s8+s14] =	stream.strided.scatter [tilespmem:s17], [sflag:$0x2], $0x4000, s16, s14, $0x38;
	[tilespmem:$0x8800] =	vst v63  }
0x1e: {  	s23 =	simm.s32 $0x4800  }
0x1f: {  	[tilespmem:s23], [sflag:$0x1] =	stream.indirect.gather [hbm4b:s4+s14], $0x1, s14, s14, $0xb8;
	[tilespmem:$0x8800] =	vst v63  }
0x20: {  	s24 =	smov.u32 s4;
	s23 =	simm.s32 $0x800  }
.LBB2_4:
0x21: {  	p0 =	sne.s32 s23, $0xF800  }
.Ltmp1:
0x22: {  	_ = 	snop;
	(pc) =	sbr.rel @p0 .LBB2_4-.Ltmp1, $4  }
0x23: {  	_ = 	snop  }
0x24: {  	s25 =	sshra.s32 s23, $0x2;
	s23 =	sadd.s32 $0x800, s23  }
0x25: {  	s24 =	sadd.s32 $0x30D4, s24;
	s25 =	sadd.s32 $0x4800, s25  }
0x26: {  	[tilespmem:s25], [sflag:$0x1] =	stream.indirect.gather [hbm4b:s24+s14], $0x1, s14, s14, $0xb8;
	[tilespmem:$0x8800] =	vst v63  }
0x27: {  	_ =	swait.ge [sflag:s15], $0x4000  }
0x28: {  	[sflag:s15] =	ssyncset.done $0x0  }
0x29: {  	[sflag:s15] =	ssyncadd.s32 $0xFFFFC000  }
0x2a: {  	[hbm4b:s9+s14] =	stream.strided.scatter [tilespmem:s18], [sflag:$0x2], $0x4000, s16, s14, $0x38;
	[tilespmem:$0x8800] =	vst v63  }
0x2b: {  	_ =	swait.ge [sflag:s19], $0x4000  }
0x2c: {  	[sflag:s19] =	ssyncset.done $0x0  }
0x2d: {  	s23 =	simm.s32 $0x800;
	[sflag:s19] =	ssyncadd.s32 $0xFFFFC000  }
0x2e: {  	[tilespmem:s23], [sflag:$0x1] =	stream.indirect.gather [hbm4b:s5+s14], $0x1, s20, s14, $0xb8;
	[tilespmem:$0x8800] =	vst v63  }
0x2f: {  	s24 =	smov.u32 s5;
	s23 =	simm.s32 $0x800  }
.LBB2_6:
0x30: {  	p0 =	sne.s32 s23, $0xF800  }
.Ltmp2:
0x31: {  	_ = 	snop;
	(pc) =	sbr.rel @p0 .LBB2_6-.Ltmp2, $4  }
0x32: {  	_ = 	snop  }
0x33: {  	s25 =	sshra.s32 s23, $0x2;
	s23 =	sadd.s32 $0x800, s23  }
0x34: {  	s24 =	sadd.s32 $0x30D4, s24;
	s25 =	sadd.s32 $0x800, s25  }
0x35: {  	[tilespmem:s25], [sflag:$0x1] =	stream.indirect.gather [hbm4b:s24+s14], $0x1, s20, s14, $0xb8;
	[tilespmem:$0x8800] =	vst v63  }
0x36: {  	_ =	swait.ge [sflag:s15], $0x4000  }
0x37: {  	[sflag:s15] =	ssyncset.done $0x0  }
0x38: {  	[sflag:s15] =	ssyncadd.s32 $0xFFFFC000  }
0x39: {  	[hbm4b:s10+s14] =	stream.strided.scatter [tilespmem:s17], [sflag:$0x2], $0x4000, s16, s14, $0x38;
	[tilespmem:$0x8800] =	vst v63  }
0x3a: {  	_ =	swait.ge [sflag:s19], $0x4000  }
0x3b: {  	[sflag:s19] =	ssyncset.done $0x0  }
0x3c: {  	s23 =	simm.s32 $0x4800;
	[sflag:s19] =	ssyncadd.s32 $0xFFFFC000  }
0x3d: {  	[tilespmem:s23], [sflag:$0x1] =	stream.indirect.gather [hbm4b:s6+s14], $0x1, s21, s14, $0xb8;
	[tilespmem:$0x8800] =	vst v63  }
0x3e: {  	s24 =	smov.u32 s6;
	s23 =	simm.s32 $0x800  }
.LBB2_8:
0x3f: {  	p0 =	sne.s32 s23, $0xF800  }
.Ltmp3:
0x40: {  	_ = 	snop;
	(pc) =	sbr.rel @p0 .LBB2_8-.Ltmp3, $4  }
0x41: {  	_ = 	snop  }
0x42: {  	s25 =	sshra.s32 s23, $0x2;
	s23 =	sadd.s32 $0x800, s23  }
0x43: {  	s24 =	sadd.s32 $0x30D4, s24;
	s25 =	sadd.s32 $0x4800, s25  }
0x44: {  	[tilespmem:s25], [sflag:$0x1] =	stream.indirect.gather [hbm4b:s24+s14], $0x1, s21, s14, $0xb8;
	[tilespmem:$0x8800] =	vst v63  }
0x45: {  	_ =	swait.ge [sflag:s15], $0x4000  }
0x46: {  	[sflag:s15] =	ssyncset.done $0x0  }
0x47: {  	s22 =	sadd.s32 $0x1, s22;
	[sflag:s15] =	ssyncadd.s32 $0xFFFFC000  }
0x48: {  	[hbm4b:s11+s14] =	stream.strided.scatter [tilespmem:s18], [sflag:$0x2], $0x4000, s16, s14, $0x38;
	[tilespmem:$0x8800] =	vst v63  }
0x49: {  	p0 =	sne.s32 s22, s12;
	_ =	swait.ge [sflag:s19], $0x4000  }
.Ltmp4:
0x4a: {  	[sflag:s19] =	ssyncset.done $0x0;
	(pc) =	sbr.rel @p0 .LBB2_1-.Ltmp4, $4  }
0x4b: {  	[sflag:s19] =	ssyncadd.s32 $0xFFFFC000  }
0x4c: {  	_ =	swait.ge [sflag:s19], $0x4000  }
0x4d: {  	[sflag:s19] =	ssyncset.done $0x0  }
0x4e: {  	[sflag:s19] =	ssyncadd.s32 $0xFFFFC000  }
0x4f: {  	_ =	sfence.sel $0x180000  }
0x50: {  	[bflag:$0x0] =	sbarrier.arrive $0xFFFF  }
0x51: {  	p0 =	sne.s32 s0, $0x0;
	_ =	strace $0x9000004A  }
0x52: {  	s0 =	sadd.s32 @!p0 $0x100000, s1;
	[bflag:$0x2] =	sbarrier.arrive $0xFFFF  }
0x53: {  	[sflag:s0] =	ssyncadd.tile.s32 @!p0 $0x1;
	_ =	shalt  }
.Lfunc_end2:
_tile_overlayer_lowered:
.L_overlay_start_2:
0x54: {  	(tag) =	ssettag $0x2  }
0x55: {  	s0 =	rddreg [dreg:$0x0];
	s2 =	stileid.u32  }
0x56: {  	s1 =	rddreg [dreg:$0x1];
	p0 =	sne.s32 s2, $0x0  }
0x57: {  	s3 =	rddreg [dreg:$0x2];
	[bflag:$0x3] =	sbarrier.arrive $0xFFFF;
	s2 =	simm.s32 @!p0 $0x1C03  }
0x58: {  	[timem:s3], [sflag:s2] =	dma.local @!p0 [hbm:s0], s1  }
0x59: {  	s0 =	simm.s32 @!p0 $0x3  }
0x5a: {  	_ =	swait.ge @!p0 [sflag:s0], s1  }
0x5b: {  	s1 =	ssub.s32 @!p0 $0x0, s1;
	[sflag:s0] =	ssyncset.done @!p0 $0x0  }
0x5c: {  	[sflag:s0] =	ssyncadd.s32 @!p0 s1  }
0x5d: {  	[bflag:$0x3] =	sbarrier.arrive $0xFFFF  }
0x5e: {  	_ =	shalt  }

// kernel: kernel.16.cloned.1.call-start
scs
__scs_entry_jumppad:
0x0: {  	(pc) =	sbr.rel $0x88, $3  }
0x1: {  	(tag) =	ssettag $0x0;
	lr =	simm.s32 $0x1  }
0x2: {  	[smem:$0x3F6D] =	sst lr;
	_ =	strace $0xD0000000  }
0x3: {  	_ = 	snop  }
0x4: {  	_ = 	snop  }
0x5: {  	_ = 	snop  }
0x6: {  	_ = 	snop  }
0x7: {  	_ = 	snop  }
__scs_overlays_trampoline_lowered:
0x8: {  	[smem:$0x3F7C] =	sst s0  }
0x9: {  	[smem:$0x3F7D] =	sst s1  }
0xa: {  	[smem:$0x3F7E] =	sst s2  }
0xb: {  	[smem:$0x3F7F] =	sst s3  }
0xc: {  	[smem:$0x3F80] =	sst s4  }
0xd: {  	[smem:$0x3F81] =	sst s5  }
0xe: {  	[smem:$0x3F82] =	sst s6  }
0xf: {  	[smem:$0x3F83] =	sst s7  }
0x10: {  	[smem:$0x3F84] =	sst s8  }
0x11: {  	[smem:$0x3F85] =	sst s9;
	s0 =	simm.s32 @!p0 $0x0  }
0x12: {  	s1 =	sld [smem:$0x3F6B];
	s0 =	simm.s32 @p0 $0x1  }
0x13: {  	[smem:$0x3F86] =	sst s0;
	s0 =	simm.s32 @!p1 $0x0  }
0x14: {  	s2 =	sld [smem:$0x3F6A];
	s0 =	simm.s32 @p1 $0x1  }
0x15: {  	[smem:$0x3F87] =	sst s0;
	s0 =	simm.s32 @!p2 $0x0  }
0x16: {  	s3 =	sld [smem:$0x3FDB];
	s0 =	simm.s32 @p2 $0x1  }
0x17: {  	s4 =	simm.s32 $0x1BF5;
	[smem:$0x3F89] =	sst s0  }
0x18: {  	s0 =	sld [smem:$0x3F6C];
	_ =	swait.ge [sflag:s4], $0x0  }
0x19: {  	s7 =	sld [smem:$0x3F6D]  }
0x1a: {  	s8 =	sadd.s32 $0xFFFFE003, lr  }
0x1b: {  	s9 =	sadd.s32 $0xFFFFFEF7, lr;
	s5 =	simm.s32 $0xFFFFFFFF;
	p2 =	slt.u32 s8, $0xFFFFF086  }
0x1c: {  	p1 =	slt.u32 s9, $0xF7A;
	s5 =	simm.s32 @!p2 $0x0  }
0x1d: {  	s5 =	simm.s32 @p1 $0x1;
	p0 =	seq.s32 s7, s2  }
0x1e: {  	s7 =	smul.u32 @!p0 $0xF7A, s2;
	p2 =	seq.s32 @!p0 s5, $0x0  }
0x1f: {  	s9 =	smul.u32 $0xF7A, s1;
	s8 =	simm.s32 @!p0 $0x1BF5;
	p2 =	por !p2, p0  }
0x20: {  	[sflag:s8] =	ssyncset.s32 @!p0 $0xFFFFF086;
	s6 =	sadd.s32 @!p0 s3, s7;
	s7 =	simm.s32 @!p0 $0x108  }
0x21: {  	s3 =	sadd.s32 s3, s9;
	s6 =	sadd.s32 @!p0 $0x88, s6;
	s7 =	simm.s32 @p2 $0x1082  }
0x22: {  	[simem:s7], [sflag:s8] =	dma.local @!p0 [hbm:s6], $0xF7A  }
0x23: {  	s9 =	sor.u32 $0xD0000000, s2;
	s6 =	simm.s32 $0x108;
	_ =	swait.ge @!p0 [sflag:s8], $0x0  }
0x24: {  	s3 =	sadd.s32 $0x88, s3;
	s6 =	simm.s32 @!p1 $0x1082;
	[sflag:s4] =	ssyncset.s32 $0xFFFFF086  }
0x25: {  	[simem:s6], [sflag:s4] =	dma.local [hbm:s3], $0xF7A  }
0x26: {  	[smem:$0x3F6D] =	sst s1;
	(tag) =	ssettag s2;
	_ =	strace s9  }
0x27: {  	s1 =	sld [smem:$0x3F7D]  }
0x28: {  	s2 =	sld [smem:$0x3F7E]  }
0x29: {  	s4 =	sld [smem:$0x3F80]  }
0x2a: {  	p0 =	seq.s32 s5, $0x0;
	s5 =	sld [smem:$0x3F81]  }
0x2b: {  	s6 =	sld [smem:$0x3F82]  }
0x2c: {  	s7 =	sld [smem:$0x3F83]  }
0x2d: {  	s3 =	simm.s32 $0x108;
	s8 =	sld [smem:$0x3F84]  }
0x2e: {  	s3 =	simm.s32 @!p0 $0x1082;
	s9 =	sld [smem:$0x3F85]  }
0x2f: {  	lr =	sadd.s32 s0, s3;
	s0 =	sld [smem:$0x3F7C]  }
0x30: {  	s3 =	sld [smem:$0x3F7F]  }
0x31: {  	[smem:$0x3F88] =	sst s10  }
0x32: {  	s10 =	sld [smem:$0x3F86];
	_ =	sdelay $0x3  }
0x33: {  	p0 =	seq.s32 s10, $0x1;
	s10 =	sld [smem:$0x3F88];
	_ =	sdelay $0x3  }
0x34: {  	[smem:$0x3F88] =	sst s10  }
0x35: {  	s10 =	sld [smem:$0x3F87];
	_ =	sdelay $0x3  }
0x36: {  	p1 =	seq.s32 s10, $0x1;
	s10 =	sld [smem:$0x3F88];
	_ =	sdelay $0x3  }
0x37: {  	[smem:$0x3F88] =	sst s10  }
0x38: {  	s10 =	sld [smem:$0x3F89]  }
0x39: {  	_ = 	snop;
	(pc) =	sbr.ind lr, $3  }
0x3a: {  	_ = 	snop  }
0x3b: {  	_ = 	snop  }
0x3c: {  	p2 =	seq.s32 s10, $0x1;
	s10 =	sld [smem:$0x3F88]  }
0x3d: {  	_ =	shalt  }
0x3e: {  	_ =	shalt  }
0x3f: {  	_ =	shalt  }
0x40: {  	_ =	shalt  }
0x41: {  	_ =	shalt  }
0x42: {  	_ =	shalt  }
0x43: {  	_ =	shalt  }
0x44: {  	_ =	shalt  }
0x45: {  	_ =	shalt  }
0x46: {  	_ =	shalt  }
0x47: {  	_ =	shalt  }
0x48: {  	_ =	shalt  }
0x49: {  	_ =	shalt  }
0x4a: {  	_ =	shalt  }
0x4b: {  	_ =	shalt  }
0x4c: {  	_ =	shalt  }
0x4d: {  	_ =	shalt  }
0x4e: {  	_ =	shalt  }
0x4f: {  	_ =	shalt  }
0x50: {  	_ =	shalt  }
0x51: {  	_ =	shalt  }
0x52: {  	_ =	shalt  }
0x53: {  	_ =	shalt  }
0x54: {  	_ =	shalt  }
0x55: {  	_ =	shalt  }
0x56: {  	_ =	shalt  }
0x57: {  	_ =	shalt  }
0x58: {  	_ =	shalt  }
0x59: {  	_ =	shalt  }
0x5a: {  	_ =	shalt  }
0x5b: {  	_ =	shalt  }
0x5c: {  	_ =	shalt  }
0x5d: {  	_ =	shalt  }
0x5e: {  	_ =	shalt  }
0x5f: {  	_ =	shalt  }
0x60: {  	_ =	shalt  }
0x61: {  	_ =	shalt  }
0x62: {  	_ =	shalt  }
0x63: {  	_ =	shalt  }
0x64: {  	_ =	shalt  }
0x65: {  	_ =	shalt  }
0x66: {  	_ =	shalt  }
0x67: {  	_ =	shalt  }
0x68: {  	_ =	shalt  }
0x69: {  	_ =	shalt  }
0x6a: {  	_ =	shalt  }
0x6b: {  	_ =	shalt  }
0x6c: {  	_ =	shalt  }
0x6d: {  	_ =	shalt  }
0x6e: {  	_ =	shalt  }
0x6f: {  	_ =	shalt  }
0x70: {  	_ =	shalt  }
0x71: {  	_ =	shalt  }
0x72: {  	_ =	shalt  }
0x73: {  	_ =	shalt  }
0x74: {  	_ =	shalt  }
0x75: {  	_ =	shalt  }
0x76: {  	_ =	shalt  }
0x77: {  	_ =	shalt  }
0x78: {  	_ =	shalt  }
0x79: {  	_ =	shalt  }
0x7a: {  	_ =	shalt  }
0x7b: {  	_ =	shalt  }
0x7c: {  	_ =	shalt  }
0x7d: {  	_ =	shalt  }
0x7e: {  	_ =	shalt  }
0x7f: {  	_ =	shalt  }
0x80: {  	_ =	shalt  }
0x81: {  	_ =	shalt  }
0x82: {  	_ =	shalt  }
0x83: {  	_ =	shalt  }
0x84: {  	_ =	shalt  }
0x85: {  	_ =	shalt  }
0x86: {  	_ =	shalt  }
0x87: {  	_ =	shalt  }
.Lfunc_end0:
.L_simem_size_0:
called_computation.2_lowered:
.L_overlay_start_0:
0x88: {  	s2 =	sld [smem:$0x3FD9]  }
0x89: {  	s3 =	sld [smem:$0x3FFE];
	_ =	sdelay $0x1  }
0x8a: {  	s1 =	srdreg.scid  }
0x8b: {  	s0 =	sand.u32 $0x1, s1  }
0x8c: {  	s17 =	sshll.u32 s0, $0xA;
	s2 =	sadd.s32 s3, s2  }
0x8d: {  	s2 =	sadd.s32 s2, s17  }
0x8e: {  	[smem:$0x3F94] =	sst s2  }
0x8f: {  	_ = 	snop  }
0x90: {  	(tm) =	ssettm $0x1  }
0x91: {  	s18 =	sld [smem:$0x3FFB];
	_ =	sdelay $0x3  }
0x92: {  	_ =	strace s18  }
0x93: {  	s2 =	sld [smem:$0x3FFC];
	_ =	sdelay $0x3  }
0x94: {  	_ =	strace s2  }
0x95: {  	s2 =	sld [smem:$0x3FFD];
	_ =	sdelay $0x3  }
0x96: {  	_ =	strace s2  }
0x97: {  	_ =	strace $0x8FFFFFFF  }
0x98: {  	s19 =	sld [smem:$0x3FDB];
	_ =	sdelay $0x1  }
0x99: {  	s20 =	simm.s32 $_scs_section_size  }
0x9a: {  	s4 =	simm.s32 $_size__tile_overlayer_lowered;
	s5 =	simm.s32 $_tile_overlayer_lowered  }
0x9b: {  	s6 =	simm.s32 $0x1BFF;
	s21 =	sshll.u32 s5, $0x1;
	s3 =	sadd.s32 s20, s19  }
0x9c: {  	s22 =	simm.s32 $0x0;
	s4 =	sshll.u32 s4, $0x1;
	s5 =	sadd.s32 s21, s3  }
0x9d: {  	[timem:s22], [sflag:s6] =	dma.local [hbm:s5], s4  }
0x9e: {  	_ =	swait.ge [sflag:s6], s4  }
0x9f: {  	s4 =	ssub.s32 $0x0, s4;
	[sflag:s6] =	ssyncset.done $0x0  }
0xa0: {  	[sflag:s6] =	ssyncadd.s32 s4;
	_ =	sdelay $0x1  }
0xa1: {  	s23 =	simm.s32 $0x1B8B  }
0xa2: {  	_ =	swait.ge [sflag:s23], $0x1  }
0xa3: {  	[sflag:s23] =	ssyncset.done $0x0  }
0xa4: {  	[sflag:s23] =	ssyncadd.s32 $0xFFFFFFFF  }
0xa5: {  	s4 =	sld [smem:$0x0]  }
0xa6: {  	s5 =	sand.u32 $0xFFFFFFFE, s1  }
0xa7: {  	p0 =	sne.s32 s1, s5  }
0xa8: {  	s5 =	sshll.u32 @p0 s5, $0xE  }
0xa9: {  	s5 =	sadd.s32 @p0 $0x11B8D, s5;
	s6 =	sshll.u32 @p0 s4, $0x11  }
0xaa: {  	s5 =	sor.u32 @p0 s6, s5  }
0xab: {  	[sflag:s5] =	ssyncadd.remote.s32 @p0 $0x1;
	_ =	sdelay $0x1  }
0xac: {  	s5 =	simm.s32 @p0 $0x1B8D  }
0xad: {  	_ =	swait.eq @p0 [sflag:s5], $0x1  }
0xae: {  	[sflag:s5] =	ssyncadd.s32 @p0 $0xFFFFFFFF  }
0xaf: {  	s6 =	sshll.u32 @!p0 s1, $0xE  }
0xb0: {  	s6 =	sor.u32 @!p0 $0x4000, s6;
	s5 =	simm.s32 @!p0 $0x1B8D  }
0xb1: {  	s4 =	sshll.u32 @!p0 s4, $0x11;
	s6 =	sadd.s32 @!p0 $0x11B8D, s6;
	_ =	swait.eq @!p0 [sflag:s5], $0x1  }
0xb2: {  	s4 =	sor.u32 @!p0 s4, s6;
	[sflag:s5] =	ssyncadd.s32 @!p0 $0xFFFFFFFF  }
0xb3: {  	s25 =	simm.s32 $0x1B8E;
	s24 =	sld [smem:$0x3FFE];
	[sflag:s4] =	ssyncadd.remote.s32 @!p0 $0x1  }
0xb4: {  	s26 =	simm.s32 $execute0_lowered;
	[smem:$0x3FD2] =	sst s25  }
0xb5: {  	s5 =	sshll.u32 s26, $0x1;
	_ =	strace $0x8000004C;
	[dreg:$0x1] =	wrdreg $0xFFFFFFFF  }
0xb6: {  	s28 =	simm.s32 $_size_execute0_lowered;
	s3 =	sadd.s32 s3, s5;
	[dreg:$0x0] =	wrdreg $0x0  }
0xb7: {  	s5 =	sshll.u32 s28, $0x1;
	[dreg:$0x2] =	wrdreg s3  }
0xb8: {  	[dreg:$0x3] =	wrdreg s5  }
0xb9: {  	[dreg:$0x4] =	wrdreg $0xC0  }
0xba: {  	_ =	task [dreg:s22], $0x5FFFF  }
0xbb: {  	[dreg:$0x1] =	wrdreg $0xFFFFFFFF  }
0xbc: {  	[dreg:$0x0] =	wrdreg $0x60  }
0xbd: {  	[dreg:$0x2] =	wrdreg s24  }
0xbe: {  	[dreg:$0x3] =	wrdreg $0xB  }
0xbf: {  	_ =	task.clear_ibuf [dreg:s22], $0x4FFFF;
	_ =	strace $0x9000004C  }
0xc0: {  	s29 =	simm.s32 $0xB;
	_ =	strace $0x8000004E  }
0xc1: {  	_ =	swait.ge [sflag:s29], $0x1  }
0xc2: {  	[sflag:s29] =	ssyncadd.s32 $0xFFFFFFFF  }
0xc3: {  	_ =	strace $0x9000004E  }
0xc4: {  	_ =	sfence  }
0xc5: {  	s30 =	sld [smem:$0x0];
	_ =	sdelay $0x2  }
0xc6: {  	s31 =	sshll.u32 s1, $0xD;
	s1 =	sshrl.u32 s1, $0x2  }
0xc7: {  	s4 =	sand.u32 $0x4000, s31;
	s1 =	sadd.s32 s1, s30  }
0xc8: {  	s0 =	sor.u32 s4, s0;
	s1 =	sshll.u32 s1, $0x11  }
0xc9: {  	s0 =	sor.u32 s1, s0  }
0xca: {  	s0 =	sadd.s32 $0x8F2B, s0  }
0xcb: {  	[sflag:s0] =	ssyncadd.remote.s32 $0x1  }
0xcc: {  	_ =	sfence.sel $0xFFFF  }
0xcd: {  	[dreg:$0x0] =	wrdreg $0xFFFFFFFF;
	(pc) =	sbr.abs _section_cstart, $3  }
0xce: {  	[dreg:$0x1] =	wrdreg $0xFFFFFFFF  }
0xcf: {  	_ =	task.clear_ibuf [dreg:s22], $0x2FFFF;
	_ =	strace $0x9FFFFFFF  }
0xd0: {  	(tm) =	ssettm $0x7FFFFFFF  }
0xd1: {  	_ =	shalt  }
tec
execute0_lowered:
.L_overlay_start_1:
0x0: {  	(tag) =	ssettag $0x1  }
0x1: {  	s1 =	srdreg.scid  }
0x2: {  	s0 =	stileid.u32;
	s6 =	rddreg [dreg:$0x0];
	s2 =	simm.s32 $0x0  }
0x3: {  	s12 =	simm.s32 $0x200;
	s13 =	simm.s32 $0x1;
	s14 =	simm.s32 $0x4000  }
0x4: {  	s15 =	simm.s32 $0x600;
	s16 =	simm.s32 $0x4600;
	s17 =	simm.s32 $0x2  }
0x5: {  	s18 =	simm.s32 $0x400;
	s5 =	sand.u32 $0x1, s1;
	s1 =	rddreg [dreg:$0x1]  }
0x6: {  	s19 =	simm.s32 $0x0;
	s30 =	sshll.u32 s0, $0x1;
	[smem:$0x7FF] =	sst s2  }
0x7: {  	s4 =	sadd.s32 $0x3B2400, s6;
	s7 =	sor.u32 s5, s30;
	_ =	strace $0x8000004D  }
0x8: {  	s9 =	ssub.s32 $0x2, s5;
	s3 =	smul.u32 $0xC0, s7;
	s7 =	sshll.u32 s7, $0x6  }
0x9: {  	s5 =	sadd.s32 $0x350800, s6;
	s31 =	sshrl.u32 s9, $0x1;
	s10 =	sadd.s32 s7, s6  }
0xa: {  	s8 =	sadd.s32 s3, s6;
	s3 =	sadd.s32 $0x414000, s6;
	s7 =	sadd.s32 $0x477400, s10  }
0xb: {  	s11 =	ssub.s32 s9, s31;
	s9 =	sadd.s32 $0x497400, s10;
	s6 =	sadd.s32 $0x475C00, s8  }
0xc: {  	s8 =	sadd.s32 $0x487400, s10;
	s10 =	smax.u32 s11, $0x1;
	s11 =	simm.s32 $0x3  }
.LBB2_1:
0xd: {  	[tilespmem:s2], [sflag:$0x3] =	stream.linear.gather [hbm4b:s6+s2], $0x600, $0x38;
	[tilespmem:$0x8600] =	vst v63  }
0xe: {  	_ =	swait.ge [sflag:s11], $0x600  }
0xf: {  	[sflag:s11] =	ssyncset.done $0x0  }
0x10: {  	s20 =	simm.s32 $0x600;
	[sflag:s11] =	ssyncadd.s32 $0xFFFFFA00  }
0x11: {  	[tilespmem:s20], [sflag:$0x1] =	stream.indirect.gather [hbm4b:s3+s12], $0x1, s2, s12, $0xb8;
	[tilespmem:$0x8600] =	vst v63  }
0x12: {  	s21 =	smov.u32 s3;
	s20 =	simm.s32 $0x800  }
.LBB2_2:
0x13: {  	p0 =	sne.s32 s20, $0xF800  }
.Ltmp0:
0x14: {  	_ = 	snop;
	(pc) =	sbr.rel @p0 .LBB2_2-.Ltmp0, $4  }
0x15: {  	_ = 	snop  }
0x16: {  	s22 =	sshra.s32 s20, $0x2;
	s20 =	sadd.s32 $0x800, s20  }
0x17: {  	s21 =	sadd.s32 $0x30D4, s21;
	s22 =	sadd.s32 $0x600, s22  }
0x18: {  	[tilespmem:s22], [sflag:$0x1] =	stream.indirect.gather [hbm4b:s21+s12], $0x1, s2, s12, $0xb8;
	[tilespmem:$0x8600] =	vst v63  }
0x19: {  	_ =	swait.ge [sflag:s13], $0x4000  }
0x1a: {  	[sflag:s13] =	ssyncset.done $0x0  }
0x1b: {  	[sflag:s13] =	ssyncadd.s32 $0xFFFFC000  }
0x1c: {  	[hbm4b:s7+s12] =	stream.strided.scatter [tilespmem:s15], [sflag:$0x2], $0x4000, s14, s12, $0x38;
	[tilespmem:$0x8600] =	vst v63  }
0x1d: {  	s20 =	simm.s32 $0x4600  }
0x1e: {  	[tilespmem:s20], [sflag:$0x1] =	stream.indirect.gather [hbm4b:s4+s12], $0x1, s12, s12, $0xb8;
	[tilespmem:$0x8600] =	vst v63  }
0x1f: {  	s21 =	smov.u32 s4;
	s20 =	simm.s32 $0x800  }
.LBB2_4:
0x20: {  	p0 =	sne.s32 s20, $0xF800  }
.Ltmp1:
0x21: {  	_ = 	snop;
	(pc) =	sbr.rel @p0 .LBB2_4-.Ltmp1, $4  }
0x22: {  	_ = 	snop  }
0x23: {  	s22 =	sshra.s32 s20, $0x2;
	s20 =	sadd.s32 $0x800, s20  }
0x24: {  	s21 =	sadd.s32 $0x30D4, s21;
	s22 =	sadd.s32 $0x4600, s22  }
0x25: {  	[tilespmem:s22], [sflag:$0x1] =	stream.indirect.gather [hbm4b:s21+s12], $0x1, s12, s12, $0xb8;
	[tilespmem:$0x8600] =	vst v63  }
0x26: {  	_ =	swait.ge [sflag:s13], $0x4000  }
0x27: {  	[sflag:s13] =	ssyncset.done $0x0  }
0x28: {  	[sflag:s13] =	ssyncadd.s32 $0xFFFFC000  }
0x29: {  	[hbm4b:s8+s12] =	stream.strided.scatter [tilespmem:s16], [sflag:$0x2], $0x4000, s14, s12, $0x38;
	[tilespmem:$0x8600] =	vst v63  }
0x2a: {  	_ =	swait.ge [sflag:s17], $0x4000  }
0x2b: {  	[sflag:s17] =	ssyncset.done $0x0  }
0x2c: {  	s20 =	simm.s32 $0x600;
	[sflag:s17] =	ssyncadd.s32 $0xFFFFC000  }
0x2d: {  	[tilespmem:s20], [sflag:$0x1] =	stream.indirect.gather [hbm4b:s5+s12], $0x1, s18, s12, $0xb8;
	[tilespmem:$0x8600] =	vst v63  }
0x2e: {  	s21 =	smov.u32 s5;
	s20 =	simm.s32 $0x800  }
.LBB2_6:
0x2f: {  	p0 =	sne.s32 s20, $0xF800  }
.Ltmp2:
0x30: {  	_ = 	snop;
	(pc) =	sbr.rel @p0 .LBB2_6-.Ltmp2, $4  }
0x31: {  	_ = 	snop  }
0x32: {  	s22 =	sshra.s32 s20, $0x2;
	s20 =	sadd.s32 $0x800, s20  }
0x33: {  	s21 =	sadd.s32 $0x30D4, s21;
	s22 =	sadd.s32 $0x600, s22  }
0x34: {  	[tilespmem:s22], [sflag:$0x1] =	stream.indirect.gather [hbm4b:s21+s12], $0x1, s18, s12, $0xb8;
	[tilespmem:$0x8600] =	vst v63  }
0x35: {  	_ =	swait.ge [sflag:s13], $0x4000  }
0x36: {  	[sflag:s13] =	ssyncset.done $0x0  }
0x37: {  	s19 =	sadd.s32 $0x1, s19;
	[sflag:s13] =	ssyncadd.s32 $0xFFFFC000  }
0x38: {  	[hbm4b:s9+s12] =	stream.strided.scatter [tilespmem:s15], [sflag:$0x2], $0x4000, s14, s12, $0x38;
	[tilespmem:$0x8600] =	vst v63  }
0x39: {  	p0 =	sne.s32 s19, s10;
	_ =	swait.ge [sflag:s17], $0x4000  }
.Ltmp3:
0x3a: {  	[sflag:s17] =	ssyncset.done $0x0;
	(pc) =	sbr.rel @p0 .LBB2_1-.Ltmp3, $4  }
0x3b: {  	[sflag:s17] =	ssyncadd.s32 $0xFFFFC000  }
0x3c: {  	_ =	swait.ge [sflag:s17], $0x4000  }
0x3d: {  	[sflag:s17] =	ssyncset.done $0x0  }
0x3e: {  	[sflag:s17] =	ssyncadd.s32 $0xFFFFC000  }
0x3f: {  	_ =	sfence.sel $0x180000  }
0x40: {  	[bflag:$0x0] =	sbarrier.arrive $0xFFFF  }
0x41: {  	p0 =	sne.s32 s0, $0x0;
	_ =	strace $0x9000004D  }
0x42: {  	s0 =	sadd.s32 @!p0 $0x100000, s1;
	[bflag:$0x2] =	sbarrier.arrive $0xFFFF  }
0x43: {  	[sflag:s0] =	ssyncadd.tile.s32 @!p0 $0x1;
	_ =	shalt  }
.Lfunc_end2:
_tile_overlayer_lowered:
.L_overlay_start_2:
0x44: {  	(tag) =	ssettag $0x2  }
0x45: {  	s0 =	rddreg [dreg:$0x0];
	s2 =	stileid.u32  }
0x46: {  	s1 =	rddreg [dreg:$0x1];
	p0 =	sne.s32 s2, $0x0  }
0x47: {  	s3 =	rddreg [dreg:$0x2];
	[bflag:$0x3] =	sbarrier.arrive $0xFFFF;
	s2 =	simm.s32 @!p0 $0x1C03  }
0x48: {  	[timem:s3], [sflag:s2] =	dma.local @!p0 [hbm:s0], s1  }
0x49: {  	s0 =	simm.s32 @!p0 $0x3  }
0x4a: {  	_ =	swait.ge @!p0 [sflag:s0], s1  }
0x4b: {  	s1 =	ssub.s32 @!p0 $0x0, s1;
	[sflag:s0] =	ssyncset.done @!p0 $0x0  }
0x4c: {  	[sflag:s0] =	ssyncadd.s32 @!p0 s1  }
0x4d: {  	[bflag:$0x3] =	sbarrier.arrive $0xFFFF  }
0x4e: {  	_ =	shalt  }

// kernel: kernel.19.cloned.1.call-start
scs
__scs_entry_jumppad:
0x0: {  	(pc) =	sbr.rel $0x88, $3  }
0x1: {  	(tag) =	ssettag $0x0;
	lr =	simm.s32 $0x1  }
0x2: {  	[smem:$0x3F6D] =	sst lr;
	_ =	strace $0xD0000000  }
0x3: {  	_ = 	snop  }
0x4: {  	_ = 	snop  }
0x5: {  	_ = 	snop  }
0x6: {  	_ = 	snop  }
0x7: {  	_ = 	snop  }
__scs_overlays_trampoline_lowered:
0x8: {  	[smem:$0x3F7C] =	sst s0  }
0x9: {  	[smem:$0x3F7D] =	sst s1  }
0xa: {  	[smem:$0x3F7E] =	sst s2  }
0xb: {  	[smem:$0x3F7F] =	sst s3  }
0xc: {  	[smem:$0x3F80] =	sst s4  }
0xd: {  	[smem:$0x3F81] =	sst s5  }
0xe: {  	[smem:$0x3F82] =	sst s6  }
0xf: {  	[smem:$0x3F83] =	sst s7  }
0x10: {  	[smem:$0x3F84] =	sst s8  }
0x11: {  	[smem:$0x3F85] =	sst s9;
	s0 =	simm.s32 @!p0 $0x0  }
0x12: {  	s1 =	sld [smem:$0x3F6B];
	s0 =	simm.s32 @p0 $0x1  }
0x13: {  	[smem:$0x3F86] =	sst s0;
	s0 =	simm.s32 @!p1 $0x0  }
0x14: {  	s2 =	sld [smem:$0x3F6A];
	s0 =	simm.s32 @p1 $0x1  }
0x15: {  	[smem:$0x3F87] =	sst s0;
	s0 =	simm.s32 @!p2 $0x0  }
0x16: {  	s3 =	sld [smem:$0x3FDB];
	s0 =	simm.s32 @p2 $0x1  }
0x17: {  	s4 =	simm.s32 $0x1BF5;
	[smem:$0x3F89] =	sst s0  }
0x18: {  	s0 =	sld [smem:$0x3F6C];
	_ =	swait.ge [sflag:s4], $0x0  }
0x19: {  	s7 =	sld [smem:$0x3F6D]  }
0x1a: {  	s8 =	sadd.s32 $0xFFFFE003, lr  }
0x1b: {  	s9 =	sadd.s32 $0xFFFFFEF7, lr;
	s5 =	simm.s32 $0xFFFFFFFF;
	p2 =	slt.u32 s8, $0xFFFFF086  }
0x1c: {  	p1 =	slt.u32 s9, $0xF7A;
	s5 =	simm.s32 @!p2 $0x0  }
0x1d: {  	s5 =	simm.s32 @p1 $0x1;
	p0 =	seq.s32 s7, s2  }
0x1e: {  	s7 =	smul.u32 @!p0 $0xF7A, s2;
	p2 =	seq.s32 @!p0 s5, $0x0  }
0x1f: {  	s9 =	smul.u32 $0xF7A, s1;
	s8 =	simm.s32 @!p0 $0x1BF5;
	p2 =	por !p2, p0  }
0x20: {  	[sflag:s8] =	ssyncset.s32 @!p0 $0xFFFFF086;
	s6 =	sadd.s32 @!p0 s3, s7;
	s7 =	simm.s32 @!p0 $0x108  }
0x21: {  	s3 =	sadd.s32 s3, s9;
	s6 =	sadd.s32 @!p0 $0x88, s6;
	s7 =	simm.s32 @p2 $0x1082  }
0x22: {  	[simem:s7], [sflag:s8] =	dma.local @!p0 [hbm:s6], $0xF7A  }
0x23: {  	s9 =	sor.u32 $0xD0000000, s2;
	s6 =	simm.s32 $0x108;
	_ =	swait.ge @!p0 [sflag:s8], $0x0  }
0x24: {  	s3 =	sadd.s32 $0x88, s3;
	s6 =	simm.s32 @!p1 $0x1082;
	[sflag:s4] =	ssyncset.s32 $0xFFFFF086  }
0x25: {  	[simem:s6], [sflag:s4] =	dma.local [hbm:s3], $0xF7A  }
0x26: {  	[smem:$0x3F6D] =	sst s1;
	(tag) =	ssettag s2;
	_ =	strace s9  }
0x27: {  	s1 =	sld [smem:$0x3F7D]  }
0x28: {  	s2 =	sld [smem:$0x3F7E]  }
0x29: {  	s4 =	sld [smem:$0x3F80]  }
0x2a: {  	p0 =	seq.s32 s5, $0x0;
	s5 =	sld [smem:$0x3F81]  }
0x2b: {  	s6 =	sld [smem:$0x3F82]  }
0x2c: {  	s7 =	sld [smem:$0x3F83]  }
0x2d: {  	s3 =	simm.s32 $0x108;
	s8 =	sld [smem:$0x3F84]  }
0x2e: {  	s3 =	simm.s32 @!p0 $0x1082;
	s9 =	sld [smem:$0x3F85]  }
0x2f: {  	lr =	sadd.s32 s0, s3;
	s0 =	sld [smem:$0x3F7C]  }
0x30: {  	s3 =	sld [smem:$0x3F7F]  }
0x31: {  	[smem:$0x3F88] =	sst s10  }
0x32: {  	s10 =	sld [smem:$0x3F86];
	_ =	sdelay $0x3  }
0x33: {  	p0 =	seq.s32 s10, $0x1;
	s10 =	sld [smem:$0x3F88];
	_ =	sdelay $0x3  }
0x34: {  	[smem:$0x3F88] =	sst s10  }
0x35: {  	s10 =	sld [smem:$0x3F87];
	_ =	sdelay $0x3  }
0x36: {  	p1 =	seq.s32 s10, $0x1;
	s10 =	sld [smem:$0x3F88];
	_ =	sdelay $0x3  }
0x37: {  	[smem:$0x3F88] =	sst s10  }
0x38: {  	s10 =	sld [smem:$0x3F89]  }
0x39: {  	_ = 	snop;
	(pc) =	sbr.ind lr, $3  }
0x3a: {  	_ = 	snop  }
0x3b: {  	_ = 	snop  }
0x3c: {  	p2 =	seq.s32 s10, $0x1;
	s10 =	sld [smem:$0x3F88]  }
0x3d: {  	_ =	shalt  }
0x3e: {  	_ =	shalt  }
0x3f: {  	_ =	shalt  }
0x40: {  	_ =	shalt  }
0x41: {  	_ =	shalt  }
0x42: {  	_ =	shalt  }
0x43: {  	_ =	shalt  }
0x44: {  	_ =	shalt  }
0x45: {  	_ =	shalt  }
0x46: {  	_ =	shalt  }
0x47: {  	_ =	shalt  }
0x48: {  	_ =	shalt  }
0x49: {  	_ =	shalt  }
0x4a: {  	_ =	shalt  }
0x4b: {  	_ =	shalt  }
0x4c: {  	_ =	shalt  }
0x4d: {  	_ =	shalt  }
0x4e: {  	_ =	shalt  }
0x4f: {  	_ =	shalt  }
0x50: {  	_ =	shalt  }
0x51: {  	_ =	shalt  }
0x52: {  	_ =	shalt  }
0x53: {  	_ =	shalt  }
0x54: {  	_ =	shalt  }
0x55: {  	_ =	shalt  }
0x56: {  	_ =	shalt  }
0x57: {  	_ =	shalt  }
0x58: {  	_ =	shalt  }
0x59: {  	_ =	shalt  }
0x5a: {  	_ =	shalt  }
0x5b: {  	_ =	shalt  }
0x5c: {  	_ =	shalt  }
0x5d: {  	_ =	shalt  }
0x5e: {  	_ =	shalt  }
0x5f: {  	_ =	shalt  }
0x60: {  	_ =	shalt  }
0x61: {  	_ =	shalt  }
0x62: {  	_ =	shalt  }
0x63: {  	_ =	shalt  }
0x64: {  	_ =	shalt  }
0x65: {  	_ =	shalt  }
0x66: {  	_ =	shalt  }
0x67: {  	_ =	shalt  }
0x68: {  	_ =	shalt  }
0x69: {  	_ =	shalt  }
0x6a: {  	_ =	shalt  }
0x6b: {  	_ =	shalt  }
0x6c: {  	_ =	shalt  }
0x6d: {  	_ =	shalt  }
0x6e: {  	_ =	shalt  }
0x6f: {  	_ =	shalt  }
0x70: {  	_ =	shalt  }
0x71: {  	_ =	shalt  }
0x72: {  	_ =	shalt  }
0x73: {  	_ =	shalt  }
0x74: {  	_ =	shalt  }
0x75: {  	_ =	shalt  }
0x76: {  	_ =	shalt  }
0x77: {  	_ =	shalt  }
0x78: {  	_ =	shalt  }
0x79: {  	_ =	shalt  }
0x7a: {  	_ =	shalt  }
0x7b: {  	_ =	shalt  }
0x7c: {  	_ =	shalt  }
0x7d: {  	_ =	shalt  }
0x7e: {  	_ =	shalt  }
0x7f: {  	_ =	shalt  }
0x80: {  	_ =	shalt  }
0x81: {  	_ =	shalt  }
0x82: {  	_ =	shalt  }
0x83: {  	_ =	shalt  }
0x84: {  	_ =	shalt  }
0x85: {  	_ =	shalt  }
0x86: {  	_ =	shalt  }
0x87: {  	_ =	shalt  }
.Lfunc_end0:
.L_simem_size_0:
called_computation.3_lowered:
.L_overlay_start_0:
0x88: {  	s2 =	sld [smem:$0x3FD9]  }
0x89: {  	s3 =	sld [smem:$0x3FFE];
	_ =	sdelay $0x1  }
0x8a: {  	s1 =	srdreg.scid  }
0x8b: {  	s0 =	sand.u32 $0x1, s1  }
0x8c: {  	s17 =	sshll.u32 s0, $0xA;
	s2 =	sadd.s32 s3, s2  }
0x8d: {  	s2 =	sadd.s32 s2, s17  }
0x8e: {  	[smem:$0x3F94] =	sst s2  }
0x8f: {  	_ = 	snop  }
0x90: {  	(tm) =	ssettm $0x1  }
0x91: {  	s18 =	sld [smem:$0x3FFB];
	_ =	sdelay $0x3  }
0x92: {  	_ =	strace s18  }
0x93: {  	s2 =	sld [smem:$0x3FFC];
	_ =	sdelay $0x3  }
0x94: {  	_ =	strace s2  }
0x95: {  	s2 =	sld [smem:$0x3FFD];
	_ =	sdelay $0x3  }
0x96: {  	_ =	strace s2  }
0x97: {  	_ =	strace $0x8FFFFFFF  }
0x98: {  	s19 =	sld [smem:$0x3FDB];
	_ =	sdelay $0x1  }
0x99: {  	s20 =	simm.s32 $_scs_section_size  }
0x9a: {  	s4 =	simm.s32 $_size__tile_overlayer_lowered;
	s5 =	simm.s32 $_tile_overlayer_lowered  }
0x9b: {  	s6 =	simm.s32 $0x1BFF;
	s21 =	sshll.u32 s5, $0x1;
	s3 =	sadd.s32 s20, s19  }
0x9c: {  	s22 =	simm.s32 $0x0;
	s4 =	sshll.u32 s4, $0x1;
	s5 =	sadd.s32 s21, s3  }
0x9d: {  	[timem:s22], [sflag:s6] =	dma.local [hbm:s5], s4  }
0x9e: {  	_ =	swait.ge [sflag:s6], s4  }
0x9f: {  	s4 =	ssub.s32 $0x0, s4;
	[sflag:s6] =	ssyncset.done $0x0  }
0xa0: {  	[sflag:s6] =	ssyncadd.s32 s4;
	_ =	sdelay $0x1  }
0xa1: {  	s23 =	simm.s32 $0x1B8B  }
0xa2: {  	_ =	swait.ge [sflag:s23], $0x1  }
0xa3: {  	[sflag:s23] =	ssyncset.done $0x0  }
0xa4: {  	[sflag:s23] =	ssyncadd.s32 $0xFFFFFFFF  }
0xa5: {  	s4 =	sld [smem:$0x0]  }
0xa6: {  	s5 =	sand.u32 $0xFFFFFFFE, s1  }
0xa7: {  	p0 =	sne.s32 s1, s5  }
0xa8: {  	s5 =	sshll.u32 @p0 s5, $0xE  }
0xa9: {  	s5 =	sadd.s32 @p0 $0x11B8D, s5;
	s6 =	sshll.u32 @p0 s4, $0x11  }
0xaa: {  	s5 =	sor.u32 @p0 s6, s5  }
0xab: {  	[sflag:s5] =	ssyncadd.remote.s32 @p0 $0x1;
	_ =	sdelay $0x1  }
0xac: {  	s5 =	simm.s32 @p0 $0x1B8D  }
0xad: {  	_ =	swait.eq @p0 [sflag:s5], $0x1  }
0xae: {  	[sflag:s5] =	ssyncadd.s32 @p0 $0xFFFFFFFF  }
0xaf: {  	s6 =	sshll.u32 @!p0 s1, $0xE  }
0xb0: {  	s6 =	sor.u32 @!p0 $0x4000, s6;
	s5 =	simm.s32 @!p0 $0x1B8D  }
0xb1: {  	s4 =	sshll.u32 @!p0 s4, $0x11;
	s6 =	sadd.s32 @!p0 $0x11B8D, s6;
	_ =	swait.eq @!p0 [sflag:s5], $0x1  }
0xb2: {  	s4 =	sor.u32 @!p0 s4, s6;
	[sflag:s5] =	ssyncadd.s32 @!p0 $0xFFFFFFFF  }
0xb3: {  	s25 =	simm.s32 $0x1B8E;
	s24 =	sld [smem:$0x3FFE];
	[sflag:s4] =	ssyncadd.remote.s32 @!p0 $0x1  }
0xb4: {  	s26 =	simm.s32 $execute0_lowered;
	[smem:$0x3FD2] =	sst s25  }
0xb5: {  	s5 =	sshll.u32 s26, $0x1;
	_ =	strace $0x8000004F;
	[dreg:$0x1] =	wrdreg $0xFFFFFFFF  }
0xb6: {  	s28 =	simm.s32 $_size_execute0_lowered;
	s3 =	sadd.s32 s3, s5;
	[dreg:$0x0] =	wrdreg $0x0  }
0xb7: {  	s5 =	sshll.u32 s28, $0x1;
	[dreg:$0x2] =	wrdreg s3  }
0xb8: {  	[dreg:$0x3] =	wrdreg s5  }
0xb9: {  	[dreg:$0x4] =	wrdreg $0xC0  }
0xba: {  	_ =	task [dreg:s22], $0x5FFFF  }
0xbb: {  	[dreg:$0x1] =	wrdreg $0xFFFFFFFF  }
0xbc: {  	[dreg:$0x0] =	wrdreg $0x60  }
0xbd: {  	[dreg:$0x2] =	wrdreg s24  }
0xbe: {  	[dreg:$0x3] =	wrdreg $0xC  }
0xbf: {  	_ =	task.clear_ibuf [dreg:s22], $0x4FFFF;
	_ =	strace $0x9000004F  }
0xc0: {  	s29 =	simm.s32 $0xC;
	_ =	strace $0x80000051  }
0xc1: {  	_ =	swait.ge [sflag:s29], $0x1  }
0xc2: {  	[sflag:s29] =	ssyncadd.s32 $0xFFFFFFFF  }
0xc3: {  	_ =	strace $0x90000051  }
0xc4: {  	_ =	sfence  }
0xc5: {  	s30 =	sld [smem:$0x0];
	_ =	sdelay $0x2  }
0xc6: {  	s31 =	sshll.u32 s1, $0xD;
	s1 =	sshrl.u32 s1, $0x2  }
0xc7: {  	s4 =	sand.u32 $0x4000, s31;
	s1 =	sadd.s32 s1, s30  }
0xc8: {  	s0 =	sor.u32 s4, s0;
	s1 =	sshll.u32 s1, $0x11  }
0xc9: {  	s0 =	sor.u32 s1, s0  }
0xca: {  	s0 =	sadd.s32 $0x8F2B, s0  }
0xcb: {  	[sflag:s0] =	ssyncadd.remote.s32 $0x1  }
0xcc: {  	_ =	sfence.sel $0xFFFF  }
0xcd: {  	[dreg:$0x0] =	wrdreg $0xFFFFFFFF;
	(pc) =	sbr.abs _section_cstart, $3  }
0xce: {  	[dreg:$0x1] =	wrdreg $0xFFFFFFFF  }
0xcf: {  	_ =	task.clear_ibuf [dreg:s22], $0x2FFFF;
	_ =	strace $0x9FFFFFFF  }
0xd0: {  	(tm) =	ssettm $0x7FFFFFFF  }
0xd1: {  	_ =	shalt  }
tec
execute0_lowered:
.L_overlay_start_1:
0x0: {  	(tag) =	ssettag $0x1  }
0x1: {  	s1 =	srdreg.scid  }
0x2: {  	s0 =	stileid.u32;
	s6 =	rddreg [dreg:$0x0];
	s2 =	simm.s32 $0x0  }
0x3: {  	s12 =	simm.s32 $0x200;
	s13 =	simm.s32 $0x1;
	s14 =	simm.s32 $0x4000  }
0x4: {  	s15 =	simm.s32 $0x600;
	s16 =	simm.s32 $0x4600;
	s17 =	simm.s32 $0x2  }
0x5: {  	s18 =	simm.s32 $0x400;
	s5 =	sand.u32 $0x1, s1;
	s1 =	rddreg [dreg:$0x1]  }
0x6: {  	s19 =	simm.s32 $0x0;
	s30 =	sshll.u32 s0, $0x1;
	[smem:$0x7FF] =	sst s2  }
0x7: {  	s4 =	sadd.s32 $0x509000, s6;
	s7 =	sor.u32 s5, s30;
	_ =	strace $0x80000050  }
0x8: {  	s9 =	ssub.s32 $0x2, s5;
	s3 =	smul.u32 $0xC0, s7;
	s7 =	sshll.u32 s7, $0x6  }
0x9: {  	s5 =	sadd.s32 $0x4A7400, s6;
	s31 =	sshrl.u32 s9, $0x1;
	s10 =	sadd.s32 s7, s6  }
0xa: {  	s11 =	ssub.s32 s9, s31;
	s8 =	sadd.s32 s3, s6;
	s3 =	sadd.s32 $0x56AC00, s6  }
0xb: {  	s7 =	sadd.s32 $0x5CE000, s10;
	s9 =	sadd.s32 $0x5EE000, s10;
	s6 =	sadd.s32 $0x5CC800, s8  }
0xc: {  	s8 =	sadd.s32 $0x5DE000, s10;
	s10 =	smax.u32 s11, $0x1;
	s11 =	simm.s32 $0x3  }
.LBB2_1:
0xd: {  	[tilespmem:s2], [sflag:$0x3] =	stream.linear.gather [hbm4b:s6+s2], $0x600, $0x38;
	[tilespmem:$0x8600] =	vst v63  }
0xe: {  	_ =	swait.ge [sflag:s11], $0x600  }
0xf: {  	[sflag:s11] =	ssyncset.done $0x0  }
0x10: {  	s20 =	simm.s32 $0x600;
	[sflag:s11] =	ssyncadd.s32 $0xFFFFFA00  }
0x11: {  	[tilespmem:s20], [sflag:$0x1] =	stream.indirect.gather [hbm4b:s3+s12], $0x1, s2, s12, $0xb8;
	[tilespmem:$0x8600] =	vst v63  }
0x12: {  	s21 =	smov.u32 s3;
	s20 =	simm.s32 $0x800  }
.LBB2_2:
0x13: {  	p0 =	sne.s32 s20, $0xF800  }
.Ltmp0:
0x14: {  	_ = 	snop;
	(pc) =	sbr.rel @p0 .LBB2_2-.Ltmp0, $4  }
0x15: {  	_ = 	snop  }
0x16: {  	s22 =	sshra.s32 s20, $0x2;
	s20 =	sadd.s32 $0x800, s20  }
0x17: {  	s21 =	sadd.s32 $0x30D4, s21;
	s22 =	sadd.s32 $0x600, s22  }
0x18: {  	[tilespmem:s22], [sflag:$0x1] =	stream.indirect.gather [hbm4b:s21+s12], $0x1, s2, s12, $0xb8;
	[tilespmem:$0x8600] =	vst v63  }
0x19: {  	_ =	swait.ge [sflag:s13], $0x4000  }
0x1a: {  	[sflag:s13] =	ssyncset.done $0x0  }
0x1b: {  	[sflag:s13] =	ssyncadd.s32 $0xFFFFC000  }
0x1c: {  	[hbm4b:s7+s12] =	stream.strided.scatter [tilespmem:s15], [sflag:$0x2], $0x4000, s14, s12, $0x38;
	[tilespmem:$0x8600] =	vst v63  }
0x1d: {  	s20 =	simm.s32 $0x4600  }
0x1e: {  	[tilespmem:s20], [sflag:$0x1] =	stream.indirect.gather [hbm4b:s4+s12], $0x1, s12, s12, $0xb8;
	[tilespmem:$0x8600] =	vst v63  }
0x1f: {  	s21 =	smov.u32 s4;
	s20 =	simm.s32 $0x800  }
.LBB2_4:
0x20: {  	p0 =	sne.s32 s20, $0xF800  }
.Ltmp1:
0x21: {  	_ = 	snop;
	(pc) =	sbr.rel @p0 .LBB2_4-.Ltmp1, $4  }
0x22: {  	_ = 	snop  }
0x23: {  	s22 =	sshra.s32 s20, $0x2;
	s20 =	sadd.s32 $0x800, s20  }
0x24: {  	s21 =	sadd.s32 $0x30D4, s21;
	s22 =	sadd.s32 $0x4600, s22  }
0x25: {  	[tilespmem:s22], [sflag:$0x1] =	stream.indirect.gather [hbm4b:s21+s12], $0x1, s12, s12, $0xb8;
	[tilespmem:$0x8600] =	vst v63  }
0x26: {  	_ =	swait.ge [sflag:s13], $0x4000  }
0x27: {  	[sflag:s13] =	ssyncset.done $0x0  }
0x28: {  	[sflag:s13] =	ssyncadd.s32 $0xFFFFC000  }
0x29: {  	[hbm4b:s8+s12] =	stream.strided.scatter [tilespmem:s16], [sflag:$0x2], $0x4000, s14, s12, $0x38;
	[tilespmem:$0x8600] =	vst v63  }
0x2a: {  	_ =	swait.ge [sflag:s17], $0x4000  }
0x2b: {  	[sflag:s17] =	ssyncset.done $0x0  }
0x2c: {  	s20 =	simm.s32 $0x600;
	[sflag:s17] =	ssyncadd.s32 $0xFFFFC000  }
0x2d: {  	[tilespmem:s20], [sflag:$0x1] =	stream.indirect.gather [hbm4b:s5+s12], $0x1, s18, s12, $0xb8;
	[tilespmem:$0x8600] =	vst v63  }
0x2e: {  	s21 =	smov.u32 s5;
	s20 =	simm.s32 $0x800  }
.LBB2_6:
0x2f: {  	p0 =	sne.s32 s20, $0xF800  }
.Ltmp2:
0x30: {  	_ = 	snop;
	(pc) =	sbr.rel @p0 .LBB2_6-.Ltmp2, $4  }
0x31: {  	_ = 	snop  }
0x32: {  	s22 =	sshra.s32 s20, $0x2;
	s20 =	sadd.s32 $0x800, s20  }
0x33: {  	s21 =	sadd.s32 $0x30D4, s21;
	s22 =	sadd.s32 $0x600, s22  }
0x34: {  	[tilespmem:s22], [sflag:$0x1] =	stream.indirect.gather [hbm4b:s21+s12], $0x1, s18, s12, $0xb8;
	[tilespmem:$0x8600] =	vst v63  }
0x35: {  	_ =	swait.ge [sflag:s13], $0x4000  }
0x36: {  	[sflag:s13] =	ssyncset.done $0x0  }
0x37: {  	s19 =	sadd.s32 $0x1, s19;
	[sflag:s13] =	ssyncadd.s32 $0xFFFFC000  }
0x38: {  	[hbm4b:s9+s12] =	stream.strided.scatter [tilespmem:s15], [sflag:$0x2], $0x4000, s14, s12, $0x38;
	[tilespmem:$0x8600] =	vst v63  }
0x39: {  	p0 =	sne.s32 s19, s10;
	_ =	swait.ge [sflag:s17], $0x4000  }
.Ltmp3:
0x3a: {  	[sflag:s17] =	ssyncset.done $0x0;
	(pc) =	sbr.rel @p0 .LBB2_1-.Ltmp3, $4  }
0x3b: {  	[sflag:s17] =	ssyncadd.s32 $0xFFFFC000  }
0x3c: {  	_ =	swait.ge [sflag:s17], $0x4000  }
0x3d: {  	[sflag:s17] =	ssyncset.done $0x0  }
0x3e: {  	[sflag:s17] =	ssyncadd.s32 $0xFFFFC000  }
0x3f: {  	_ =	sfence.sel $0x180000  }
0x40: {  	[bflag:$0x0] =	sbarrier.arrive $0xFFFF  }
0x41: {  	p0 =	sne.s32 s0, $0x0;
	_ =	strace $0x90000050  }
0x42: {  	s0 =	sadd.s32 @!p0 $0x100000, s1;
	[bflag:$0x2] =	sbarrier.arrive $0xFFFF  }
0x43: {  	[sflag:s0] =	ssyncadd.tile.s32 @!p0 $0x1;
	_ =	shalt  }
.Lfunc_end2:
_tile_overlayer_lowered:
.L_overlay_start_2:
0x44: {  	(tag) =	ssettag $0x2  }
0x45: {  	s0 =	rddreg [dreg:$0x0];
	s2 =	stileid.u32  }
0x46: {  	s1 =	rddreg [dreg:$0x1];
	p0 =	sne.s32 s2, $0x0  }
0x47: {  	s3 =	rddreg [dreg:$0x2];
	[bflag:$0x3] =	sbarrier.arrive $0xFFFF;
	s2 =	simm.s32 @!p0 $0x1C03  }
0x48: {  	[timem:s3], [sflag:s2] =	dma.local @!p0 [hbm:s0], s1  }
0x49: {  	s0 =	simm.s32 @!p0 $0x3  }
0x4a: {  	_ =	swait.ge @!p0 [sflag:s0], s1  }
0x4b: {  	s1 =	ssub.s32 @!p0 $0x0, s1;
	[sflag:s0] =	ssyncset.done @!p0 $0x0  }
0x4c: {  	[sflag:s0] =	ssyncadd.s32 @!p0 s1  }
0x4d: {  	[bflag:$0x3] =	sbarrier.arrive $0xFFFF  }
0x4e: {  	_ =	shalt  }

// kernel: kernel.22.cloned.1.call-start
scs
__scs_entry_jumppad:
0x0: {  	(pc) =	sbr.rel $0x88, $3  }
0x1: {  	(tag) =	ssettag $0x0;
	lr =	simm.s32 $0x1  }
0x2: {  	[smem:$0x3F6D] =	sst lr;
	_ =	strace $0xD0000000  }
0x3: {  	_ = 	snop  }
0x4: {  	_ = 	snop  }
0x5: {  	_ = 	snop  }
0x6: {  	_ = 	snop  }
0x7: {  	_ = 	snop  }
__scs_overlays_trampoline_lowered:
0x8: {  	[smem:$0x3F7C] =	sst s0  }
0x9: {  	[smem:$0x3F7D] =	sst s1  }
0xa: {  	[smem:$0x3F7E] =	sst s2  }
0xb: {  	[smem:$0x3F7F] =	sst s3  }
0xc: {  	[smem:$0x3F80] =	sst s4  }
0xd: {  	[smem:$0x3F81] =	sst s5  }
0xe: {  	[smem:$0x3F82] =	sst s6  }
0xf: {  	[smem:$0x3F83] =	sst s7  }
0x10: {  	[smem:$0x3F84] =	sst s8  }
0x11: {  	[smem:$0x3F85] =	sst s9;
	s0 =	simm.s32 @!p0 $0x0  }
0x12: {  	s1 =	sld [smem:$0x3F6B];
	s0 =	simm.s32 @p0 $0x1  }
0x13: {  	[smem:$0x3F86] =	sst s0;
	s0 =	simm.s32 @!p1 $0x0  }
0x14: {  	s2 =	sld [smem:$0x3F6A];
	s0 =	simm.s32 @p1 $0x1  }
0x15: {  	[smem:$0x3F87] =	sst s0;
	s0 =	simm.s32 @!p2 $0x0  }
0x16: {  	s3 =	sld [smem:$0x3FDB];
	s0 =	simm.s32 @p2 $0x1  }
0x17: {  	s4 =	simm.s32 $0x1BF5;
	[smem:$0x3F89] =	sst s0  }
0x18: {  	s0 =	sld [smem:$0x3F6C];
	_ =	swait.ge [sflag:s4], $0x0  }
0x19: {  	s7 =	sld [smem:$0x3F6D]  }
0x1a: {  	s8 =	sadd.s32 $0xFFFFE003, lr  }
0x1b: {  	s9 =	sadd.s32 $0xFFFFFEF7, lr;
	s5 =	simm.s32 $0xFFFFFFFF;
	p2 =	slt.u32 s8, $0xFFFFF086  }
0x1c: {  	p1 =	slt.u32 s9, $0xF7A;
	s5 =	simm.s32 @!p2 $0x0  }
0x1d: {  	s5 =	simm.s32 @p1 $0x1;
	p0 =	seq.s32 s7, s2  }
0x1e: {  	s7 =	smul.u32 @!p0 $0xF7A, s2;
	p2 =	seq.s32 @!p0 s5, $0x0  }
0x1f: {  	s9 =	smul.u32 $0xF7A, s1;
	s8 =	simm.s32 @!p0 $0x1BF5;
	p2 =	por !p2, p0  }
0x20: {  	[sflag:s8] =	ssyncset.s32 @!p0 $0xFFFFF086;
	s6 =	sadd.s32 @!p0 s3, s7;
	s7 =	simm.s32 @!p0 $0x108  }
0x21: {  	s3 =	sadd.s32 s3, s9;
	s6 =	sadd.s32 @!p0 $0x88, s6;
	s7 =	simm.s32 @p2 $0x1082  }
0x22: {  	[simem:s7], [sflag:s8] =	dma.local @!p0 [hbm:s6], $0xF7A  }
0x23: {  	s9 =	sor.u32 $0xD0000000, s2;
	s6 =	simm.s32 $0x108;
	_ =	swait.ge @!p0 [sflag:s8], $0x0  }
0x24: {  	s3 =	sadd.s32 $0x88, s3;
	s6 =	simm.s32 @!p1 $0x1082;
	[sflag:s4] =	ssyncset.s32 $0xFFFFF086  }
0x25: {  	[simem:s6], [sflag:s4] =	dma.local [hbm:s3], $0xF7A  }
0x26: {  	[smem:$0x3F6D] =	sst s1;
	(tag) =	ssettag s2;
	_ =	strace s9  }
0x27: {  	s1 =	sld [smem:$0x3F7D]  }
0x28: {  	s2 =	sld [smem:$0x3F7E]  }
0x29: {  	s4 =	sld [smem:$0x3F80]  }
0x2a: {  	p0 =	seq.s32 s5, $0x0;
	s5 =	sld [smem:$0x3F81]  }
0x2b: {  	s6 =	sld [smem:$0x3F82]  }
0x2c: {  	s7 =	sld [smem:$0x3F83]  }
0x2d: {  	s3 =	simm.s32 $0x108;
	s8 =	sld [smem:$0x3F84]  }
0x2e: {  	s3 =	simm.s32 @!p0 $0x1082;
	s9 =	sld [smem:$0x3F85]  }
0x2f: {  	lr =	sadd.s32 s0, s3;
	s0 =	sld [smem:$0x3F7C]  }
0x30: {  	s3 =	sld [smem:$0x3F7F]  }
0x31: {  	[smem:$0x3F88] =	sst s10  }
0x32: {  	s10 =	sld [smem:$0x3F86];
	_ =	sdelay $0x3  }
0x33: {  	p0 =	seq.s32 s10, $0x1;
	s10 =	sld [smem:$0x3F88];
	_ =	sdelay $0x3  }
0x34: {  	[smem:$0x3F88] =	sst s10  }
0x35: {  	s10 =	sld [smem:$0x3F87];
	_ =	sdelay $0x3  }
0x36: {  	p1 =	seq.s32 s10, $0x1;
	s10 =	sld [smem:$0x3F88];
	_ =	sdelay $0x3  }
0x37: {  	[smem:$0x3F88] =	sst s10  }
0x38: {  	s10 =	sld [smem:$0x3F89]  }
0x39: {  	_ = 	snop;
	(pc) =	sbr.ind lr, $3  }
0x3a: {  	_ = 	snop  }
0x3b: {  	_ = 	snop  }
0x3c: {  	p2 =	seq.s32 s10, $0x1;
	s10 =	sld [smem:$0x3F88]  }
0x3d: {  	_ =	shalt  }
0x3e: {  	_ =	shalt  }
0x3f: {  	_ =	shalt  }
0x40: {  	_ =	shalt  }
0x41: {  	_ =	shalt  }
0x42: {  	_ =	shalt  }
0x43: {  	_ =	shalt  }
0x44: {  	_ =	shalt  }
0x45: {  	_ =	shalt  }
0x46: {  	_ =	shalt  }
0x47: {  	_ =	shalt  }
0x48: {  	_ =	shalt  }
0x49: {  	_ =	shalt  }
0x4a: {  	_ =	shalt  }
0x4b: {  	_ =	shalt  }
0x4c: {  	_ =	shalt  }
0x4d: {  	_ =	shalt  }
0x4e: {  	_ =	shalt  }
0x4f: {  	_ =	shalt  }
0x50: {  	_ =	shalt  }
0x51: {  	_ =	shalt  }
0x52: {  	_ =	shalt  }
0x53: {  	_ =	shalt  }
0x54: {  	_ =	shalt  }
0x55: {  	_ =	shalt  }
0x56: {  	_ =	shalt  }
0x57: {  	_ =	shalt  }
0x58: {  	_ =	shalt  }
0x59: {  	_ =	shalt  }
0x5a: {  	_ =	shalt  }
0x5b: {  	_ =	shalt  }
0x5c: {  	_ =	shalt  }
0x5d: {  	_ =	shalt  }
0x5e: {  	_ =	shalt  }
0x5f: {  	_ =	shalt  }
0x60: {  	_ =	shalt  }
0x61: {  	_ =	shalt  }
0x62: {  	_ =	shalt  }
0x63: {  	_ =	shalt  }
0x64: {  	_ =	shalt  }
0x65: {  	_ =	shalt  }
0x66: {  	_ =	shalt  }
0x67: {  	_ =	shalt  }
0x68: {  	_ =	shalt  }
0x69: {  	_ =	shalt  }
0x6a: {  	_ =	shalt  }
0x6b: {  	_ =	shalt  }
0x6c: {  	_ =	shalt  }
0x6d: {  	_ =	shalt  }
0x6e: {  	_ =	shalt  }
0x6f: {  	_ =	shalt  }
0x70: {  	_ =	shalt  }
0x71: {  	_ =	shalt  }
0x72: {  	_ =	shalt  }
0x73: {  	_ =	shalt  }
0x74: {  	_ =	shalt  }
0x75: {  	_ =	shalt  }
0x76: {  	_ =	shalt  }
0x77: {  	_ =	shalt  }
0x78: {  	_ =	shalt  }
0x79: {  	_ =	shalt  }
0x7a: {  	_ =	shalt  }
0x7b: {  	_ =	shalt  }
0x7c: {  	_ =	shalt  }
0x7d: {  	_ =	shalt  }
0x7e: {  	_ =	shalt  }
0x7f: {  	_ =	shalt  }
0x80: {  	_ =	shalt  }
0x81: {  	_ =	shalt  }
0x82: {  	_ =	shalt  }
0x83: {  	_ =	shalt  }
0x84: {  	_ =	shalt  }
0x85: {  	_ =	shalt  }
0x86: {  	_ =	shalt  }
0x87: {  	_ =	shalt  }
.Lfunc_end0:
.L_simem_size_0:
called_computation.4_lowered:
.L_overlay_start_0:
0x88: {  	s2 =	sld [smem:$0x3FD9]  }
0x89: {  	s3 =	sld [smem:$0x3FFE];
	_ =	sdelay $0x1  }
0x8a: {  	s1 =	srdreg.scid  }
0x8b: {  	s0 =	sand.u32 $0x1, s1  }
0x8c: {  	s17 =	sshll.u32 s0, $0xA;
	s2 =	sadd.s32 s3, s2  }
0x8d: {  	s2 =	sadd.s32 s2, s17  }
0x8e: {  	[smem:$0x3F94] =	sst s2  }
0x8f: {  	_ = 	snop  }
0x90: {  	(tm) =	ssettm $0x1  }
0x91: {  	s18 =	sld [smem:$0x3FFB];
	_ =	sdelay $0x3  }
0x92: {  	_ =	strace s18  }
0x93: {  	s2 =	sld [smem:$0x3FFC];
	_ =	sdelay $0x3  }
0x94: {  	_ =	strace s2  }
0x95: {  	s2 =	sld [smem:$0x3FFD];
	_ =	sdelay $0x3  }
0x96: {  	_ =	strace s2  }
0x97: {  	_ =	strace $0x8FFFFFFF  }
0x98: {  	s19 =	sld [smem:$0x3FDB];
	_ =	sdelay $0x1  }
0x99: {  	s20 =	simm.s32 $_scs_section_size  }
0x9a: {  	s4 =	simm.s32 $_size__tile_overlayer_lowered;
	s5 =	simm.s32 $_tile_overlayer_lowered  }
0x9b: {  	s6 =	simm.s32 $0x1BFF;
	s21 =	sshll.u32 s5, $0x1;
	s3 =	sadd.s32 s20, s19  }
0x9c: {  	s22 =	simm.s32 $0x0;
	s4 =	sshll.u32 s4, $0x1;
	s5 =	sadd.s32 s21, s3  }
0x9d: {  	[timem:s22], [sflag:s6] =	dma.local [hbm:s5], s4  }
0x9e: {  	_ =	swait.ge [sflag:s6], s4  }
0x9f: {  	s4 =	ssub.s32 $0x0, s4;
	[sflag:s6] =	ssyncset.done $0x0  }
0xa0: {  	[sflag:s6] =	ssyncadd.s32 s4;
	_ =	sdelay $0x1  }
0xa1: {  	s23 =	simm.s32 $0x1B8B  }
0xa2: {  	_ =	swait.ge [sflag:s23], $0x1  }
0xa3: {  	[sflag:s23] =	ssyncset.done $0x0  }
0xa4: {  	[sflag:s23] =	ssyncadd.s32 $0xFFFFFFFF  }
0xa5: {  	s4 =	sld [smem:$0x0]  }
0xa6: {  	s5 =	sand.u32 $0xFFFFFFFE, s1  }
0xa7: {  	p0 =	sne.s32 s1, s5  }
0xa8: {  	s5 =	sshll.u32 @p0 s5, $0xE  }
0xa9: {  	s5 =	sadd.s32 @p0 $0x11B8D, s5;
	s6 =	sshll.u32 @p0 s4, $0x11  }
0xaa: {  	s5 =	sor.u32 @p0 s6, s5  }
0xab: {  	[sflag:s5] =	ssyncadd.remote.s32 @p0 $0x1;
	_ =	sdelay $0x1  }
0xac: {  	s5 =	simm.s32 @p0 $0x1B8D  }
0xad: {  	_ =	swait.eq @p0 [sflag:s5], $0x1  }
0xae: {  	[sflag:s5] =	ssyncadd.s32 @p0 $0xFFFFFFFF  }
0xaf: {  	s6 =	sshll.u32 @!p0 s1, $0xE  }
0xb0: {  	s6 =	sor.u32 @!p0 $0x4000, s6;
	s5 =	simm.s32 @!p0 $0x1B8D  }
0xb1: {  	s4 =	sshll.u32 @!p0 s4, $0x11;
	s6 =	sadd.s32 @!p0 $0x11B8D, s6;
	_ =	swait.eq @!p0 [sflag:s5], $0x1  }
0xb2: {  	s4 =	sor.u32 @!p0 s4, s6;
	[sflag:s5] =	ssyncadd.s32 @!p0 $0xFFFFFFFF  }
0xb3: {  	s25 =	simm.s32 $0x1B8E;
	s24 =	sld [smem:$0x3FFE];
	[sflag:s4] =	ssyncadd.remote.s32 @!p0 $0x1  }
0xb4: {  	s26 =	simm.s32 $execute0_lowered;
	[smem:$0x3FD2] =	sst s25  }
0xb5: {  	s5 =	sshll.u32 s26, $0x1;
	_ =	strace $0x80000052;
	[dreg:$0x1] =	wrdreg $0xFFFFFFFF  }
0xb6: {  	s28 =	simm.s32 $_size_execute0_lowered;
	s3 =	sadd.s32 s3, s5;
	[dreg:$0x0] =	wrdreg $0x0  }
0xb7: {  	s5 =	sshll.u32 s28, $0x1;
	[dreg:$0x2] =	wrdreg s3  }
0xb8: {  	[dreg:$0x3] =	wrdreg s5  }
0xb9: {  	[dreg:$0x4] =	wrdreg $0xC0  }
0xba: {  	_ =	task [dreg:s22], $0x5FFFF  }
0xbb: {  	[dreg:$0x1] =	wrdreg $0xFFFFFFFF  }
0xbc: {  	[dreg:$0x0] =	wrdreg $0x60  }
0xbd: {  	[dreg:$0x2] =	wrdreg s24  }
0xbe: {  	[dreg:$0x3] =	wrdreg $0xD  }
0xbf: {  	_ =	task.clear_ibuf [dreg:s22], $0x4FFFF;
	_ =	strace $0x90000052  }
0xc0: {  	s29 =	simm.s32 $0xD;
	_ =	strace $0x80000054  }
0xc1: {  	_ =	swait.ge [sflag:s29], $0x1  }
0xc2: {  	[sflag:s29] =	ssyncadd.s32 $0xFFFFFFFF  }
0xc3: {  	_ =	strace $0x90000054  }
0xc4: {  	_ =	sfence  }
0xc5: {  	s30 =	sld [smem:$0x0];
	_ =	sdelay $0x2  }
0xc6: {  	s31 =	sshll.u32 s1, $0xD;
	s1 =	sshrl.u32 s1, $0x2  }
0xc7: {  	s4 =	sand.u32 $0x4000, s31;
	s1 =	sadd.s32 s1, s30  }
0xc8: {  	s0 =	sor.u32 s4, s0;
	s1 =	sshll.u32 s1, $0x11  }
0xc9: {  	s0 =	sor.u32 s1, s0  }
0xca: {  	s0 =	sadd.s32 $0x8F2B, s0  }
0xcb: {  	[sflag:s0] =	ssyncadd.remote.s32 $0x1  }
0xcc: {  	_ =	sfence.sel $0xFFFF  }
0xcd: {  	[dreg:$0x0] =	wrdreg $0xFFFFFFFF;
	(pc) =	sbr.abs _section_cstart, $3  }
0xce: {  	[dreg:$0x1] =	wrdreg $0xFFFFFFFF  }
0xcf: {  	_ =	task.clear_ibuf [dreg:s22], $0x2FFFF;
	_ =	strace $0x9FFFFFFF  }
0xd0: {  	(tm) =	ssettm $0x7FFFFFFF  }
0xd1: {  	_ =	shalt  }
tec
execute0_lowered:
.L_overlay_start_1:
0x0: {  	(tag) =	ssettag $0x1  }
0x1: {  	s1 =	srdreg.scid  }
0x2: {  	s0 =	stileid.u32;
	s6 =	rddreg [dreg:$0x0];
	s2 =	simm.s32 $0x0  }
0x3: {  	s12 =	simm.s32 $0x200;
	s13 =	simm.s32 $0x1;
	s14 =	simm.s32 $0x4000  }
0x4: {  	s15 =	simm.s32 $0x600;
	s16 =	simm.s32 $0x4600;
	s17 =	simm.s32 $0x2  }
0x5: {  	s18 =	simm.s32 $0x400;
	s5 =	sand.u32 $0x1, s1;
	s1 =	rddreg [dreg:$0x1]  }
0x6: {  	s19 =	simm.s32 $0x0;
	s30 =	sshll.u32 s0, $0x1;
	[smem:$0x7FF] =	sst s2  }
0x7: {  	s4 =	sadd.s32 $0x65FC00, s6;
	s7 =	sor.u32 s5, s30;
	_ =	strace $0x80000053  }
0x8: {  	s9 =	ssub.s32 $0x2, s5;
	s3 =	smul.u32 $0xC0, s7;
	s7 =	sshll.u32 s7, $0x6  }
0x9: {  	s5 =	sadd.s32 $0x5FE000, s6;
	s31 =	sshrl.u32 s9, $0x1;
	s10 =	sadd.s32 s7, s6  }
0xa: {  	s8 =	sadd.s32 s3, s6;
	s3 =	sadd.s32 $0x6C1800, s6;
	s7 =	sadd.s32 $0x724C00, s10  }
0xb: {  	s11 =	ssub.s32 s9, s31;
	s9 =	sadd.s32 $0x744C00, s10;
	s6 =	sadd.s32 $0x723400, s8  }
0xc: {  	s8 =	sadd.s32 $0x734C00, s10;
	s10 =	smax.u32 s11, $0x1;
	s11 =	simm.s32 $0x3  }
.LBB2_1:
0xd: {  	[tilespmem:s2], [sflag:$0x3] =	stream.linear.gather [hbm4b:s6+s2], $0x600, $0x38;
	[tilespmem:$0x8600] =	vst v63  }
0xe: {  	_ =	swait.ge [sflag:s11], $0x600  }
0xf: {  	[sflag:s11] =	ssyncset.done $0x0  }
0x10: {  	s20 =	simm.s32 $0x600;
	[sflag:s11] =	ssyncadd.s32 $0xFFFFFA00  }
0x11: {  	[tilespmem:s20], [sflag:$0x1] =	stream.indirect.gather [hbm4b:s3+s12], $0x1, s2, s12, $0xb8;
	[tilespmem:$0x8600] =	vst v63  }
0x12: {  	s21 =	smov.u32 s3;
	s20 =	simm.s32 $0x800  }
.LBB2_2:
0x13: {  	p0 =	sne.s32 s20, $0xF800  }
.Ltmp0:
0x14: {  	_ = 	snop;
	(pc) =	sbr.rel @p0 .LBB2_2-.Ltmp0, $4  }
0x15: {  	_ = 	snop  }
0x16: {  	s22 =	sshra.s32 s20, $0x2;
	s20 =	sadd.s32 $0x800, s20  }
0x17: {  	s21 =	sadd.s32 $0x30D4, s21;
	s22 =	sadd.s32 $0x600, s22  }
0x18: {  	[tilespmem:s22], [sflag:$0x1] =	stream.indirect.gather [hbm4b:s21+s12], $0x1, s2, s12, $0xb8;
	[tilespmem:$0x8600] =	vst v63  }
0x19: {  	_ =	swait.ge [sflag:s13], $0x4000  }
0x1a: {  	[sflag:s13] =	ssyncset.done $0x0  }
0x1b: {  	[sflag:s13] =	ssyncadd.s32 $0xFFFFC000  }
0x1c: {  	[hbm4b:s7+s12] =	stream.strided.scatter [tilespmem:s15], [sflag:$0x2], $0x4000, s14, s12, $0x38;
	[tilespmem:$0x8600] =	vst v63  }
0x1d: {  	s20 =	simm.s32 $0x4600  }
0x1e: {  	[tilespmem:s20], [sflag:$0x1] =	stream.indirect.gather [hbm4b:s4+s12], $0x1, s12, s12, $0xb8;
	[tilespmem:$0x8600] =	vst v63  }
0x1f: {  	s21 =	smov.u32 s4;
	s20 =	simm.s32 $0x800  }
.LBB2_4:
0x20: {  	p0 =	sne.s32 s20, $0xF800  }
.Ltmp1:
0x21: {  	_ = 	snop;
	(pc) =	sbr.rel @p0 .LBB2_4-.Ltmp1, $4  }
0x22: {  	_ = 	snop  }
0x23: {  	s22 =	sshra.s32 s20, $0x2;
	s20 =	sadd.s32 $0x800, s20  }
0x24: {  	s21 =	sadd.s32 $0x30D4, s21;
	s22 =	sadd.s32 $0x4600, s22  }
0x25: {  	[tilespmem:s22], [sflag:$0x1] =	stream.indirect.gather [hbm4b:s21+s12], $0x1, s12, s12, $0xb8;
	[tilespmem:$0x8600] =	vst v63  }
0x26: {  	_ =	swait.ge [sflag:s13], $0x4000  }
0x27: {  	[sflag:s13] =	ssyncset.done $0x0  }
0x28: {  	[sflag:s13] =	ssyncadd.s32 $0xFFFFC000  }
0x29: {  	[hbm4b:s8+s12] =	stream.strided.scatter [tilespmem:s16], [sflag:$0x2], $0x4000, s14, s12, $0x38;
	[tilespmem:$0x8600] =	vst v63  }
0x2a: {  	_ =	swait.ge [sflag:s17], $0x4000  }
0x2b: {  	[sflag:s17] =	ssyncset.done $0x0  }
0x2c: {  	s20 =	simm.s32 $0x600;
	[sflag:s17] =	ssyncadd.s32 $0xFFFFC000  }
0x2d: {  	[tilespmem:s20], [sflag:$0x1] =	stream.indirect.gather [hbm4b:s5+s12], $0x1, s18, s12, $0xb8;
	[tilespmem:$0x8600] =	vst v63  }
0x2e: {  	s21 =	smov.u32 s5;
	s20 =	simm.s32 $0x800  }
.LBB2_6:
0x2f: {  	p0 =	sne.s32 s20, $0xF800  }
.Ltmp2:
0x30: {  	_ = 	snop;
	(pc) =	sbr.rel @p0 .LBB2_6-.Ltmp2, $4  }
0x31: {  	_ = 	snop  }
0x32: {  	s22 =	sshra.s32 s20, $0x2;
	s20 =	sadd.s32 $0x800, s20  }
0x33: {  	s21 =	sadd.s32 $0x30D4, s21;
	s22 =	sadd.s32 $0x600, s22  }
0x34: {  	[tilespmem:s22], [sflag:$0x1] =	stream.indirect.gather [hbm4b:s21+s12], $0x1, s18, s12, $0xb8;
	[tilespmem:$0x8600] =	vst v63  }
0x35: {  	_ =	swait.ge [sflag:s13], $0x4000  }
0x36: {  	[sflag:s13] =	ssyncset.done $0x0  }
0x37: {  	s19 =	sadd.s32 $0x1, s19;
	[sflag:s13] =	ssyncadd.s32 $0xFFFFC000  }
0x38: {  	[hbm4b:s9+s12] =	stream.strided.scatter [tilespmem:s15], [sflag:$0x2], $0x4000, s14, s12, $0x38;
	[tilespmem:$0x8600] =	vst v63  }
0x39: {  	p0 =	sne.s32 s19, s10;
	_ =	swait.ge [sflag:s17], $0x4000  }
.Ltmp3:
0x3a: {  	[sflag:s17] =	ssyncset.done $0x0;
	(pc) =	sbr.rel @p0 .LBB2_1-.Ltmp3, $4  }
0x3b: {  	[sflag:s17] =	ssyncadd.s32 $0xFFFFC000  }
0x3c: {  	_ =	swait.ge [sflag:s17], $0x4000  }
0x3d: {  	[sflag:s17] =	ssyncset.done $0x0  }
0x3e: {  	[sflag:s17] =	ssyncadd.s32 $0xFFFFC000  }
0x3f: {  	_ =	sfence.sel $0x180000  }
0x40: {  	[bflag:$0x0] =	sbarrier.arrive $0xFFFF  }
0x41: {  	p0 =	sne.s32 s0, $0x0;
	_ =	strace $0x90000053  }
0x42: {  	s0 =	sadd.s32 @!p0 $0x100000, s1;
	[bflag:$0x2] =	sbarrier.arrive $0xFFFF  }
0x43: {  	[sflag:s0] =	ssyncadd.tile.s32 @!p0 $0x1;
	_ =	shalt  }
.Lfunc_end2:
_tile_overlayer_lowered:
.L_overlay_start_2:
0x44: {  	(tag) =	ssettag $0x2  }
0x45: {  	s0 =	rddreg [dreg:$0x0];
	s2 =	stileid.u32  }
0x46: {  	s1 =	rddreg [dreg:$0x1];
	p0 =	sne.s32 s2, $0x0  }
0x47: {  	s3 =	rddreg [dreg:$0x2];
	[bflag:$0x3] =	sbarrier.arrive $0xFFFF;
	s2 =	simm.s32 @!p0 $0x1C03  }
0x48: {  	[timem:s3], [sflag:s2] =	dma.local @!p0 [hbm:s0], s1  }
0x49: {  	s0 =	simm.s32 @!p0 $0x3  }
0x4a: {  	_ =	swait.ge @!p0 [sflag:s0], s1  }
0x4b: {  	s1 =	ssub.s32 @!p0 $0x0, s1;
	[sflag:s0] =	ssyncset.done @!p0 $0x0  }
0x4c: {  	[sflag:s0] =	ssyncadd.s32 @!p0 s1  }
0x4d: {  	[bflag:$0x3] =	sbarrier.arrive $0xFFFF  }
0x4e: {  	_ =	shalt  }

// kernel: kernel.25.cloned.1.call-start
scs
__scs_entry_jumppad:
0x0: {  	(pc) =	sbr.rel $0x88, $3  }
0x1: {  	(tag) =	ssettag $0x0;
	lr =	simm.s32 $0x1  }
0x2: {  	[smem:$0x3F6D] =	sst lr;
	_ =	strace $0xD0000000  }
0x3: {  	_ = 	snop  }
0x4: {  	_ = 	snop  }
0x5: {  	_ = 	snop  }
0x6: {  	_ = 	snop  }
0x7: {  	_ = 	snop  }
__scs_overlays_trampoline_lowered:
0x8: {  	[smem:$0x3F7C] =	sst s0  }
0x9: {  	[smem:$0x3F7D] =	sst s1  }
0xa: {  	[smem:$0x3F7E] =	sst s2  }
0xb: {  	[smem:$0x3F7F] =	sst s3  }
0xc: {  	[smem:$0x3F80] =	sst s4  }
0xd: {  	[smem:$0x3F81] =	sst s5  }
0xe: {  	[smem:$0x3F82] =	sst s6  }
0xf: {  	[smem:$0x3F83] =	sst s7  }
0x10: {  	[smem:$0x3F84] =	sst s8  }
0x11: {  	[smem:$0x3F85] =	sst s9;
	s0 =	simm.s32 @!p0 $0x0  }
0x12: {  	s1 =	sld [smem:$0x3F6B];
	s0 =	simm.s32 @p0 $0x1  }
0x13: {  	[smem:$0x3F86] =	sst s0;
	s0 =	simm.s32 @!p1 $0x0  }
0x14: {  	s2 =	sld [smem:$0x3F6A];
	s0 =	simm.s32 @p1 $0x1  }
0x15: {  	[smem:$0x3F87] =	sst s0;
	s0 =	simm.s32 @!p2 $0x0  }
0x16: {  	s3 =	sld [smem:$0x3FDB];
	s0 =	simm.s32 @p2 $0x1  }
0x17: {  	s4 =	simm.s32 $0x1BF5;
	[smem:$0x3F89] =	sst s0  }
0x18: {  	s0 =	sld [smem:$0x3F6C];
	_ =	swait.ge [sflag:s4], $0x0  }
0x19: {  	s7 =	sld [smem:$0x3F6D]  }
0x1a: {  	s8 =	sadd.s32 $0xFFFFE003, lr  }
0x1b: {  	s9 =	sadd.s32 $0xFFFFFEF7, lr;
	s5 =	simm.s32 $0xFFFFFFFF;
	p2 =	slt.u32 s8, $0xFFFFF086  }
0x1c: {  	p1 =	slt.u32 s9, $0xF7A;
	s5 =	simm.s32 @!p2 $0x0  }
0x1d: {  	s5 =	simm.s32 @p1 $0x1;
	p0 =	seq.s32 s7, s2  }
0x1e: {  	s7 =	smul.u32 @!p0 $0xF7A, s2;
	p2 =	seq.s32 @!p0 s5, $0x0  }
0x1f: {  	s9 =	smul.u32 $0xF7A, s1;
	s8 =	simm.s32 @!p0 $0x1BF5;
	p2 =	por !p2, p0  }
0x20: {  	[sflag:s8] =	ssyncset.s32 @!p0 $0xFFFFF086;
	s6 =	sadd.s32 @!p0 s3, s7;
	s7 =	simm.s32 @!p0 $0x108  }
0x21: {  	s3 =	sadd.s32 s3, s9;
	s6 =	sadd.s32 @!p0 $0x88, s6;
	s7 =	simm.s32 @p2 $0x1082  }
0x22: {  	[simem:s7], [sflag:s8] =	dma.local @!p0 [hbm:s6], $0xF7A  }
0x23: {  	s9 =	sor.u32 $0xD0000000, s2;
	s6 =	simm.s32 $0x108;
	_ =	swait.ge @!p0 [sflag:s8], $0x0  }
0x24: {  	s3 =	sadd.s32 $0x88, s3;
	s6 =	simm.s32 @!p1 $0x1082;
	[sflag:s4] =	ssyncset.s32 $0xFFFFF086  }
0x25: {  	[simem:s6], [sflag:s4] =	dma.local [hbm:s3], $0xF7A  }
0x26: {  	[smem:$0x3F6D] =	sst s1;
	(tag) =	ssettag s2;
	_ =	strace s9  }
0x27: {  	s1 =	sld [smem:$0x3F7D]  }
0x28: {  	s2 =	sld [smem:$0x3F7E]  }
0x29: {  	s4 =	sld [smem:$0x3F80]  }
0x2a: {  	p0 =	seq.s32 s5, $0x0;
	s5 =	sld [smem:$0x3F81]  }
0x2b: {  	s6 =	sld [smem:$0x3F82]  }
0x2c: {  	s7 =	sld [smem:$0x3F83]  }
0x2d: {  	s3 =	simm.s32 $0x108;
	s8 =	sld [smem:$0x3F84]  }
0x2e: {  	s3 =	simm.s32 @!p0 $0x1082;
	s9 =	sld [smem:$0x3F85]  }
0x2f: {  	lr =	sadd.s32 s0, s3;
	s0 =	sld [smem:$0x3F7C]  }
0x30: {  	s3 =	sld [smem:$0x3F7F]  }
0x31: {  	[smem:$0x3F88] =	sst s10  }
0x32: {  	s10 =	sld [smem:$0x3F86];
	_ =	sdelay $0x3  }
0x33: {  	p0 =	seq.s32 s10, $0x1;
	s10 =	sld [smem:$0x3F88];
	_ =	sdelay $0x3  }
0x34: {  	[smem:$0x3F88] =	sst s10  }
0x35: {  	s10 =	sld [smem:$0x3F87];
	_ =	sdelay $0x3  }
0x36: {  	p1 =	seq.s32 s10, $0x1;
	s10 =	sld [smem:$0x3F88];
	_ =	sdelay $0x3  }
0x37: {  	[smem:$0x3F88] =	sst s10  }
0x38: {  	s10 =	sld [smem:$0x3F89]  }
0x39: {  	_ = 	snop;
	(pc) =	sbr.ind lr, $3  }
0x3a: {  	_ = 	snop  }
0x3b: {  	_ = 	snop  }
0x3c: {  	p2 =	seq.s32 s10, $0x1;
	s10 =	sld [smem:$0x3F88]  }
0x3d: {  	_ =	shalt  }
0x3e: {  	_ =	shalt  }
0x3f: {  	_ =	shalt  }
0x40: {  	_ =	shalt  }
0x41: {  	_ =	shalt  }
0x42: {  	_ =	shalt  }
0x43: {  	_ =	shalt  }
0x44: {  	_ =	shalt  }
0x45: {  	_ =	shalt  }
0x46: {  	_ =	shalt  }
0x47: {  	_ =	shalt  }
0x48: {  	_ =	shalt  }
0x49: {  	_ =	shalt  }
0x4a: {  	_ =	shalt  }
0x4b: {  	_ =	shalt  }
0x4c: {  	_ =	shalt  }
0x4d: {  	_ =	shalt  }
0x4e: {  	_ =	shalt  }
0x4f: {  	_ =	shalt  }
0x50: {  	_ =	shalt  }
0x51: {  	_ =	shalt  }
0x52: {  	_ =	shalt  }
0x53: {  	_ =	shalt  }
0x54: {  	_ =	shalt  }
0x55: {  	_ =	shalt  }
0x56: {  	_ =	shalt  }
0x57: {  	_ =	shalt  }
0x58: {  	_ =	shalt  }
0x59: {  	_ =	shalt  }
0x5a: {  	_ =	shalt  }
0x5b: {  	_ =	shalt  }
0x5c: {  	_ =	shalt  }
0x5d: {  	_ =	shalt  }
0x5e: {  	_ =	shalt  }
0x5f: {  	_ =	shalt  }
0x60: {  	_ =	shalt  }
0x61: {  	_ =	shalt  }
0x62: {  	_ =	shalt  }
0x63: {  	_ =	shalt  }
0x64: {  	_ =	shalt  }
0x65: {  	_ =	shalt  }
0x66: {  	_ =	shalt  }
0x67: {  	_ =	shalt  }
0x68: {  	_ =	shalt  }
0x69: {  	_ =	shalt  }
0x6a: {  	_ =	shalt  }
0x6b: {  	_ =	shalt  }
0x6c: {  	_ =	shalt  }
0x6d: {  	_ =	shalt  }
0x6e: {  	_ =	shalt  }
0x6f: {  	_ =	shalt  }
0x70: {  	_ =	shalt  }
0x71: {  	_ =	shalt  }
0x72: {  	_ =	shalt  }
0x73: {  	_ =	shalt  }
0x74: {  	_ =	shalt  }
0x75: {  	_ =	shalt  }
0x76: {  	_ =	shalt  }
0x77: {  	_ =	shalt  }
0x78: {  	_ =	shalt  }
0x79: {  	_ =	shalt  }
0x7a: {  	_ =	shalt  }
0x7b: {  	_ =	shalt  }
0x7c: {  	_ =	shalt  }
0x7d: {  	_ =	shalt  }
0x7e: {  	_ =	shalt  }
0x7f: {  	_ =	shalt  }
0x80: {  	_ =	shalt  }
0x81: {  	_ =	shalt  }
0x82: {  	_ =	shalt  }
0x83: {  	_ =	shalt  }
0x84: {  	_ =	shalt  }
0x85: {  	_ =	shalt  }
0x86: {  	_ =	shalt  }
0x87: {  	_ =	shalt  }
.Lfunc_end0:
.L_simem_size_0:
called_computation.5_lowered:
.L_overlay_start_0:
0x88: {  	s2 =	sld [smem:$0x3FD9]  }
0x89: {  	s3 =	sld [smem:$0x3FFE];
	_ =	sdelay $0x1  }
0x8a: {  	s1 =	srdreg.scid  }
0x8b: {  	s0 =	sand.u32 $0x1, s1  }
0x8c: {  	s17 =	sshll.u32 s0, $0xA;
	s2 =	sadd.s32 s3, s2  }
0x8d: {  	s2 =	sadd.s32 s2, s17  }
0x8e: {  	[smem:$0x3F94] =	sst s2  }
0x8f: {  	_ = 	snop  }
0x90: {  	(tm) =	ssettm $0x1  }
0x91: {  	s18 =	sld [smem:$0x3FFB];
	_ =	sdelay $0x3  }
0x92: {  	_ =	strace s18  }
0x93: {  	s2 =	sld [smem:$0x3FFC];
	_ =	sdelay $0x3  }
0x94: {  	_ =	strace s2  }
0x95: {  	s2 =	sld [smem:$0x3FFD];
	_ =	sdelay $0x3  }
0x96: {  	_ =	strace s2  }
0x97: {  	_ =	strace $0x8FFFFFFF  }
0x98: {  	s19 =	sld [smem:$0x3FDB];
	_ =	sdelay $0x1  }
0x99: {  	s20 =	simm.s32 $_scs_section_size  }
0x9a: {  	s4 =	simm.s32 $_size__tile_overlayer_lowered;
	s5 =	simm.s32 $_tile_overlayer_lowered  }
0x9b: {  	s6 =	simm.s32 $0x1BFF;
	s21 =	sshll.u32 s5, $0x1;
	s3 =	sadd.s32 s20, s19  }
0x9c: {  	s22 =	simm.s32 $0x0;
	s4 =	sshll.u32 s4, $0x1;
	s5 =	sadd.s32 s21, s3  }
0x9d: {  	[timem:s22], [sflag:s6] =	dma.local [hbm:s5], s4  }
0x9e: {  	_ =	swait.ge [sflag:s6], s4  }
0x9f: {  	s4 =	ssub.s32 $0x0, s4;
	[sflag:s6] =	ssyncset.done $0x0  }
0xa0: {  	[sflag:s6] =	ssyncadd.s32 s4;
	_ =	sdelay $0x1  }
0xa1: {  	s23 =	simm.s32 $0x1B8B  }
0xa2: {  	_ =	swait.ge [sflag:s23], $0x1  }
0xa3: {  	[sflag:s23] =	ssyncset.done $0x0  }
0xa4: {  	[sflag:s23] =	ssyncadd.s32 $0xFFFFFFFF  }
0xa5: {  	s4 =	sld [smem:$0x0]  }
0xa6: {  	s5 =	sand.u32 $0xFFFFFFFE, s1  }
0xa7: {  	p0 =	sne.s32 s1, s5  }
0xa8: {  	s5 =	sshll.u32 @p0 s5, $0xE  }
0xa9: {  	s5 =	sadd.s32 @p0 $0x11B8D, s5;
	s6 =	sshll.u32 @p0 s4, $0x11  }
0xaa: {  	s5 =	sor.u32 @p0 s6, s5  }
0xab: {  	[sflag:s5] =	ssyncadd.remote.s32 @p0 $0x1;
	_ =	sdelay $0x1  }
0xac: {  	s5 =	simm.s32 @p0 $0x1B8D  }
0xad: {  	_ =	swait.eq @p0 [sflag:s5], $0x1  }
0xae: {  	[sflag:s5] =	ssyncadd.s32 @p0 $0xFFFFFFFF  }
0xaf: {  	s6 =	sshll.u32 @!p0 s1, $0xE  }
0xb0: {  	s6 =	sor.u32 @!p0 $0x4000, s6;
	s5 =	simm.s32 @!p0 $0x1B8D  }
0xb1: {  	s4 =	sshll.u32 @!p0 s4, $0x11;
	s6 =	sadd.s32 @!p0 $0x11B8D, s6;
	_ =	swait.eq @!p0 [sflag:s5], $0x1  }
0xb2: {  	s4 =	sor.u32 @!p0 s4, s6;
	[sflag:s5] =	ssyncadd.s32 @!p0 $0xFFFFFFFF  }
0xb3: {  	s25 =	simm.s32 $0x1B8E;
	s24 =	sld [smem:$0x3FFE];
	[sflag:s4] =	ssyncadd.remote.s32 @!p0 $0x1  }
0xb4: {  	s26 =	simm.s32 $execute0_lowered;
	[smem:$0x3FD2] =	sst s25  }
0xb5: {  	s5 =	sshll.u32 s26, $0x1;
	_ =	strace $0x80000055;
	[dreg:$0x1] =	wrdreg $0xFFFFFFFF  }
0xb6: {  	s28 =	simm.s32 $_size_execute0_lowered;
	s3 =	sadd.s32 s3, s5;
	[dreg:$0x0] =	wrdreg $0x0  }
0xb7: {  	s5 =	sshll.u32 s28, $0x1;
	[dreg:$0x2] =	wrdreg s3  }
0xb8: {  	[dreg:$0x3] =	wrdreg s5  }
0xb9: {  	[dreg:$0x4] =	wrdreg $0xC0  }
0xba: {  	_ =	task [dreg:s22], $0x5FFFF  }
0xbb: {  	[dreg:$0x1] =	wrdreg $0xFFFFFFFF  }
0xbc: {  	[dreg:$0x0] =	wrdreg $0x60  }
0xbd: {  	[dreg:$0x2] =	wrdreg s24  }
0xbe: {  	[dreg:$0x3] =	wrdreg $0xE  }
0xbf: {  	_ =	task.clear_ibuf [dreg:s22], $0x4FFFF;
	_ =	strace $0x90000055  }
0xc0: {  	s29 =	simm.s32 $0xE;
	_ =	strace $0x80000057  }
0xc1: {  	_ =	swait.ge [sflag:s29], $0x1  }
0xc2: {  	[sflag:s29] =	ssyncadd.s32 $0xFFFFFFFF  }
0xc3: {  	_ =	strace $0x90000057  }
0xc4: {  	_ =	sfence  }
0xc5: {  	s30 =	sld [smem:$0x0];
	_ =	sdelay $0x2  }
0xc6: {  	s31 =	sshll.u32 s1, $0xD;
	s1 =	sshrl.u32 s1, $0x2  }
0xc7: {  	s4 =	sand.u32 $0x4000, s31;
	s1 =	sadd.s32 s1, s30  }
0xc8: {  	s0 =	sor.u32 s4, s0;
	s1 =	sshll.u32 s1, $0x11  }
0xc9: {  	s0 =	sor.u32 s1, s0  }
0xca: {  	s0 =	sadd.s32 $0x8F2B, s0  }
0xcb: {  	[sflag:s0] =	ssyncadd.remote.s32 $0x1  }
0xcc: {  	_ =	sfence.sel $0xFFFF  }
0xcd: {  	[dreg:$0x0] =	wrdreg $0xFFFFFFFF;
	(pc) =	sbr.abs _section_cstart, $3  }
0xce: {  	[dreg:$0x1] =	wrdreg $0xFFFFFFFF  }
0xcf: {  	_ =	task.clear_ibuf [dreg:s22], $0x2FFFF;
	_ =	strace $0x9FFFFFFF  }
0xd0: {  	(tm) =	ssettm $0x7FFFFFFF  }
0xd1: {  	_ =	shalt  }
tec
execute0_lowered:
.L_overlay_start_1:
0x0: {  	(tag) =	ssettag $0x1  }
0x1: {  	s1 =	srdreg.scid  }
0x2: {  	s0 =	stileid.u32;
	s6 =	rddreg [dreg:$0x0];
	s2 =	simm.s32 $0x0  }
0x3: {  	s12 =	simm.s32 $0x200;
	s13 =	simm.s32 $0x1;
	s14 =	simm.s32 $0x4000  }
0x4: {  	s15 =	simm.s32 $0x600;
	s16 =	simm.s32 $0x4600;
	s17 =	simm.s32 $0x2  }
0x5: {  	s18 =	simm.s32 $0x400;
	s5 =	sand.u32 $0x1, s1;
	s1 =	rddreg [dreg:$0x1]  }
0x6: {  	s19 =	simm.s32 $0x0;
	s30 =	sshll.u32 s0, $0x1;
	[smem:$0x7FF] =	sst s2  }
0x7: {  	s4 =	sadd.s32 $0x7B6800, s6;
	s7 =	sor.u32 s5, s30;
	_ =	strace $0x80000056  }
0x8: {  	s9 =	ssub.s32 $0x2, s5;
	s3 =	smul.u32 $0xC0, s7;
	s7 =	sshll.u32 s7, $0x6  }
0x9: {  	s5 =	sadd.s32 $0x754C00, s6;
	s31 =	sshrl.u32 s9, $0x1;
	s10 =	sadd.s32 s7, s6  }
0xa: {  	s8 =	sadd.s32 s3, s6;
	s3 =	sadd.s32 $0x818400, s6;
	s7 =	sadd.s32 $0x87B800, s10  }
0xb: {  	s11 =	ssub.s32 s9, s31;
	s9 =	sadd.s32 $0x89B800, s10;
	s6 =	sadd.s32 $0x87A000, s8  }
0xc: {  	s8 =	sadd.s32 $0x88B800, s10;
	s10 =	smax.u32 s11, $0x1;
	s11 =	simm.s32 $0x3  }
.LBB2_1:
0xd: {  	[tilespmem:s2], [sflag:$0x3] =	stream.linear.gather [hbm4b:s6+s2], $0x600, $0x38;
	[tilespmem:$0x8600] =	vst v63  }
0xe: {  	_ =	swait.ge [sflag:s11], $0x600  }
0xf: {  	[sflag:s11] =	ssyncset.done $0x0  }
0x10: {  	s20 =	simm.s32 $0x600;
	[sflag:s11] =	ssyncadd.s32 $0xFFFFFA00  }
0x11: {  	[tilespmem:s20], [sflag:$0x1] =	stream.indirect.gather [hbm4b:s3+s12], $0x1, s2, s12, $0xb8;
	[tilespmem:$0x8600] =	vst v63  }
0x12: {  	s21 =	smov.u32 s3;
	s20 =	simm.s32 $0x800  }
.LBB2_2:
0x13: {  	p0 =	sne.s32 s20, $0xF800  }
.Ltmp0:
0x14: {  	_ = 	snop;
	(pc) =	sbr.rel @p0 .LBB2_2-.Ltmp0, $4  }
0x15: {  	_ = 	snop  }
0x16: {  	s22 =	sshra.s32 s20, $0x2;
	s20 =	sadd.s32 $0x800, s20  }
0x17: {  	s21 =	sadd.s32 $0x30D4, s21;
	s22 =	sadd.s32 $0x600, s22  }
0x18: {  	[tilespmem:s22], [sflag:$0x1] =	stream.indirect.gather [hbm4b:s21+s12], $0x1, s2, s12, $0xb8;
	[tilespmem:$0x8600] =	vst v63  }
0x19: {  	_ =	swait.ge [sflag:s13], $0x4000  }
0x1a: {  	[sflag:s13] =	ssyncset.done $0x0  }
0x1b: {  	[sflag:s13] =	ssyncadd.s32 $0xFFFFC000  }
0x1c: {  	[hbm4b:s7+s12] =	stream.strided.scatter [tilespmem:s15], [sflag:$0x2], $0x4000, s14, s12, $0x38;
	[tilespmem:$0x8600] =	vst v63  }
0x1d: {  	s20 =	simm.s32 $0x4600  }
0x1e: {  	[tilespmem:s20], [sflag:$0x1] =	stream.indirect.gather [hbm4b:s4+s12], $0x1, s12, s12, $0xb8;
	[tilespmem:$0x8600] =	vst v63  }
0x1f: {  	s21 =	smov.u32 s4;
	s20 =	simm.s32 $0x800  }
.LBB2_4:
0x20: {  	p0 =	sne.s32 s20, $0xF800  }
.Ltmp1:
0x21: {  	_ = 	snop;
	(pc) =	sbr.rel @p0 .LBB2_4-.Ltmp1, $4  }
0x22: {  	_ = 	snop  }
0x23: {  	s22 =	sshra.s32 s20, $0x2;
	s20 =	sadd.s32 $0x800, s20  }
0x24: {  	s21 =	sadd.s32 $0x30D4, s21;
	s22 =	sadd.s32 $0x4600, s22  }
0x25: {  	[tilespmem:s22], [sflag:$0x1] =	stream.indirect.gather [hbm4b:s21+s12], $0x1, s12, s12, $0xb8;
	[tilespmem:$0x8600] =	vst v63  }
0x26: {  	_ =	swait.ge [sflag:s13], $0x4000  }
0x27: {  	[sflag:s13] =	ssyncset.done $0x0  }
0x28: {  	[sflag:s13] =	ssyncadd.s32 $0xFFFFC000  }
0x29: {  	[hbm4b:s8+s12] =	stream.strided.scatter [tilespmem:s16], [sflag:$0x2], $0x4000, s14, s12, $0x38;
	[tilespmem:$0x8600] =	vst v63  }
0x2a: {  	_ =	swait.ge [sflag:s17], $0x4000  }
0x2b: {  	[sflag:s17] =	ssyncset.done $0x0  }
0x2c: {  	s20 =	simm.s32 $0x600;
	[sflag:s17] =	ssyncadd.s32 $0xFFFFC000  }
0x2d: {  	[tilespmem:s20], [sflag:$0x1] =	stream.indirect.gather [hbm4b:s5+s12], $0x1, s18, s12, $0xb8;
	[tilespmem:$0x8600] =	vst v63  }
0x2e: {  	s21 =	smov.u32 s5;
	s20 =	simm.s32 $0x800  }
.LBB2_6:
0x2f: {  	p0 =	sne.s32 s20, $0xF800  }
.Ltmp2:
0x30: {  	_ = 	snop;
	(pc) =	sbr.rel @p0 .LBB2_6-.Ltmp2, $4  }
0x31: {  	_ = 	snop  }
0x32: {  	s22 =	sshra.s32 s20, $0x2;
	s20 =	sadd.s32 $0x800, s20  }
0x33: {  	s21 =	sadd.s32 $0x30D4, s21;
	s22 =	sadd.s32 $0x600, s22  }
0x34: {  	[tilespmem:s22], [sflag:$0x1] =	stream.indirect.gather [hbm4b:s21+s12], $0x1, s18, s12, $0xb8;
	[tilespmem:$0x8600] =	vst v63  }
0x35: {  	_ =	swait.ge [sflag:s13], $0x4000  }
0x36: {  	[sflag:s13] =	ssyncset.done $0x0  }
0x37: {  	s19 =	sadd.s32 $0x1, s19;
	[sflag:s13] =	ssyncadd.s32 $0xFFFFC000  }
0x38: {  	[hbm4b:s9+s12] =	stream.strided.scatter [tilespmem:s15], [sflag:$0x2], $0x4000, s14, s12, $0x38;
	[tilespmem:$0x8600] =	vst v63  }
0x39: {  	p0 =	sne.s32 s19, s10;
	_ =	swait.ge [sflag:s17], $0x4000  }
.Ltmp3:
0x3a: {  	[sflag:s17] =	ssyncset.done $0x0;
	(pc) =	sbr.rel @p0 .LBB2_1-.Ltmp3, $4  }
0x3b: {  	[sflag:s17] =	ssyncadd.s32 $0xFFFFC000  }
0x3c: {  	_ =	swait.ge [sflag:s17], $0x4000  }
0x3d: {  	[sflag:s17] =	ssyncset.done $0x0  }
0x3e: {  	[sflag:s17] =	ssyncadd.s32 $0xFFFFC000  }
0x3f: {  	_ =	sfence.sel $0x180000  }
0x40: {  	[bflag:$0x0] =	sbarrier.arrive $0xFFFF  }
0x41: {  	p0 =	sne.s32 s0, $0x0;
	_ =	strace $0x90000056  }
0x42: {  	s0 =	sadd.s32 @!p0 $0x100000, s1;
	[bflag:$0x2] =	sbarrier.arrive $0xFFFF  }
0x43: {  	[sflag:s0] =	ssyncadd.tile.s32 @!p0 $0x1;
	_ =	shalt  }
.Lfunc_end2:
_tile_overlayer_lowered:
.L_overlay_start_2:
0x44: {  	(tag) =	ssettag $0x2  }
0x45: {  	s0 =	rddreg [dreg:$0x0];
	s2 =	stileid.u32  }
0x46: {  	s1 =	rddreg [dreg:$0x1];
	p0 =	sne.s32 s2, $0x0  }
0x47: {  	s3 =	rddreg [dreg:$0x2];
	[bflag:$0x3] =	sbarrier.arrive $0xFFFF;
	s2 =	simm.s32 @!p0 $0x1C03  }
0x48: {  	[timem:s3], [sflag:s2] =	dma.local @!p0 [hbm:s0], s1  }
0x49: {  	s0 =	simm.s32 @!p0 $0x3  }
0x4a: {  	_ =	swait.ge @!p0 [sflag:s0], s1  }
0x4b: {  	s1 =	ssub.s32 @!p0 $0x0, s1;
	[sflag:s0] =	ssyncset.done @!p0 $0x0  }
0x4c: {  	[sflag:s0] =	ssyncadd.s32 @!p0 s1  }
0x4d: {  	[bflag:$0x3] =	sbarrier.arrive $0xFFFF  }
0x4e: {  	_ =	shalt  }

// kernel: kernel.28.cloned.1.call-start
scs
__scs_entry_jumppad:
0x0: {  	(pc) =	sbr.rel $0x88, $3  }
0x1: {  	(tag) =	ssettag $0x0;
	lr =	simm.s32 $0x1  }
0x2: {  	[smem:$0x3F6D] =	sst lr;
	_ =	strace $0xD0000000  }
0x3: {  	_ = 	snop  }
0x4: {  	_ = 	snop  }
0x5: {  	_ = 	snop  }
0x6: {  	_ = 	snop  }
0x7: {  	_ = 	snop  }
__scs_overlays_trampoline_lowered:
0x8: {  	[smem:$0x3F7C] =	sst s0  }
0x9: {  	[smem:$0x3F7D] =	sst s1  }
0xa: {  	[smem:$0x3F7E] =	sst s2  }
0xb: {  	[smem:$0x3F7F] =	sst s3  }
0xc: {  	[smem:$0x3F80] =	sst s4  }
0xd: {  	[smem:$0x3F81] =	sst s5  }
0xe: {  	[smem:$0x3F82] =	sst s6  }
0xf: {  	[smem:$0x3F83] =	sst s7  }
0x10: {  	[smem:$0x3F84] =	sst s8  }
0x11: {  	[smem:$0x3F85] =	sst s9;
	s0 =	simm.s32 @!p0 $0x0  }
0x12: {  	s1 =	sld [smem:$0x3F6B];
	s0 =	simm.s32 @p0 $0x1  }
0x13: {  	[smem:$0x3F86] =	sst s0;
	s0 =	simm.s32 @!p1 $0x0  }
0x14: {  	s2 =	sld [smem:$0x3F6A];
	s0 =	simm.s32 @p1 $0x1  }
0x15: {  	[smem:$0x3F87] =	sst s0;
	s0 =	simm.s32 @!p2 $0x0  }
0x16: {  	s3 =	sld [smem:$0x3FDB];
	s0 =	simm.s32 @p2 $0x1  }
0x17: {  	s4 =	simm.s32 $0x1BF5;
	[smem:$0x3F89] =	sst s0  }
0x18: {  	s0 =	sld [smem:$0x3F6C];
	_ =	swait.ge [sflag:s4], $0x0  }
0x19: {  	s7 =	sld [smem:$0x3F6D]  }
0x1a: {  	s8 =	sadd.s32 $0xFFFFE003, lr  }
0x1b: {  	s9 =	sadd.s32 $0xFFFFFEF7, lr;
	s5 =	simm.s32 $0xFFFFFFFF;
	p2 =	slt.u32 s8, $0xFFFFF086  }
0x1c: {  	p1 =	slt.u32 s9, $0xF7A;
	s5 =	simm.s32 @!p2 $0x0  }
0x1d: {  	s5 =	simm.s32 @p1 $0x1;
	p0 =	seq.s32 s7, s2  }
0x1e: {  	s7 =	smul.u32 @!p0 $0xF7A, s2;
	p2 =	seq.s32 @!p0 s5, $0x0  }
0x1f: {  	s9 =	smul.u32 $0xF7A, s1;
	s8 =	simm.s32 @!p0 $0x1BF5;
	p2 =	por !p2, p0  }
0x20: {  	[sflag:s8] =	ssyncset.s32 @!p0 $0xFFFFF086;
	s6 =	sadd.s32 @!p0 s3, s7;
	s7 =	simm.s32 @!p0 $0x108  }
0x21: {  	s3 =	sadd.s32 s3, s9;
	s6 =	sadd.s32 @!p0 $0x88, s6;
	s7 =	simm.s32 @p2 $0x1082  }
0x22: {  	[simem:s7], [sflag:s8] =	dma.local @!p0 [hbm:s6], $0xF7A  }
0x23: {  	s9 =	sor.u32 $0xD0000000, s2;
	s6 =	simm.s32 $0x108;
	_ =	swait.ge @!p0 [sflag:s8], $0x0  }
0x24: {  	s3 =	sadd.s32 $0x88, s3;
	s6 =	simm.s32 @!p1 $0x1082;
	[sflag:s4] =	ssyncset.s32 $0xFFFFF086  }
0x25: {  	[simem:s6], [sflag:s4] =	dma.local [hbm:s3], $0xF7A  }
0x26: {  	[smem:$0x3F6D] =	sst s1;
	(tag) =	ssettag s2;
	_ =	strace s9  }
0x27: {  	s1 =	sld [smem:$0x3F7D]  }
0x28: {  	s2 =	sld [smem:$0x3F7E]  }
0x29: {  	s4 =	sld [smem:$0x3F80]  }
0x2a: {  	p0 =	seq.s32 s5, $0x0;
	s5 =	sld [smem:$0x3F81]  }
0x2b: {  	s6 =	sld [smem:$0x3F82]  }
0x2c: {  	s7 =	sld [smem:$0x3F83]  }
0x2d: {  	s3 =	simm.s32 $0x108;
	s8 =	sld [smem:$0x3F84]  }
0x2e: {  	s3 =	simm.s32 @!p0 $0x1082;
	s9 =	sld [smem:$0x3F85]  }
0x2f: {  	lr =	sadd.s32 s0, s3;
	s0 =	sld [smem:$0x3F7C]  }
0x30: {  	s3 =	sld [smem:$0x3F7F]  }
0x31: {  	[smem:$0x3F88] =	sst s10  }
0x32: {  	s10 =	sld [smem:$0x3F86];
	_ =	sdelay $0x3  }
0x33: {  	p0 =	seq.s32 s10, $0x1;
	s10 =	sld [smem:$0x3F88];
	_ =	sdelay $0x3  }
0x34: {  	[smem:$0x3F88] =	sst s10  }
0x35: {  	s10 =	sld [smem:$0x3F87];
	_ =	sdelay $0x3  }
0x36: {  	p1 =	seq.s32 s10, $0x1;
	s10 =	sld [smem:$0x3F88];
	_ =	sdelay $0x3  }
0x37: {  	[smem:$0x3F88] =	sst s10  }
0x38: {  	s10 =	sld [smem:$0x3F89]  }
0x39: {  	_ = 	snop;
	(pc) =	sbr.ind lr, $3  }
0x3a: {  	_ = 	snop  }
0x3b: {  	_ = 	snop  }
0x3c: {  	p2 =	seq.s32 s10, $0x1;
	s10 =	sld [smem:$0x3F88]  }
0x3d: {  	_ =	shalt  }
0x3e: {  	_ =	shalt  }
0x3f: {  	_ =	shalt  }
0x40: {  	_ =	shalt  }
0x41: {  	_ =	shalt  }
0x42: {  	_ =	shalt  }
0x43: {  	_ =	shalt  }
0x44: {  	_ =	shalt  }
0x45: {  	_ =	shalt  }
0x46: {  	_ =	shalt  }
0x47: {  	_ =	shalt  }
0x48: {  	_ =	shalt  }
0x49: {  	_ =	shalt  }
0x4a: {  	_ =	shalt  }
0x4b: {  	_ =	shalt  }
0x4c: {  	_ =	shalt  }
0x4d: {  	_ =	shalt  }
0x4e: {  	_ =	shalt  }
0x4f: {  	_ =	shalt  }
0x50: {  	_ =	shalt  }
0x51: {  	_ =	shalt  }
0x52: {  	_ =	shalt  }
0x53: {  	_ =	shalt  }
0x54: {  	_ =	shalt  }
0x55: {  	_ =	shalt  }
0x56: {  	_ =	shalt  }
0x57: {  	_ =	shalt  }
0x58: {  	_ =	shalt  }
0x59: {  	_ =	shalt  }
0x5a: {  	_ =	shalt  }
0x5b: {  	_ =	shalt  }
0x5c: {  	_ =	shalt  }
0x5d: {  	_ =	shalt  }
0x5e: {  	_ =	shalt  }
0x5f: {  	_ =	shalt  }
0x60: {  	_ =	shalt  }
0x61: {  	_ =	shalt  }
0x62: {  	_ =	shalt  }
0x63: {  	_ =	shalt  }
0x64: {  	_ =	shalt  }
0x65: {  	_ =	shalt  }
0x66: {  	_ =	shalt  }
0x67: {  	_ =	shalt  }
0x68: {  	_ =	shalt  }
0x69: {  	_ =	shalt  }
0x6a: {  	_ =	shalt  }
0x6b: {  	_ =	shalt  }
0x6c: {  	_ =	shalt  }
0x6d: {  	_ =	shalt  }
0x6e: {  	_ =	shalt  }
0x6f: {  	_ =	shalt  }
0x70: {  	_ =	shalt  }
0x71: {  	_ =	shalt  }
0x72: {  	_ =	shalt  }
0x73: {  	_ =	shalt  }
0x74: {  	_ =	shalt  }
0x75: {  	_ =	shalt  }
0x76: {  	_ =	shalt  }
0x77: {  	_ =	shalt  }
0x78: {  	_ =	shalt  }
0x79: {  	_ =	shalt  }
0x7a: {  	_ =	shalt  }
0x7b: {  	_ =	shalt  }
0x7c: {  	_ =	shalt  }
0x7d: {  	_ =	shalt  }
0x7e: {  	_ =	shalt  }
0x7f: {  	_ =	shalt  }
0x80: {  	_ =	shalt  }
0x81: {  	_ =	shalt  }
0x82: {  	_ =	shalt  }
0x83: {  	_ =	shalt  }
0x84: {  	_ =	shalt  }
0x85: {  	_ =	shalt  }
0x86: {  	_ =	shalt  }
0x87: {  	_ =	shalt  }
.Lfunc_end0:
.L_simem_size_0:
called_computation.6_lowered:
.L_overlay_start_0:
0x88: {  	s2 =	sld [smem:$0x3FD9]  }
0x89: {  	s3 =	sld [smem:$0x3FFE];
	_ =	sdelay $0x1  }
0x8a: {  	s1 =	srdreg.scid  }
0x8b: {  	s0 =	sand.u32 $0x1, s1  }
0x8c: {  	s17 =	sshll.u32 s0, $0xA;
	s2 =	sadd.s32 s3, s2  }
0x8d: {  	s2 =	sadd.s32 s2, s17  }
0x8e: {  	[smem:$0x3F94] =	sst s2  }
0x8f: {  	_ = 	snop  }
0x90: {  	(tm) =	ssettm $0x1  }
0x91: {  	s18 =	sld [smem:$0x3FFB];
	_ =	sdelay $0x3  }
0x92: {  	_ =	strace s18  }
0x93: {  	s2 =	sld [smem:$0x3FFC];
	_ =	sdelay $0x3  }
0x94: {  	_ =	strace s2  }
0x95: {  	s2 =	sld [smem:$0x3FFD];
	_ =	sdelay $0x3  }
0x96: {  	_ =	strace s2  }
0x97: {  	_ =	strace $0x8FFFFFFF  }
0x98: {  	s19 =	sld [smem:$0x3FDB];
	_ =	sdelay $0x1  }
0x99: {  	s20 =	simm.s32 $_scs_section_size  }
0x9a: {  	s4 =	simm.s32 $_size__tile_overlayer_lowered;
	s5 =	simm.s32 $_tile_overlayer_lowered  }
0x9b: {  	s6 =	simm.s32 $0x1BFF;
	s21 =	sshll.u32 s5, $0x1;
	s3 =	sadd.s32 s20, s19  }
0x9c: {  	s22 =	simm.s32 $0x0;
	s4 =	sshll.u32 s4, $0x1;
	s5 =	sadd.s32 s21, s3  }
0x9d: {  	[timem:s22], [sflag:s6] =	dma.local [hbm:s5], s4  }
0x9e: {  	_ =	swait.ge [sflag:s6], s4  }
0x9f: {  	s4 =	ssub.s32 $0x0, s4;
	[sflag:s6] =	ssyncset.done $0x0  }
0xa0: {  	[sflag:s6] =	ssyncadd.s32 s4;
	_ =	sdelay $0x1  }
0xa1: {  	s23 =	simm.s32 $0x1B8B  }
0xa2: {  	_ =	swait.ge [sflag:s23], $0x1  }
0xa3: {  	[sflag:s23] =	ssyncset.done $0x0  }
0xa4: {  	[sflag:s23] =	ssyncadd.s32 $0xFFFFFFFF  }
0xa5: {  	s4 =	sld [smem:$0x0]  }
0xa6: {  	s5 =	sand.u32 $0xFFFFFFFE, s1  }
0xa7: {  	p0 =	sne.s32 s1, s5  }
0xa8: {  	s5 =	sshll.u32 @p0 s5, $0xE  }
0xa9: {  	s5 =	sadd.s32 @p0 $0x11B8D, s5;
	s6 =	sshll.u32 @p0 s4, $0x11  }
0xaa: {  	s5 =	sor.u32 @p0 s6, s5  }
0xab: {  	[sflag:s5] =	ssyncadd.remote.s32 @p0 $0x1;
	_ =	sdelay $0x1  }
0xac: {  	s5 =	simm.s32 @p0 $0x1B8D  }
0xad: {  	_ =	swait.eq @p0 [sflag:s5], $0x1  }
0xae: {  	[sflag:s5] =	ssyncadd.s32 @p0 $0xFFFFFFFF  }
0xaf: {  	s6 =	sshll.u32 @!p0 s1, $0xE  }
0xb0: {  	s6 =	sor.u32 @!p0 $0x4000, s6;
	s5 =	simm.s32 @!p0 $0x1B8D  }
0xb1: {  	s4 =	sshll.u32 @!p0 s4, $0x11;
	s6 =	sadd.s32 @!p0 $0x11B8D, s6;
	_ =	swait.eq @!p0 [sflag:s5], $0x1  }
0xb2: {  	s4 =	sor.u32 @!p0 s4, s6;
	[sflag:s5] =	ssyncadd.s32 @!p0 $0xFFFFFFFF  }
0xb3: {  	s25 =	simm.s32 $0x1B8E;
	s24 =	sld [smem:$0x3FFE];
	[sflag:s4] =	ssyncadd.remote.s32 @!p0 $0x1  }
0xb4: {  	s26 =	simm.s32 $execute0_lowered;
	[smem:$0x3FD2] =	sst s25  }
0xb5: {  	s5 =	sshll.u32 s26, $0x1;
	_ =	strace $0x80000058;
	[dreg:$0x1] =	wrdreg $0xFFFFFFFF  }
0xb6: {  	s28 =	simm.s32 $_size_execute0_lowered;
	s3 =	sadd.s32 s3, s5;
	[dreg:$0x0] =	wrdreg $0x0  }
0xb7: {  	s5 =	sshll.u32 s28, $0x1;
	[dreg:$0x2] =	wrdreg s3  }
0xb8: {  	[dreg:$0x3] =	wrdreg s5  }
0xb9: {  	[dreg:$0x4] =	wrdreg $0xC0  }
0xba: {  	_ =	task [dreg:s22], $0x5FFFF  }
0xbb: {  	[dreg:$0x1] =	wrdreg $0xFFFFFFFF  }
0xbc: {  	[dreg:$0x0] =	wrdreg $0x60  }
0xbd: {  	[dreg:$0x2] =	wrdreg s24  }
0xbe: {  	[dreg:$0x3] =	wrdreg $0xF  }
0xbf: {  	_ =	task.clear_ibuf [dreg:s22], $0x4FFFF;
	_ =	strace $0x90000058  }
0xc0: {  	s29 =	simm.s32 $0xF;
	_ =	strace $0x8000005A  }
0xc1: {  	_ =	swait.ge [sflag:s29], $0x1  }
0xc2: {  	[sflag:s29] =	ssyncadd.s32 $0xFFFFFFFF  }
0xc3: {  	_ =	strace $0x9000005A  }
0xc4: {  	_ =	sfence  }
0xc5: {  	s30 =	sld [smem:$0x0];
	_ =	sdelay $0x2  }
0xc6: {  	s31 =	sshll.u32 s1, $0xD;
	s1 =	sshrl.u32 s1, $0x2  }
0xc7: {  	s4 =	sand.u32 $0x4000, s31;
	s1 =	sadd.s32 s1, s30  }
0xc8: {  	s0 =	sor.u32 s4, s0;
	s1 =	sshll.u32 s1, $0x11  }
0xc9: {  	s0 =	sor.u32 s1, s0  }
0xca: {  	s0 =	sadd.s32 $0x8F2B, s0  }
0xcb: {  	[sflag:s0] =	ssyncadd.remote.s32 $0x1  }
0xcc: {  	_ =	sfence.sel $0xFFFF  }
0xcd: {  	[dreg:$0x0] =	wrdreg $0xFFFFFFFF;
	(pc) =	sbr.abs _section_cstart, $3  }
0xce: {  	[dreg:$0x1] =	wrdreg $0xFFFFFFFF  }
0xcf: {  	_ =	task.clear_ibuf [dreg:s22], $0x2FFFF;
	_ =	strace $0x9FFFFFFF  }
0xd0: {  	(tm) =	ssettm $0x7FFFFFFF  }
0xd1: {  	_ =	shalt  }
tec
execute0_lowered:
.L_overlay_start_1:
0x0: {  	(tag) =	ssettag $0x1  }
0x1: {  	s1 =	srdreg.scid  }
0x2: {  	s0 =	stileid.u32;
	s6 =	rddreg [dreg:$0x0];
	s2 =	simm.s32 $0x0  }
0x3: {  	s12 =	simm.s32 $0x200;
	s13 =	simm.s32 $0x1;
	s14 =	simm.s32 $0x4000  }
0x4: {  	s15 =	simm.s32 $0x600;
	s16 =	simm.s32 $0x4600;
	s17 =	simm.s32 $0x2  }
0x5: {  	s18 =	simm.s32 $0x400;
	s5 =	sand.u32 $0x1, s1;
	s1 =	rddreg [dreg:$0x1]  }
0x6: {  	s19 =	simm.s32 $0x0;
	s30 =	sshll.u32 s0, $0x1;
	[smem:$0x7FF] =	sst s2  }
0x7: {  	s4 =	sadd.s32 $0x90D400, s6;
	s7 =	sor.u32 s5, s30;
	_ =	strace $0x80000059  }
0x8: {  	s9 =	ssub.s32 $0x2, s5;
	s3 =	smul.u32 $0xC0, s7;
	s7 =	sshll.u32 s7, $0x6  }
0x9: {  	s5 =	sadd.s32 $0x8AB800, s6;
	s31 =	sshrl.u32 s9, $0x1;
	s10 =	sadd.s32 s7, s6  }
0xa: {  	s8 =	sadd.s32 s3, s6;
	s3 =	sadd.s32 $0x96F000, s6;
	s7 =	sadd.s32 $0x9D2400, s10  }
0xb: {  	s11 =	ssub.s32 s9, s31;
	s9 =	sadd.s32 $0x9F2400, s10;
	s6 =	sadd.s32 $0x9D0C00, s8  }
0xc: {  	s8 =	sadd.s32 $0x9E2400, s10;
	s10 =	smax.u32 s11, $0x1;
	s11 =	simm.s32 $0x3  }
.LBB2_1:
0xd: {  	[tilespmem:s2], [sflag:$0x3] =	stream.linear.gather [hbm4b:s6+s2], $0x600, $0x38;
	[tilespmem:$0x8600] =	vst v63  }
0xe: {  	_ =	swait.ge [sflag:s11], $0x600  }
0xf: {  	[sflag:s11] =	ssyncset.done $0x0  }
0x10: {  	s20 =	simm.s32 $0x600;
	[sflag:s11] =	ssyncadd.s32 $0xFFFFFA00  }
0x11: {  	[tilespmem:s20], [sflag:$0x1] =	stream.indirect.gather [hbm4b:s3+s12], $0x1, s2, s12, $0xb8;
	[tilespmem:$0x8600] =	vst v63  }
0x12: {  	s21 =	smov.u32 s3;
	s20 =	simm.s32 $0x800  }
.LBB2_2:
0x13: {  	p0 =	sne.s32 s20, $0xF800  }
.Ltmp0:
0x14: {  	_ = 	snop;
	(pc) =	sbr.rel @p0 .LBB2_2-.Ltmp0, $4  }
0x15: {  	_ = 	snop  }
0x16: {  	s22 =	sshra.s32 s20, $0x2;
	s20 =	sadd.s32 $0x800, s20  }
0x17: {  	s21 =	sadd.s32 $0x30D4, s21;
	s22 =	sadd.s32 $0x600, s22  }
0x18: {  	[tilespmem:s22], [sflag:$0x1] =	stream.indirect.gather [hbm4b:s21+s12], $0x1, s2, s12, $0xb8;
	[tilespmem:$0x8600] =	vst v63  }
0x19: {  	_ =	swait.ge [sflag:s13], $0x4000  }
0x1a: {  	[sflag:s13] =	ssyncset.done $0x0  }
0x1b: {  	[sflag:s13] =	ssyncadd.s32 $0xFFFFC000  }
0x1c: {  	[hbm4b:s7+s12] =	stream.strided.scatter [tilespmem:s15], [sflag:$0x2], $0x4000, s14, s12, $0x38;
	[tilespmem:$0x8600] =	vst v63  }
0x1d: {  	s20 =	simm.s32 $0x4600  }
0x1e: {  	[tilespmem:s20], [sflag:$0x1] =	stream.indirect.gather [hbm4b:s4+s12], $0x1, s12, s12, $0xb8;
	[tilespmem:$0x8600] =	vst v63  }
0x1f: {  	s21 =	smov.u32 s4;
	s20 =	simm.s32 $0x800  }
.LBB2_4:
0x20: {  	p0 =	sne.s32 s20, $0xF800  }
.Ltmp1:
0x21: {  	_ = 	snop;
	(pc) =	sbr.rel @p0 .LBB2_4-.Ltmp1, $4  }
0x22: {  	_ = 	snop  }
0x23: {  	s22 =	sshra.s32 s20, $0x2;
	s20 =	sadd.s32 $0x800, s20  }
0x24: {  	s21 =	sadd.s32 $0x30D4, s21;
	s22 =	sadd.s32 $0x4600, s22  }
0x25: {  	[tilespmem:s22], [sflag:$0x1] =	stream.indirect.gather [hbm4b:s21+s12], $0x1, s12, s12, $0xb8;
	[tilespmem:$0x8600] =	vst v63  }
0x26: {  	_ =	swait.ge [sflag:s13], $0x4000  }
0x27: {  	[sflag:s13] =	ssyncset.done $0x0  }
0x28: {  	[sflag:s13] =	ssyncadd.s32 $0xFFFFC000  }
0x29: {  	[hbm4b:s8+s12] =	stream.strided.scatter [tilespmem:s16], [sflag:$0x2], $0x4000, s14, s12, $0x38;
	[tilespmem:$0x8600] =	vst v63  }
0x2a: {  	_ =	swait.ge [sflag:s17], $0x4000  }
0x2b: {  	[sflag:s17] =	ssyncset.done $0x0  }
0x2c: {  	s20 =	simm.s32 $0x600;
	[sflag:s17] =	ssyncadd.s32 $0xFFFFC000  }
0x2d: {  	[tilespmem:s20], [sflag:$0x1] =	stream.indirect.gather [hbm4b:s5+s12], $0x1, s18, s12, $0xb8;
	[tilespmem:$0x8600] =	vst v63  }
0x2e: {  	s21 =	smov.u32 s5;
	s20 =	simm.s32 $0x800  }
.LBB2_6:
0x2f: {  	p0 =	sne.s32 s20, $0xF800  }
.Ltmp2:
0x30: {  	_ = 	snop;
	(pc) =	sbr.rel @p0 .LBB2_6-.Ltmp2, $4  }
0x31: {  	_ = 	snop  }
0x32: {  	s22 =	sshra.s32 s20, $0x2;
	s20 =	sadd.s32 $0x800, s20  }
0x33: {  	s21 =	sadd.s32 $0x30D4, s21;
	s22 =	sadd.s32 $0x600, s22  }
0x34: {  	[tilespmem:s22], [sflag:$0x1] =	stream.indirect.gather [hbm4b:s21+s12], $0x1, s18, s12, $0xb8;
	[tilespmem:$0x8600] =	vst v63  }
0x35: {  	_ =	swait.ge [sflag:s13], $0x4000  }
0x36: {  	[sflag:s13] =	ssyncset.done $0x0  }
0x37: {  	s19 =	sadd.s32 $0x1, s19;
	[sflag:s13] =	ssyncadd.s32 $0xFFFFC000  }
0x38: {  	[hbm4b:s9+s12] =	stream.strided.scatter [tilespmem:s15], [sflag:$0x2], $0x4000, s14, s12, $0x38;
	[tilespmem:$0x8600] =	vst v63  }
0x39: {  	p0 =	sne.s32 s19, s10;
	_ =	swait.ge [sflag:s17], $0x4000  }
.Ltmp3:
0x3a: {  	[sflag:s17] =	ssyncset.done $0x0;
	(pc) =	sbr.rel @p0 .LBB2_1-.Ltmp3, $4  }
0x3b: {  	[sflag:s17] =	ssyncadd.s32 $0xFFFFC000  }
0x3c: {  	_ =	swait.ge [sflag:s17], $0x4000  }
0x3d: {  	[sflag:s17] =	ssyncset.done $0x0  }
0x3e: {  	[sflag:s17] =	ssyncadd.s32 $0xFFFFC000  }
0x3f: {  	_ =	sfence.sel $0x180000  }
0x40: {  	[bflag:$0x0] =	sbarrier.arrive $0xFFFF  }
0x41: {  	p0 =	sne.s32 s0, $0x0;
	_ =	strace $0x90000059  }
0x42: {  	s0 =	sadd.s32 @!p0 $0x100000, s1;
	[bflag:$0x2] =	sbarrier.arrive $0xFFFF  }
0x43: {  	[sflag:s0] =	ssyncadd.tile.s32 @!p0 $0x1;
	_ =	shalt  }
.Lfunc_end2:
_tile_overlayer_lowered:
.L_overlay_start_2:
0x44: {  	(tag) =	ssettag $0x2  }
0x45: {  	s0 =	rddreg [dreg:$0x0];
	s2 =	stileid.u32  }
0x46: {  	s1 =	rddreg [dreg:$0x1];
	p0 =	sne.s32 s2, $0x0  }
0x47: {  	s3 =	rddreg [dreg:$0x2];
	[bflag:$0x3] =	sbarrier.arrive $0xFFFF;
	s2 =	simm.s32 @!p0 $0x1C03  }
0x48: {  	[timem:s3], [sflag:s2] =	dma.local @!p0 [hbm:s0], s1  }
0x49: {  	s0 =	simm.s32 @!p0 $0x3  }
0x4a: {  	_ =	swait.ge @!p0 [sflag:s0], s1  }
0x4b: {  	s1 =	ssub.s32 @!p0 $0x0, s1;
	[sflag:s0] =	ssyncset.done @!p0 $0x0  }
0x4c: {  	[sflag:s0] =	ssyncadd.s32 @!p0 s1  }
0x4d: {  	[bflag:$0x3] =	sbarrier.arrive $0xFFFF  }
0x4e: {  	_ =	shalt  }

// kernel: kernel.31.cloned.1.call-start
scs
__scs_entry_jumppad:
0x0: {  	(pc) =	sbr.rel $0x88, $3  }
0x1: {  	(tag) =	ssettag $0x0;
	lr =	simm.s32 $0x1  }
0x2: {  	[smem:$0x3F6D] =	sst lr;
	_ =	strace $0xD0000000  }
0x3: {  	_ = 	snop  }
0x4: {  	_ = 	snop  }
0x5: {  	_ = 	snop  }
0x6: {  	_ = 	snop  }
0x7: {  	_ = 	snop  }
__scs_overlays_trampoline_lowered:
0x8: {  	[smem:$0x3F7C] =	sst s0  }
0x9: {  	[smem:$0x3F7D] =	sst s1  }
0xa: {  	[smem:$0x3F7E] =	sst s2  }
0xb: {  	[smem:$0x3F7F] =	sst s3  }
0xc: {  	[smem:$0x3F80] =	sst s4  }
0xd: {  	[smem:$0x3F81] =	sst s5  }
0xe: {  	[smem:$0x3F82] =	sst s6  }
0xf: {  	[smem:$0x3F83] =	sst s7  }
0x10: {  	[smem:$0x3F84] =	sst s8  }
0x11: {  	[smem:$0x3F85] =	sst s9;
	s0 =	simm.s32 @!p0 $0x0  }
0x12: {  	s1 =	sld [smem:$0x3F6B];
	s0 =	simm.s32 @p0 $0x1  }
0x13: {  	[smem:$0x3F86] =	sst s0;
	s0 =	simm.s32 @!p1 $0x0  }
0x14: {  	s2 =	sld [smem:$0x3F6A];
	s0 =	simm.s32 @p1 $0x1  }
0x15: {  	[smem:$0x3F87] =	sst s0;
	s0 =	simm.s32 @!p2 $0x0  }
0x16: {  	s3 =	sld [smem:$0x3FDB];
	s0 =	simm.s32 @p2 $0x1  }
0x17: {  	s4 =	simm.s32 $0x1BF5;
	[smem:$0x3F89] =	sst s0  }
0x18: {  	s0 =	sld [smem:$0x3F6C];
	_ =	swait.ge [sflag:s4], $0x0  }
0x19: {  	s7 =	sld [smem:$0x3F6D]  }
0x1a: {  	s8 =	sadd.s32 $0xFFFFE003, lr  }
0x1b: {  	s9 =	sadd.s32 $0xFFFFFEF7, lr;
	s5 =	simm.s32 $0xFFFFFFFF;
	p2 =	slt.u32 s8, $0xFFFFF086  }
0x1c: {  	p1 =	slt.u32 s9, $0xF7A;
	s5 =	simm.s32 @!p2 $0x0  }
0x1d: {  	s5 =	simm.s32 @p1 $0x1;
	p0 =	seq.s32 s7, s2  }
0x1e: {  	s7 =	smul.u32 @!p0 $0xF7A, s2;
	p2 =	seq.s32 @!p0 s5, $0x0  }
0x1f: {  	s9 =	smul.u32 $0xF7A, s1;
	s8 =	simm.s32 @!p0 $0x1BF5;
	p2 =	por !p2, p0  }
0x20: {  	[sflag:s8] =	ssyncset.s32 @!p0 $0xFFFFF086;
	s6 =	sadd.s32 @!p0 s3, s7;
	s7 =	simm.s32 @!p0 $0x108  }
0x21: {  	s3 =	sadd.s32 s3, s9;
	s6 =	sadd.s32 @!p0 $0x88, s6;
	s7 =	simm.s32 @p2 $0x1082  }
0x22: {  	[simem:s7], [sflag:s8] =	dma.local @!p0 [hbm:s6], $0xF7A  }
0x23: {  	s9 =	sor.u32 $0xD0000000, s2;
	s6 =	simm.s32 $0x108;
	_ =	swait.ge @!p0 [sflag:s8], $0x0  }
0x24: {  	s3 =	sadd.s32 $0x88, s3;
	s6 =	simm.s32 @!p1 $0x1082;
	[sflag:s4] =	ssyncset.s32 $0xFFFFF086  }
0x25: {  	[simem:s6], [sflag:s4] =	dma.local [hbm:s3], $0xF7A  }
0x26: {  	[smem:$0x3F6D] =	sst s1;
	(tag) =	ssettag s2;
	_ =	strace s9  }
0x27: {  	s1 =	sld [smem:$0x3F7D]  }
0x28: {  	s2 =	sld [smem:$0x3F7E]  }
0x29: {  	s4 =	sld [smem:$0x3F80]  }
0x2a: {  	p0 =	seq.s32 s5, $0x0;
	s5 =	sld [smem:$0x3F81]  }
0x2b: {  	s6 =	sld [smem:$0x3F82]  }
0x2c: {  	s7 =	sld [smem:$0x3F83]  }
0x2d: {  	s3 =	simm.s32 $0x108;
	s8 =	sld [smem:$0x3F84]  }
0x2e: {  	s3 =	simm.s32 @!p0 $0x1082;
	s9 =	sld [smem:$0x3F85]  }
0x2f: {  	lr =	sadd.s32 s0, s3;
	s0 =	sld [smem:$0x3F7C]  }
0x30: {  	s3 =	sld [smem:$0x3F7F]  }
0x31: {  	[smem:$0x3F88] =	sst s10  }
0x32: {  	s10 =	sld [smem:$0x3F86];
	_ =	sdelay $0x3  }
0x33: {  	p0 =	seq.s32 s10, $0x1;
	s10 =	sld [smem:$0x3F88];
	_ =	sdelay $0x3  }
0x34: {  	[smem:$0x3F88] =	sst s10  }
0x35: {  	s10 =	sld [smem:$0x3F87];
	_ =	sdelay $0x3  }
0x36: {  	p1 =	seq.s32 s10, $0x1;
	s10 =	sld [smem:$0x3F88];
	_ =	sdelay $0x3  }
0x37: {  	[smem:$0x3F88] =	sst s10  }
0x38: {  	s10 =	sld [smem:$0x3F89]  }
0x39: {  	_ = 	snop;
	(pc) =	sbr.ind lr, $3  }
0x3a: {  	_ = 	snop  }
0x3b: {  	_ = 	snop  }
0x3c: {  	p2 =	seq.s32 s10, $0x1;
	s10 =	sld [smem:$0x3F88]  }
0x3d: {  	_ =	shalt  }
0x3e: {  	_ =	shalt  }
0x3f: {  	_ =	shalt  }
0x40: {  	_ =	shalt  }
0x41: {  	_ =	shalt  }
0x42: {  	_ =	shalt  }
0x43: {  	_ =	shalt  }
0x44: {  	_ =	shalt  }
0x45: {  	_ =	shalt  }
0x46: {  	_ =	shalt  }
0x47: {  	_ =	shalt  }
0x48: {  	_ =	shalt  }
0x49: {  	_ =	shalt  }
0x4a: {  	_ =	shalt  }
0x4b: {  	_ =	shalt  }
0x4c: {  	_ =	shalt  }
0x4d: {  	_ =	shalt  }
0x4e: {  	_ =	shalt  }
0x4f: {  	_ =	shalt  }
0x50: {  	_ =	shalt  }
0x51: {  	_ =	shalt  }
0x52: {  	_ =	shalt  }
0x53: {  	_ =	shalt  }
0x54: {  	_ =	shalt  }
0x55: {  	_ =	shalt  }
0x56: {  	_ =	shalt  }
0x57: {  	_ =	shalt  }
0x58: {  	_ =	shalt  }
0x59: {  	_ =	shalt  }
0x5a: {  	_ =	shalt  }
0x5b: {  	_ =	shalt  }
0x5c: {  	_ =	shalt  }
0x5d: {  	_ =	shalt  }
0x5e: {  	_ =	shalt  }
0x5f: {  	_ =	shalt  }
0x60: {  	_ =	shalt  }
0x61: {  	_ =	shalt  }
0x62: {  	_ =	shalt  }
0x63: {  	_ =	shalt  }
0x64: {  	_ =	shalt  }
0x65: {  	_ =	shalt  }
0x66: {  	_ =	shalt  }
0x67: {  	_ =	shalt  }
0x68: {  	_ =	shalt  }
0x69: {  	_ =	shalt  }
0x6a: {  	_ =	shalt  }
0x6b: {  	_ =	shalt  }
0x6c: {  	_ =	shalt  }
0x6d: {  	_ =	shalt  }
0x6e: {  	_ =	shalt  }
0x6f: {  	_ =	shalt  }
0x70: {  	_ =	shalt  }
0x71: {  	_ =	shalt  }
0x72: {  	_ =	shalt  }
0x73: {  	_ =	shalt  }
0x74: {  	_ =	shalt  }
0x75: {  	_ =	shalt  }
0x76: {  	_ =	shalt  }
0x77: {  	_ =	shalt  }
0x78: {  	_ =	shalt  }
0x79: {  	_ =	shalt  }
0x7a: {  	_ =	shalt  }
0x7b: {  	_ =	shalt  }
0x7c: {  	_ =	shalt  }
0x7d: {  	_ =	shalt  }
0x7e: {  	_ =	shalt  }
0x7f: {  	_ =	shalt  }
0x80: {  	_ =	shalt  }
0x81: {  	_ =	shalt  }
0x82: {  	_ =	shalt  }
0x83: {  	_ =	shalt  }
0x84: {  	_ =	shalt  }
0x85: {  	_ =	shalt  }
0x86: {  	_ =	shalt  }
0x87: {  	_ =	shalt  }
.Lfunc_end0:
.L_simem_size_0:
called_computation.7_lowered:
.L_overlay_start_0:
0x88: {  	s2 =	sld [smem:$0x3FD9]  }
0x89: {  	s3 =	sld [smem:$0x3FFE];
	_ =	sdelay $0x1  }
0x8a: {  	s1 =	srdreg.scid  }
0x8b: {  	s0 =	sand.u32 $0x1, s1  }
0x8c: {  	s17 =	sshll.u32 s0, $0xA;
	s2 =	sadd.s32 s3, s2  }
0x8d: {  	s2 =	sadd.s32 s2, s17  }
0x8e: {  	[smem:$0x3F94] =	sst s2  }
0x8f: {  	_ = 	snop  }
0x90: {  	(tm) =	ssettm $0x1  }
0x91: {  	s18 =	sld [smem:$0x3FFB];
	_ =	sdelay $0x3  }
0x92: {  	_ =	strace s18  }
0x93: {  	s2 =	sld [smem:$0x3FFC];
	_ =	sdelay $0x3  }
0x94: {  	_ =	strace s2  }
0x95: {  	s2 =	sld [smem:$0x3FFD];
	_ =	sdelay $0x3  }
0x96: {  	_ =	strace s2  }
0x97: {  	_ =	strace $0x8FFFFFFF  }
0x98: {  	s19 =	sld [smem:$0x3FDB];
	_ =	sdelay $0x1  }
0x99: {  	s20 =	simm.s32 $_scs_section_size  }
0x9a: {  	s4 =	simm.s32 $_size__tile_overlayer_lowered;
	s5 =	simm.s32 $_tile_overlayer_lowered  }
0x9b: {  	s6 =	simm.s32 $0x1BFF;
	s21 =	sshll.u32 s5, $0x1;
	s3 =	sadd.s32 s20, s19  }
0x9c: {  	s22 =	simm.s32 $0x0;
	s4 =	sshll.u32 s4, $0x1;
	s5 =	sadd.s32 s21, s3  }
0x9d: {  	[timem:s22], [sflag:s6] =	dma.local [hbm:s5], s4  }
0x9e: {  	_ =	swait.ge [sflag:s6], s4  }
0x9f: {  	s4 =	ssub.s32 $0x0, s4;
	[sflag:s6] =	ssyncset.done $0x0  }
0xa0: {  	[sflag:s6] =	ssyncadd.s32 s4;
	_ =	sdelay $0x1  }
0xa1: {  	s23 =	simm.s32 $0x1B8B  }
0xa2: {  	_ =	swait.ge [sflag:s23], $0x1  }
0xa3: {  	[sflag:s23] =	ssyncset.done $0x0  }
0xa4: {  	[sflag:s23] =	ssyncadd.s32 $0xFFFFFFFF  }
0xa5: {  	s4 =	sld [smem:$0x0]  }
0xa6: {  	s5 =	sand.u32 $0xFFFFFFFE, s1  }
0xa7: {  	p0 =	sne.s32 s1, s5  }
0xa8: {  	s5 =	sshll.u32 @p0 s5, $0xE  }
0xa9: {  	s5 =	sadd.s32 @p0 $0x11B8D, s5;
	s6 =	sshll.u32 @p0 s4, $0x11  }
0xaa: {  	s5 =	sor.u32 @p0 s6, s5  }
0xab: {  	[sflag:s5] =	ssyncadd.remote.s32 @p0 $0x1;
	_ =	sdelay $0x1  }
0xac: {  	s5 =	simm.s32 @p0 $0x1B8D  }
0xad: {  	_ =	swait.eq @p0 [sflag:s5], $0x1  }
0xae: {  	[sflag:s5] =	ssyncadd.s32 @p0 $0xFFFFFFFF  }
0xaf: {  	s6 =	sshll.u32 @!p0 s1, $0xE  }
0xb0: {  	s6 =	sor.u32 @!p0 $0x4000, s6;
	s5 =	simm.s32 @!p0 $0x1B8D  }
0xb1: {  	s4 =	sshll.u32 @!p0 s4, $0x11;
	s6 =	sadd.s32 @!p0 $0x11B8D, s6;
	_ =	swait.eq @!p0 [sflag:s5], $0x1  }
0xb2: {  	s4 =	sor.u32 @!p0 s4, s6;
	[sflag:s5] =	ssyncadd.s32 @!p0 $0xFFFFFFFF  }
0xb3: {  	s25 =	simm.s32 $0x1B8E;
	s24 =	sld [smem:$0x3FFE];
	[sflag:s4] =	ssyncadd.remote.s32 @!p0 $0x1  }
0xb4: {  	s26 =	simm.s32 $execute0_lowered;
	[smem:$0x3FD2] =	sst s25  }
0xb5: {  	s5 =	sshll.u32 s26, $0x1;
	_ =	strace $0x8000005B;
	[dreg:$0x1] =	wrdreg $0xFFFFFFFF  }
0xb6: {  	s28 =	simm.s32 $_size_execute0_lowered;
	s3 =	sadd.s32 s3, s5;
	[dreg:$0x0] =	wrdreg $0x0  }
0xb7: {  	s5 =	sshll.u32 s28, $0x1;
	[dreg:$0x2] =	wrdreg s3  }
0xb8: {  	[dreg:$0x3] =	wrdreg s5  }
0xb9: {  	[dreg:$0x4] =	wrdreg $0xC0  }
0xba: {  	_ =	task [dreg:s22], $0x5FFFF  }
0xbb: {  	[dreg:$0x1] =	wrdreg $0xFFFFFFFF  }
0xbc: {  	[dreg:$0x0] =	wrdreg $0x60  }
0xbd: {  	[dreg:$0x2] =	wrdreg s24  }
0xbe: {  	[dreg:$0x3] =	wrdreg $0x10  }
0xbf: {  	_ =	task.clear_ibuf [dreg:s22], $0x4FFFF;
	_ =	strace $0x9000005B  }
0xc0: {  	s29 =	simm.s32 $0x10;
	_ =	strace $0x8000005D  }
0xc1: {  	_ =	swait.ge [sflag:s29], $0x1  }
0xc2: {  	[sflag:s29] =	ssyncadd.s32 $0xFFFFFFFF  }
0xc3: {  	_ =	strace $0x9000005D  }
0xc4: {  	_ =	sfence  }
0xc5: {  	s30 =	sld [smem:$0x0];
	_ =	sdelay $0x2  }
0xc6: {  	s31 =	sshll.u32 s1, $0xD;
	s1 =	sshrl.u32 s1, $0x2  }
0xc7: {  	s4 =	sand.u32 $0x4000, s31;
	s1 =	sadd.s32 s1, s30  }
0xc8: {  	s0 =	sor.u32 s4, s0;
	s1 =	sshll.u32 s1, $0x11  }
0xc9: {  	s0 =	sor.u32 s1, s0  }
0xca: {  	s0 =	sadd.s32 $0x8F2B, s0  }
0xcb: {  	[sflag:s0] =	ssyncadd.remote.s32 $0x1  }
0xcc: {  	_ =	sfence.sel $0xFFFF  }
0xcd: {  	[dreg:$0x0] =	wrdreg $0xFFFFFFFF;
	(pc) =	sbr.abs _section_cstart, $3  }
0xce: {  	[dreg:$0x1] =	wrdreg $0xFFFFFFFF  }
0xcf: {  	_ =	task.clear_ibuf [dreg:s22], $0x2FFFF;
	_ =	strace $0x9FFFFFFF  }
0xd0: {  	(tm) =	ssettm $0x7FFFFFFF  }
0xd1: {  	_ =	shalt  }
tec
execute0_lowered:
.L_overlay_start_1:
0x0: {  	(tag) =	ssettag $0x1  }
0x1: {  	s1 =	srdreg.scid  }
0x2: {  	s0 =	stileid.u32;
	s6 =	rddreg [dreg:$0x0];
	s2 =	simm.s32 $0x0  }
0x3: {  	s12 =	simm.s32 $0x200;
	s13 =	simm.s32 $0x1;
	s14 =	simm.s32 $0x4000  }
0x4: {  	s15 =	simm.s32 $0x600;
	s16 =	simm.s32 $0x4600;
	s17 =	simm.s32 $0x2  }
0x5: {  	s18 =	simm.s32 $0x400;
	s5 =	sand.u32 $0x1, s1;
	s1 =	rddreg [dreg:$0x1]  }
0x6: {  	s19 =	simm.s32 $0x0;
	s30 =	sshll.u32 s0, $0x1;
	[smem:$0x7FF] =	sst s2  }
0x7: {  	s4 =	sadd.s32 $0xA64000, s6;
	s7 =	sor.u32 s5, s30;
	_ =	strace $0x8000005C  }
0x8: {  	s9 =	ssub.s32 $0x2, s5;
	s3 =	smul.u32 $0xC0, s7;
	s7 =	sshll.u32 s7, $0x6  }
0x9: {  	s5 =	sadd.s32 $0xA02400, s6;
	s31 =	sshrl.u32 s9, $0x1;
	s10 =	sadd.s32 s7, s6  }
0xa: {  	s11 =	ssub.s32 s9, s31;
	s8 =	sadd.s32 s3, s6;
	s3 =	sadd.s32 $0xAC5C00, s6  }
0xb: {  	s7 =	sadd.s32 $0xB29000, s10;
	s9 =	sadd.s32 $0xB49000, s10;
	s6 =	sadd.s32 $0xB27800, s8  }
0xc: {  	s8 =	sadd.s32 $0xB39000, s10;
	s10 =	smax.u32 s11, $0x1;
	s11 =	simm.s32 $0x3  }
.LBB2_1:
0xd: {  	[tilespmem:s2], [sflag:$0x3] =	stream.linear.gather [hbm4b:s6+s2], $0x600, $0x38;
	[tilespmem:$0x8600] =	vst v63  }
0xe: {  	_ =	swait.ge [sflag:s11], $0x600  }
0xf: {  	[sflag:s11] =	ssyncset.done $0x0  }
0x10: {  	s20 =	simm.s32 $0x600;
	[sflag:s11] =	ssyncadd.s32 $0xFFFFFA00  }
0x11: {  	[tilespmem:s20], [sflag:$0x1] =	stream.indirect.gather [hbm4b:s3+s12], $0x1, s2, s12, $0xb8;
	[tilespmem:$0x8600] =	vst v63  }
0x12: {  	s21 =	smov.u32 s3;
	s20 =	simm.s32 $0x800  }
.LBB2_2:
0x13: {  	p0 =	sne.s32 s20, $0xF800  }
.Ltmp0:
0x14: {  	_ = 	snop;
	(pc) =	sbr.rel @p0 .LBB2_2-.Ltmp0, $4  }
0x15: {  	_ = 	snop  }
0x16: {  	s22 =	sshra.s32 s20, $0x2;
	s20 =	sadd.s32 $0x800, s20  }
0x17: {  	s21 =	sadd.s32 $0x30D4, s21;
	s22 =	sadd.s32 $0x600, s22  }
0x18: {  	[tilespmem:s22], [sflag:$0x1] =	stream.indirect.gather [hbm4b:s21+s12], $0x1, s2, s12, $0xb8;
	[tilespmem:$0x8600] =	vst v63  }
0x19: {  	_ =	swait.ge [sflag:s13], $0x4000  }
0x1a: {  	[sflag:s13] =	ssyncset.done $0x0  }
0x1b: {  	[sflag:s13] =	ssyncadd.s32 $0xFFFFC000  }
0x1c: {  	[hbm4b:s7+s12] =	stream.strided.scatter [tilespmem:s15], [sflag:$0x2], $0x4000, s14, s12, $0x38;
	[tilespmem:$0x8600] =	vst v63  }
0x1d: {  	s20 =	simm.s32 $0x4600  }
0x1e: {  	[tilespmem:s20], [sflag:$0x1] =	stream.indirect.gather [hbm4b:s4+s12], $0x1, s12, s12, $0xb8;
	[tilespmem:$0x8600] =	vst v63  }
0x1f: {  	s21 =	smov.u32 s4;
	s20 =	simm.s32 $0x800  }
.LBB2_4:
0x20: {  	p0 =	sne.s32 s20, $0xF800  }
.Ltmp1:
0x21: {  	_ = 	snop;
	(pc) =	sbr.rel @p0 .LBB2_4-.Ltmp1, $4  }
0x22: {  	_ = 	snop  }
0x23: {  	s22 =	sshra.s32 s20, $0x2;
	s20 =	sadd.s32 $0x800, s20  }
0x24: {  	s21 =	sadd.s32 $0x30D4, s21;
	s22 =	sadd.s32 $0x4600, s22  }
0x25: {  	[tilespmem:s22], [sflag:$0x1] =	stream.indirect.gather [hbm4b:s21+s12], $0x1, s12, s12, $0xb8;
	[tilespmem:$0x8600] =	vst v63  }
0x26: {  	_ =	swait.ge [sflag:s13], $0x4000  }
0x27: {  	[sflag:s13] =	ssyncset.done $0x0  }
0x28: {  	[sflag:s13] =	ssyncadd.s32 $0xFFFFC000  }
0x29: {  	[hbm4b:s8+s12] =	stream.strided.scatter [tilespmem:s16], [sflag:$0x2], $0x4000, s14, s12, $0x38;
	[tilespmem:$0x8600] =	vst v63  }
0x2a: {  	_ =	swait.ge [sflag:s17], $0x4000  }
0x2b: {  	[sflag:s17] =	ssyncset.done $0x0  }
0x2c: {  	s20 =	simm.s32 $0x600;
	[sflag:s17] =	ssyncadd.s32 $0xFFFFC000  }
0x2d: {  	[tilespmem:s20], [sflag:$0x1] =	stream.indirect.gather [hbm4b:s5+s12], $0x1, s18, s12, $0xb8;
	[tilespmem:$0x8600] =	vst v63  }
0x2e: {  	s21 =	smov.u32 s5;
	s20 =	simm.s32 $0x800  }
.LBB2_6:
0x2f: {  	p0 =	sne.s32 s20, $0xF800  }
.Ltmp2:
0x30: {  	_ = 	snop;
	(pc) =	sbr.rel @p0 .LBB2_6-.Ltmp2, $4  }
0x31: {  	_ = 	snop  }
0x32: {  	s22 =	sshra.s32 s20, $0x2;
	s20 =	sadd.s32 $0x800, s20  }
0x33: {  	s21 =	sadd.s32 $0x30D4, s21;
	s22 =	sadd.s32 $0x600, s22  }
0x34: {  	[tilespmem:s22], [sflag:$0x1] =	stream.indirect.gather [hbm4b:s21+s12], $0x1, s18, s12, $0xb8;
	[tilespmem:$0x8600] =	vst v63  }
0x35: {  	_ =	swait.ge [sflag:s13], $0x4000  }
0x36: {  	[sflag:s13] =	ssyncset.done $0x0  }
0x37: {  	s19 =	sadd.s32 $0x1, s19;
	[sflag:s13] =	ssyncadd.s32 $0xFFFFC000  }
0x38: {  	[hbm4b:s9+s12] =	stream.strided.scatter [tilespmem:s15], [sflag:$0x2], $0x4000, s14, s12, $0x38;
	[tilespmem:$0x8600] =	vst v63  }
0x39: {  	p0 =	sne.s32 s19, s10;
	_ =	swait.ge [sflag:s17], $0x4000  }
.Ltmp3:
0x3a: {  	[sflag:s17] =	ssyncset.done $0x0;
	(pc) =	sbr.rel @p0 .LBB2_1-.Ltmp3, $4  }
0x3b: {  	[sflag:s17] =	ssyncadd.s32 $0xFFFFC000  }
0x3c: {  	_ =	swait.ge [sflag:s17], $0x4000  }
0x3d: {  	[sflag:s17] =	ssyncset.done $0x0  }
0x3e: {  	[sflag:s17] =	ssyncadd.s32 $0xFFFFC000  }
0x3f: {  	_ =	sfence.sel $0x180000  }
0x40: {  	[bflag:$0x0] =	sbarrier.arrive $0xFFFF  }
0x41: {  	p0 =	sne.s32 s0, $0x0;
	_ =	strace $0x9000005C  }
0x42: {  	s0 =	sadd.s32 @!p0 $0x100000, s1;
	[bflag:$0x2] =	sbarrier.arrive $0xFFFF  }
0x43: {  	[sflag:s0] =	ssyncadd.tile.s32 @!p0 $0x1;
	_ =	shalt  }
.Lfunc_end2:
_tile_overlayer_lowered:
.L_overlay_start_2:
0x44: {  	(tag) =	ssettag $0x2  }
0x45: {  	s0 =	rddreg [dreg:$0x0];
	s2 =	stileid.u32  }
0x46: {  	s1 =	rddreg [dreg:$0x1];
	p0 =	sne.s32 s2, $0x0  }
0x47: {  	s3 =	rddreg [dreg:$0x2];
	[bflag:$0x3] =	sbarrier.arrive $0xFFFF;
	s2 =	simm.s32 @!p0 $0x1C03  }
0x48: {  	[timem:s3], [sflag:s2] =	dma.local @!p0 [hbm:s0], s1  }
0x49: {  	s0 =	simm.s32 @!p0 $0x3  }
0x4a: {  	_ =	swait.ge @!p0 [sflag:s0], s1  }
0x4b: {  	s1 =	ssub.s32 @!p0 $0x0, s1;
	[sflag:s0] =	ssyncset.done @!p0 $0x0  }
0x4c: {  	[sflag:s0] =	ssyncadd.s32 @!p0 s1  }
0x4d: {  	[bflag:$0x3] =	sbarrier.arrive $0xFFFF  }
0x4e: {  	_ =	shalt  }

</sc_bundles>
